<compile_context>
chip_gen: v7x
topology: tpu7x:2x2x1
jax: 0.10.2.dev20260603
libtpu: 0.0.44.dev20260713+nightly
codegen_flags: <defaults>
</compile_context>

<pallas_src>
import functools

import jax
import jax.numpy as jnp
from jax import lax
from jax.experimental import pallas as pl
from jax.experimental.pallas import tpu as pltpu
from jax.experimental.pallas import tpu_sc as plsc

_N_BINS = 15
_C = 1000
_N = 16384
_A = 8192
_NW = 32
_SPW = _A // _NW
_CH = 16
_NCHUNK = _SPW // _CH
_B = 512


def _sc_body(x_hbm, t_hbm, outc_hbm, outa_hbm,
             xb0, xb1, xb2, tb0, tb1, tb2, oc, oa, dsem):
    wid = lax.axis_index("s") * 2 + lax.axis_index("c")
    wbase = wid * _SPW
    xbufs = (xb0, xb1, xb2)
    tbufs = (tb0, tb1, tb2)

    for h in range(3):
        pltpu.sync_copy(
            t_hbm.at[pl.ds(h + 1, 1), pl.ds(wbase, _SPW)], tbufs[h])

    def _chunk_copies(c, parity):
        return [pltpu.make_async_copy(
            x_hbm.at[pl.ds(wbase + c * _CH, _CH), pl.ds(h, 1)],
            xbufs[h].at[parity], dsem.at[parity]) for h in range(3)]

    for cp in _chunk_copies(0, 0):
        cp.start()

    iota = lax.iota(jnp.int32, 16)
    zi = jnp.zeros((16,), jnp.int32)
    zf = jnp.zeros((16,), jnp.float32)

    def chunk_body(c, carry):
        parity = lax.rem(c, 2)

        @pl.when(c + 1 < _NCHUNK)
        def _prefetch():
            for cp in _chunk_copies(c + 1, 1 - parity):
                cp.start()

        for cp in _chunk_copies(c, parity):
            cp.wait()

        def sample_body(smp, carry2):
            mvs, svs, avs = carry2
            lane = iota == smp
            nmvs, nsvs, navs = [], [], []
            for h in range(3):
                row = xbufs[h].at[parity, smp]
                vms = [jnp.full((16,), -jnp.inf, jnp.float32)
                       for _ in range(4)]
                vidxs = [zi] * 4
                ses = [zf] * 4
                for k in range(62):
                    j = k & 3
                    v = row[0, pl.ds(k * 16, 16)]
                    sel = v > vms[j]
                    vms[j] = jnp.maximum(vms[j], v)
                    vidxs[j] = jnp.where(sel, iota + (k * 16), vidxs[j])
                    ses[j] = ses[j] + jnp.exp(v)
                v = row[0, pl.ds(984, 16)]
                j = 3
                sel = v > vms[j]
                vms[j] = jnp.maximum(vms[j], v)
                vidxs[j] = jnp.where(sel, iota + 984, vidxs[j])
                ses[j] = ses[j] + jnp.where(iota >= 8, jnp.exp(v), 0.0)

                vm, vidx, se = vms[0], vidxs[0], ses[0]
                for j in range(1, 4):
                    gtr = vms[j] > vm
                    tie = vms[j] == vm
                    vidx = jnp.where(
                        gtr, vidxs[j],
                        jnp.where(tie, jnp.minimum(vidx, vidxs[j]), vidx))
                    vm = jnp.maximum(vm, vms[j])
                    se = se + ses[j]

                m = jnp.max(vm)
                srow = jnp.sum(se)
                amax = jnp.min(jnp.where(vm == m, vidx, _C))
                nmvs.append(jnp.where(lane, m, mvs[h]))
                nsvs.append(jnp.where(lane, srow, svs[h]))
                navs.append(jnp.where(lane, amax, avs[h]))
            return (tuple(nmvs), tuple(nsvs), tuple(navs))

        init = ((zf,) * 3, (jnp.ones((16,), jnp.float32),) * 3, (zi,) * 3)
        mvs, svs, avs = lax.fori_loop(0, _CH, sample_body, init,
                                      unroll=False)

        cv = jnp.ones((16,), jnp.float32)
        av = zf
        for h in range(3):
            cv = cv * (jnp.exp(mvs[h]) / svs[h])
            tvh = tbufs[h][0, pl.ds(c * _CH, _CH)]
            av = av + (avs[h] == tvh).astype(jnp.float32)
        oc[pl.ds(c * _CH, _CH)] = cv
        oa[pl.ds(c * _CH, _CH)] = av
        return carry

    lax.fori_loop(0, _NCHUNK, chunk_body, 0, unroll=False)

    pltpu.sync_copy(oc, outc_hbm.at[0, pl.ds(wbase, _SPW)])
    pltpu.sync_copy(oa, outa_hbm.at[0, pl.ds(wbase, _SPW)])


def _bins():
    k = jax.lax.broadcasted_iota(jnp.int32, (1, 16), 1)
    kf = k.astype(jnp.float32)
    lows = jnp.where(k >= _N_BINS, 2.0, kf / _N_BINS)
    highs = jnp.where(k >= _N_BINS, 3.0, (kf + 1.0) / _N_BINS)
    return lows, highs


def _tc_body(x_ref, t_ref, out_ref, acc_ref):
    step = pl.program_id(0)

    @pl.when(step == 0)
    def _init():
        acc_ref[...] = jnp.zeros_like(acc_ref)

    conf = jnp.ones((_B, 1), dtype=jnp.float32)
    acc_row = jnp.zeros((_B, 1), dtype=jnp.float32)
    t = t_ref[...]
    for j in range(3):
        x = x_ref[:, j, :]
        m = jnp.max(x, axis=1, keepdims=True)
        s = jnp.sum(jnp.exp(x - m), axis=1, keepdims=True)
        conf = conf * (1.0 / s)
        iota = jax.lax.broadcasted_iota(jnp.int32, x.shape, 1)
        idx = jnp.min(jnp.where(x == m, iota, _C), axis=1, keepdims=True)
        hit = (idx == t[:, j + 1:j + 2]).astype(jnp.float32)
        acc_row = acc_row + hit

    lows, highs = _bins()
    in_bin = (conf > lows) & (conf <= highs)
    cnt = jnp.sum(in_bin.astype(jnp.float32), axis=0, keepdims=True)
    csum = jnp.sum(jnp.where(in_bin, conf, 0.0), axis=0, keepdims=True)
    asum = jnp.sum(jnp.where(in_bin, acc_row, 0.0), axis=0, keepdims=True)
    acc_ref[0:3, 0:16] += jnp.concatenate([cnt, csum, asum], axis=0)

    @pl.when(step == pl.num_programs(0) - 1)
    def _finish():
        out_ref[...] = acc_ref[0:3, 0:16]


def _combine_body(c_ref, a_ref, p_ref, out_ref, *, n_total):
    conf = c_ref[...]
    acc = a_ref[...]
    part = p_ref[...]
    lows, highs = _bins()
    ece = jnp.zeros((1, 1), jnp.float32)
    for i in range(_N_BINS):
        lo = lows[0, i]
        hi = highs[0, i]
        mask = (conf > lo) & (conf <= hi)
        cnt = jnp.sum(mask.astype(jnp.float32)) + part[0, i]
        cs = jnp.sum(jnp.where(mask, conf, 0.0)) + part[1, i]
        as_ = jnp.sum(jnp.where(mask, acc, 0.0)) + part[2, i]
        safe = jnp.maximum(cnt, 1.0)
        term = jnp.abs(cs / safe - as_ / (safe * 3.0)) * (cnt / n_total)
        term = jnp.where(cnt > 0.0, term, 0.0)
        ece = ece + term * jnp.ones((1, 1), jnp.float32)
    out_ref[...] = ece


def kernel(logits, targets):
    n, hds, c = logits.shape
    assert n == _N and hds == 4 and c == _C
    t32 = targets.astype(jnp.int32)
    ttr = t32.T

    mesh = plsc.VectorSubcoreMesh(core_axis_name="c", subcore_axis_name="s")
    sc_fn = functools.partial(
        pl.kernel,
        mesh=mesh,
        compiler_params=pltpu.CompilerParams(needs_layout_passes=False),
        out_type=(jax.ShapeDtypeStruct((1, _A), jnp.float32),
                  jax.ShapeDtypeStruct((1, _A), jnp.float32)),
        scratch_types=[pltpu.VMEM((2, _CH, 1, _C), jnp.float32)
                       for _ in range(3)]
        + [pltpu.VMEM((1, _SPW), jnp.int32) for _ in range(3)]
        + [pltpu.VMEM((_SPW,), jnp.float32) for _ in range(2)]
        + [pltpu.SemaphoreType.DMA((2,))],
    )(_sc_body)
    conf_v, acc_v = sc_fn(logits, ttr)

    nb = (_N - _A) // _B
    off = _A // _B
    tc_part = pl.pallas_call(
        _tc_body,
        grid=(nb,),
        in_specs=[
            pl.BlockSpec((_B, 4, _C), lambda i: (i + off, 0, 0)),
            pl.BlockSpec((_B, 4), lambda i: (i + off, 0)),
        ],
        out_specs=pl.BlockSpec((3, 16), lambda i: (0, 0)),
        out_shape=jax.ShapeDtypeStruct((3, 16), jnp.float32),
        scratch_shapes=[pltpu.VMEM((8, 128), jnp.float32)],
    )(logits, t32)

    out = pl.pallas_call(
        functools.partial(_combine_body, n_total=float(n)),
        in_specs=[pl.BlockSpec((1, _A), lambda: (0, 0)),
                  pl.BlockSpec((1, _A), lambda: (0, 0)),
                  pl.BlockSpec((3, 16), lambda: (0, 0))],
        out_specs=pl.BlockSpec((1, 1), lambda: (0, 0)),
        out_shape=jax.ShapeDtypeStruct((1, 1), jnp.float32),
    )(conf_v, acc_v, tc_part)
    return out.reshape(1)

# --- scband reference (transcript-rebuilt; emitter-appended) ---
"""Pipeline reference for scband-eceloss-1657857376954 (READ-ONLY COPY).

The authoritative reference and input builder live on the scoring server;
editing this copy changes nothing except your own understanding.
"""

import jax, jax.numpy as jnp
import numpy as np

N_BINS = 15

def setup_inputs(seed: int = 0):
    key = jax.random.key(seed)
    k1, k2 = jax.random.split(key)
    logits = jax.random.normal(k1, (16384, 4, 1000), dtype=jnp.float32)
    targets = jax.random.randint(k2, (16384, 4), 0, 1000).astype(jnp.int64)
    return {"logits": logits, "targets": targets}

def reference(logits, targets):
    bin_boundaries = jnp.linspace(0.0, 1.0, N_BINS + 1)
    bin_lowers = bin_boundaries[:-1]
    bin_uppers = bin_boundaries[1:]
    probs = jax.nn.softmax(logits, axis=-1)
    sub = probs[:, :3, :]
    confidences = jnp.max(sub, axis=2)
    temp_p = jnp.argmax(sub, axis=2)
    confidences = jnp.prod(confidences, axis=1)
    temp_t = targets[:, 1:]
    accuracies = (temp_p == temp_t).astype(jnp.float32)
    n = confidences.shape[0]
    ece = jnp.zeros((1,), dtype=jnp.float32)
    for i in range(N_BINS):
        lo = bin_lowers[i]
        hi = bin_uppers[i]
        in_bin = ((confidences > lo) & (confidences <= hi)).astype(jnp.float32)
        count = in_bin.sum()
        prop_in_bin = count / n
        safe = jnp.maximum(count, 1.0)
        accuracy_in_bin = (accuracies * in_bin[:, None]).sum() / (safe * accuracies.shape[1])
        avg_confidence_in_bin = (confidences * in_bin).sum() / safe
        term = jnp.abs(avg_confidence_in_bin - accuracy_in_bin) * prop_in_bin
        ece = ece + jnp.where(count > 0, term, 0.0)
    return ece

if __name__ == "__main__":
    import jax
    _d = setup_inputs()
    print(jax.jit(kernel)(*tuple(_d.values())))

</pallas_src>

<mosaic_0001>
#map = affine_map<(d0, d1) -> (0, 0, 0)>
#map1 = affine_map<(d0, d1) -> (0, 0)>
module attributes {stable_mosaic.version = 14 : i64} {
  func.func @_sc_body(%arg0: i32, %arg1: i32, %arg2: memref<16384x4x1000xf32, #tpu.memory_space<hbm>>, %arg3: memref<4x16384xi32, #tpu.memory_space<hbm>>, %arg4: memref<1x8192xf32, #tpu.memory_space<hbm>>, %arg5: memref<1x8192xf32, #tpu.memory_space<hbm>>, %arg6: memref<2x16x1x1000xf32, #tpu.memory_space<vmem>>, %arg7: memref<2x16x1x1000xf32, #tpu.memory_space<vmem>>, %arg8: memref<2x16x1x1000xf32, #tpu.memory_space<vmem>>, %arg9: memref<1x256xi32, #tpu.memory_space<vmem>>, %arg10: memref<1x256xi32, #tpu.memory_space<vmem>>, %arg11: memref<1x256xi32, #tpu.memory_space<vmem>>, %arg12: memref<256xf32, #tpu.memory_space<vmem>>, %arg13: memref<256xf32, #tpu.memory_space<vmem>>, %arg14: memref<2x!tpu.dma_semaphore, #tpu.memory_space<semaphore_mem>>) attributes {dimension_semantics = [#tpu.dimension_semantics<core_parallel>, #tpu.dimension_semantics<subcore_parallel>], iteration_bounds = array<i64: 2, 16>, scalar_prefetch = 0 : i64, scratch_operands = 9 : i64, tpu.core_type = #tpu.core_type<sc_vector_subcore>, window_params = [{transform_indices = #map}, {transform_indices = #map1}, {transform_indices = #map1}, {transform_indices = #map1}]} {
    %mul3A = arith.constant 2 : i32
    %mul3A_0 = arith.muli %arg1, %mul3A : i32
    %add3A = arith.addi %mul3A_0, %arg0 : i32
    %mul3A_1 = arith.constant 256 : i32
    %mul3A_2 = arith.muli %add3A, %mul3A_1 : i32
    "tpu.region"() ({
      %run_scoped3A_77 = tpu.sem_alloc : memref<!tpu.dma_semaphore, #tpu.memory_space<semaphore_mem>>
      %dma_start3A_78 = arith.constant 1 : i32
      %dma_start3A_79 = tpu.memref_slice %arg3[%dma_start3A_78, %mul3A_2] : memref<4x16384xi32, #tpu.memory_space<hbm>> -> memref<1x256xi32, #tpu.memory_space<hbm>>
      %dma_start3A_80 = arith.constant 1 : i32
      %dma_start3A_81 = tpu.memref_slice %arg3[%dma_start3A_80, %mul3A_2] : memref<4x16384xi32, #tpu.memory_space<hbm>> -> memref<1x256xi32, #tpu.memory_space<hbm>>
      tpu.enqueue_dma source(%dma_start3A_81 : memref<1x256xi32, #tpu.memory_space<hbm>>) target(%arg9 : memref<1x256xi32, #tpu.memory_space<vmem>>) target_semaphore(%run_scoped3A_77 : memref<!tpu.dma_semaphore, #tpu.memory_space<semaphore_mem>>)
      %dma_wait3A = arith.constant 1 : i32
      %dma_wait3A_82 = tpu.memref_slice %arg3[%dma_wait3A, %mul3A_2] : memref<4x16384xi32, #tpu.memory_space<hbm>> -> memref<1x256xi32, #tpu.memory_space<hbm>>
      %dma_wait3A_83 = arith.constant 1 : i32
      %dma_wait3A_84 = tpu.memref_slice %arg3[%dma_wait3A_83, %mul3A_2] : memref<4x16384xi32, #tpu.memory_space<hbm>> -> memref<1x256xi32, #tpu.memory_space<hbm>>
      tpu.wait_dma2 semaphore(%run_scoped3A_77 : memref<!tpu.dma_semaphore, #tpu.memory_space<semaphore_mem>>) src(%dma_wait3A_84 : memref<1x256xi32, #tpu.memory_space<hbm>>) dst(%arg9 : memref<1x256xi32, #tpu.memory_space<vmem>>)
      tpu.yield
    }) : () -> ()
    "tpu.region"() ({
      %run_scoped3A_77 = tpu.sem_alloc : memref<!tpu.dma_semaphore, #tpu.memory_space<semaphore_mem>>
      %dma_start3A_78 = arith.constant 2 : i32
      %dma_start3A_79 = tpu.memref_slice %arg3[%dma_start3A_78, %mul3A_2] : memref<4x16384xi32, #tpu.memory_space<hbm>> -> memref<1x256xi32, #tpu.memory_space<hbm>>
      %dma_start3A_80 = arith.constant 2 : i32
      %dma_start3A_81 = tpu.memref_slice %arg3[%dma_start3A_80, %mul3A_2] : memref<4x16384xi32, #tpu.memory_space<hbm>> -> memref<1x256xi32, #tpu.memory_space<hbm>>
      tpu.enqueue_dma source(%dma_start3A_81 : memref<1x256xi32, #tpu.memory_space<hbm>>) target(%arg10 : memref<1x256xi32, #tpu.memory_space<vmem>>) target_semaphore(%run_scoped3A_77 : memref<!tpu.dma_semaphore, #tpu.memory_space<semaphore_mem>>)
      %dma_wait3A = arith.constant 2 : i32
      %dma_wait3A_82 = tpu.memref_slice %arg3[%dma_wait3A, %mul3A_2] : memref<4x16384xi32, #tpu.memory_space<hbm>> -> memref<1x256xi32, #tpu.memory_space<hbm>>
      %dma_wait3A_83 = arith.constant 2 : i32
      %dma_wait3A_84 = tpu.memref_slice %arg3[%dma_wait3A_83, %mul3A_2] : memref<4x16384xi32, #tpu.memory_space<hbm>> -> memref<1x256xi32, #tpu.memory_space<hbm>>
      tpu.wait_dma2 semaphore(%run_scoped3A_77 : memref<!tpu.dma_semaphore, #tpu.memory_space<semaphore_mem>>) src(%dma_wait3A_84 : memref<1x256xi32, #tpu.memory_space<hbm>>) dst(%arg10 : memref<1x256xi32, #tpu.memory_space<vmem>>)
      tpu.yield
    }) : () -> ()
    "tpu.region"() ({
      %run_scoped3A_77 = tpu.sem_alloc : memref<!tpu.dma_semaphore, #tpu.memory_space<semaphore_mem>>
      %dma_start3A_78 = arith.constant 3 : i32
      %dma_start3A_79 = tpu.memref_slice %arg3[%dma_start3A_78, %mul3A_2] : memref<4x16384xi32, #tpu.memory_space<hbm>> -> memref<1x256xi32, #tpu.memory_space<hbm>>
      %dma_start3A_80 = arith.constant 3 : i32
      %dma_start3A_81 = tpu.memref_slice %arg3[%dma_start3A_80, %mul3A_2] : memref<4x16384xi32, #tpu.memory_space<hbm>> -> memref<1x256xi32, #tpu.memory_space<hbm>>
      tpu.enqueue_dma source(%dma_start3A_81 : memref<1x256xi32, #tpu.memory_space<hbm>>) target(%arg11 : memref<1x256xi32, #tpu.memory_space<vmem>>) target_semaphore(%run_scoped3A_77 : memref<!tpu.dma_semaphore, #tpu.memory_space<semaphore_mem>>)
      %dma_wait3A = arith.constant 3 : i32
      %dma_wait3A_82 = tpu.memref_slice %arg3[%dma_wait3A, %mul3A_2] : memref<4x16384xi32, #tpu.memory_space<hbm>> -> memref<1x256xi32, #tpu.memory_space<hbm>>
      %dma_wait3A_83 = arith.constant 3 : i32
      %dma_wait3A_84 = tpu.memref_slice %arg3[%dma_wait3A_83, %mul3A_2] : memref<4x16384xi32, #tpu.memory_space<hbm>> -> memref<1x256xi32, #tpu.memory_space<hbm>>
      tpu.wait_dma2 semaphore(%run_scoped3A_77 : memref<!tpu.dma_semaphore, #tpu.memory_space<semaphore_mem>>) src(%dma_wait3A_84 : memref<1x256xi32, #tpu.memory_space<hbm>>) dst(%arg11 : memref<1x256xi32, #tpu.memory_space<vmem>>)
      tpu.yield
    }) : () -> ()
    %add3A_3 = arith.constant 0 : i32
    %add3A_4 = arith.addi %mul3A_2, %add3A_3 : i32
    %add3A_5 = arith.constant 0 : i32
    %add3A_6 = arith.addi %mul3A_2, %add3A_5 : i32
    %add3A_7 = arith.constant 0 : i32
    %add3A_8 = arith.addi %mul3A_2, %add3A_7 : i32
    %dma_start3A = arith.constant 0 : i32
    %dma_start3A_9 = arith.constant 0 : i32
    %dma_start3A_10 = arith.constant 0 : i32
    %dma_start3A_11 = arith.constant 0 : i32
    %dma_start3A_12 = arith.constant 0 : i32
    %dma_start3A_13 = tpu.memref_slice %arg6[%dma_start3A, %dma_start3A_10, %dma_start3A_11, %dma_start3A_12] : memref<2x16x1x1000xf32, #tpu.memory_space<vmem>> -> memref<1x16x1x1000xf32, #tpu.memory_space<vmem>>
    %dma_start3A_14 = tpu.memref_squeeze %dma_start3A_13 : memref<1x16x1x1000xf32, #tpu.memory_space<vmem>> -> memref<16x1x1000xf32, #tpu.memory_space<vmem>>
    %dma_start3A_15 = arith.constant 0 : i32
    %dma_start3A_16 = arith.constant 0 : i32
    %dma_start3A_17 = tpu.memref_slice %arg2[%add3A_4, %dma_start3A_15, %dma_start3A_16] : memref<16384x4x1000xf32, #tpu.memory_space<hbm>> -> memref<16x1x1000xf32, #tpu.memory_space<hbm>>
    %dma_start3A_18 = tpu.memref_slice %arg14[%dma_start3A_9] : memref<2x!tpu.dma_semaphore, #tpu.memory_space<semaphore_mem>> -> memref<1x!tpu.dma_semaphore, #tpu.memory_space<semaphore_mem>>
    %dma_start3A_19 = tpu.memref_squeeze %dma_start3A_18 : memref<1x!tpu.dma_semaphore, #tpu.memory_space<semaphore_mem>> -> memref<!tpu.dma_semaphore, #tpu.memory_space<semaphore_mem>>
    %dma_start3A_20 = arith.constant 0 : i32
    %dma_start3A_21 = arith.constant 0 : i32
    %dma_start3A_22 = arith.constant 0 : i32
    %dma_start3A_23 = tpu.memref_slice %arg6[%dma_start3A, %dma_start3A_20, %dma_start3A_21, %dma_start3A_22] : memref<2x16x1x1000xf32, #tpu.memory_space<vmem>> -> memref<1x16x1x1000xf32, #tpu.memory_space<vmem>>
    %dma_start3A_24 = tpu.memref_squeeze %dma_start3A_23 : memref<1x16x1x1000xf32, #tpu.memory_space<vmem>> -> memref<16x1x1000xf32, #tpu.memory_space<vmem>>
    %dma_start3A_25 = arith.constant 0 : i32
    %dma_start3A_26 = arith.constant 0 : i32
    %dma_start3A_27 = tpu.memref_slice %arg2[%add3A_4, %dma_start3A_25, %dma_start3A_26] : memref<16384x4x1000xf32, #tpu.memory_space<hbm>> -> memref<16x1x1000xf32, #tpu.memory_space<hbm>>
    tpu.enqueue_dma source(%dma_start3A_27 : memref<16x1x1000xf32, #tpu.memory_space<hbm>>) target(%dma_start3A_24 : memref<16x1x1000xf32, #tpu.memory_space<vmem>>) target_semaphore(%dma_start3A_19 : memref<!tpu.dma_semaphore, #tpu.memory_space<semaphore_mem>>)
    %dma_start3A_28 = arith.constant 0 : i32
    %dma_start3A_29 = arith.constant 0 : i32
    %dma_start3A_30 = arith.constant 0 : i32
    %dma_start3A_31 = arith.constant 0 : i32
    %dma_start3A_32 = arith.constant 0 : i32
    %dma_start3A_33 = tpu.memref_slice %arg7[%dma_start3A_28, %dma_start3A_30, %dma_start3A_31, %dma_start3A_32] : memref<2x16x1x1000xf32, #tpu.memory_space<vmem>> -> memref<1x16x1x1000xf32, #tpu.memory_space<vmem>>
    %dma_start3A_34 = tpu.memref_squeeze %dma_start3A_33 : memref<1x16x1x1000xf32, #tpu.memory_space<vmem>> -> memref<16x1x1000xf32, #tpu.memory_space<vmem>>
    %dma_start3A_35 = arith.constant 1 : i32
    %dma_start3A_36 = arith.constant 0 : i32
    %dma_start3A_37 = tpu.memref_slice %arg2[%add3A_6, %dma_start3A_35, %dma_start3A_36] : memref<16384x4x1000xf32, #tpu.memory_space<hbm>> -> memref<16x1x1000xf32, #tpu.memory_space<hbm>>
    %dma_start3A_38 = tpu.memref_slice %arg14[%dma_start3A_29] : memref<2x!tpu.dma_semaphore, #tpu.memory_space<semaphore_mem>> -> memref<1x!tpu.dma_semaphore, #tpu.memory_space<semaphore_mem>>
    %dma_start3A_39 = tpu.memref_squeeze %dma_start3A_38 : memref<1x!tpu.dma_semaphore, #tpu.memory_space<semaphore_mem>> -> memref<!tpu.dma_semaphore, #tpu.memory_space<semaphore_mem>>
    %dma_start3A_40 = arith.constant 0 : i32
    %dma_start3A_41 = arith.constant 0 : i32
    %dma_start3A_42 = arith.constant 0 : i32
    %dma_start3A_43 = tpu.memref_slice %arg7[%dma_start3A_28, %dma_start3A_40, %dma_start3A_41, %dma_start3A_42] : memref<2x16x1x1000xf32, #tpu.memory_space<vmem>> -> memref<1x16x1x1000xf32, #tpu.memory_space<vmem>>
    %dma_start3A_44 = tpu.memref_squeeze %dma_start3A_43 : memref<1x16x1x1000xf32, #tpu.memory_space<vmem>> -> memref<16x1x1000xf32, #tpu.memory_space<vmem>>
    %dma_start3A_45 = arith.constant 1 : i32
    %dma_start3A_46 = arith.constant 0 : i32
    %dma_start3A_47 = tpu.memref_slice %arg2[%add3A_6, %dma_start3A_45, %dma_start3A_46] : memref<16384x4x1000xf32, #tpu.memory_space<hbm>> -> memref<16x1x1000xf32, #tpu.memory_space<hbm>>
    tpu.enqueue_dma source(%dma_start3A_47 : memref<16x1x1000xf32, #tpu.memory_space<hbm>>) target(%dma_start3A_44 : memref<16x1x1000xf32, #tpu.memory_space<vmem>>) target_semaphore(%dma_start3A_39 : memref<!tpu.dma_semaphore, #tpu.memory_space<semaphore_mem>>)
    %dma_start3A_48 = arith.constant 0 : i32
    %dma_start3A_49 = arith.constant 0 : i32
    %dma_start3A_50 = arith.constant 0 : i32
    %dma_start3A_51 = arith.constant 0 : i32
    %dma_start3A_52 = arith.constant 0 : i32
    %dma_start3A_53 = tpu.memref_slice %arg8[%dma_start3A_48, %dma_start3A_50, %dma_start3A_51, %dma_start3A_52] : memref<2x16x1x1000xf32, #tpu.memory_space<vmem>> -> memref<1x16x1x1000xf32, #tpu.memory_space<vmem>>
    %dma_start3A_54 = tpu.memref_squeeze %dma_start3A_53 : memref<1x16x1x1000xf32, #tpu.memory_space<vmem>> -> memref<16x1x1000xf32, #tpu.memory_space<vmem>>
    %dma_start3A_55 = arith.constant 2 : i32
    %dma_start3A_56 = arith.constant 0 : i32
    %dma_start3A_57 = tpu.memref_slice %arg2[%add3A_8, %dma_start3A_55, %dma_start3A_56] : memref<16384x4x1000xf32, #tpu.memory_space<hbm>> -> memref<16x1x1000xf32, #tpu.memory_space<hbm>>
    %dma_start3A_58 = tpu.memref_slice %arg14[%dma_start3A_49] : memref<2x!tpu.dma_semaphore, #tpu.memory_space<semaphore_mem>> -> memref<1x!tpu.dma_semaphore, #tpu.memory_space<semaphore_mem>>
    %dma_start3A_59 = tpu.memref_squeeze %dma_start3A_58 : memref<1x!tpu.dma_semaphore, #tpu.memory_space<semaphore_mem>> -> memref<!tpu.dma_semaphore, #tpu.memory_space<semaphore_mem>>
    %dma_start3A_60 = arith.constant 0 : i32
    %dma_start3A_61 = arith.constant 0 : i32
    %dma_start3A_62 = arith.constant 0 : i32
    %dma_start3A_63 = tpu.memref_slice %arg8[%dma_start3A_48, %dma_start3A_60, %dma_start3A_61, %dma_start3A_62] : memref<2x16x1x1000xf32, #tpu.memory_space<vmem>> -> memref<1x16x1x1000xf32, #tpu.memory_space<vmem>>
    %dma_start3A_64 = tpu.memref_squeeze %dma_start3A_63 : memref<1x16x1x1000xf32, #tpu.memory_space<vmem>> -> memref<16x1x1000xf32, #tpu.memory_space<vmem>>
    %dma_start3A_65 = arith.constant 2 : i32
    %dma_start3A_66 = arith.constant 0 : i32
    %dma_start3A_67 = tpu.memref_slice %arg2[%add3A_8, %dma_start3A_65, %dma_start3A_66] : memref<16384x4x1000xf32, #tpu.memory_space<hbm>> -> memref<16x1x1000xf32, #tpu.memory_space<hbm>>
    tpu.enqueue_dma source(%dma_start3A_67 : memref<16x1x1000xf32, #tpu.memory_space<hbm>>) target(%dma_start3A_64 : memref<16x1x1000xf32, #tpu.memory_space<vmem>>) target_semaphore(%dma_start3A_59 : memref<!tpu.dma_semaphore, #tpu.memory_space<semaphore_mem>>)
    %iota3A = tpu.iota {dimensions = array<i32: 0>} : vector<16xi32>
    %broadcast_in_dim3A = arith.constant 0 : i32
    %broadcast_in_dim3A_68 = vector.broadcast %broadcast_in_dim3A : i32 to vector<16xi32>
    %broadcast_in_dim3A_69 = arith.constant 0.000000e+00 : f32
    %broadcast_in_dim3A_70 = vector.broadcast %broadcast_in_dim3A_69 : f32 to vector<16xf32>
    %scan3A = arith.constant 0 : i32
    %scan3A_71 = arith.constant 0 : i32
    %scan3A_72 = arith.constant 16 : i32
    %scan3A_73 = arith.addi %scan3A_71, %scan3A_72 : i32
    %scan3A_74 = arith.constant 1 : i32
    scf.for %scan3A_77 = %scan3A_71 to %scan3A_73 step %scan3A_74  : i32 {
      %rem3A = arith.constant 2 : i32
      %rem3A_78 = arith.remsi %scan3A_77, %rem3A : i32
      %add3A_79 = arith.constant 1 : i32
      %add3A_80 = arith.addi %scan3A_77, %add3A_79 : i32
      %lt3A = arith.constant 16 : i32
      %lt3A_81 = arith.cmpi slt, %add3A_80, %lt3A : i32
      %convert_element_type3A = arith.extui %lt3A_81 : i1 to i32
      %cond3A = arith.constant 0 : i32
      %cond3A_82 = arith.cmpi ne, %convert_element_type3A, %cond3A : i32
      scf.if %cond3A_82 {
        %add3A_197 = arith.constant 1 : i32
        %add3A_198 = arith.addi %scan3A_77, %add3A_197 : i32
        %sub3A = arith.constant 1 : i32
        %sub3A_199 = arith.subi %sub3A, %rem3A_78 : i32
        %mul3A_200 = arith.constant 16 : i32
        %mul3A_201 = arith.muli %add3A_198, %mul3A_200 : i32
        %add3A_202 = arith.addi %mul3A_2, %mul3A_201 : i32
        %mul3A_203 = arith.constant 16 : i32
        %mul3A_204 = arith.muli %add3A_198, %mul3A_203 : i32
        %add3A_205 = arith.addi %mul3A_2, %mul3A_204 : i32
        %mul3A_206 = arith.constant 16 : i32
        %mul3A_207 = arith.muli %add3A_198, %mul3A_206 : i32
        %add3A_208 = arith.addi %mul3A_2, %mul3A_207 : i32
        %dma_start3A_209 = arith.constant 0 : i32
        %dma_start3A_210 = arith.constant 0 : i32
        %dma_start3A_211 = arith.constant 0 : i32
        %dma_start3A_212 = tpu.memref_slice %arg6[%sub3A_199, %dma_start3A_209, %dma_start3A_210, %dma_start3A_211] : memref<2x16x1x1000xf32, #tpu.memory_space<vmem>> -> memref<1x16x1x1000xf32, #tpu.memory_space<vmem>>
        %dma_start3A_213 = tpu.memref_squeeze %dma_start3A_212 : memref<1x16x1x1000xf32, #tpu.memory_space<vmem>> -> memref<16x1x1000xf32, #tpu.memory_space<vmem>>
        %dma_start3A_214 = arith.constant 0 : i32
        %dma_start3A_215 = arith.constant 0 : i32
        %dma_start3A_216 = tpu.memref_slice %arg2[%add3A_202, %dma_start3A_214, %dma_start3A_215] : memref<16384x4x1000xf32, #tpu.memory_space<hbm>> -> memref<16x1x1000xf32, #tpu.memory_space<hbm>>
        %dma_start3A_217 = tpu.memref_slice %arg14[%sub3A_199] : memref<2x!tpu.dma_semaphore, #tpu.memory_space<semaphore_mem>> -> memref<1x!tpu.dma_semaphore, #tpu.memory_space<semaphore_mem>>
        %dma_start3A_218 = tpu.memref_squeeze %dma_start3A_217 : memref<1x!tpu.dma_semaphore, #tpu.memory_space<semaphore_mem>> -> memref<!tpu.dma_semaphore, #tpu.memory_space<semaphore_mem>>
        %dma_start3A_219 = arith.constant 0 : i32
        %dma_start3A_220 = arith.constant 0 : i32
        %dma_start3A_221 = arith.constant 0 : i32
        %dma_start3A_222 = tpu.memref_slice %arg6[%sub3A_199, %dma_start3A_219, %dma_start3A_220, %dma_start3A_221] : memref<2x16x1x1000xf32, #tpu.memory_space<vmem>> -> memref<1x16x1x1000xf32, #tpu.memory_space<vmem>>
        %dma_start3A_223 = tpu.memref_squeeze %dma_start3A_222 : memref<1x16x1x1000xf32, #tpu.memory_space<vmem>> -> memref<16x1x1000xf32, #tpu.memory_space<vmem>>
        %dma_start3A_224 = arith.constant 0 : i32
        %dma_start3A_225 = arith.constant 0 : i32
        %dma_start3A_226 = tpu.memref_slice %arg2[%add3A_202, %dma_start3A_224, %dma_start3A_225] : memref<16384x4x1000xf32, #tpu.memory_space<hbm>> -> memref<16x1x1000xf32, #tpu.memory_space<hbm>>
        tpu.enqueue_dma source(%dma_start3A_226 : memref<16x1x1000xf32, #tpu.memory_space<hbm>>) target(%dma_start3A_223 : memref<16x1x1000xf32, #tpu.memory_space<vmem>>) target_semaphore(%dma_start3A_218 : memref<!tpu.dma_semaphore, #tpu.memory_space<semaphore_mem>>)
        %dma_start3A_227 = arith.constant 0 : i32
        %dma_start3A_228 = arith.constant 0 : i32
        %dma_start3A_229 = arith.constant 0 : i32
        %dma_start3A_230 = tpu.memref_slice %arg7[%sub3A_199, %dma_start3A_227, %dma_start3A_228, %dma_start3A_229] : memref<2x16x1x1000xf32, #tpu.memory_space<vmem>> -> memref<1x16x1x1000xf32, #tpu.memory_space<vmem>>
        %dma_start3A_231 = tpu.memref_squeeze %dma_start3A_230 : memref<1x16x1x1000xf32, #tpu.memory_space<vmem>> -> memref<16x1x1000xf32, #tpu.memory_space<vmem>>
        %dma_start3A_232 = arith.constant 1 : i32
        %dma_start3A_233 = arith.constant 0 : i32
        %dma_start3A_234 = tpu.memref_slice %arg2[%add3A_205, %dma_start3A_232, %dma_start3A_233] : memref<16384x4x1000xf32, #tpu.memory_space<hbm>> -> memref<16x1x1000xf32, #tpu.memory_space<hbm>>
        %dma_start3A_235 = tpu.memref_slice %arg14[%sub3A_199] : memref<2x!tpu.dma_semaphore, #tpu.memory_space<semaphore_mem>> -> memref<1x!tpu.dma_semaphore, #tpu.memory_space<semaphore_mem>>
        %dma_start3A_236 = tpu.memref_squeeze %dma_start3A_235 : memref<1x!tpu.dma_semaphore, #tpu.memory_space<semaphore_mem>> -> memref<!tpu.dma_semaphore, #tpu.memory_space<semaphore_mem>>
        %dma_start3A_237 = arith.constant 0 : i32
        %dma_start3A_238 = arith.constant 0 : i32
        %dma_start3A_239 = arith.constant 0 : i32
        %dma_start3A_240 = tpu.memref_slice %arg7[%sub3A_199, %dma_start3A_237, %dma_start3A_238, %dma_start3A_239] : memref<2x16x1x1000xf32, #tpu.memory_space<vmem>> -> memref<1x16x1x1000xf32, #tpu.memory_space<vmem>>
        %dma_start3A_241 = tpu.memref_squeeze %dma_start3A_240 : memref<1x16x1x1000xf32, #tpu.memory_space<vmem>> -> memref<16x1x1000xf32, #tpu.memory_space<vmem>>
        %dma_start3A_242 = arith.constant 1 : i32
        %dma_start3A_243 = arith.constant 0 : i32
        %dma_start3A_244 = tpu.memref_slice %arg2[%add3A_205, %dma_start3A_242, %dma_start3A_243] : memref<16384x4x1000xf32, #tpu.memory_space<hbm>> -> memref<16x1x1000xf32, #tpu.memory_space<hbm>>
        tpu.enqueue_dma source(%dma_start3A_244 : memref<16x1x1000xf32, #tpu.memory_space<hbm>>) target(%dma_start3A_241 : memref<16x1x1000xf32, #tpu.memory_space<vmem>>) target_semaphore(%dma_start3A_236 : memref<!tpu.dma_semaphore, #tpu.memory_space<semaphore_mem>>)
        %dma_start3A_245 = arith.constant 0 : i32
        %dma_start3A_246 = arith.constant 0 : i32
        %dma_start3A_247 = arith.constant 0 : i32
        %dma_start3A_248 = tpu.memref_slice %arg8[%sub3A_199, %dma_start3A_245, %dma_start3A_246, %dma_start3A_247] : memref<2x16x1x1000xf32, #tpu.memory_space<vmem>> -> memref<1x16x1x1000xf32, #tpu.memory_space<vmem>>
        %dma_start3A_249 = tpu.memref_squeeze %dma_start3A_248 : memref<1x16x1x1000xf32, #tpu.memory_space<vmem>> -> memref<16x1x1000xf32, #tpu.memory_space<vmem>>
        %dma_start3A_250 = arith.constant 2 : i32
        %dma_start3A_251 = arith.constant 0 : i32
        %dma_start3A_252 = tpu.memref_slice %arg2[%add3A_208, %dma_start3A_250, %dma_start3A_251] : memref<16384x4x1000xf32, #tpu.memory_space<hbm>> -> memref<16x1x1000xf32, #tpu.memory_space<hbm>>
        %dma_start3A_253 = tpu.memref_slice %arg14[%sub3A_199] : memref<2x!tpu.dma_semaphore, #tpu.memory_space<semaphore_mem>> -> memref<1x!tpu.dma_semaphore, #tpu.memory_space<semaphore_mem>>
        %dma_start3A_254 = tpu.memref_squeeze %dma_start3A_253 : memref<1x!tpu.dma_semaphore, #tpu.memory_space<semaphore_mem>> -> memref<!tpu.dma_semaphore, #tpu.memory_space<semaphore_mem>>
        %dma_start3A_255 = arith.constant 0 : i32
        %dma_start3A_256 = arith.constant 0 : i32
        %dma_start3A_257 = arith.constant 0 : i32
        %dma_start3A_258 = tpu.memref_slice %arg8[%sub3A_199, %dma_start3A_255, %dma_start3A_256, %dma_start3A_257] : memref<2x16x1x1000xf32, #tpu.memory_space<vmem>> -> memref<1x16x1x1000xf32, #tpu.memory_space<vmem>>
        %dma_start3A_259 = tpu.memref_squeeze %dma_start3A_258 : memref<1x16x1x1000xf32, #tpu.memory_space<vmem>> -> memref<16x1x1000xf32, #tpu.memory_space<vmem>>
        %dma_start3A_260 = arith.constant 2 : i32
        %dma_start3A_261 = arith.constant 0 : i32
        %dma_start3A_262 = tpu.memref_slice %arg2[%add3A_208, %dma_start3A_260, %dma_start3A_261] : memref<16384x4x1000xf32, #tpu.memory_space<hbm>> -> memref<16x1x1000xf32, #tpu.memory_space<hbm>>
        tpu.enqueue_dma source(%dma_start3A_262 : memref<16x1x1000xf32, #tpu.memory_space<hbm>>) target(%dma_start3A_259 : memref<16x1x1000xf32, #tpu.memory_space<vmem>>) target_semaphore(%dma_start3A_254 : memref<!tpu.dma_semaphore, #tpu.memory_space<semaphore_mem>>)
      } else {
      }
      %mul3A_83 = arith.constant 16 : i32
      %mul3A_84 = arith.muli %scan3A_77, %mul3A_83 : i32
      %add3A_85 = arith.addi %mul3A_2, %mul3A_84 : i32
      %mul3A_86 = arith.constant 16 : i32
      %mul3A_87 = arith.muli %scan3A_77, %mul3A_86 : i32
      %add3A_88 = arith.addi %mul3A_2, %mul3A_87 : i32
      %mul3A_89 = arith.constant 16 : i32
      %mul3A_90 = arith.muli %scan3A_77, %mul3A_89 : i32
      %add3A_91 = arith.addi %mul3A_2, %mul3A_90 : i32
      %dma_wait3A = arith.constant 0 : i32
      %dma_wait3A_92 = arith.constant 0 : i32
      %dma_wait3A_93 = arith.constant 0 : i32
      %dma_wait3A_94 = tpu.memref_slice %arg6[%rem3A_78, %dma_wait3A, %dma_wait3A_92, %dma_wait3A_93] : memref<2x16x1x1000xf32, #tpu.memory_space<vmem>> -> memref<1x16x1x1000xf32, #tpu.memory_space<vmem>>
      %dma_wait3A_95 = tpu.memref_squeeze %dma_wait3A_94 : memref<1x16x1x1000xf32, #tpu.memory_space<vmem>> -> memref<16x1x1000xf32, #tpu.memory_space<vmem>>
      %dma_wait3A_96 = arith.constant 0 : i32
      %dma_wait3A_97 = arith.constant 0 : i32
      %dma_wait3A_98 = tpu.memref_slice %arg2[%add3A_85, %dma_wait3A_96, %dma_wait3A_97] : memref<16384x4x1000xf32, #tpu.memory_space<hbm>> -> memref<16x1x1000xf32, #tpu.memory_space<hbm>>
      %dma_wait3A_99 = tpu.memref_slice %arg14[%rem3A_78] : memref<2x!tpu.dma_semaphore, #tpu.memory_space<semaphore_mem>> -> memref<1x!tpu.dma_semaphore, #tpu.memory_space<semaphore_mem>>
      %dma_wait3A_100 = tpu.memref_squeeze %dma_wait3A_99 : memref<1x!tpu.dma_semaphore, #tpu.memory_space<semaphore_mem>> -> memref<!tpu.dma_semaphore, #tpu.memory_space<semaphore_mem>>
      %dma_wait3A_101 = arith.constant 0 : i32
      %dma_wait3A_102 = arith.constant 0 : i32
      %dma_wait3A_103 = arith.constant 0 : i32
      %dma_wait3A_104 = tpu.memref_slice %arg6[%rem3A_78, %dma_wait3A_101, %dma_wait3A_102, %dma_wait3A_103] : memref<2x16x1x1000xf32, #tpu.memory_space<vmem>> -> memref<1x16x1x1000xf32, #tpu.memory_space<vmem>>
      %dma_wait3A_105 = tpu.memref_squeeze %dma_wait3A_104 : memref<1x16x1x1000xf32, #tpu.memory_space<vmem>> -> memref<16x1x1000xf32, #tpu.memory_space<vmem>>
      %dma_wait3A_106 = arith.constant 0 : i32
      %dma_wait3A_107 = arith.constant 0 : i32
      %dma_wait3A_108 = tpu.memref_slice %arg2[%add3A_85, %dma_wait3A_106, %dma_wait3A_107] : memref<16384x4x1000xf32, #tpu.memory_space<hbm>> -> memref<16x1x1000xf32, #tpu.memory_space<hbm>>
      tpu.wait_dma2 semaphore(%dma_wait3A_100 : memref<!tpu.dma_semaphore, #tpu.memory_space<semaphore_mem>>) src(%dma_wait3A_108 : memref<16x1x1000xf32, #tpu.memory_space<hbm>>) dst(%dma_wait3A_105 : memref<16x1x1000xf32, #tpu.memory_space<vmem>>)
      %dma_wait3A_109 = arith.constant 0 : i32
      %dma_wait3A_110 = arith.constant 0 : i32
      %dma_wait3A_111 = arith.constant 0 : i32
      %dma_wait3A_112 = tpu.memref_slice %arg7[%rem3A_78, %dma_wait3A_109, %dma_wait3A_110, %dma_wait3A_111] : memref<2x16x1x1000xf32, #tpu.memory_space<vmem>> -> memref<1x16x1x1000xf32, #tpu.memory_space<vmem>>
      %dma_wait3A_113 = tpu.memref_squeeze %dma_wait3A_112 : memref<1x16x1x1000xf32, #tpu.memory_space<vmem>> -> memref<16x1x1000xf32, #tpu.memory_space<vmem>>
      %dma_wait3A_114 = arith.constant 1 : i32
      %dma_wait3A_115 = arith.constant 0 : i32
      %dma_wait3A_116 = tpu.memref_slice %arg2[%add3A_88, %dma_wait3A_114, %dma_wait3A_115] : memref<16384x4x1000xf32, #tpu.memory_space<hbm>> -> memref<16x1x1000xf32, #tpu.memory_space<hbm>>
      %dma_wait3A_117 = tpu.memref_slice %arg14[%rem3A_78] : memref<2x!tpu.dma_semaphore, #tpu.memory_space<semaphore_mem>> -> memref<1x!tpu.dma_semaphore, #tpu.memory_space<semaphore_mem>>
      %dma_wait3A_118 = tpu.memref_squeeze %dma_wait3A_117 : memref<1x!tpu.dma_semaphore, #tpu.memory_space<semaphore_mem>> -> memref<!tpu.dma_semaphore, #tpu.memory_space<semaphore_mem>>
      %dma_wait3A_119 = arith.constant 0 : i32
      %dma_wait3A_120 = arith.constant 0 : i32
      %dma_wait3A_121 = arith.constant 0 : i32
      %dma_wait3A_122 = tpu.memref_slice %arg7[%rem3A_78, %dma_wait3A_119, %dma_wait3A_120, %dma_wait3A_121] : memref<2x16x1x1000xf32, #tpu.memory_space<vmem>> -> memref<1x16x1x1000xf32, #tpu.memory_space<vmem>>
      %dma_wait3A_123 = tpu.memref_squeeze %dma_wait3A_122 : memref<1x16x1x1000xf32, #tpu.memory_space<vmem>> -> memref<16x1x1000xf32, #tpu.memory_space<vmem>>
      %dma_wait3A_124 = arith.constant 1 : i32
      %dma_wait3A_125 = arith.constant 0 : i32
      %dma_wait3A_126 = tpu.memref_slice %arg2[%add3A_88, %dma_wait3A_124, %dma_wait3A_125] : memref<16384x4x1000xf32, #tpu.memory_space<hbm>> -> memref<16x1x1000xf32, #tpu.memory_space<hbm>>
      tpu.wait_dma2 semaphore(%dma_wait3A_118 : memref<!tpu.dma_semaphore, #tpu.memory_space<semaphore_mem>>) src(%dma_wait3A_126 : memref<16x1x1000xf32, #tpu.memory_space<hbm>>) dst(%dma_wait3A_123 : memref<16x1x1000xf32, #tpu.memory_space<vmem>>)
      %dma_wait3A_127 = arith.constant 0 : i32
      %dma_wait3A_128 = arith.constant 0 : i32
      %dma_wait3A_129 = arith.constant 0 : i32
      %dma_wait3A_130 = tpu.memref_slice %arg8[%rem3A_78, %dma_wait3A_127, %dma_wait3A_128, %dma_wait3A_129] : memref<2x16x1x1000xf32, #tpu.memory_space<vmem>> -> memref<1x16x1x1000xf32, #tpu.memory_space<vmem>>
      %dma_wait3A_131 = tpu.memref_squeeze %dma_wait3A_130 : memref<1x16x1x1000xf32, #tpu.memory_space<vmem>> -> memref<16x1x1000xf32, #tpu.memory_space<vmem>>
      %dma_wait3A_132 = arith.constant 2 : i32
      %dma_wait3A_133 = arith.constant 0 : i32
      %dma_wait3A_134 = tpu.memref_slice %arg2[%add3A_91, %dma_wait3A_132, %dma_wait3A_133] : memref<16384x4x1000xf32, #tpu.memory_space<hbm>> -> memref<16x1x1000xf32, #tpu.memory_space<hbm>>
      %dma_wait3A_135 = tpu.memref_slice %arg14[%rem3A_78] : memref<2x!tpu.dma_semaphore, #tpu.memory_space<semaphore_mem>> -> memref<1x!tpu.dma_semaphore, #tpu.memory_space<semaphore_mem>>
      %dma_wait3A_136 = tpu.memref_squeeze %dma_wait3A_135 : memref<1x!tpu.dma_semaphore, #tpu.memory_space<semaphore_mem>> -> memref<!tpu.dma_semaphore, #tpu.memory_space<semaphore_mem>>
      %dma_wait3A_137 = arith.constant 0 : i32
      %dma_wait3A_138 = arith.constant 0 : i32
      %dma_wait3A_139 = arith.constant 0 : i32
      %dma_wait3A_140 = tpu.memref_slice %arg8[%rem3A_78, %dma_wait3A_137, %dma_wait3A_138, %dma_wait3A_139] : memref<2x16x1x1000xf32, #tpu.memory_space<vmem>> -> memref<1x16x1x1000xf32, #tpu.memory_space<vmem>>
      %dma_wait3A_141 = tpu.memref_squeeze %dma_wait3A_140 : memref<1x16x1x1000xf32, #tpu.memory_space<vmem>> -> memref<16x1x1000xf32, #tpu.memory_space<vmem>>
      %dma_wait3A_142 = arith.constant 2 : i32
      %dma_wait3A_143 = arith.constant 0 : i32
      %dma_wait3A_144 = tpu.memref_slice %arg2[%add3A_91, %dma_wait3A_142, %dma_wait3A_143] : memref<16384x4x1000xf32, #tpu.memory_space<hbm>> -> memref<16x1x1000xf32, #tpu.memory_space<hbm>>
      tpu.wait_dma2 semaphore(%dma_wait3A_136 : memref<!tpu.dma_semaphore, #tpu.memory_space<semaphore_mem>>) src(%dma_wait3A_144 : memref<16x1x1000xf32, #tpu.memory_space<hbm>>) dst(%dma_wait3A_141 : memref<16x1x1000xf32, #tpu.memory_space<vmem>>)
      %broadcast_in_dim3A_145 = arith.constant 1.000000e+00 : f32
      %broadcast_in_dim3A_146 = vector.broadcast %broadcast_in_dim3A_145 : f32 to vector<16xf32>
      %scan3A_147 = arith.constant 0 : i32
      %scan3A_148 = arith.constant 16 : i32
      %scan3A_149 = arith.addi %scan3A_147, %scan3A_148 : i32
      %scan3A_150 = arith.constant 1 : i32
      %scan3A_151:9 = scf.for %scan3A_197 = %scan3A_147 to %scan3A_149 step %scan3A_150 iter_args(%scan3A_198 = %broadcast_in_dim3A_70, %scan3A_199 = %broadcast_in_dim3A_70, %scan3A_200 = %broadcast_in_dim3A_70, %scan3A_201 = %broadcast_in_dim3A_146, %scan3A_202 = %broadcast_in_dim3A_146, %scan3A_203 = %broadcast_in_dim3A_146, %scan3A_204 = %broadcast_in_dim3A_68, %scan3A_205 = %broadcast_in_dim3A_68, %scan3A_206 = %broadcast_in_dim3A_68) -> (vector<16xf32>, vector<16xf32>, vector<16xf32>, vector<16xf32>, vector<16xf32>, vector<16xf32>, vector<16xi32>, vector<16xi32>, vector<16xi32>)  : i32 {
        %eq3A_207 = vector.broadcast %scan3A_197 : i32 to vector<16xi32>
        %eq3A_208 = arith.cmpi eq, %iota3A, %eq3A_207 : vector<16xi32>
        %broadcast_in_dim3A_209 = arith.constant 0xFF800000 : f32
        %broadcast_in_dim3A_210 = vector.broadcast %broadcast_in_dim3A_209 : f32 to vector<16xf32>
        %broadcast_in_dim3A_211 = arith.constant 0xFF800000 : f32
        %broadcast_in_dim3A_212 = vector.broadcast %broadcast_in_dim3A_211 : f32 to vector<16xf32>
        %broadcast_in_dim3A_213 = arith.constant 0xFF800000 : f32
        %broadcast_in_dim3A_214 = vector.broadcast %broadcast_in_dim3A_213 : f32 to vector<16xf32>
        %broadcast_in_dim3A_215 = arith.constant 0xFF800000 : f32
        %broadcast_in_dim3A_216 = vector.broadcast %broadcast_in_dim3A_215 : f32 to vector<16xf32>
        %get3A_217 = arith.constant 0 : i32
        %get3A_218 = arith.constant 0 : i32
        %get3A_219 = arith.constant 0 : i32
        %get3A_220 = tpu.memref_slice %arg6[%rem3A_78, %scan3A_197, %get3A_218, %get3A_219] : memref<2x16x1x1000xf32, #tpu.memory_space<vmem>> -> memref<1x1x1x1000xf32, #tpu.memory_space<vmem>>
        %get3A_221 = tpu.memref_squeeze %get3A_220 : memref<1x1x1x1000xf32, #tpu.memory_space<vmem>> -> memref<1x1000xf32, #tpu.memory_space<vmem>>
        %get3A_222 = arith.index_cast %get3A_217 : i32 to index
        %get3A_223 = arith.constant 0 : index
        %get3A_224 = tpu.vector_load %get3A_221[%get3A_222, %get3A_223] {strides = array<i32>} : memref<1x1000xf32, #tpu.memory_space<vmem>>, vector<16xf32>,
        %gt3A = arith.cmpf ogt, %get3A_224, %broadcast_in_dim3A_210 : vector<16xf32>
        %max3A = arith.maximumf %broadcast_in_dim3A_210, %get3A_224 : vector<16xf32>
        %add3A_225 = arith.constant 0 : i32
        %add3A_226 = vector.broadcast %add3A_225 : i32 to vector<16xi32>
        %add3A_227 = arith.addi %iota3A, %add3A_226 : vector<16xi32>
        %select_n3A = arith.select %gt3A, %add3A_227, %broadcast_in_dim3A_68 : vector<16xi1>, vector<16xi32>
        %exp3A_228 = math.exp %get3A_224 : vector<16xf32>
        %add3A_229 = arith.addf %broadcast_in_dim3A_70, %exp3A_228 : vector<16xf32>
        %get3A_230 = arith.constant 0 : i32
        %get3A_231 = arith.constant 0 : i32
        %get3A_232 = arith.constant 0 : i32
        %get3A_233 = tpu.memref_slice %arg6[%rem3A_78, %scan3A_197, %get3A_231, %get3A_232] : memref<2x16x1x1000xf32, #tpu.memory_space<vmem>> -> memref<1x1x1x1000xf32, #tpu.memory_space<vmem>>
        %get3A_234 = tpu.memref_squeeze %get3A_233 : memref<1x1x1x1000xf32, #tpu.memory_space<vmem>> -> memref<1x1000xf32, #tpu.memory_space<vmem>>
        %get3A_235 = arith.index_cast %get3A_230 : i32 to index
        %get3A_236 = arith.constant 16 : index
        %get3A_237 = tpu.vector_load %get3A_234[%get3A_235, %get3A_236] {strides = array<i32>} : memref<1x1000xf32, #tpu.memory_space<vmem>>, vector<16xf32>,
        %gt3A_238 = arith.cmpf ogt, %get3A_237, %broadcast_in_dim3A_212 : vector<16xf32>
        %max3A_239 = arith.maximumf %broadcast_in_dim3A_212, %get3A_237 : vector<16xf32>
        %add3A_240 = arith.constant 16 : i32
        %add3A_241 = vector.broadcast %add3A_240 : i32 to vector<16xi32>
        %add3A_242 = arith.addi %iota3A, %add3A_241 : vector<16xi32>
        %select_n3A_243 = arith.select %gt3A_238, %add3A_242, %broadcast_in_dim3A_68 : vector<16xi1>, vector<16xi32>
        %exp3A_244 = math.exp %get3A_237 : vector<16xf32>
        %add3A_245 = arith.addf %broadcast_in_dim3A_70, %exp3A_244 : vector<16xf32>
        %get3A_246 = arith.constant 0 : i32
        %get3A_247 = arith.constant 0 : i32
        %get3A_248 = arith.constant 0 : i32
        %get3A_249 = tpu.memref_slice %arg6[%rem3A_78, %scan3A_197, %get3A_247, %get3A_248] : memref<2x16x1x1000xf32, #tpu.memory_space<vmem>> -> memref<1x1x1x1000xf32, #tpu.memory_space<vmem>>
        %get3A_250 = tpu.memref_squeeze %get3A_249 : memref<1x1x1x1000xf32, #tpu.memory_space<vmem>> -> memref<1x1000xf32, #tpu.memory_space<vmem>>
        %get3A_251 = arith.index_cast %get3A_246 : i32 to index
        %get3A_252 = arith.constant 32 : index
        %get3A_253 = tpu.vector_load %get3A_250[%get3A_251, %get3A_252] {strides = array<i32>} : memref<1x1000xf32, #tpu.memory_space<vmem>>, vector<16xf32>,
        %gt3A_254 = arith.cmpf ogt, %get3A_253, %broadcast_in_dim3A_214 : vector<16xf32>
        %max3A_255 = arith.maximumf %broadcast_in_dim3A_214, %get3A_253 : vector<16xf32>
        %add3A_256 = arith.constant 32 : i32
        %add3A_257 = vector.broadcast %add3A_256 : i32 to vector<16xi32>
        %add3A_258 = arith.addi %iota3A, %add3A_257 : vector<16xi32>
        %select_n3A_259 = arith.select %gt3A_254, %add3A_258, %broadcast_in_dim3A_68 : vector<16xi1>, vector<16xi32>
        %exp3A_260 = math.exp %get3A_253 : vector<16xf32>
        %add3A_261 = arith.addf %broadcast_in_dim3A_70, %exp3A_260 : vector<16xf32>
        %get3A_262 = arith.constant 0 : i32
        %get3A_263 = arith.constant 0 : i32
        %get3A_264 = arith.constant 0 : i32
        %get3A_265 = tpu.memref_slice %arg6[%rem3A_78, %scan3A_197, %get3A_263, %get3A_264] : memref<2x16x1x1000xf32, #tpu.memory_space<vmem>> -> memref<1x1x1x1000xf32, #tpu.memory_space<vmem>>
        %get3A_266 = tpu.memref_squeeze %get3A_265 : memref<1x1x1x1000xf32, #tpu.memory_space<vmem>> -> memref<1x1000xf32, #tpu.memory_space<vmem>>
        %get3A_267 = arith.index_cast %get3A_262 : i32 to index
        %get3A_268 = arith.constant 48 : index
        %get3A_269 = tpu.vector_load %get3A_266[%get3A_267, %get3A_268] {strides = array<i32>} : memref<1x1000xf32, #tpu.memory_space<vmem>>, vector<16xf32>,
        %gt3A_270 = arith.cmpf ogt, %get3A_269, %broadcast_in_dim3A_216 : vector<16xf32>
        %max3A_271 = arith.maximumf %broadcast_in_dim3A_216, %get3A_269 : vector<16xf32>
        %add3A_272 = arith.constant 48 : i32
        %add3A_273 = vector.broadcast %add3A_272 : i32 to vector<16xi32>
        %add3A_274 = arith.addi %iota3A, %add3A_273 : vector<16xi32>
        %select_n3A_275 = arith.select %gt3A_270, %add3A_274, %broadcast_in_dim3A_68 : vector<16xi1>, vector<16xi32>
        %exp3A_276 = math.exp %get3A_269 : vector<16xf32>
        %add3A_277 = arith.addf %broadcast_in_dim3A_70, %exp3A_276 : vector<16xf32>
        %get3A_278 = arith.constant 0 : i32
        %get3A_279 = arith.constant 0 : i32
        %get3A_280 = arith.constant 0 : i32
        %get3A_281 = tpu.memref_slice %arg6[%rem3A_78, %scan3A_197, %get3A_279, %get3A_280] : memref<2x16x1x1000xf32, #tpu.memory_space<vmem>> -> memref<1x1x1x1000xf32, #tpu.memory_space<vmem>>
        %get3A_282 = tpu.memref_squeeze %get3A_281 : memref<1x1x1x1000xf32, #tpu.memory_space<vmem>> -> memref<1x1000xf32, #tpu.memory_space<vmem>>
        %get3A_283 = arith.index_cast %get3A_278 : i32 to index
        %get3A_284 = arith.constant 64 : index
        %get3A_285 = tpu.vector_load %get3A_282[%get3A_283, %get3A_284] {strides = array<i32>} : memref<1x1000xf32, #tpu.memory_space<vmem>>, vector<16xf32>,
        %gt3A_286 = arith.cmpf ogt, %get3A_285, %max3A : vector<16xf32>
        %max3A_287 = arith.maximumf %max3A, %get3A_285 : vector<16xf32>
        %add3A_288 = arith.constant 64 : i32
        %add3A_289 = vector.broadcast %add3A_288 : i32 to vector<16xi32>
        %add3A_290 = arith.addi %iota3A, %add3A_289 : vector<16xi32>
        %select_n3A_291 = arith.select %gt3A_286, %add3A_290, %select_n3A : vector<16xi1>, vector<16xi32>
        %exp3A_292 = math.exp %get3A_285 : vector<16xf32>
        %add3A_293 = arith.addf %add3A_229, %exp3A_292 : vector<16xf32>
        %get3A_294 = arith.constant 0 : i32
        %get3A_295 = arith.constant 0 : i32
        %get3A_296 = arith.constant 0 : i32
        %get3A_297 = tpu.memref_slice %arg6[%rem3A_78, %scan3A_197, %get3A_295, %get3A_296] : memref<2x16x1x1000xf32, #tpu.memory_space<vmem>> -> memref<1x1x1x1000xf32, #tpu.memory_space<vmem>>
        %get3A_298 = tpu.memref_squeeze %get3A_297 : memref<1x1x1x1000xf32, #tpu.memory_space<vmem>> -> memref<1x1000xf32, #tpu.memory_space<vmem>>
        %get3A_299 = arith.index_cast %get3A_294 : i32 to index
        %get3A_300 = arith.constant 80 : index
        %get3A_301 = tpu.vector_load %get3A_298[%get3A_299, %get3A_300] {strides = array<i32>} : memref<1x1000xf32, #tpu.memory_space<vmem>>, vector<16xf32>,
        %gt3A_302 = arith.cmpf ogt, %get3A_301, %max3A_239 : vector<16xf32>
        %max3A_303 = arith.maximumf %max3A_239, %get3A_301 : vector<16xf32>
        %add3A_304 = arith.constant 80 : i32
        %add3A_305 = vector.broadcast %add3A_304 : i32 to vector<16xi32>
        %add3A_306 = arith.addi %iota3A, %add3A_305 : vector<16xi32>
        %select_n3A_307 = arith.select %gt3A_302, %add3A_306, %select_n3A_243 : vector<16xi1>, vector<16xi32>
        %exp3A_308 = math.exp %get3A_301 : vector<16xf32>
        %add3A_309 = arith.addf %add3A_245, %exp3A_308 : vector<16xf32>
        %get3A_310 = arith.constant 0 : i32
        %get3A_311 = arith.constant 0 : i32
        %get3A_312 = arith.constant 0 : i32
        %get3A_313 = tpu.memref_slice %arg6[%rem3A_78, %scan3A_197, %get3A_311, %get3A_312] : memref<2x16x1x1000xf32, #tpu.memory_space<vmem>> -> memref<1x1x1x1000xf32, #tpu.memory_space<vmem>>
        %get3A_314 = tpu.memref_squeeze %get3A_313 : memref<1x1x1x1000xf32, #tpu.memory_space<vmem>> -> memref<1x1000xf32, #tpu.memory_space<vmem>>
        %get3A_315 = arith.index_cast %get3A_310 : i32 to index
        %get3A_316 = arith.constant 96 : index
        %get3A_317 = tpu.vector_load %get3A_314[%get3A_315, %get3A_316] {strides = array<i32>} : memref<1x1000xf32, #tpu.memory_space<vmem>>, vector<16xf32>,
        %gt3A_318 = arith.cmpf ogt, %get3A_317, %max3A_255 : vector<16xf32>
        %max3A_319 = arith.maximumf %max3A_255, %get3A_317 : vector<16xf32>
        %add3A_320 = arith.constant 96 : i32
        %add3A_321 = vector.broadcast %add3A_320 : i32 to vector<16xi32>
        %add3A_322 = arith.addi %iota3A, %add3A_321 : vector<16xi32>
        %select_n3A_323 = arith.select %gt3A_318, %add3A_322, %select_n3A_259 : vector<16xi1>, vector<16xi32>
        %exp3A_324 = math.exp %get3A_317 : vector<16xf32>
        %add3A_325 = arith.addf %add3A_261, %exp3A_324 : vector<16xf32>
        %get3A_326 = arith.constant 0 : i32
        %get3A_327 = arith.constant 0 : i32
        %get3A_328 = arith.constant 0 : i32
        %get3A_329 = tpu.memref_slice %arg6[%rem3A_78, %scan3A_197, %get3A_327, %get3A_328] : memref<2x16x1x1000xf32, #tpu.memory_space<vmem>> -> memref<1x1x1x1000xf32, #tpu.memory_space<vmem>>
        %get3A_330 = tpu.memref_squeeze %get3A_329 : memref<1x1x1x1000xf32, #tpu.memory_space<vmem>> -> memref<1x1000xf32, #tpu.memory_space<vmem>>
        %get3A_331 = arith.index_cast %get3A_326 : i32 to index
        %get3A_332 = arith.constant 112 : index
        %get3A_333 = tpu.vector_load %get3A_330[%get3A_331, %get3A_332] {strides = array<i32>} : memref<1x1000xf32, #tpu.memory_space<vmem>>, vector<16xf32>,
        %gt3A_334 = arith.cmpf ogt, %get3A_333, %max3A_271 : vector<16xf32>
        %max3A_335 = arith.maximumf %max3A_271, %get3A_333 : vector<16xf32>
        %add3A_336 = arith.constant 112 : i32
        %add3A_337 = vector.broadcast %add3A_336 : i32 to vector<16xi32>
        %add3A_338 = arith.addi %iota3A, %add3A_337 : vector<16xi32>
        %select_n3A_339 = arith.select %gt3A_334, %add3A_338, %select_n3A_275 : vector<16xi1>, vector<16xi32>
        %exp3A_340 = math.exp %get3A_333 : vector<16xf32>
        %add3A_341 = arith.addf %add3A_277, %exp3A_340 : vector<16xf32>
        %get3A_342 = arith.constant 0 : i32
        %get3A_343 = arith.constant 0 : i32
        %get3A_344 = arith.constant 0 : i32
        %get3A_345 = tpu.memref_slice %arg6[%rem3A_78, %scan3A_197, %get3A_343, %get3A_344] : memref<2x16x1x1000xf32, #tpu.memory_space<vmem>> -> memref<1x1x1x1000xf32, #tpu.memory_space<vmem>>
        %get3A_346 = tpu.memref_squeeze %get3A_345 : memref<1x1x1x1000xf32, #tpu.memory_space<vmem>> -> memref<1x1000xf32, #tpu.memory_space<vmem>>
        %get3A_347 = arith.index_cast %get3A_342 : i32 to index
        %get3A_348 = arith.constant 128 : index
        %get3A_349 = tpu.vector_load %get3A_346[%get3A_347, %get3A_348] {strides = array<i32>} : memref<1x1000xf32, #tpu.memory_space<vmem>>, vector<16xf32>,
        %gt3A_350 = arith.cmpf ogt, %get3A_349, %max3A_287 : vector<16xf32>
        %max3A_351 = arith.maximumf %max3A_287, %get3A_349 : vector<16xf32>
        %add3A_352 = arith.constant 128 : i32
        %add3A_353 = vector.broadcast %add3A_352 : i32 to vector<16xi32>
        %add3A_354 = arith.addi %iota3A, %add3A_353 : vector<16xi32>
        %select_n3A_355 = arith.select %gt3A_350, %add3A_354, %select_n3A_291 : vector<16xi1>, vector<16xi32>
        %exp3A_356 = math.exp %get3A_349 : vector<16xf32>
        %add3A_357 = arith.addf %add3A_293, %exp3A_356 : vector<16xf32>
        %get3A_358 = arith.constant 0 : i32
        %get3A_359 = arith.constant 0 : i32
        %get3A_360 = arith.constant 0 : i32
        %get3A_361 = tpu.memref_slice %arg6[%rem3A_78, %scan3A_197, %get3A_359, %get3A_360] : memref<2x16x1x1000xf32, #tpu.memory_space<vmem>> -> memref<1x1x1x1000xf32, #tpu.memory_space<vmem>>
        %get3A_362 = tpu.memref_squeeze %get3A_361 : memref<1x1x1x1000xf32, #tpu.memory_space<vmem>> -> memref<1x1000xf32, #tpu.memory_space<vmem>>
        %get3A_363 = arith.index_cast %get3A_358 : i32 to index
        %get3A_364 = arith.constant 144 : index
        %get3A_365 = tpu.vector_load %get3A_362[%get3A_363, %get3A_364] {strides = array<i32>} : memref<1x1000xf32, #tpu.memory_space<vmem>>, vector<16xf32>,
        %gt3A_366 = arith.cmpf ogt, %get3A_365, %max3A_303 : vector<16xf32>
        %max3A_367 = arith.maximumf %max3A_303, %get3A_365 : vector<16xf32>
        %add3A_368 = arith.constant 144 : i32
        %add3A_369 = vector.broadcast %add3A_368 : i32 to vector<16xi32>
        %add3A_370 = arith.addi %iota3A, %add3A_369 : vector<16xi32>
        %select_n3A_371 = arith.select %gt3A_366, %add3A_370, %select_n3A_307 : vector<16xi1>, vector<16xi32>
        %exp3A_372 = math.exp %get3A_365 : vector<16xf32>
        %add3A_373 = arith.addf %add3A_309, %exp3A_372 : vector<16xf32>
        %get3A_374 = arith.constant 0 : i32
        %get3A_375 = arith.constant 0 : i32
        %get3A_376 = arith.constant 0 : i32
        %get3A_377 = tpu.memref_slice %arg6[%rem3A_78, %scan3A_197, %get3A_375, %get3A_376] : memref<2x16x1x1000xf32, #tpu.memory_space<vmem>> -> memref<1x1x1x1000xf32, #tpu.memory_space<vmem>>
        %get3A_378 = tpu.memref_squeeze %get3A_377 : memref<1x1x1x1000xf32, #tpu.memory_space<vmem>> -> memref<1x1000xf32, #tpu.memory_space<vmem>>
        %get3A_379 = arith.index_cast %get3A_374 : i32 to index
        %get3A_380 = arith.constant 160 : index
        %get3A_381 = tpu.vector_load %get3A_378[%get3A_379, %get3A_380] {strides = array<i32>} : memref<1x1000xf32, #tpu.memory_space<vmem>>, vector<16xf32>,
        %gt3A_382 = arith.cmpf ogt, %get3A_381, %max3A_319 : vector<16xf32>
        %max3A_383 = arith.maximumf %max3A_319, %get3A_381 : vector<16xf32>
        %add3A_384 = arith.constant 160 : i32
        %add3A_385 = vector.broadcast %add3A_384 : i32 to vector<16xi32>
        %add3A_386 = arith.addi %iota3A, %add3A_385 : vector<16xi32>
        %select_n3A_387 = arith.select %gt3A_382, %add3A_386, %select_n3A_323 : vector<16xi1>, vector<16xi32>
        %exp3A_388 = math.exp %get3A_381 : vector<16xf32>
        %add3A_389 = arith.addf %add3A_325, %exp3A_388 : vector<16xf32>
        %get3A_390 = arith.constant 0 : i32
        %get3A_391 = arith.constant 0 : i32
        %get3A_392 = arith.constant 0 : i32
        %get3A_393 = tpu.memref_slice %arg6[%rem3A_78, %scan3A_197, %get3A_391, %get3A_392] : memref<2x16x1x1000xf32, #tpu.memory_space<vmem>> -> memref<1x1x1x1000xf32, #tpu.memory_space<vmem>>
        %get3A_394 = tpu.memref_squeeze %get3A_393 : memref<1x1x1x1000xf32, #tpu.memory_space<vmem>> -> memref<1x1000xf32, #tpu.memory_space<vmem>>
        %get3A_395 = arith.index_cast %get3A_390 : i32 to index
        %get3A_396 = arith.constant 176 : index
        %get3A_397 = tpu.vector_load %get3A_394[%get3A_395, %get3A_396] {strides = array<i32>} : memref<1x1000xf32, #tpu.memory_space<vmem>>, vector<16xf32>,
        %gt3A_398 = arith.cmpf ogt, %get3A_397, %max3A_335 : vector<16xf32>
        %max3A_399 = arith.maximumf %max3A_335, %get3A_397 : vector<16xf32>
        %add3A_400 = arith.constant 176 : i32
        %add3A_401 = vector.broadcast %add3A_400 : i32 to vector<16xi32>
        %add3A_402 = arith.addi %iota3A, %add3A_401 : vector<16xi32>
        %select_n3A_403 = arith.select %gt3A_398, %add3A_402, %select_n3A_339 : vector<16xi1>, vector<16xi32>
        %exp3A_404 = math.exp %get3A_397 : vector<16xf32>
        %add3A_405 = arith.addf %add3A_341, %exp3A_404 : vector<16xf32>
        %get3A_406 = arith.constant 0 : i32
        %get3A_407 = arith.constant 0 : i32
        %get3A_408 = arith.constant 0 : i32
        %get3A_409 = tpu.memref_slice %arg6[%rem3A_78, %scan3A_197, %get3A_407, %get3A_408] : memref<2x16x1x1000xf32, #tpu.memory_space<vmem>> -> memref<1x1x1x1000xf32, #tpu.memory_space<vmem>>
        %get3A_410 = tpu.memref_squeeze %get3A_409 : memref<1x1x1x1000xf32, #tpu.memory_space<vmem>> -> memref<1x1000xf32, #tpu.memory_space<vmem>>
        %get3A_411 = arith.index_cast %get3A_406 : i32 to index
        %get3A_412 = arith.constant 192 : index
        %get3A_413 = tpu.vector_load %get3A_410[%get3A_411, %get3A_412] {strides = array<i32>} : memref<1x1000xf32, #tpu.memory_space<vmem>>, vector<16xf32>,
        %gt3A_414 = arith.cmpf ogt, %get3A_413, %max3A_351 : vector<16xf32>
        %max3A_415 = arith.maximumf %max3A_351, %get3A_413 : vector<16xf32>
        %add3A_416 = arith.constant 192 : i32
        %add3A_417 = vector.broadcast %add3A_416 : i32 to vector<16xi32>
        %add3A_418 = arith.addi %iota3A, %add3A_417 : vector<16xi32>
        %select_n3A_419 = arith.select %gt3A_414, %add3A_418, %select_n3A_355 : vector<16xi1>, vector<16xi32>
        %exp3A_420 = math.exp %get3A_413 : vector<16xf32>
        %add3A_421 = arith.addf %add3A_357, %exp3A_420 : vector<16xf32>
        %get3A_422 = arith.constant 0 : i32
        %get3A_423 = arith.constant 0 : i32
        %get3A_424 = arith.constant 0 : i32
        %get3A_425 = tpu.memref_slice %arg6[%rem3A_78, %scan3A_197, %get3A_423, %get3A_424] : memref<2x16x1x1000xf32, #tpu.memory_space<vmem>> -> memref<1x1x1x1000xf32, #tpu.memory_space<vmem>>
        %get3A_426 = tpu.memref_squeeze %get3A_425 : memref<1x1x1x1000xf32, #tpu.memory_space<vmem>> -> memref<1x1000xf32, #tpu.memory_space<vmem>>
        %get3A_427 = arith.index_cast %get3A_422 : i32 to index
        %get3A_428 = arith.constant 208 : index
        %get3A_429 = tpu.vector_load %get3A_426[%get3A_427, %get3A_428] {strides = array<i32>} : memref<1x1000xf32, #tpu.memory_space<vmem>>, vector<16xf32>,
        %gt3A_430 = arith.cmpf ogt, %get3A_429, %max3A_367 : vector<16xf32>
        %max3A_431 = arith.maximumf %max3A_367, %get3A_429 : vector<16xf32>
        %add3A_432 = arith.constant 208 : i32
        %add3A_433 = vector.broadcast %add3A_432 : i32 to vector<16xi32>
        %add3A_434 = arith.addi %iota3A, %add3A_433 : vector<16xi32>
        %select_n3A_435 = arith.select %gt3A_430, %add3A_434, %select_n3A_371 : vector<16xi1>, vector<16xi32>
        %exp3A_436 = math.exp %get3A_429 : vector<16xf32>
        %add3A_437 = arith.addf %add3A_373, %exp3A_436 : vector<16xf32>
        %get3A_438 = arith.constant 0 : i32
        %get3A_439 = arith.constant 0 : i32
        %get3A_440 = arith.constant 0 : i32
        %get3A_441 = tpu.memref_slice %arg6[%rem3A_78, %scan3A_197, %get3A_439, %get3A_440] : memref<2x16x1x1000xf32, #tpu.memory_space<vmem>> -> memref<1x1x1x1000xf32, #tpu.memory_space<vmem>>
        %get3A_442 = tpu.memref_squeeze %get3A_441 : memref<1x1x1x1000xf32, #tpu.memory_space<vmem>> -> memref<1x1000xf32, #tpu.memory_space<vmem>>
        %get3A_443 = arith.index_cast %get3A_438 : i32 to index
        %get3A_444 = arith.constant 224 : index
        %get3A_445 = tpu.vector_load %get3A_442[%get3A_443, %get3A_444] {strides = array<i32>} : memref<1x1000xf32, #tpu.memory_space<vmem>>, vector<16xf32>,
        %gt3A_446 = arith.cmpf ogt, %get3A_445, %max3A_383 : vector<16xf32>
        %max3A_447 = arith.maximumf %max3A_383, %get3A_445 : vector<16xf32>
        %add3A_448 = arith.constant 224 : i32
        %add3A_449 = vector.broadcast %add3A_448 : i32 to vector<16xi32>
        %add3A_450 = arith.addi %iota3A, %add3A_449 : vector<16xi32>
        %select_n3A_451 = arith.select %gt3A_446, %add3A_450, %select_n3A_387 : vector<16xi1>, vector<16xi32>
        %exp3A_452 = math.exp %get3A_445 : vector<16xf32>
        %add3A_453 = arith.addf %add3A_389, %exp3A_452 : vector<16xf32>
        %get3A_454 = arith.constant 0 : i32
        %get3A_455 = arith.constant 0 : i32
        %get3A_456 = arith.constant 0 : i32
        %get3A_457 = tpu.memref_slice %arg6[%rem3A_78, %scan3A_197, %get3A_455, %get3A_456] : memref<2x16x1x1000xf32, #tpu.memory_space<vmem>> -> memref<1x1x1x1000xf32, #tpu.memory_space<vmem>>
        %get3A_458 = tpu.memref_squeeze %get3A_457 : memref<1x1x1x1000xf32, #tpu.memory_space<vmem>> -> memref<1x1000xf32, #tpu.memory_space<vmem>>
        %get3A_459 = arith.index_cast %get3A_454 : i32 to index
        %get3A_460 = arith.constant 240 : index
        %get3A_461 = tpu.vector_load %get3A_458[%get3A_459, %get3A_460] {strides = array<i32>} : memref<1x1000xf32, #tpu.memory_space<vmem>>, vector<16xf32>,
        %gt3A_462 = arith.cmpf ogt, %get3A_461, %max3A_399 : vector<16xf32>
        %max3A_463 = arith.maximumf %max3A_399, %get3A_461 : vector<16xf32>
        %add3A_464 = arith.constant 240 : i32
        %add3A_465 = vector.broadcast %add3A_464 : i32 to vector<16xi32>
        %add3A_466 = arith.addi %iota3A, %add3A_465 : vector<16xi32>
        %select_n3A_467 = arith.select %gt3A_462, %add3A_466, %select_n3A_403 : vector<16xi1>, vector<16xi32>
        %exp3A_468 = math.exp %get3A_461 : vector<16xf32>
        %add3A_469 = arith.addf %add3A_405, %exp3A_468 : vector<16xf32>
        %get3A_470 = arith.constant 0 : i32
        %get3A_471 = arith.constant 0 : i32
        %get3A_472 = arith.constant 0 : i32
        %get3A_473 = tpu.memref_slice %arg6[%rem3A_78, %scan3A_197, %get3A_471, %get3A_472] : memref<2x16x1x1000xf32, #tpu.memory_space<vmem>> -> memref<1x1x1x1000xf32, #tpu.memory_space<vmem>>
        %get3A_474 = tpu.memref_squeeze %get3A_473 : memref<1x1x1x1000xf32, #tpu.memory_space<vmem>> -> memref<1x1000xf32, #tpu.memory_space<vmem>>
        %get3A_475 = arith.index_cast %get3A_470 : i32 to index
        %get3A_476 = arith.constant 256 : index
        %get3A_477 = tpu.vector_load %get3A_474[%get3A_475, %get3A_476] {strides = array<i32>} : memref<1x1000xf32, #tpu.memory_space<vmem>>, vector<16xf32>,
        %gt3A_478 = arith.cmpf ogt, %get3A_477, %max3A_415 : vector<16xf32>
        %max3A_479 = arith.maximumf %max3A_415, %get3A_477 : vector<16xf32>
        %add3A_480 = arith.constant 256 : i32
        %add3A_481 = vector.broadcast %add3A_480 : i32 to vector<16xi32>
        %add3A_482 = arith.addi %iota3A, %add3A_481 : vector<16xi32>
        %select_n3A_483 = arith.select %gt3A_478, %add3A_482, %select_n3A_419 : vector<16xi1>, vector<16xi32>
        %exp3A_484 = math.exp %get3A_477 : vector<16xf32>
        %add3A_485 = arith.addf %add3A_421, %exp3A_484 : vector<16xf32>
        %get3A_486 = arith.constant 0 : i32
        %get3A_487 = arith.constant 0 : i32
        %get3A_488 = arith.constant 0 : i32
        %get3A_489 = tpu.memref_slice %arg6[%rem3A_78, %scan3A_197, %get3A_487, %get3A_488] : memref<2x16x1x1000xf32, #tpu.memory_space<vmem>> -> memref<1x1x1x1000xf32, #tpu.memory_space<vmem>>
        %get3A_490 = tpu.memref_squeeze %get3A_489 : memref<1x1x1x1000xf32, #tpu.memory_space<vmem>> -> memref<1x1000xf32, #tpu.memory_space<vmem>>
        %get3A_491 = arith.index_cast %get3A_486 : i32 to index
        %get3A_492 = arith.constant 272 : index
        %get3A_493 = tpu.vector_load %get3A_490[%get3A_491, %get3A_492] {strides = array<i32>} : memref<1x1000xf32, #tpu.memory_space<vmem>>, vector<16xf32>,
        %gt3A_494 = arith.cmpf ogt, %get3A_493, %max3A_431 : vector<16xf32>
        %max3A_495 = arith.maximumf %max3A_431, %get3A_493 : vector<16xf32>
        %add3A_496 = arith.constant 272 : i32
        %add3A_497 = vector.broadcast %add3A_496 : i32 to vector<16xi32>
        %add3A_498 = arith.addi %iota3A, %add3A_497 : vector<16xi32>
        %select_n3A_499 = arith.select %gt3A_494, %add3A_498, %select_n3A_435 : vector<16xi1>, vector<16xi32>
        %exp3A_500 = math.exp %get3A_493 : vector<16xf32>
        %add3A_501 = arith.addf %add3A_437, %exp3A_500 : vector<16xf32>
        %get3A_502 = arith.constant 0 : i32
        %get3A_503 = arith.constant 0 : i32
        %get3A_504 = arith.constant 0 : i32
        %get3A_505 = tpu.memref_slice %arg6[%rem3A_78, %scan3A_197, %get3A_503, %get3A_504] : memref<2x16x1x1000xf32, #tpu.memory_space<vmem>> -> memref<1x1x1x1000xf32, #tpu.memory_space<vmem>>
        %get3A_506 = tpu.memref_squeeze %get3A_505 : memref<1x1x1x1000xf32, #tpu.memory_space<vmem>> -> memref<1x1000xf32, #tpu.memory_space<vmem>>
        %get3A_507 = arith.index_cast %get3A_502 : i32 to index
        %get3A_508 = arith.constant 288 : index
        %get3A_509 = tpu.vector_load %get3A_506[%get3A_507, %get3A_508] {strides = array<i32>} : memref<1x1000xf32, #tpu.memory_space<vmem>>, vector<16xf32>,
        %gt3A_510 = arith.cmpf ogt, %get3A_509, %max3A_447 : vector<16xf32>
        %max3A_511 = arith.maximumf %max3A_447, %get3A_509 : vector<16xf32>
        %add3A_512 = arith.constant 288 : i32
        %add3A_513 = vector.broadcast %add3A_512 : i32 to vector<16xi32>
        %add3A_514 = arith.addi %iota3A, %add3A_513 : vector<16xi32>
        %select_n3A_515 = arith.select %gt3A_510, %add3A_514, %select_n3A_451 : vector<16xi1>, vector<16xi32>
        %exp3A_516 = math.exp %get3A_509 : vector<16xf32>
        %add3A_517 = arith.addf %add3A_453, %exp3A_516 : vector<16xf32>
        %get3A_518 = arith.constant 0 : i32
        %get3A_519 = arith.constant 0 : i32
        %get3A_520 = arith.constant 0 : i32
        %get3A_521 = tpu.memref_slice %arg6[%rem3A_78, %scan3A_197, %get3A_519, %get3A_520] : memref<2x16x1x1000xf32, #tpu.memory_space<vmem>> -> memref<1x1x1x1000xf32, #tpu.memory_space<vmem>>
        %get3A_522 = tpu.memref_squeeze %get3A_521 : memref<1x1x1x1000xf32, #tpu.memory_space<vmem>> -> memref<1x1000xf32, #tpu.memory_space<vmem>>
        %get3A_523 = arith.index_cast %get3A_518 : i32 to index
        %get3A_524 = arith.constant 304 : index
        %get3A_525 = tpu.vector_load %get3A_522[%get3A_523, %get3A_524] {strides = array<i32>} : memref<1x1000xf32, #tpu.memory_space<vmem>>, vector<16xf32>,
        %gt3A_526 = arith.cmpf ogt, %get3A_525, %max3A_463 : vector<16xf32>
        %max3A_527 = arith.maximumf %max3A_463, %get3A_525 : vector<16xf32>
        %add3A_528 = arith.constant 304 : i32
        %add3A_529 = vector.broadcast %add3A_528 : i32 to vector<16xi32>
        %add3A_530 = arith.addi %iota3A, %add3A_529 : vector<16xi32>
        %select_n3A_531 = arith.select %gt3A_526, %add3A_530, %select_n3A_467 : vector<16xi1>, vector<16xi32>
        %exp3A_532 = math.exp %get3A_525 : vector<16xf32>
        %add3A_533 = arith.addf %add3A_469, %exp3A_532 : vector<16xf32>
        %get3A_534 = arith.constant 0 : i32
        %get3A_535 = arith.constant 0 : i32
        %get3A_536 = arith.constant 0 : i32
        %get3A_537 = tpu.memref_slice %arg6[%rem3A_78, %scan3A_197, %get3A_535, %get3A_536] : memref<2x16x1x1000xf32, #tpu.memory_space<vmem>> -> memref<1x1x1x1000xf32, #tpu.memory_space<vmem>>
        %get3A_538 = tpu.memref_squeeze %get3A_537 : memref<1x1x1x1000xf32, #tpu.memory_space<vmem>> -> memref<1x1000xf32, #tpu.memory_space<vmem>>
        %get3A_539 = arith.index_cast %get3A_534 : i32 to index
        %get3A_540 = arith.constant 320 : index
        %get3A_541 = tpu.vector_load %get3A_538[%get3A_539, %get3A_540] {strides = array<i32>} : memref<1x1000xf32, #tpu.memory_space<vmem>>, vector<16xf32>,
        %gt3A_542 = arith.cmpf ogt, %get3A_541, %max3A_479 : vector<16xf32>
        %max3A_543 = arith.maximumf %max3A_479, %get3A_541 : vector<16xf32>
        %add3A_544 = arith.constant 320 : i32
        %add3A_545 = vector.broadcast %add3A_544 : i32 to vector<16xi32>
        %add3A_546 = arith.addi %iota3A, %add3A_545 : vector<16xi32>
        %select_n3A_547 = arith.select %gt3A_542, %add3A_546, %select_n3A_483 : vector<16xi1>, vector<16xi32>
        %exp3A_548 = math.exp %get3A_541 : vector<16xf32>
        %add3A_549 = arith.addf %add3A_485, %exp3A_548 : vector<16xf32>
        %get3A_550 = arith.constant 0 : i32
        %get3A_551 = arith.constant 0 : i32
        %get3A_552 = arith.constant 0 : i32
        %get3A_553 = tpu.memref_slice %arg6[%rem3A_78, %scan3A_197, %get3A_551, %get3A_552] : memref<2x16x1x1000xf32, #tpu.memory_space<vmem>> -> memref<1x1x1x1000xf32, #tpu.memory_space<vmem>>
        %get3A_554 = tpu.memref_squeeze %get3A_553 : memref<1x1x1x1000xf32, #tpu.memory_space<vmem>> -> memref<1x1000xf32, #tpu.memory_space<vmem>>
        %get3A_555 = arith.index_cast %get3A_550 : i32 to index
        %get3A_556 = arith.constant 336 : index
        %get3A_557 = tpu.vector_load %get3A_554[%get3A_555, %get3A_556] {strides = array<i32>} : memref<1x1000xf32, #tpu.memory_space<vmem>>, vector<16xf32>,
        %gt3A_558 = arith.cmpf ogt, %get3A_557, %max3A_495 : vector<16xf32>
        %max3A_559 = arith.maximumf %max3A_495, %get3A_557 : vector<16xf32>
        %add3A_560 = arith.constant 336 : i32
        %add3A_561 = vector.broadcast %add3A_560 : i32 to vector<16xi32>
        %add3A_562 = arith.addi %iota3A, %add3A_561 : vector<16xi32>
        %select_n3A_563 = arith.select %gt3A_558, %add3A_562, %select_n3A_499 : vector<16xi1>, vector<16xi32>
        %exp3A_564 = math.exp %get3A_557 : vector<16xf32>
        %add3A_565 = arith.addf %add3A_501, %exp3A_564 : vector<16xf32>
        %get3A_566 = arith.constant 0 : i32
        %get3A_567 = arith.constant 0 : i32
        %get3A_568 = arith.constant 0 : i32
        %get3A_569 = tpu.memref_slice %arg6[%rem3A_78, %scan3A_197, %get3A_567, %get3A_568] : memref<2x16x1x1000xf32, #tpu.memory_space<vmem>> -> memref<1x1x1x1000xf32, #tpu.memory_space<vmem>>
        %get3A_570 = tpu.memref_squeeze %get3A_569 : memref<1x1x1x1000xf32, #tpu.memory_space<vmem>> -> memref<1x1000xf32, #tpu.memory_space<vmem>>
        %get3A_571 = arith.index_cast %get3A_566 : i32 to index
        %get3A_572 = arith.constant 352 : index
        %get3A_573 = tpu.vector_load %get3A_570[%get3A_571, %get3A_572] {strides = array<i32>} : memref<1x1000xf32, #tpu.memory_space<vmem>>, vector<16xf32>,
        %gt3A_574 = arith.cmpf ogt, %get3A_573, %max3A_511 : vector<16xf32>
        %max3A_575 = arith.maximumf %max3A_511, %get3A_573 : vector<16xf32>
        %add3A_576 = arith.constant 352 : i32
        %add3A_577 = vector.broadcast %add3A_576 : i32 to vector<16xi32>
        %add3A_578 = arith.addi %iota3A, %add3A_577 : vector<16xi32>
        %select_n3A_579 = arith.select %gt3A_574, %add3A_578, %select_n3A_515 : vector<16xi1>, vector<16xi32>
        %exp3A_580 = math.exp %get3A_573 : vector<16xf32>
        %add3A_581 = arith.addf %add3A_517, %exp3A_580 : vector<16xf32>
        %get3A_582 = arith.constant 0 : i32
        %get3A_583 = arith.constant 0 : i32
        %get3A_584 = arith.constant 0 : i32
        %get3A_585 = tpu.memref_slice %arg6[%rem3A_78, %scan3A_197, %get3A_583, %get3A_584] : memref<2x16x1x1000xf32, #tpu.memory_space<vmem>> -> memref<1x1x1x1000xf32, #tpu.memory_space<vmem>>
        %get3A_586 = tpu.memref_squeeze %get3A_585 : memref<1x1x1x1000xf32, #tpu.memory_space<vmem>> -> memref<1x1000xf32, #tpu.memory_space<vmem>>
        %get3A_587 = arith.index_cast %get3A_582 : i32 to index
        %get3A_588 = arith.constant 368 : index
        %get3A_589 = tpu.vector_load %get3A_586[%get3A_587, %get3A_588] {strides = array<i32>} : memref<1x1000xf32, #tpu.memory_space<vmem>>, vector<16xf32>,
        %gt3A_590 = arith.cmpf ogt, %get3A_589, %max3A_527 : vector<16xf32>
        %max3A_591 = arith.maximumf %max3A_527, %get3A_589 : vector<16xf32>
        %add3A_592 = arith.constant 368 : i32
        %add3A_593 = vector.broadcast %add3A_592 : i32 to vector<16xi32>
        %add3A_594 = arith.addi %iota3A, %add3A_593 : vector<16xi32>
        %select_n3A_595 = arith.select %gt3A_590, %add3A_594, %select_n3A_531 : vector<16xi1>, vector<16xi32>
        %exp3A_596 = math.exp %get3A_589 : vector<16xf32>
        %add3A_597 = arith.addf %add3A_533, %exp3A_596 : vector<16xf32>
        %get3A_598 = arith.constant 0 : i32
        %get3A_599 = arith.constant 0 : i32
        %get3A_600 = arith.constant 0 : i32
        %get3A_601 = tpu.memref_slice %arg6[%rem3A_78, %scan3A_197, %get3A_599, %get3A_600] : memref<2x16x1x1000xf32, #tpu.memory_space<vmem>> -> memref<1x1x1x1000xf32, #tpu.memory_space<vmem>>
        %get3A_602 = tpu.memref_squeeze %get3A_601 : memref<1x1x1x1000xf32, #tpu.memory_space<vmem>> -> memref<1x1000xf32, #tpu.memory_space<vmem>>
        %get3A_603 = arith.index_cast %get3A_598 : i32 to index
        %get3A_604 = arith.constant 384 : index
        %get3A_605 = tpu.vector_load %get3A_602[%get3A_603, %get3A_604] {strides = array<i32>} : memref<1x1000xf32, #tpu.memory_space<vmem>>, vector<16xf32>,
        %gt3A_606 = arith.cmpf ogt, %get3A_605, %max3A_543 : vector<16xf32>
        %max3A_607 = arith.maximumf %max3A_543, %get3A_605 : vector<16xf32>
        %add3A_608 = arith.constant 384 : i32
        %add3A_609 = vector.broadcast %add3A_608 : i32 to vector<16xi32>
        %add3A_610 = arith.addi %iota3A, %add3A_609 : vector<16xi32>
        %select_n3A_611 = arith.select %gt3A_606, %add3A_610, %select_n3A_547 : vector<16xi1>, vector<16xi32>
        %exp3A_612 = math.exp %get3A_605 : vector<16xf32>
        %add3A_613 = arith.addf %add3A_549, %exp3A_612 : vector<16xf32>
        %get3A_614 = arith.constant 0 : i32
        %get3A_615 = arith.constant 0 : i32
        %get3A_616 = arith.constant 0 : i32
        %get3A_617 = tpu.memref_slice %arg6[%rem3A_78, %scan3A_197, %get3A_615, %get3A_616] : memref<2x16x1x1000xf32, #tpu.memory_space<vmem>> -> memref<1x1x1x1000xf32, #tpu.memory_space<vmem>>
        %get3A_618 = tpu.memref_squeeze %get3A_617 : memref<1x1x1x1000xf32, #tpu.memory_space<vmem>> -> memref<1x1000xf32, #tpu.memory_space<vmem>>
        %get3A_619 = arith.index_cast %get3A_614 : i32 to index
        %get3A_620 = arith.constant 400 : index
        %get3A_621 = tpu.vector_load %get3A_618[%get3A_619, %get3A_620] {strides = array<i32>} : memref<1x1000xf32, #tpu.memory_space<vmem>>, vector<16xf32>,
        %gt3A_622 = arith.cmpf ogt, %get3A_621, %max3A_559 : vector<16xf32>
        %max3A_623 = arith.maximumf %max3A_559, %get3A_621 : vector<16xf32>
        %add3A_624 = arith.constant 400 : i32
        %add3A_625 = vector.broadcast %add3A_624 : i32 to vector<16xi32>
        %add3A_626 = arith.addi %iota3A, %add3A_625 : vector<16xi32>
        %select_n3A_627 = arith.select %gt3A_622, %add3A_626, %select_n3A_563 : vector<16xi1>, vector<16xi32>
        %exp3A_628 = math.exp %get3A_621 : vector<16xf32>
        %add3A_629 = arith.addf %add3A_565, %exp3A_628 : vector<16xf32>
        %get3A_630 = arith.constant 0 : i32
        %get3A_631 = arith.constant 0 : i32
        %get3A_632 = arith.constant 0 : i32
        %get3A_633 = tpu.memref_slice %arg6[%rem3A_78, %scan3A_197, %get3A_631, %get3A_632] : memref<2x16x1x1000xf32, #tpu.memory_space<vmem>> -> memref<1x1x1x1000xf32, #tpu.memory_space<vmem>>
        %get3A_634 = tpu.memref_squeeze %get3A_633 : memref<1x1x1x1000xf32, #tpu.memory_space<vmem>> -> memref<1x1000xf32, #tpu.memory_space<vmem>>
        %get3A_635 = arith.index_cast %get3A_630 : i32 to index
        %get3A_636 = arith.constant 416 : index
        %get3A_637 = tpu.vector_load %get3A_634[%get3A_635, %get3A_636] {strides = array<i32>} : memref<1x1000xf32, #tpu.memory_space<vmem>>, vector<16xf32>,
        %gt3A_638 = arith.cmpf ogt, %get3A_637, %max3A_575 : vector<16xf32>
        %max3A_639 = arith.maximumf %max3A_575, %get3A_637 : vector<16xf32>
        %add3A_640 = arith.constant 416 : i32
        %add3A_641 = vector.broadcast %add3A_640 : i32 to vector<16xi32>
        %add3A_642 = arith.addi %iota3A, %add3A_641 : vector<16xi32>
        %select_n3A_643 = arith.select %gt3A_638, %add3A_642, %select_n3A_579 : vector<16xi1>, vector<16xi32>
        %exp3A_644 = math.exp %get3A_637 : vector<16xf32>
        %add3A_645 = arith.addf %add3A_581, %exp3A_644 : vector<16xf32>
        %get3A_646 = arith.constant 0 : i32
        %get3A_647 = arith.constant 0 : i32
        %get3A_648 = arith.constant 0 : i32
        %get3A_649 = tpu.memref_slice %arg6[%rem3A_78, %scan3A_197, %get3A_647, %get3A_648] : memref<2x16x1x1000xf32, #tpu.memory_space<vmem>> -> memref<1x1x1x1000xf32, #tpu.memory_space<vmem>>
        %get3A_650 = tpu.memref_squeeze %get3A_649 : memref<1x1x1x1000xf32, #tpu.memory_space<vmem>> -> memref<1x1000xf32, #tpu.memory_space<vmem>>
        %get3A_651 = arith.index_cast %get3A_646 : i32 to index
        %get3A_652 = arith.constant 432 : index
        %get3A_653 = tpu.vector_load %get3A_650[%get3A_651, %get3A_652] {strides = array<i32>} : memref<1x1000xf32, #tpu.memory_space<vmem>>, vector<16xf32>,
        %gt3A_654 = arith.cmpf ogt, %get3A_653, %max3A_591 : vector<16xf32>
        %max3A_655 = arith.maximumf %max3A_591, %get3A_653 : vector<16xf32>
        %add3A_656 = arith.constant 432 : i32
        %add3A_657 = vector.broadcast %add3A_656 : i32 to vector<16xi32>
        %add3A_658 = arith.addi %iota3A, %add3A_657 : vector<16xi32>
        %select_n3A_659 = arith.select %gt3A_654, %add3A_658, %select_n3A_595 : vector<16xi1>, vector<16xi32>
        %exp3A_660 = math.exp %get3A_653 : vector<16xf32>
        %add3A_661 = arith.addf %add3A_597, %exp3A_660 : vector<16xf32>
        %get3A_662 = arith.constant 0 : i32
        %get3A_663 = arith.constant 0 : i32
        %get3A_664 = arith.constant 0 : i32
        %get3A_665 = tpu.memref_slice %arg6[%rem3A_78, %scan3A_197, %get3A_663, %get3A_664] : memref<2x16x1x1000xf32, #tpu.memory_space<vmem>> -> memref<1x1x1x1000xf32, #tpu.memory_space<vmem>>
        %get3A_666 = tpu.memref_squeeze %get3A_665 : memref<1x1x1x1000xf32, #tpu.memory_space<vmem>> -> memref<1x1000xf32, #tpu.memory_space<vmem>>
        %get3A_667 = arith.index_cast %get3A_662 : i32 to index
        %get3A_668 = arith.constant 448 : index
        %get3A_669 = tpu.vector_load %get3A_666[%get3A_667, %get3A_668] {strides = array<i32>} : memref<1x1000xf32, #tpu.memory_space<vmem>>, vector<16xf32>,
        %gt3A_670 = arith.cmpf ogt, %get3A_669, %max3A_607 : vector<16xf32>
        %max3A_671 = arith.maximumf %max3A_607, %get3A_669 : vector<16xf32>
        %add3A_672 = arith.constant 448 : i32
        %add3A_673 = vector.broadcast %add3A_672 : i32 to vector<16xi32>
        %add3A_674 = arith.addi %iota3A, %add3A_673 : vector<16xi32>
        %select_n3A_675 = arith.select %gt3A_670, %add3A_674, %select_n3A_611 : vector<16xi1>, vector<16xi32>
        %exp3A_676 = math.exp %get3A_669 : vector<16xf32>
        %add3A_677 = arith.addf %add3A_613, %exp3A_676 : vector<16xf32>
        %get3A_678 = arith.constant 0 : i32
        %get3A_679 = arith.constant 0 : i32
        %get3A_680 = arith.constant 0 : i32
        %get3A_681 = tpu.memref_slice %arg6[%rem3A_78, %scan3A_197, %get3A_679, %get3A_680] : memref<2x16x1x1000xf32, #tpu.memory_space<vmem>> -> memref<1x1x1x1000xf32, #tpu.memory_space<vmem>>
        %get3A_682 = tpu.memref_squeeze %get3A_681 : memref<1x1x1x1000xf32, #tpu.memory_space<vmem>> -> memref<1x1000xf32, #tpu.memory_space<vmem>>
        %get3A_683 = arith.index_cast %get3A_678 : i32 to index
        %get3A_684 = arith.constant 464 : index
        %get3A_685 = tpu.vector_load %get3A_682[%get3A_683, %get3A_684] {strides = array<i32>} : memref<1x1000xf32, #tpu.memory_space<vmem>>, vector<16xf32>,
        %gt3A_686 = arith.cmpf ogt, %get3A_685, %max3A_623 : vector<16xf32>
        %max3A_687 = arith.maximumf %max3A_623, %get3A_685 : vector<16xf32>
        %add3A_688 = arith.constant 464 : i32
        %add3A_689 = vector.broadcast %add3A_688 : i32 to vector<16xi32>
        %add3A_690 = arith.addi %iota3A, %add3A_689 : vector<16xi32>
        %select_n3A_691 = arith.select %gt3A_686, %add3A_690, %select_n3A_627 : vector<16xi1>, vector<16xi32>
        %exp3A_692 = math.exp %get3A_685 : vector<16xf32>
        %add3A_693 = arith.addf %add3A_629, %exp3A_692 : vector<16xf32>
        %get3A_694 = arith.constant 0 : i32
        %get3A_695 = arith.constant 0 : i32
        %get3A_696 = arith.constant 0 : i32
        %get3A_697 = tpu.memref_slice %arg6[%rem3A_78, %scan3A_197, %get3A_695, %get3A_696] : memref<2x16x1x1000xf32, #tpu.memory_space<vmem>> -> memref<1x1x1x1000xf32, #tpu.memory_space<vmem>>
        %get3A_698 = tpu.memref_squeeze %get3A_697 : memref<1x1x1x1000xf32, #tpu.memory_space<vmem>> -> memref<1x1000xf32, #tpu.memory_space<vmem>>
        %get3A_699 = arith.index_cast %get3A_694 : i32 to index
        %get3A_700 = arith.constant 480 : index
        %get3A_701 = tpu.vector_load %get3A_698[%get3A_699, %get3A_700] {strides = array<i32>} : memref<1x1000xf32, #tpu.memory_space<vmem>>, vector<16xf32>,
        %gt3A_702 = arith.cmpf ogt, %get3A_701, %max3A_639 : vector<16xf32>
        %max3A_703 = arith.maximumf %max3A_639, %get3A_701 : vector<16xf32>
        %add3A_704 = arith.constant 480 : i32
        %add3A_705 = vector.broadcast %add3A_704 : i32 to vector<16xi32>
        %add3A_706 = arith.addi %iota3A, %add3A_705 : vector<16xi32>
        %select_n3A_707 = arith.select %gt3A_702, %add3A_706, %select_n3A_643 : vector<16xi1>, vector<16xi32>
        %exp3A_708 = math.exp %get3A_701 : vector<16xf32>
        %add3A_709 = arith.addf %add3A_645, %exp3A_708 : vector<16xf32>
        %get3A_710 = arith.constant 0 : i32
        %get3A_711 = arith.constant 0 : i32
        %get3A_712 = arith.constant 0 : i32
        %get3A_713 = tpu.memref_slice %arg6[%rem3A_78, %scan3A_197, %get3A_711, %get3A_712] : memref<2x16x1x1000xf32, #tpu.memory_space<vmem>> -> memref<1x1x1x1000xf32, #tpu.memory_space<vmem>>
        %get3A_714 = tpu.memref_squeeze %get3A_713 : memref<1x1x1x1000xf32, #tpu.memory_space<vmem>> -> memref<1x1000xf32, #tpu.memory_space<vmem>>
        %get3A_715 = arith.index_cast %get3A_710 : i32 to index
        %get3A_716 = arith.constant 496 : index
        %get3A_717 = tpu.vector_load %get3A_714[%get3A_715, %get3A_716] {strides = array<i32>} : memref<1x1000xf32, #tpu.memory_space<vmem>>, vector<16xf32>,
        %gt3A_718 = arith.cmpf ogt, %get3A_717, %max3A_655 : vector<16xf32>
        %max3A_719 = arith.maximumf %max3A_655, %get3A_717 : vector<16xf32>
        %add3A_720 = arith.constant 496 : i32
        %add3A_721 = vector.broadcast %add3A_720 : i32 to vector<16xi32>
        %add3A_722 = arith.addi %iota3A, %add3A_721 : vector<16xi32>
        %select_n3A_723 = arith.select %gt3A_718, %add3A_722, %select_n3A_659 : vector<16xi1>, vector<16xi32>
        %exp3A_724 = math.exp %get3A_717 : vector<16xf32>
        %add3A_725 = arith.addf %add3A_661, %exp3A_724 : vector<16xf32>
        %get3A_726 = arith.constant 0 : i32
        %get3A_727 = arith.constant 0 : i32
        %get3A_728 = arith.constant 0 : i32
        %get3A_729 = tpu.memref_slice %arg6[%rem3A_78, %scan3A_197, %get3A_727, %get3A_728] : memref<2x16x1x1000xf32, #tpu.memory_space<vmem>> -> memref<1x1x1x1000xf32, #tpu.memory_space<vmem>>
        %get3A_730 = tpu.memref_squeeze %get3A_729 : memref<1x1x1x1000xf32, #tpu.memory_space<vmem>> -> memref<1x1000xf32, #tpu.memory_space<vmem>>
        %get3A_731 = arith.index_cast %get3A_726 : i32 to index
        %get3A_732 = arith.constant 512 : index
        %get3A_733 = tpu.vector_load %get3A_730[%get3A_731, %get3A_732] {strides = array<i32>} : memref<1x1000xf32, #tpu.memory_space<vmem>>, vector<16xf32>,
        %gt3A_734 = arith.cmpf ogt, %get3A_733, %max3A_671 : vector<16xf32>
        %max3A_735 = arith.maximumf %max3A_671, %get3A_733 : vector<16xf32>
        %add3A_736 = arith.constant 512 : i32
        %add3A_737 = vector.broadcast %add3A_736 : i32 to vector<16xi32>
        %add3A_738 = arith.addi %iota3A, %add3A_737 : vector<16xi32>
        %select_n3A_739 = arith.select %gt3A_734, %add3A_738, %select_n3A_675 : vector<16xi1>, vector<16xi32>
        %exp3A_740 = math.exp %get3A_733 : vector<16xf32>
        %add3A_741 = arith.addf %add3A_677, %exp3A_740 : vector<16xf32>
        %get3A_742 = arith.constant 0 : i32
        %get3A_743 = arith.constant 0 : i32
        %get3A_744 = arith.constant 0 : i32
        %get3A_745 = tpu.memref_slice %arg6[%rem3A_78, %scan3A_197, %get3A_743, %get3A_744] : memref<2x16x1x1000xf32, #tpu.memory_space<vmem>> -> memref<1x1x1x1000xf32, #tpu.memory_space<vmem>>
        %get3A_746 = tpu.memref_squeeze %get3A_745 : memref<1x1x1x1000xf32, #tpu.memory_space<vmem>> -> memref<1x1000xf32, #tpu.memory_space<vmem>>
        %get3A_747 = arith.index_cast %get3A_742 : i32 to index
        %get3A_748 = arith.constant 528 : index
        %get3A_749 = tpu.vector_load %get3A_746[%get3A_747, %get3A_748] {strides = array<i32>} : memref<1x1000xf32, #tpu.memory_space<vmem>>, vector<16xf32>,
        %gt3A_750 = arith.cmpf ogt, %get3A_749, %max3A_687 : vector<16xf32>
        %max3A_751 = arith.maximumf %max3A_687, %get3A_749 : vector<16xf32>
        %add3A_752 = arith.constant 528 : i32
        %add3A_753 = vector.broadcast %add3A_752 : i32 to vector<16xi32>
        %add3A_754 = arith.addi %iota3A, %add3A_753 : vector<16xi32>
        %select_n3A_755 = arith.select %gt3A_750, %add3A_754, %select_n3A_691 : vector<16xi1>, vector<16xi32>
        %exp3A_756 = math.exp %get3A_749 : vector<16xf32>
        %add3A_757 = arith.addf %add3A_693, %exp3A_756 : vector<16xf32>
        %get3A_758 = arith.constant 0 : i32
        %get3A_759 = arith.constant 0 : i32
        %get3A_760 = arith.constant 0 : i32
        %get3A_761 = tpu.memref_slice %arg6[%rem3A_78, %scan3A_197, %get3A_759, %get3A_760] : memref<2x16x1x1000xf32, #tpu.memory_space<vmem>> -> memref<1x1x1x1000xf32, #tpu.memory_space<vmem>>
        %get3A_762 = tpu.memref_squeeze %get3A_761 : memref<1x1x1x1000xf32, #tpu.memory_space<vmem>> -> memref<1x1000xf32, #tpu.memory_space<vmem>>
        %get3A_763 = arith.index_cast %get3A_758 : i32 to index
        %get3A_764 = arith.constant 544 : index
        %get3A_765 = tpu.vector_load %get3A_762[%get3A_763, %get3A_764] {strides = array<i32>} : memref<1x1000xf32, #tpu.memory_space<vmem>>, vector<16xf32>,
        %gt3A_766 = arith.cmpf ogt, %get3A_765, %max3A_703 : vector<16xf32>
        %max3A_767 = arith.maximumf %max3A_703, %get3A_765 : vector<16xf32>
        %add3A_768 = arith.constant 544 : i32
        %add3A_769 = vector.broadcast %add3A_768 : i32 to vector<16xi32>
        %add3A_770 = arith.addi %iota3A, %add3A_769 : vector<16xi32>
        %select_n3A_771 = arith.select %gt3A_766, %add3A_770, %select_n3A_707 : vector<16xi1>, vector<16xi32>
        %exp3A_772 = math.exp %get3A_765 : vector<16xf32>
        %add3A_773 = arith.addf %add3A_709, %exp3A_772 : vector<16xf32>
        %get3A_774 = arith.constant 0 : i32
        %get3A_775 = arith.constant 0 : i32
        %get3A_776 = arith.constant 0 : i32
        %get3A_777 = tpu.memref_slice %arg6[%rem3A_78, %scan3A_197, %get3A_775, %get3A_776] : memref<2x16x1x1000xf32, #tpu.memory_space<vmem>> -> memref<1x1x1x1000xf32, #tpu.memory_space<vmem>>
        %get3A_778 = tpu.memref_squeeze %get3A_777 : memref<1x1x1x1000xf32, #tpu.memory_space<vmem>> -> memref<1x1000xf32, #tpu.memory_space<vmem>>
        %get3A_779 = arith.index_cast %get3A_774 : i32 to index
        %get3A_780 = arith.constant 560 : index
        %get3A_781 = tpu.vector_load %get3A_778[%get3A_779, %get3A_780] {strides = array<i32>} : memref<1x1000xf32, #tpu.memory_space<vmem>>, vector<16xf32>,
        %gt3A_782 = arith.cmpf ogt, %get3A_781, %max3A_719 : vector<16xf32>
        %max3A_783 = arith.maximumf %max3A_719, %get3A_781 : vector<16xf32>
        %add3A_784 = arith.constant 560 : i32
        %add3A_785 = vector.broadcast %add3A_784 : i32 to vector<16xi32>
        %add3A_786 = arith.addi %iota3A, %add3A_785 : vector<16xi32>
        %select_n3A_787 = arith.select %gt3A_782, %add3A_786, %select_n3A_723 : vector<16xi1>, vector<16xi32>
        %exp3A_788 = math.exp %get3A_781 : vector<16xf32>
        %add3A_789 = arith.addf %add3A_725, %exp3A_788 : vector<16xf32>
        %get3A_790 = arith.constant 0 : i32
        %get3A_791 = arith.constant 0 : i32
        %get3A_792 = arith.constant 0 : i32
        %get3A_793 = tpu.memref_slice %arg6[%rem3A_78, %scan3A_197, %get3A_791, %get3A_792] : memref<2x16x1x1000xf32, #tpu.memory_space<vmem>> -> memref<1x1x1x1000xf32, #tpu.memory_space<vmem>>
        %get3A_794 = tpu.memref_squeeze %get3A_793 : memref<1x1x1x1000xf32, #tpu.memory_space<vmem>> -> memref<1x1000xf32, #tpu.memory_space<vmem>>
        %get3A_795 = arith.index_cast %get3A_790 : i32 to index
        %get3A_796 = arith.constant 576 : index
        %get3A_797 = tpu.vector_load %get3A_794[%get3A_795, %get3A_796] {strides = array<i32>} : memref<1x1000xf32, #tpu.memory_space<vmem>>, vector<16xf32>,
        %gt3A_798 = arith.cmpf ogt, %get3A_797, %max3A_735 : vector<16xf32>
        %max3A_799 = arith.maximumf %max3A_735, %get3A_797 : vector<16xf32>
        %add3A_800 = arith.constant 576 : i32
        %add3A_801 = vector.broadcast %add3A_800 : i32 to vector<16xi32>
        %add3A_802 = arith.addi %iota3A, %add3A_801 : vector<16xi32>
        %select_n3A_803 = arith.select %gt3A_798, %add3A_802, %select_n3A_739 : vector<16xi1>, vector<16xi32>
        %exp3A_804 = math.exp %get3A_797 : vector<16xf32>
        %add3A_805 = arith.addf %add3A_741, %exp3A_804 : vector<16xf32>
        %get3A_806 = arith.constant 0 : i32
        %get3A_807 = arith.constant 0 : i32
        %get3A_808 = arith.constant 0 : i32
        %get3A_809 = tpu.memref_slice %arg6[%rem3A_78, %scan3A_197, %get3A_807, %get3A_808] : memref<2x16x1x1000xf32, #tpu.memory_space<vmem>> -> memref<1x1x1x1000xf32, #tpu.memory_space<vmem>>
        %get3A_810 = tpu.memref_squeeze %get3A_809 : memref<1x1x1x1000xf32, #tpu.memory_space<vmem>> -> memref<1x1000xf32, #tpu.memory_space<vmem>>
        %get3A_811 = arith.index_cast %get3A_806 : i32 to index
        %get3A_812 = arith.constant 592 : index
        %get3A_813 = tpu.vector_load %get3A_810[%get3A_811, %get3A_812] {strides = array<i32>} : memref<1x1000xf32, #tpu.memory_space<vmem>>, vector<16xf32>,
        %gt3A_814 = arith.cmpf ogt, %get3A_813, %max3A_751 : vector<16xf32>
        %max3A_815 = arith.maximumf %max3A_751, %get3A_813 : vector<16xf32>
        %add3A_816 = arith.constant 592 : i32
        %add3A_817 = vector.broadcast %add3A_816 : i32 to vector<16xi32>
        %add3A_818 = arith.addi %iota3A, %add3A_817 : vector<16xi32>
        %select_n3A_819 = arith.select %gt3A_814, %add3A_818, %select_n3A_755 : vector<16xi1>, vector<16xi32>
        %exp3A_820 = math.exp %get3A_813 : vector<16xf32>
        %add3A_821 = arith.addf %add3A_757, %exp3A_820 : vector<16xf32>
        %get3A_822 = arith.constant 0 : i32
        %get3A_823 = arith.constant 0 : i32
        %get3A_824 = arith.constant 0 : i32
        %get3A_825 = tpu.memref_slice %arg6[%rem3A_78, %scan3A_197, %get3A_823, %get3A_824] : memref<2x16x1x1000xf32, #tpu.memory_space<vmem>> -> memref<1x1x1x1000xf32, #tpu.memory_space<vmem>>
        %get3A_826 = tpu.memref_squeeze %get3A_825 : memref<1x1x1x1000xf32, #tpu.memory_space<vmem>> -> memref<1x1000xf32, #tpu.memory_space<vmem>>
        %get3A_827 = arith.index_cast %get3A_822 : i32 to index
        %get3A_828 = arith.constant 608 : index
        %get3A_829 = tpu.vector_load %get3A_826[%get3A_827, %get3A_828] {strides = array<i32>} : memref<1x1000xf32, #tpu.memory_space<vmem>>, vector<16xf32>,
        %gt3A_830 = arith.cmpf ogt, %get3A_829, %max3A_767 : vector<16xf32>
        %max3A_831 = arith.maximumf %max3A_767, %get3A_829 : vector<16xf32>
        %add3A_832 = arith.constant 608 : i32
        %add3A_833 = vector.broadcast %add3A_832 : i32 to vector<16xi32>
        %add3A_834 = arith.addi %iota3A, %add3A_833 : vector<16xi32>
        %select_n3A_835 = arith.select %gt3A_830, %add3A_834, %select_n3A_771 : vector<16xi1>, vector<16xi32>
        %exp3A_836 = math.exp %get3A_829 : vector<16xf32>
        %add3A_837 = arith.addf %add3A_773, %exp3A_836 : vector<16xf32>
        %get3A_838 = arith.constant 0 : i32
        %get3A_839 = arith.constant 0 : i32
        %get3A_840 = arith.constant 0 : i32
        %get3A_841 = tpu.memref_slice %arg6[%rem3A_78, %scan3A_197, %get3A_839, %get3A_840] : memref<2x16x1x1000xf32, #tpu.memory_space<vmem>> -> memref<1x1x1x1000xf32, #tpu.memory_space<vmem>>
        %get3A_842 = tpu.memref_squeeze %get3A_841 : memref<1x1x1x1000xf32, #tpu.memory_space<vmem>> -> memref<1x1000xf32, #tpu.memory_space<vmem>>
        %get3A_843 = arith.index_cast %get3A_838 : i32 to index
        %get3A_844 = arith.constant 624 : index
        %get3A_845 = tpu.vector_load %get3A_842[%get3A_843, %get3A_844] {strides = array<i32>} : memref<1x1000xf32, #tpu.memory_space<vmem>>, vector<16xf32>,
        %gt3A_846 = arith.cmpf ogt, %get3A_845, %max3A_783 : vector<16xf32>
        %max3A_847 = arith.maximumf %max3A_783, %get3A_845 : vector<16xf32>
        %add3A_848 = arith.constant 624 : i32
        %add3A_849 = vector.broadcast %add3A_848 : i32 to vector<16xi32>
        %add3A_850 = arith.addi %iota3A, %add3A_849 : vector<16xi32>
        %select_n3A_851 = arith.select %gt3A_846, %add3A_850, %select_n3A_787 : vector<16xi1>, vector<16xi32>
        %exp3A_852 = math.exp %get3A_845 : vector<16xf32>
        %add3A_853 = arith.addf %add3A_789, %exp3A_852 : vector<16xf32>
        %get3A_854 = arith.constant 0 : i32
        %get3A_855 = arith.constant 0 : i32
        %get3A_856 = arith.constant 0 : i32
        %get3A_857 = tpu.memref_slice %arg6[%rem3A_78, %scan3A_197, %get3A_855, %get3A_856] : memref<2x16x1x1000xf32, #tpu.memory_space<vmem>> -> memref<1x1x1x1000xf32, #tpu.memory_space<vmem>>
        %get3A_858 = tpu.memref_squeeze %get3A_857 : memref<1x1x1x1000xf32, #tpu.memory_space<vmem>> -> memref<1x1000xf32, #tpu.memory_space<vmem>>
        %get3A_859 = arith.index_cast %get3A_854 : i32 to index
        %get3A_860 = arith.constant 640 : index
        %get3A_861 = tpu.vector_load %get3A_858[%get3A_859, %get3A_860] {strides = array<i32>} : memref<1x1000xf32, #tpu.memory_space<vmem>>, vector<16xf32>,
        %gt3A_862 = arith.cmpf ogt, %get3A_861, %max3A_799 : vector<16xf32>
        %max3A_863 = arith.maximumf %max3A_799, %get3A_861 : vector<16xf32>
        %add3A_864 = arith.constant 640 : i32
        %add3A_865 = vector.broadcast %add3A_864 : i32 to vector<16xi32>
        %add3A_866 = arith.addi %iota3A, %add3A_865 : vector<16xi32>
        %select_n3A_867 = arith.select %gt3A_862, %add3A_866, %select_n3A_803 : vector<16xi1>, vector<16xi32>
        %exp3A_868 = math.exp %get3A_861 : vector<16xf32>
        %add3A_869 = arith.addf %add3A_805, %exp3A_868 : vector<16xf32>
        %get3A_870 = arith.constant 0 : i32
        %get3A_871 = arith.constant 0 : i32
        %get3A_872 = arith.constant 0 : i32
        %get3A_873 = tpu.memref_slice %arg6[%rem3A_78, %scan3A_197, %get3A_871, %get3A_872] : memref<2x16x1x1000xf32, #tpu.memory_space<vmem>> -> memref<1x1x1x1000xf32, #tpu.memory_space<vmem>>
        %get3A_874 = tpu.memref_squeeze %get3A_873 : memref<1x1x1x1000xf32, #tpu.memory_space<vmem>> -> memref<1x1000xf32, #tpu.memory_space<vmem>>
        %get3A_875 = arith.index_cast %get3A_870 : i32 to index
        %get3A_876 = arith.constant 656 : index
        %get3A_877 = tpu.vector_load %get3A_874[%get3A_875, %get3A_876] {strides = array<i32>} : memref<1x1000xf32, #tpu.memory_space<vmem>>, vector<16xf32>,
        %gt3A_878 = arith.cmpf ogt, %get3A_877, %max3A_815 : vector<16xf32>
        %max3A_879 = arith.maximumf %max3A_815, %get3A_877 : vector<16xf32>
        %add3A_880 = arith.constant 656 : i32
        %add3A_881 = vector.broadcast %add3A_880 : i32 to vector<16xi32>
        %add3A_882 = arith.addi %iota3A, %add3A_881 : vector<16xi32>
        %select_n3A_883 = arith.select %gt3A_878, %add3A_882, %select_n3A_819 : vector<16xi1>, vector<16xi32>
        %exp3A_884 = math.exp %get3A_877 : vector<16xf32>
        %add3A_885 = arith.addf %add3A_821, %exp3A_884 : vector<16xf32>
        %get3A_886 = arith.constant 0 : i32
        %get3A_887 = arith.constant 0 : i32
        %get3A_888 = arith.constant 0 : i32
        %get3A_889 = tpu.memref_slice %arg6[%rem3A_78, %scan3A_197, %get3A_887, %get3A_888] : memref<2x16x1x1000xf32, #tpu.memory_space<vmem>> -> memref<1x1x1x1000xf32, #tpu.memory_space<vmem>>
        %get3A_890 = tpu.memref_squeeze %get3A_889 : memref<1x1x1x1000xf32, #tpu.memory_space<vmem>> -> memref<1x1000xf32, #tpu.memory_space<vmem>>
        %get3A_891 = arith.index_cast %get3A_886 : i32 to index
        %get3A_892 = arith.constant 672 : index
        %get3A_893 = tpu.vector_load %get3A_890[%get3A_891, %get3A_892] {strides = array<i32>} : memref<1x1000xf32, #tpu.memory_space<vmem>>, vector<16xf32>,
        %gt3A_894 = arith.cmpf ogt, %get3A_893, %max3A_831 : vector<16xf32>
        %max3A_895 = arith.maximumf %max3A_831, %get3A_893 : vector<16xf32>
        %add3A_896 = arith.constant 672 : i32
        %add3A_897 = vector.broadcast %add3A_896 : i32 to vector<16xi32>
        %add3A_898 = arith.addi %iota3A, %add3A_897 : vector<16xi32>
        %select_n3A_899 = arith.select %gt3A_894, %add3A_898, %select_n3A_835 : vector<16xi1>, vector<16xi32>
        %exp3A_900 = math.exp %get3A_893 : vector<16xf32>
        %add3A_901 = arith.addf %add3A_837, %exp3A_900 : vector<16xf32>
        %get3A_902 = arith.constant 0 : i32
        %get3A_903 = arith.constant 0 : i32
        %get3A_904 = arith.constant 0 : i32
        %get3A_905 = tpu.memref_slice %arg6[%rem3A_78, %scan3A_197, %get3A_903, %get3A_904] : memref<2x16x1x1000xf32, #tpu.memory_space<vmem>> -> memref<1x1x1x1000xf32, #tpu.memory_space<vmem>>
        %get3A_906 = tpu.memref_squeeze %get3A_905 : memref<1x1x1x1000xf32, #tpu.memory_space<vmem>> -> memref<1x1000xf32, #tpu.memory_space<vmem>>
        %get3A_907 = arith.index_cast %get3A_902 : i32 to index
        %get3A_908 = arith.constant 688 : index
        %get3A_909 = tpu.vector_load %get3A_906[%get3A_907, %get3A_908] {strides = array<i32>} : memref<1x1000xf32, #tpu.memory_space<vmem>>, vector<16xf32>,
        %gt3A_910 = arith.cmpf ogt, %get3A_909, %max3A_847 : vector<16xf32>
        %max3A_911 = arith.maximumf %max3A_847, %get3A_909 : vector<16xf32>
        %add3A_912 = arith.constant 688 : i32
        %add3A_913 = vector.broadcast %add3A_912 : i32 to vector<16xi32>
        %add3A_914 = arith.addi %iota3A, %add3A_913 : vector<16xi32>
        %select_n3A_915 = arith.select %gt3A_910, %add3A_914, %select_n3A_851 : vector<16xi1>, vector<16xi32>
        %exp3A_916 = math.exp %get3A_909 : vector<16xf32>
        %add3A_917 = arith.addf %add3A_853, %exp3A_916 : vector<16xf32>
        %get3A_918 = arith.constant 0 : i32
        %get3A_919 = arith.constant 0 : i32
        %get3A_920 = arith.constant 0 : i32
        %get3A_921 = tpu.memref_slice %arg6[%rem3A_78, %scan3A_197, %get3A_919, %get3A_920] : memref<2x16x1x1000xf32, #tpu.memory_space<vmem>> -> memref<1x1x1x1000xf32, #tpu.memory_space<vmem>>
        %get3A_922 = tpu.memref_squeeze %get3A_921 : memref<1x1x1x1000xf32, #tpu.memory_space<vmem>> -> memref<1x1000xf32, #tpu.memory_space<vmem>>
        %get3A_923 = arith.index_cast %get3A_918 : i32 to index
        %get3A_924 = arith.constant 704 : index
        %get3A_925 = tpu.vector_load %get3A_922[%get3A_923, %get3A_924] {strides = array<i32>} : memref<1x1000xf32, #tpu.memory_space<vmem>>, vector<16xf32>,
        %gt3A_926 = arith.cmpf ogt, %get3A_925, %max3A_863 : vector<16xf32>
        %max3A_927 = arith.maximumf %max3A_863, %get3A_925 : vector<16xf32>
        %add3A_928 = arith.constant 704 : i32
        %add3A_929 = vector.broadcast %add3A_928 : i32 to vector<16xi32>
        %add3A_930 = arith.addi %iota3A, %add3A_929 : vector<16xi32>
        %select_n3A_931 = arith.select %gt3A_926, %add3A_930, %select_n3A_867 : vector<16xi1>, vector<16xi32>
        %exp3A_932 = math.exp %get3A_925 : vector<16xf32>
        %add3A_933 = arith.addf %add3A_869, %exp3A_932 : vector<16xf32>
        %get3A_934 = arith.constant 0 : i32
        %get3A_935 = arith.constant 0 : i32
        %get3A_936 = arith.constant 0 : i32
        %get3A_937 = tpu.memref_slice %arg6[%rem3A_78, %scan3A_197, %get3A_935, %get3A_936] : memref<2x16x1x1000xf32, #tpu.memory_space<vmem>> -> memref<1x1x1x1000xf32, #tpu.memory_space<vmem>>
        %get3A_938 = tpu.memref_squeeze %get3A_937 : memref<1x1x1x1000xf32, #tpu.memory_space<vmem>> -> memref<1x1000xf32, #tpu.memory_space<vmem>>
        %get3A_939 = arith.index_cast %get3A_934 : i32 to index
        %get3A_940 = arith.constant 720 : index
        %get3A_941 = tpu.vector_load %get3A_938[%get3A_939, %get3A_940] {strides = array<i32>} : memref<1x1000xf32, #tpu.memory_space<vmem>>, vector<16xf32>,
        %gt3A_942 = arith.cmpf ogt, %get3A_941, %max3A_879 : vector<16xf32>
        %max3A_943 = arith.maximumf %max3A_879, %get3A_941 : vector<16xf32>
        %add3A_944 = arith.constant 720 : i32
        %add3A_945 = vector.broadcast %add3A_944 : i32 to vector<16xi32>
        %add3A_946 = arith.addi %iota3A, %add3A_945 : vector<16xi32>
        %select_n3A_947 = arith.select %gt3A_942, %add3A_946, %select_n3A_883 : vector<16xi1>, vector<16xi32>
        %exp3A_948 = math.exp %get3A_941 : vector<16xf32>
        %add3A_949 = arith.addf %add3A_885, %exp3A_948 : vector<16xf32>
        %get3A_950 = arith.constant 0 : i32
        %get3A_951 = arith.constant 0 : i32
        %get3A_952 = arith.constant 0 : i32
        %get3A_953 = tpu.memref_slice %arg6[%rem3A_78, %scan3A_197, %get3A_951, %get3A_952] : memref<2x16x1x1000xf32, #tpu.memory_space<vmem>> -> memref<1x1x1x1000xf32, #tpu.memory_space<vmem>>
        %get3A_954 = tpu.memref_squeeze %get3A_953 : memref<1x1x1x1000xf32, #tpu.memory_space<vmem>> -> memref<1x1000xf32, #tpu.memory_space<vmem>>
        %get3A_955 = arith.index_cast %get3A_950 : i32 to index
        %get3A_956 = arith.constant 736 : index
        %get3A_957 = tpu.vector_load %get3A_954[%get3A_955, %get3A_956] {strides = array<i32>} : memref<1x1000xf32, #tpu.memory_space<vmem>>, vector<16xf32>,
        %gt3A_958 = arith.cmpf ogt, %get3A_957, %max3A_895 : vector<16xf32>
        %max3A_959 = arith.maximumf %max3A_895, %get3A_957 : vector<16xf32>
        %add3A_960 = arith.constant 736 : i32
        %add3A_961 = vector.broadcast %add3A_960 : i32 to vector<16xi32>
        %add3A_962 = arith.addi %iota3A, %add3A_961 : vector<16xi32>
        %select_n3A_963 = arith.select %gt3A_958, %add3A_962, %select_n3A_899 : vector<16xi1>, vector<16xi32>
        %exp3A_964 = math.exp %get3A_957 : vector<16xf32>
        %add3A_965 = arith.addf %add3A_901, %exp3A_964 : vector<16xf32>
        %get3A_966 = arith.constant 0 : i32
        %get3A_967 = arith.constant 0 : i32
        %get3A_968 = arith.constant 0 : i32
        %get3A_969 = tpu.memref_slice %arg6[%rem3A_78, %scan3A_197, %get3A_967, %get3A_968] : memref<2x16x1x1000xf32, #tpu.memory_space<vmem>> -> memref<1x1x1x1000xf32, #tpu.memory_space<vmem>>
        %get3A_970 = tpu.memref_squeeze %get3A_969 : memref<1x1x1x1000xf32, #tpu.memory_space<vmem>> -> memref<1x1000xf32, #tpu.memory_space<vmem>>
        %get3A_971 = arith.index_cast %get3A_966 : i32 to index
        %get3A_972 = arith.constant 752 : index
        %get3A_973 = tpu.vector_load %get3A_970[%get3A_971, %get3A_972] {strides = array<i32>} : memref<1x1000xf32, #tpu.memory_space<vmem>>, vector<16xf32>,
        %gt3A_974 = arith.cmpf ogt, %get3A_973, %max3A_911 : vector<16xf32>
        %max3A_975 = arith.maximumf %max3A_911, %get3A_973 : vector<16xf32>
        %add3A_976 = arith.constant 752 : i32
        %add3A_977 = vector.broadcast %add3A_976 : i32 to vector<16xi32>
        %add3A_978 = arith.addi %iota3A, %add3A_977 : vector<16xi32>
        %select_n3A_979 = arith.select %gt3A_974, %add3A_978, %select_n3A_915 : vector<16xi1>, vector<16xi32>
        %exp3A_980 = math.exp %get3A_973 : vector<16xf32>
        %add3A_981 = arith.addf %add3A_917, %exp3A_980 : vector<16xf32>
        %get3A_982 = arith.constant 0 : i32
        %get3A_983 = arith.constant 0 : i32
        %get3A_984 = arith.constant 0 : i32
        %get3A_985 = tpu.memref_slice %arg6[%rem3A_78, %scan3A_197, %get3A_983, %get3A_984] : memref<2x16x1x1000xf32, #tpu.memory_space<vmem>> -> memref<1x1x1x1000xf32, #tpu.memory_space<vmem>>
        %get3A_986 = tpu.memref_squeeze %get3A_985 : memref<1x1x1x1000xf32, #tpu.memory_space<vmem>> -> memref<1x1000xf32, #tpu.memory_space<vmem>>
        %get3A_987 = arith.index_cast %get3A_982 : i32 to index
        %get3A_988 = arith.constant 768 : index
        %get3A_989 = tpu.vector_load %get3A_986[%get3A_987, %get3A_988] {strides = array<i32>} : memref<1x1000xf32, #tpu.memory_space<vmem>>, vector<16xf32>,
        %gt3A_990 = arith.cmpf ogt, %get3A_989, %max3A_927 : vector<16xf32>
        %max3A_991 = arith.maximumf %max3A_927, %get3A_989 : vector<16xf32>
        %add3A_992 = arith.constant 768 : i32
        %add3A_993 = vector.broadcast %add3A_992 : i32 to vector<16xi32>
        %add3A_994 = arith.addi %iota3A, %add3A_993 : vector<16xi32>
        %select_n3A_995 = arith.select %gt3A_990, %add3A_994, %select_n3A_931 : vector<16xi1>, vector<16xi32>
        %exp3A_996 = math.exp %get3A_989 : vector<16xf32>
        %add3A_997 = arith.addf %add3A_933, %exp3A_996 : vector<16xf32>
        %get3A_998 = arith.constant 0 : i32
        %get3A_999 = arith.constant 0 : i32
        %get3A_1000 = arith.constant 0 : i32
        %get3A_1001 = tpu.memref_slice %arg6[%rem3A_78, %scan3A_197, %get3A_999, %get3A_1000] : memref<2x16x1x1000xf32, #tpu.memory_space<vmem>> -> memref<1x1x1x1000xf32, #tpu.memory_space<vmem>>
        %get3A_1002 = tpu.memref_squeeze %get3A_1001 : memref<1x1x1x1000xf32, #tpu.memory_space<vmem>> -> memref<1x1000xf32, #tpu.memory_space<vmem>>
        %get3A_1003 = arith.index_cast %get3A_998 : i32 to index
        %get3A_1004 = arith.constant 784 : index
        %get3A_1005 = tpu.vector_load %get3A_1002[%get3A_1003, %get3A_1004] {strides = array<i32>} : memref<1x1000xf32, #tpu.memory_space<vmem>>, vector<16xf32>,
        %gt3A_1006 = arith.cmpf ogt, %get3A_1005, %max3A_943 : vector<16xf32>
        %max3A_1007 = arith.maximumf %max3A_943, %get3A_1005 : vector<16xf32>
        %add3A_1008 = arith.constant 784 : i32
        %add3A_1009 = vector.broadcast %add3A_1008 : i32 to vector<16xi32>
        %add3A_1010 = arith.addi %iota3A, %add3A_1009 : vector<16xi32>
        %select_n3A_1011 = arith.select %gt3A_1006, %add3A_1010, %select_n3A_947 : vector<16xi1>, vector<16xi32>
        %exp3A_1012 = math.exp %get3A_1005 : vector<16xf32>
        %add3A_1013 = arith.addf %add3A_949, %exp3A_1012 : vector<16xf32>
        %get3A_1014 = arith.constant 0 : i32
        %get3A_1015 = arith.constant 0 : i32
        %get3A_1016 = arith.constant 0 : i32
        %get3A_1017 = tpu.memref_slice %arg6[%rem3A_78, %scan3A_197, %get3A_1015, %get3A_1016] : memref<2x16x1x1000xf32, #tpu.memory_space<vmem>> -> memref<1x1x1x1000xf32, #tpu.memory_space<vmem>>
        %get3A_1018 = tpu.memref_squeeze %get3A_1017 : memref<1x1x1x1000xf32, #tpu.memory_space<vmem>> -> memref<1x1000xf32, #tpu.memory_space<vmem>>
        %get3A_1019 = arith.index_cast %get3A_1014 : i32 to index
        %get3A_1020 = arith.constant 800 : index
        %get3A_1021 = tpu.vector_load %get3A_1018[%get3A_1019, %get3A_1020] {strides = array<i32>} : memref<1x1000xf32, #tpu.memory_space<vmem>>, vector<16xf32>,
        %gt3A_1022 = arith.cmpf ogt, %get3A_1021, %max3A_959 : vector<16xf32>
        %max3A_1023 = arith.maximumf %max3A_959, %get3A_1021 : vector<16xf32>
        %add3A_1024 = arith.constant 800 : i32
        %add3A_1025 = vector.broadcast %add3A_1024 : i32 to vector<16xi32>
        %add3A_1026 = arith.addi %iota3A, %add3A_1025 : vector<16xi32>
        %select_n3A_1027 = arith.select %gt3A_1022, %add3A_1026, %select_n3A_963 : vector<16xi1>, vector<16xi32>
        %exp3A_1028 = math.exp %get3A_1021 : vector<16xf32>
        %add3A_1029 = arith.addf %add3A_965, %exp3A_1028 : vector<16xf32>
        %get3A_1030 = arith.constant 0 : i32
        %get3A_1031 = arith.constant 0 : i32
        %get3A_1032 = arith.constant 0 : i32
        %get3A_1033 = tpu.memref_slice %arg6[%rem3A_78, %scan3A_197, %get3A_1031, %get3A_1032] : memref<2x16x1x1000xf32, #tpu.memory_space<vmem>> -> memref<1x1x1x1000xf32, #tpu.memory_space<vmem>>
        %get3A_1034 = tpu.memref_squeeze %get3A_1033 : memref<1x1x1x1000xf32, #tpu.memory_space<vmem>> -> memref<1x1000xf32, #tpu.memory_space<vmem>>
        %get3A_1035 = arith.index_cast %get3A_1030 : i32 to index
        %get3A_1036 = arith.constant 816 : index
        %get3A_1037 = tpu.vector_load %get3A_1034[%get3A_1035, %get3A_1036] {strides = array<i32>} : memref<1x1000xf32, #tpu.memory_space<vmem>>, vector<16xf32>,
        %gt3A_1038 = arith.cmpf ogt, %get3A_1037, %max3A_975 : vector<16xf32>
        %max3A_1039 = arith.maximumf %max3A_975, %get3A_1037 : vector<16xf32>
        %add3A_1040 = arith.constant 816 : i32
        %add3A_1041 = vector.broadcast %add3A_1040 : i32 to vector<16xi32>
        %add3A_1042 = arith.addi %iota3A, %add3A_1041 : vector<16xi32>
        %select_n3A_1043 = arith.select %gt3A_1038, %add3A_1042, %select_n3A_979 : vector<16xi1>, vector<16xi32>
        %exp3A_1044 = math.exp %get3A_1037 : vector<16xf32>
        %add3A_1045 = arith.addf %add3A_981, %exp3A_1044 : vector<16xf32>
        %get3A_1046 = arith.constant 0 : i32
        %get3A_1047 = arith.constant 0 : i32
        %get3A_1048 = arith.constant 0 : i32
        %get3A_1049 = tpu.memref_slice %arg6[%rem3A_78, %scan3A_197, %get3A_1047, %get3A_1048] : memref<2x16x1x1000xf32, #tpu.memory_space<vmem>> -> memref<1x1x1x1000xf32, #tpu.memory_space<vmem>>
        %get3A_1050 = tpu.memref_squeeze %get3A_1049 : memref<1x1x1x1000xf32, #tpu.memory_space<vmem>> -> memref<1x1000xf32, #tpu.memory_space<vmem>>
        %get3A_1051 = arith.index_cast %get3A_1046 : i32 to index
        %get3A_1052 = arith.constant 832 : index
        %get3A_1053 = tpu.vector_load %get3A_1050[%get3A_1051, %get3A_1052] {strides = array<i32>} : memref<1x1000xf32, #tpu.memory_space<vmem>>, vector<16xf32>,
        %gt3A_1054 = arith.cmpf ogt, %get3A_1053, %max3A_991 : vector<16xf32>
        %max3A_1055 = arith.maximumf %max3A_991, %get3A_1053 : vector<16xf32>
        %add3A_1056 = arith.constant 832 : i32
        %add3A_1057 = vector.broadcast %add3A_1056 : i32 to vector<16xi32>
        %add3A_1058 = arith.addi %iota3A, %add3A_1057 : vector<16xi32>
        %select_n3A_1059 = arith.select %gt3A_1054, %add3A_1058, %select_n3A_995 : vector<16xi1>, vector<16xi32>
        %exp3A_1060 = math.exp %get3A_1053 : vector<16xf32>
        %add3A_1061 = arith.addf %add3A_997, %exp3A_1060 : vector<16xf32>
        %get3A_1062 = arith.constant 0 : i32
        %get3A_1063 = arith.constant 0 : i32
        %get3A_1064 = arith.constant 0 : i32
        %get3A_1065 = tpu.memref_slice %arg6[%rem3A_78, %scan3A_197, %get3A_1063, %get3A_1064] : memref<2x16x1x1000xf32, #tpu.memory_space<vmem>> -> memref<1x1x1x1000xf32, #tpu.memory_space<vmem>>
        %get3A_1066 = tpu.memref_squeeze %get3A_1065 : memref<1x1x1x1000xf32, #tpu.memory_space<vmem>> -> memref<1x1000xf32, #tpu.memory_space<vmem>>
        %get3A_1067 = arith.index_cast %get3A_1062 : i32 to index
        %get3A_1068 = arith.constant 848 : index
        %get3A_1069 = tpu.vector_load %get3A_1066[%get3A_1067, %get3A_1068] {strides = array<i32>} : memref<1x1000xf32, #tpu.memory_space<vmem>>, vector<16xf32>,
        %gt3A_1070 = arith.cmpf ogt, %get3A_1069, %max3A_1007 : vector<16xf32>
        %max3A_1071 = arith.maximumf %max3A_1007, %get3A_1069 : vector<16xf32>
        %add3A_1072 = arith.constant 848 : i32
        %add3A_1073 = vector.broadcast %add3A_1072 : i32 to vector<16xi32>
        %add3A_1074 = arith.addi %iota3A, %add3A_1073 : vector<16xi32>
        %select_n3A_1075 = arith.select %gt3A_1070, %add3A_1074, %select_n3A_1011 : vector<16xi1>, vector<16xi32>
        %exp3A_1076 = math.exp %get3A_1069 : vector<16xf32>
        %add3A_1077 = arith.addf %add3A_1013, %exp3A_1076 : vector<16xf32>
        %get3A_1078 = arith.constant 0 : i32
        %get3A_1079 = arith.constant 0 : i32
        %get3A_1080 = arith.constant 0 : i32
        %get3A_1081 = tpu.memref_slice %arg6[%rem3A_78, %scan3A_197, %get3A_1079, %get3A_1080] : memref<2x16x1x1000xf32, #tpu.memory_space<vmem>> -> memref<1x1x1x1000xf32, #tpu.memory_space<vmem>>
        %get3A_1082 = tpu.memref_squeeze %get3A_1081 : memref<1x1x1x1000xf32, #tpu.memory_space<vmem>> -> memref<1x1000xf32, #tpu.memory_space<vmem>>
        %get3A_1083 = arith.index_cast %get3A_1078 : i32 to index
        %get3A_1084 = arith.constant 864 : index
        %get3A_1085 = tpu.vector_load %get3A_1082[%get3A_1083, %get3A_1084] {strides = array<i32>} : memref<1x1000xf32, #tpu.memory_space<vmem>>, vector<16xf32>,
        %gt3A_1086 = arith.cmpf ogt, %get3A_1085, %max3A_1023 : vector<16xf32>
        %max3A_1087 = arith.maximumf %max3A_1023, %get3A_1085 : vector<16xf32>
        %add3A_1088 = arith.constant 864 : i32
        %add3A_1089 = vector.broadcast %add3A_1088 : i32 to vector<16xi32>
        %add3A_1090 = arith.addi %iota3A, %add3A_1089 : vector<16xi32>
        %select_n3A_1091 = arith.select %gt3A_1086, %add3A_1090, %select_n3A_1027 : vector<16xi1>, vector<16xi32>
        %exp3A_1092 = math.exp %get3A_1085 : vector<16xf32>
        %add3A_1093 = arith.addf %add3A_1029, %exp3A_1092 : vector<16xf32>
        %get3A_1094 = arith.constant 0 : i32
        %get3A_1095 = arith.constant 0 : i32
        %get3A_1096 = arith.constant 0 : i32
        %get3A_1097 = tpu.memref_slice %arg6[%rem3A_78, %scan3A_197, %get3A_1095, %get3A_1096] : memref<2x16x1x1000xf32, #tpu.memory_space<vmem>> -> memref<1x1x1x1000xf32, #tpu.memory_space<vmem>>
        %get3A_1098 = tpu.memref_squeeze %get3A_1097 : memref<1x1x1x1000xf32, #tpu.memory_space<vmem>> -> memref<1x1000xf32, #tpu.memory_space<vmem>>
        %get3A_1099 = arith.index_cast %get3A_1094 : i32 to index
        %get3A_1100 = arith.constant 880 : index
        %get3A_1101 = tpu.vector_load %get3A_1098[%get3A_1099, %get3A_1100] {strides = array<i32>} : memref<1x1000xf32, #tpu.memory_space<vmem>>, vector<16xf32>,
        %gt3A_1102 = arith.cmpf ogt, %get3A_1101, %max3A_1039 : vector<16xf32>
        %max3A_1103 = arith.maximumf %max3A_1039, %get3A_1101 : vector<16xf32>
        %add3A_1104 = arith.constant 880 : i32
        %add3A_1105 = vector.broadcast %add3A_1104 : i32 to vector<16xi32>
        %add3A_1106 = arith.addi %iota3A, %add3A_1105 : vector<16xi32>
        %select_n3A_1107 = arith.select %gt3A_1102, %add3A_1106, %select_n3A_1043 : vector<16xi1>, vector<16xi32>
        %exp3A_1108 = math.exp %get3A_1101 : vector<16xf32>
        %add3A_1109 = arith.addf %add3A_1045, %exp3A_1108 : vector<16xf32>
        %get3A_1110 = arith.constant 0 : i32
        %get3A_1111 = arith.constant 0 : i32
        %get3A_1112 = arith.constant 0 : i32
        %get3A_1113 = tpu.memref_slice %arg6[%rem3A_78, %scan3A_197, %get3A_1111, %get3A_1112] : memref<2x16x1x1000xf32, #tpu.memory_space<vmem>> -> memref<1x1x1x1000xf32, #tpu.memory_space<vmem>>
        %get3A_1114 = tpu.memref_squeeze %get3A_1113 : memref<1x1x1x1000xf32, #tpu.memory_space<vmem>> -> memref<1x1000xf32, #tpu.memory_space<vmem>>
        %get3A_1115 = arith.index_cast %get3A_1110 : i32 to index
        %get3A_1116 = arith.constant 896 : index
        %get3A_1117 = tpu.vector_load %get3A_1114[%get3A_1115, %get3A_1116] {strides = array<i32>} : memref<1x1000xf32, #tpu.memory_space<vmem>>, vector<16xf32>,
        %gt3A_1118 = arith.cmpf ogt, %get3A_1117, %max3A_1055 : vector<16xf32>
        %max3A_1119 = arith.maximumf %max3A_1055, %get3A_1117 : vector<16xf32>
        %add3A_1120 = arith.constant 896 : i32
        %add3A_1121 = vector.broadcast %add3A_1120 : i32 to vector<16xi32>
        %add3A_1122 = arith.addi %iota3A, %add3A_1121 : vector<16xi32>
        %select_n3A_1123 = arith.select %gt3A_1118, %add3A_1122, %select_n3A_1059 : vector<16xi1>, vector<16xi32>
        %exp3A_1124 = math.exp %get3A_1117 : vector<16xf32>
        %add3A_1125 = arith.addf %add3A_1061, %exp3A_1124 : vector<16xf32>
        %get3A_1126 = arith.constant 0 : i32
        %get3A_1127 = arith.constant 0 : i32
        %get3A_1128 = arith.constant 0 : i32
        %get3A_1129 = tpu.memref_slice %arg6[%rem3A_78, %scan3A_197, %get3A_1127, %get3A_1128] : memref<2x16x1x1000xf32, #tpu.memory_space<vmem>> -> memref<1x1x1x1000xf32, #tpu.memory_space<vmem>>
        %get3A_1130 = tpu.memref_squeeze %get3A_1129 : memref<1x1x1x1000xf32, #tpu.memory_space<vmem>> -> memref<1x1000xf32, #tpu.memory_space<vmem>>
        %get3A_1131 = arith.index_cast %get3A_1126 : i32 to index
        %get3A_1132 = arith.constant 912 : index
        %get3A_1133 = tpu.vector_load %get3A_1130[%get3A_1131, %get3A_1132] {strides = array<i32>} : memref<1x1000xf32, #tpu.memory_space<vmem>>, vector<16xf32>,
        %gt3A_1134 = arith.cmpf ogt, %get3A_1133, %max3A_1071 : vector<16xf32>
        %max3A_1135 = arith.maximumf %max3A_1071, %get3A_1133 : vector<16xf32>
        %add3A_1136 = arith.constant 912 : i32
        %add3A_1137 = vector.broadcast %add3A_1136 : i32 to vector<16xi32>
        %add3A_1138 = arith.addi %iota3A, %add3A_1137 : vector<16xi32>
        %select_n3A_1139 = arith.select %gt3A_1134, %add3A_1138, %select_n3A_1075 : vector<16xi1>, vector<16xi32>
        %exp3A_1140 = math.exp %get3A_1133 : vector<16xf32>
        %add3A_1141 = arith.addf %add3A_1077, %exp3A_1140 : vector<16xf32>
        %get3A_1142 = arith.constant 0 : i32
        %get3A_1143 = arith.constant 0 : i32
        %get3A_1144 = arith.constant 0 : i32
        %get3A_1145 = tpu.memref_slice %arg6[%rem3A_78, %scan3A_197, %get3A_1143, %get3A_1144] : memref<2x16x1x1000xf32, #tpu.memory_space<vmem>> -> memref<1x1x1x1000xf32, #tpu.memory_space<vmem>>
        %get3A_1146 = tpu.memref_squeeze %get3A_1145 : memref<1x1x1x1000xf32, #tpu.memory_space<vmem>> -> memref<1x1000xf32, #tpu.memory_space<vmem>>
        %get3A_1147 = arith.index_cast %get3A_1142 : i32 to index
        %get3A_1148 = arith.constant 928 : index
        %get3A_1149 = tpu.vector_load %get3A_1146[%get3A_1147, %get3A_1148] {strides = array<i32>} : memref<1x1000xf32, #tpu.memory_space<vmem>>, vector<16xf32>,
        %gt3A_1150 = arith.cmpf ogt, %get3A_1149, %max3A_1087 : vector<16xf32>
        %max3A_1151 = arith.maximumf %max3A_1087, %get3A_1149 : vector<16xf32>
        %add3A_1152 = arith.constant 928 : i32
        %add3A_1153 = vector.broadcast %add3A_1152 : i32 to vector<16xi32>
        %add3A_1154 = arith.addi %iota3A, %add3A_1153 : vector<16xi32>
        %select_n3A_1155 = arith.select %gt3A_1150, %add3A_1154, %select_n3A_1091 : vector<16xi1>, vector<16xi32>
        %exp3A_1156 = math.exp %get3A_1149 : vector<16xf32>
        %add3A_1157 = arith.addf %add3A_1093, %exp3A_1156 : vector<16xf32>
        %get3A_1158 = arith.constant 0 : i32
        %get3A_1159 = arith.constant 0 : i32
        %get3A_1160 = arith.constant 0 : i32
        %get3A_1161 = tpu.memref_slice %arg6[%rem3A_78, %scan3A_197, %get3A_1159, %get3A_1160] : memref<2x16x1x1000xf32, #tpu.memory_space<vmem>> -> memref<1x1x1x1000xf32, #tpu.memory_space<vmem>>
        %get3A_1162 = tpu.memref_squeeze %get3A_1161 : memref<1x1x1x1000xf32, #tpu.memory_space<vmem>> -> memref<1x1000xf32, #tpu.memory_space<vmem>>
        %get3A_1163 = arith.index_cast %get3A_1158 : i32 to index
        %get3A_1164 = arith.constant 944 : index
        %get3A_1165 = tpu.vector_load %get3A_1162[%get3A_1163, %get3A_1164] {strides = array<i32>} : memref<1x1000xf32, #tpu.memory_space<vmem>>, vector<16xf32>,
        %gt3A_1166 = arith.cmpf ogt, %get3A_1165, %max3A_1103 : vector<16xf32>
        %max3A_1167 = arith.maximumf %max3A_1103, %get3A_1165 : vector<16xf32>
        %add3A_1168 = arith.constant 944 : i32
        %add3A_1169 = vector.broadcast %add3A_1168 : i32 to vector<16xi32>
        %add3A_1170 = arith.addi %iota3A, %add3A_1169 : vector<16xi32>
        %select_n3A_1171 = arith.select %gt3A_1166, %add3A_1170, %select_n3A_1107 : vector<16xi1>, vector<16xi32>
        %exp3A_1172 = math.exp %get3A_1165 : vector<16xf32>
        %add3A_1173 = arith.addf %add3A_1109, %exp3A_1172 : vector<16xf32>
        %get3A_1174 = arith.constant 0 : i32
        %get3A_1175 = arith.constant 0 : i32
        %get3A_1176 = arith.constant 0 : i32
        %get3A_1177 = tpu.memref_slice %arg6[%rem3A_78, %scan3A_197, %get3A_1175, %get3A_1176] : memref<2x16x1x1000xf32, #tpu.memory_space<vmem>> -> memref<1x1x1x1000xf32, #tpu.memory_space<vmem>>
        %get3A_1178 = tpu.memref_squeeze %get3A_1177 : memref<1x1x1x1000xf32, #tpu.memory_space<vmem>> -> memref<1x1000xf32, #tpu.memory_space<vmem>>
        %get3A_1179 = arith.index_cast %get3A_1174 : i32 to index
        %get3A_1180 = arith.constant 960 : index
        %get3A_1181 = tpu.vector_load %get3A_1178[%get3A_1179, %get3A_1180] {strides = array<i32>} : memref<1x1000xf32, #tpu.memory_space<vmem>>, vector<16xf32>,
        %gt3A_1182 = arith.cmpf ogt, %get3A_1181, %max3A_1119 : vector<16xf32>
        %max3A_1183 = arith.maximumf %max3A_1119, %get3A_1181 : vector<16xf32>
        %add3A_1184 = arith.constant 960 : i32
        %add3A_1185 = vector.broadcast %add3A_1184 : i32 to vector<16xi32>
        %add3A_1186 = arith.addi %iota3A, %add3A_1185 : vector<16xi32>
        %select_n3A_1187 = arith.select %gt3A_1182, %add3A_1186, %select_n3A_1123 : vector<16xi1>, vector<16xi32>
        %exp3A_1188 = math.exp %get3A_1181 : vector<16xf32>
        %add3A_1189 = arith.addf %add3A_1125, %exp3A_1188 : vector<16xf32>
        %get3A_1190 = arith.constant 0 : i32
        %get3A_1191 = arith.constant 0 : i32
        %get3A_1192 = arith.constant 0 : i32
        %get3A_1193 = tpu.memref_slice %arg6[%rem3A_78, %scan3A_197, %get3A_1191, %get3A_1192] : memref<2x16x1x1000xf32, #tpu.memory_space<vmem>> -> memref<1x1x1x1000xf32, #tpu.memory_space<vmem>>
        %get3A_1194 = tpu.memref_squeeze %get3A_1193 : memref<1x1x1x1000xf32, #tpu.memory_space<vmem>> -> memref<1x1000xf32, #tpu.memory_space<vmem>>
        %get3A_1195 = arith.index_cast %get3A_1190 : i32 to index
        %get3A_1196 = arith.constant 976 : index
        %get3A_1197 = tpu.vector_load %get3A_1194[%get3A_1195, %get3A_1196] {strides = array<i32>} : memref<1x1000xf32, #tpu.memory_space<vmem>>, vector<16xf32>,
        %gt3A_1198 = arith.cmpf ogt, %get3A_1197, %max3A_1135 : vector<16xf32>
        %max3A_1199 = arith.maximumf %max3A_1135, %get3A_1197 : vector<16xf32>
        %add3A_1200 = arith.constant 976 : i32
        %add3A_1201 = vector.broadcast %add3A_1200 : i32 to vector<16xi32>
        %add3A_1202 = arith.addi %iota3A, %add3A_1201 : vector<16xi32>
        %select_n3A_1203 = arith.select %gt3A_1198, %add3A_1202, %select_n3A_1139 : vector<16xi1>, vector<16xi32>
        %exp3A_1204 = math.exp %get3A_1197 : vector<16xf32>
        %add3A_1205 = arith.addf %add3A_1141, %exp3A_1204 : vector<16xf32>
        %get3A_1206 = arith.constant 0 : i32
        %get3A_1207 = arith.constant 0 : i32
        %get3A_1208 = arith.constant 0 : i32
        %get3A_1209 = tpu.memref_slice %arg6[%rem3A_78, %scan3A_197, %get3A_1207, %get3A_1208] : memref<2x16x1x1000xf32, #tpu.memory_space<vmem>> -> memref<1x1x1x1000xf32, #tpu.memory_space<vmem>>
        %get3A_1210 = tpu.memref_squeeze %get3A_1209 : memref<1x1x1x1000xf32, #tpu.memory_space<vmem>> -> memref<1x1000xf32, #tpu.memory_space<vmem>>
        %get3A_1211 = arith.index_cast %get3A_1206 : i32 to index
        %get3A_1212 = arith.constant 984 : index
        %get3A_1213 = tpu.vector_load %get3A_1210[%get3A_1211, %get3A_1212] {strides = array<i32>} : memref<1x1000xf32, #tpu.memory_space<vmem>>, vector<16xf32>,
        %gt3A_1214 = arith.cmpf ogt, %get3A_1213, %max3A_1167 : vector<16xf32>
        %max3A_1215 = arith.maximumf %max3A_1167, %get3A_1213 : vector<16xf32>
        %add3A_1216 = arith.constant 984 : i32
        %add3A_1217 = vector.broadcast %add3A_1216 : i32 to vector<16xi32>
        %add3A_1218 = arith.addi %iota3A, %add3A_1217 : vector<16xi32>
        %select_n3A_1219 = arith.select %gt3A_1214, %add3A_1218, %select_n3A_1171 : vector<16xi1>, vector<16xi32>
        %ge3A = arith.constant 8 : i32
        %ge3A_1220 = vector.broadcast %ge3A : i32 to vector<16xi32>
        %ge3A_1221 = arith.cmpi sge, %iota3A, %ge3A_1220 : vector<16xi32>
        %exp3A_1222 = math.exp %get3A_1213 : vector<16xf32>
        %jit3A = arith.constant 0.000000e+00 : f32
        %broadcast_in_dim3A_1223 = vector.broadcast %jit3A : f32 to vector<16xf32>
        %select_n3A_1224 = arith.select %ge3A_1221, %exp3A_1222, %broadcast_in_dim3A_1223 : vector<16xi1>, vector<16xf32>
        %add3A_1225 = arith.addf %add3A_1173, %select_n3A_1224 : vector<16xf32>
        %gt3A_1226 = arith.cmpf ogt, %max3A_1199, %max3A_1183 : vector<16xf32>
        %eq3A_1227 = arith.cmpf oeq, %max3A_1199, %max3A_1183 : vector<16xf32>
        %min3A = arith.minsi %select_n3A_1187, %select_n3A_1203 : vector<16xi32>
        %select_n3A_1228 = arith.select %eq3A_1227, %min3A, %select_n3A_1187 : vector<16xi1>, vector<16xi32>
        %select_n3A_1229 = arith.select %gt3A_1226, %select_n3A_1203, %select_n3A_1228 : vector<16xi1>, vector<16xi32>
        %max3A_1230 = arith.maximumf %max3A_1183, %max3A_1199 : vector<16xf32>
        %add3A_1231 = arith.addf %add3A_1189, %add3A_1205 : vector<16xf32>
        %gt3A_1232 = arith.cmpf ogt, %max3A_1151, %max3A_1230 : vector<16xf32>
        %eq3A_1233 = arith.cmpf oeq, %max3A_1151, %max3A_1230 : vector<16xf32>
        %min3A_1234 = arith.minsi %select_n3A_1229, %select_n3A_1155 : vector<16xi32>
        %select_n3A_1235 = arith.select %eq3A_1233, %min3A_1234, %select_n3A_1229 : vector<16xi1>, vector<16xi32>
        %select_n3A_1236 = arith.select %gt3A_1232, %select_n3A_1155, %select_n3A_1235 : vector<16xi1>, vector<16xi32>
        %max3A_1237 = arith.maximumf %max3A_1230, %max3A_1151 : vector<16xf32>
        %add3A_1238 = arith.addf %add3A_1231, %add3A_1157 : vector<16xf32>
        %gt3A_1239 = arith.cmpf ogt, %max3A_1215, %max3A_1237 : vector<16xf32>
        %eq3A_1240 = arith.cmpf oeq, %max3A_1215, %max3A_1237 : vector<16xf32>
        %min3A_1241 = arith.minsi %select_n3A_1236, %select_n3A_1219 : vector<16xi32>
        %select_n3A_1242 = arith.select %eq3A_1240, %min3A_1241, %select_n3A_1236 : vector<16xi1>, vector<16xi32>
        %select_n3A_1243 = arith.select %gt3A_1239, %select_n3A_1219, %select_n3A_1242 : vector<16xi1>, vector<16xi32>
        %max3A_1244 = arith.maximumf %max3A_1237, %max3A_1215 : vector<16xf32>
        %add3A_1245 = arith.addf %add3A_1238, %add3A_1225 : vector<16xf32>
        %reduce_max3A = arith.constant true
        %reduce_max3A_1246 = vector.broadcast %reduce_max3A : i1 to vector<16xi1>
        %reduce_max3A_1247 = tpu.scan <max>, %max3A_1244 masked %reduce_max3A_1246 : vector<16xf32>, vector<16xi1> -> vector<16xf32>
        %reduce_max3A_1248 = vector.extract %reduce_max3A_1247[15] : f32 from vector<16xf32>
        %reduce_sum3A = arith.constant true
        %reduce_sum3A_1249 = vector.broadcast %reduce_sum3A : i1 to vector<16xi1>
        %reduce_sum3A_1250 = tpu.scan <sum>, %add3A_1245 masked %reduce_sum3A_1249 : vector<16xf32>, vector<16xi1> -> vector<16xf32>
        %reduce_sum3A_1251 = vector.extract %reduce_sum3A_1250[15] : f32 from vector<16xf32>
        %eq3A_1252 = vector.broadcast %reduce_max3A_1248 : f32 to vector<16xf32>
        %eq3A_1253 = arith.cmpf oeq, %max3A_1244, %eq3A_1252 : vector<16xf32>
        %jit3A_1254 = arith.constant 1000 : i32
        %broadcast_in_dim3A_1255 = vector.broadcast %jit3A_1254 : i32 to vector<16xi32>
        %select_n3A_1256 = arith.select %eq3A_1253, %select_n3A_1243, %broadcast_in_dim3A_1255 : vector<16xi1>, vector<16xi32>
        %reduce_min3A = arith.constant true
        %reduce_min3A_1257 = vector.broadcast %reduce_min3A : i1 to vector<16xi1>
        %reduce_min3A_1258 = arith.constant -2147483648 : i32
        %reduce_min3A_1259 = vector.broadcast %reduce_min3A_1258 : i32 to vector<16xi32>
        %reduce_min3A_1260 = arith.xori %select_n3A_1256, %reduce_min3A_1259 : vector<16xi32>
        %reduce_min3A_1261 = tpu.scan <min>, %reduce_min3A_1260 masked %reduce_min3A_1257 : vector<16xi32>, vector<16xi1> -> vector<16xi32>
        %reduce_min3A_1262 = arith.xori %reduce_min3A_1261, %reduce_min3A_1259 : vector<16xi32>
        %reduce_min3A_1263 = vector.extract %reduce_min3A_1262[15] : i32 from vector<16xi32>
        %broadcast_in_dim3A_1264 = vector.broadcast %reduce_max3A_1248 : f32 to vector<16xf32>
        %select_n3A_1265 = arith.select %eq3A_208, %broadcast_in_dim3A_1264, %scan3A_198 : vector<16xi1>, vector<16xf32>
        %broadcast_in_dim3A_1266 = vector.broadcast %reduce_sum3A_1251 : f32 to vector<16xf32>
        %select_n3A_1267 = arith.select %eq3A_208, %broadcast_in_dim3A_1266, %scan3A_201 : vector<16xi1>, vector<16xf32>
        %broadcast_in_dim3A_1268 = vector.broadcast %reduce_min3A_1263 : i32 to vector<16xi32>
        %select_n3A_1269 = arith.select %eq3A_208, %broadcast_in_dim3A_1268, %scan3A_204 : vector<16xi1>, vector<16xi32>
        %broadcast_in_dim3A_1270 = arith.constant 0xFF800000 : f32
        %broadcast_in_dim3A_1271 = vector.broadcast %broadcast_in_dim3A_1270 : f32 to vector<16xf32>
        %broadcast_in_dim3A_1272 = arith.constant 0xFF800000 : f32
        %broadcast_in_dim3A_1273 = vector.broadcast %broadcast_in_dim3A_1272 : f32 to vector<16xf32>
        %broadcast_in_dim3A_1274 = arith.constant 0xFF800000 : f32
        %broadcast_in_dim3A_1275 = vector.broadcast %broadcast_in_dim3A_1274 : f32 to vector<16xf32>
        %broadcast_in_dim3A_1276 = arith.constant 0xFF800000 : f32
        %broadcast_in_dim3A_1277 = vector.broadcast %broadcast_in_dim3A_1276 : f32 to vector<16xf32>
        %get3A_1278 = arith.constant 0 : i32
        %get3A_1279 = arith.constant 0 : i32
        %get3A_1280 = arith.constant 0 : i32
        %get3A_1281 = tpu.memref_slice %arg7[%rem3A_78, %scan3A_197, %get3A_1279, %get3A_1280] : memref<2x16x1x1000xf32, #tpu.memory_space<vmem>> -> memref<1x1x1x1000xf32, #tpu.memory_space<vmem>>
        %get3A_1282 = tpu.memref_squeeze %get3A_1281 : memref<1x1x1x1000xf32, #tpu.memory_space<vmem>> -> memref<1x1000xf32, #tpu.memory_space<vmem>>
        %get3A_1283 = arith.index_cast %get3A_1278 : i32 to index
        %get3A_1284 = arith.constant 0 : index
        %get3A_1285 = tpu.vector_load %get3A_1282[%get3A_1283, %get3A_1284] {strides = array<i32>} : memref<1x1000xf32, #tpu.memory_space<vmem>>, vector<16xf32>,
        %gt3A_1286 = arith.cmpf ogt, %get3A_1285, %broadcast_in_dim3A_1271 : vector<16xf32>
        %max3A_1287 = arith.maximumf %broadcast_in_dim3A_1271, %get3A_1285 : vector<16xf32>
        %add3A_1288 = arith.constant 0 : i32
        %add3A_1289 = vector.broadcast %add3A_1288 : i32 to vector<16xi32>
        %add3A_1290 = arith.addi %iota3A, %add3A_1289 : vector<16xi32>
        %select_n3A_1291 = arith.select %gt3A_1286, %add3A_1290, %broadcast_in_dim3A_68 : vector<16xi1>, vector<16xi32>
        %exp3A_1292 = math.exp %get3A_1285 : vector<16xf32>
        %add3A_1293 = arith.addf %broadcast_in_dim3A_70, %exp3A_1292 : vector<16xf32>
        %get3A_1294 = arith.constant 0 : i32
        %get3A_1295 = arith.constant 0 : i32
        %get3A_1296 = arith.constant 0 : i32
        %get3A_1297 = tpu.memref_slice %arg7[%rem3A_78, %scan3A_197, %get3A_1295, %get3A_1296] : memref<2x16x1x1000xf32, #tpu.memory_space<vmem>> -> memref<1x1x1x1000xf32, #tpu.memory_space<vmem>>
        %get3A_1298 = tpu.memref_squeeze %get3A_1297 : memref<1x1x1x1000xf32, #tpu.memory_space<vmem>> -> memref<1x1000xf32, #tpu.memory_space<vmem>>
        %get3A_1299 = arith.index_cast %get3A_1294 : i32 to index
        %get3A_1300 = arith.constant 16 : index
        %get3A_1301 = tpu.vector_load %get3A_1298[%get3A_1299, %get3A_1300] {strides = array<i32>} : memref<1x1000xf32, #tpu.memory_space<vmem>>, vector<16xf32>,
        %gt3A_1302 = arith.cmpf ogt, %get3A_1301, %broadcast_in_dim3A_1273 : vector<16xf32>
        %max3A_1303 = arith.maximumf %broadcast_in_dim3A_1273, %get3A_1301 : vector<16xf32>
        %add3A_1304 = arith.constant 16 : i32
        %add3A_1305 = vector.broadcast %add3A_1304 : i32 to vector<16xi32>
        %add3A_1306 = arith.addi %iota3A, %add3A_1305 : vector<16xi32>
        %select_n3A_1307 = arith.select %gt3A_1302, %add3A_1306, %broadcast_in_dim3A_68 : vector<16xi1>, vector<16xi32>
        %exp3A_1308 = math.exp %get3A_1301 : vector<16xf32>
        %add3A_1309 = arith.addf %broadcast_in_dim3A_70, %exp3A_1308 : vector<16xf32>
        %get3A_1310 = arith.constant 0 : i32
        %get3A_1311 = arith.constant 0 : i32
        %get3A_1312 = arith.constant 0 : i32
        %get3A_1313 = tpu.memref_slice %arg7[%rem3A_78, %scan3A_197, %get3A_1311, %get3A_1312] : memref<2x16x1x1000xf32, #tpu.memory_space<vmem>> -> memref<1x1x1x1000xf32, #tpu.memory_space<vmem>>
        %get3A_1314 = tpu.memref_squeeze %get3A_1313 : memref<1x1x1x1000xf32, #tpu.memory_space<vmem>> -> memref<1x1000xf32, #tpu.memory_space<vmem>>
        %get3A_1315 = arith.index_cast %get3A_1310 : i32 to index
        %get3A_1316 = arith.constant 32 : index
        %get3A_1317 = tpu.vector_load %get3A_1314[%get3A_1315, %get3A_1316] {strides = array<i32>} : memref<1x1000xf32, #tpu.memory_space<vmem>>, vector<16xf32>,
        %gt3A_1318 = arith.cmpf ogt, %get3A_1317, %broadcast_in_dim3A_1275 : vector<16xf32>
        %max3A_1319 = arith.maximumf %broadcast_in_dim3A_1275, %get3A_1317 : vector<16xf32>
        %add3A_1320 = arith.constant 32 : i32
        %add3A_1321 = vector.broadcast %add3A_1320 : i32 to vector<16xi32>
        %add3A_1322 = arith.addi %iota3A, %add3A_1321 : vector<16xi32>
        %select_n3A_1323 = arith.select %gt3A_1318, %add3A_1322, %broadcast_in_dim3A_68 : vector<16xi1>, vector<16xi32>
        %exp3A_1324 = math.exp %get3A_1317 : vector<16xf32>
        %add3A_1325 = arith.addf %broadcast_in_dim3A_70, %exp3A_1324 : vector<16xf32>
        %get3A_1326 = arith.constant 0 : i32
        %get3A_1327 = arith.constant 0 : i32
        %get3A_1328 = arith.constant 0 : i32
        %get3A_1329 = tpu.memref_slice %arg7[%rem3A_78, %scan3A_197, %get3A_1327, %get3A_1328] : memref<2x16x1x1000xf32, #tpu.memory_space<vmem>> -> memref<1x1x1x1000xf32, #tpu.memory_space<vmem>>
        %get3A_1330 = tpu.memref_squeeze %get3A_1329 : memref<1x1x1x1000xf32, #tpu.memory_space<vmem>> -> memref<1x1000xf32, #tpu.memory_space<vmem>>
        %get3A_1331 = arith.index_cast %get3A_1326 : i32 to index
        %get3A_1332 = arith.constant 48 : index
        %get3A_1333 = tpu.vector_load %get3A_1330[%get3A_1331, %get3A_1332] {strides = array<i32>} : memref<1x1000xf32, #tpu.memory_space<vmem>>, vector<16xf32>,
        %gt3A_1334 = arith.cmpf ogt, %get3A_1333, %broadcast_in_dim3A_1277 : vector<16xf32>
        %max3A_1335 = arith.maximumf %broadcast_in_dim3A_1277, %get3A_1333 : vector<16xf32>
        %add3A_1336 = arith.constant 48 : i32
        %add3A_1337 = vector.broadcast %add3A_1336 : i32 to vector<16xi32>
        %add3A_1338 = arith.addi %iota3A, %add3A_1337 : vector<16xi32>
        %select_n3A_1339 = arith.select %gt3A_1334, %add3A_1338, %broadcast_in_dim3A_68 : vector<16xi1>, vector<16xi32>
        %exp3A_1340 = math.exp %get3A_1333 : vector<16xf32>
        %add3A_1341 = arith.addf %broadcast_in_dim3A_70, %exp3A_1340 : vector<16xf32>
        %get3A_1342 = arith.constant 0 : i32
        %get3A_1343 = arith.constant 0 : i32
        %get3A_1344 = arith.constant 0 : i32
        %get3A_1345 = tpu.memref_slice %arg7[%rem3A_78, %scan3A_197, %get3A_1343, %get3A_1344] : memref<2x16x1x1000xf32, #tpu.memory_space<vmem>> -> memref<1x1x1x1000xf32, #tpu.memory_space<vmem>>
        %get3A_1346 = tpu.memref_squeeze %get3A_1345 : memref<1x1x1x1000xf32, #tpu.memory_space<vmem>> -> memref<1x1000xf32, #tpu.memory_space<vmem>>
        %get3A_1347 = arith.index_cast %get3A_1342 : i32 to index
        %get3A_1348 = arith.constant 64 : index
        %get3A_1349 = tpu.vector_load %get3A_1346[%get3A_1347, %get3A_1348] {strides = array<i32>} : memref<1x1000xf32, #tpu.memory_space<vmem>>, vector<16xf32>,
        %gt3A_1350 = arith.cmpf ogt, %get3A_1349, %max3A_1287 : vector<16xf32>
        %max3A_1351 = arith.maximumf %max3A_1287, %get3A_1349 : vector<16xf32>
        %add3A_1352 = arith.constant 64 : i32
        %add3A_1353 = vector.broadcast %add3A_1352 : i32 to vector<16xi32>
        %add3A_1354 = arith.addi %iota3A, %add3A_1353 : vector<16xi32>
        %select_n3A_1355 = arith.select %gt3A_1350, %add3A_1354, %select_n3A_1291 : vector<16xi1>, vector<16xi32>
        %exp3A_1356 = math.exp %get3A_1349 : vector<16xf32>
        %add3A_1357 = arith.addf %add3A_1293, %exp3A_1356 : vector<16xf32>
        %get3A_1358 = arith.constant 0 : i32
        %get3A_1359 = arith.constant 0 : i32
        %get3A_1360 = arith.constant 0 : i32
        %get3A_1361 = tpu.memref_slice %arg7[%rem3A_78, %scan3A_197, %get3A_1359, %get3A_1360] : memref<2x16x1x1000xf32, #tpu.memory_space<vmem>> -> memref<1x1x1x1000xf32, #tpu.memory_space<vmem>>
        %get3A_1362 = tpu.memref_squeeze %get3A_1361 : memref<1x1x1x1000xf32, #tpu.memory_space<vmem>> -> memref<1x1000xf32, #tpu.memory_space<vmem>>
        %get3A_1363 = arith.index_cast %get3A_1358 : i32 to index
        %get3A_1364 = arith.constant 80 : index
        %get3A_1365 = tpu.vector_load %get3A_1362[%get3A_1363, %get3A_1364] {strides = array<i32>} : memref<1x1000xf32, #tpu.memory_space<vmem>>, vector<16xf32>,
        %gt3A_1366 = arith.cmpf ogt, %get3A_1365, %max3A_1303 : vector<16xf32>
        %max3A_1367 = arith.maximumf %max3A_1303, %get3A_1365 : vector<16xf32>
        %add3A_1368 = arith.constant 80 : i32
        %add3A_1369 = vector.broadcast %add3A_1368 : i32 to vector<16xi32>
        %add3A_1370 = arith.addi %iota3A, %add3A_1369 : vector<16xi32>
        %select_n3A_1371 = arith.select %gt3A_1366, %add3A_1370, %select_n3A_1307 : vector<16xi1>, vector<16xi32>
        %exp3A_1372 = math.exp %get3A_1365 : vector<16xf32>
        %add3A_1373 = arith.addf %add3A_1309, %exp3A_1372 : vector<16xf32>
        %get3A_1374 = arith.constant 0 : i32
        %get3A_1375 = arith.constant 0 : i32
        %get3A_1376 = arith.constant 0 : i32
        %get3A_1377 = tpu.memref_slice %arg7[%rem3A_78, %scan3A_197, %get3A_1375, %get3A_1376] : memref<2x16x1x1000xf32, #tpu.memory_space<vmem>> -> memref<1x1x1x1000xf32, #tpu.memory_space<vmem>>
        %get3A_1378 = tpu.memref_squeeze %get3A_1377 : memref<1x1x1x1000xf32, #tpu.memory_space<vmem>> -> memref<1x1000xf32, #tpu.memory_space<vmem>>
        %get3A_1379 = arith.index_cast %get3A_1374 : i32 to index
        %get3A_1380 = arith.constant 96 : index
        %get3A_1381 = tpu.vector_load %get3A_1378[%get3A_1379, %get3A_1380] {strides = array<i32>} : memref<1x1000xf32, #tpu.memory_space<vmem>>, vector<16xf32>,
        %gt3A_1382 = arith.cmpf ogt, %get3A_1381, %max3A_1319 : vector<16xf32>
        %max3A_1383 = arith.maximumf %max3A_1319, %get3A_1381 : vector<16xf32>
        %add3A_1384 = arith.constant 96 : i32
        %add3A_1385 = vector.broadcast %add3A_1384 : i32 to vector<16xi32>
        %add3A_1386 = arith.addi %iota3A, %add3A_1385 : vector<16xi32>
        %select_n3A_1387 = arith.select %gt3A_1382, %add3A_1386, %select_n3A_1323 : vector<16xi1>, vector<16xi32>
        %exp3A_1388 = math.exp %get3A_1381 : vector<16xf32>
        %add3A_1389 = arith.addf %add3A_1325, %exp3A_1388 : vector<16xf32>
        %get3A_1390 = arith.constant 0 : i32
        %get3A_1391 = arith.constant 0 : i32
        %get3A_1392 = arith.constant 0 : i32
        %get3A_1393 = tpu.memref_slice %arg7[%rem3A_78, %scan3A_197, %get3A_1391, %get3A_1392] : memref<2x16x1x1000xf32, #tpu.memory_space<vmem>> -> memref<1x1x1x1000xf32, #tpu.memory_space<vmem>>
        %get3A_1394 = tpu.memref_squeeze %get3A_1393 : memref<1x1x1x1000xf32, #tpu.memory_space<vmem>> -> memref<1x1000xf32, #tpu.memory_space<vmem>>
        %get3A_1395 = arith.index_cast %get3A_1390 : i32 to index
        %get3A_1396 = arith.constant 112 : index
        %get3A_1397 = tpu.vector_load %get3A_1394[%get3A_1395, %get3A_1396] {strides = array<i32>} : memref<1x1000xf32, #tpu.memory_space<vmem>>, vector<16xf32>,
        %gt3A_1398 = arith.cmpf ogt, %get3A_1397, %max3A_1335 : vector<16xf32>
        %max3A_1399 = arith.maximumf %max3A_1335, %get3A_1397 : vector<16xf32>
        %add3A_1400 = arith.constant 112 : i32
        %add3A_1401 = vector.broadcast %add3A_1400 : i32 to vector<16xi32>
        %add3A_1402 = arith.addi %iota3A, %add3A_1401 : vector<16xi32>
        %select_n3A_1403 = arith.select %gt3A_1398, %add3A_1402, %select_n3A_1339 : vector<16xi1>, vector<16xi32>
        %exp3A_1404 = math.exp %get3A_1397 : vector<16xf32>
        %add3A_1405 = arith.addf %add3A_1341, %exp3A_1404 : vector<16xf32>
        %get3A_1406 = arith.constant 0 : i32
        %get3A_1407 = arith.constant 0 : i32
        %get3A_1408 = arith.constant 0 : i32
        %get3A_1409 = tpu.memref_slice %arg7[%rem3A_78, %scan3A_197, %get3A_1407, %get3A_1408] : memref<2x16x1x1000xf32, #tpu.memory_space<vmem>> -> memref<1x1x1x1000xf32, #tpu.memory_space<vmem>>
        %get3A_1410 = tpu.memref_squeeze %get3A_1409 : memref<1x1x1x1000xf32, #tpu.memory_space<vmem>> -> memref<1x1000xf32, #tpu.memory_space<vmem>>
        %get3A_1411 = arith.index_cast %get3A_1406 : i32 to index
        %get3A_1412 = arith.constant 128 : index
        %get3A_1413 = tpu.vector_load %get3A_1410[%get3A_1411, %get3A_1412] {strides = array<i32>} : memref<1x1000xf32, #tpu.memory_space<vmem>>, vector<16xf32>,
        %gt3A_1414 = arith.cmpf ogt, %get3A_1413, %max3A_1351 : vector<16xf32>
        %max3A_1415 = arith.maximumf %max3A_1351, %get3A_1413 : vector<16xf32>
        %add3A_1416 = arith.constant 128 : i32
        %add3A_1417 = vector.broadcast %add3A_1416 : i32 to vector<16xi32>
        %add3A_1418 = arith.addi %iota3A, %add3A_1417 : vector<16xi32>
        %select_n3A_1419 = arith.select %gt3A_1414, %add3A_1418, %select_n3A_1355 : vector<16xi1>, vector<16xi32>
        %exp3A_1420 = math.exp %get3A_1413 : vector<16xf32>
        %add3A_1421 = arith.addf %add3A_1357, %exp3A_1420 : vector<16xf32>
        %get3A_1422 = arith.constant 0 : i32
        %get3A_1423 = arith.constant 0 : i32
        %get3A_1424 = arith.constant 0 : i32
        %get3A_1425 = tpu.memref_slice %arg7[%rem3A_78, %scan3A_197, %get3A_1423, %get3A_1424] : memref<2x16x1x1000xf32, #tpu.memory_space<vmem>> -> memref<1x1x1x1000xf32, #tpu.memory_space<vmem>>
        %get3A_1426 = tpu.memref_squeeze %get3A_1425 : memref<1x1x1x1000xf32, #tpu.memory_space<vmem>> -> memref<1x1000xf32, #tpu.memory_space<vmem>>
        %get3A_1427 = arith.index_cast %get3A_1422 : i32 to index
        %get3A_1428 = arith.constant 144 : index
        %get3A_1429 = tpu.vector_load %get3A_1426[%get3A_1427, %get3A_1428] {strides = array<i32>} : memref<1x1000xf32, #tpu.memory_space<vmem>>, vector<16xf32>,
        %gt3A_1430 = arith.cmpf ogt, %get3A_1429, %max3A_1367 : vector<16xf32>
        %max3A_1431 = arith.maximumf %max3A_1367, %get3A_1429 : vector<16xf32>
        %add3A_1432 = arith.constant 144 : i32
        %add3A_1433 = vector.broadcast %add3A_1432 : i32 to vector<16xi32>
        %add3A_1434 = arith.addi %iota3A, %add3A_1433 : vector<16xi32>
        %select_n3A_1435 = arith.select %gt3A_1430, %add3A_1434, %select_n3A_1371 : vector<16xi1>, vector<16xi32>
        %exp3A_1436 = math.exp %get3A_1429 : vector<16xf32>
        %add3A_1437 = arith.addf %add3A_1373, %exp3A_1436 : vector<16xf32>
        %get3A_1438 = arith.constant 0 : i32
        %get3A_1439 = arith.constant 0 : i32
        %get3A_1440 = arith.constant 0 : i32
        %get3A_1441 = tpu.memref_slice %arg7[%rem3A_78, %scan3A_197, %get3A_1439, %get3A_1440] : memref<2x16x1x1000xf32, #tpu.memory_space<vmem>> -> memref<1x1x1x1000xf32, #tpu.memory_space<vmem>>
        %get3A_1442 = tpu.memref_squeeze %get3A_1441 : memref<1x1x1x1000xf32, #tpu.memory_space<vmem>> -> memref<1x1000xf32, #tpu.memory_space<vmem>>
        %get3A_1443 = arith.index_cast %get3A_1438 : i32 to index
        %get3A_1444 = arith.constant 160 : index
        %get3A_1445 = tpu.vector_load %get3A_1442[%get3A_1443, %get3A_1444] {strides = array<i32>} : memref<1x1000xf32, #tpu.memory_space<vmem>>, vector<16xf32>,
        %gt3A_1446 = arith.cmpf ogt, %get3A_1445, %max3A_1383 : vector<16xf32>
        %max3A_1447 = arith.maximumf %max3A_1383, %get3A_1445 : vector<16xf32>
        %add3A_1448 = arith.constant 160 : i32
        %add3A_1449 = vector.broadcast %add3A_1448 : i32 to vector<16xi32>
        %add3A_1450 = arith.addi %iota3A, %add3A_1449 : vector<16xi32>
        %select_n3A_1451 = arith.select %gt3A_1446, %add3A_1450, %select_n3A_1387 : vector<16xi1>, vector<16xi32>
        %exp3A_1452 = math.exp %get3A_1445 : vector<16xf32>
        %add3A_1453 = arith.addf %add3A_1389, %exp3A_1452 : vector<16xf32>
        %get3A_1454 = arith.constant 0 : i32
        %get3A_1455 = arith.constant 0 : i32
        %get3A_1456 = arith.constant 0 : i32
        %get3A_1457 = tpu.memref_slice %arg7[%rem3A_78, %scan3A_197, %get3A_1455, %get3A_1456] : memref<2x16x1x1000xf32, #tpu.memory_space<vmem>> -> memref<1x1x1x1000xf32, #tpu.memory_space<vmem>>
        %get3A_1458 = tpu.memref_squeeze %get3A_1457 : memref<1x1x1x1000xf32, #tpu.memory_space<vmem>> -> memref<1x1000xf32, #tpu.memory_space<vmem>>
        %get3A_1459 = arith.index_cast %get3A_1454 : i32 to index
        %get3A_1460 = arith.constant 176 : index
        %get3A_1461 = tpu.vector_load %get3A_1458[%get3A_1459, %get3A_1460] {strides = array<i32>} : memref<1x1000xf32, #tpu.memory_space<vmem>>, vector<16xf32>,
        %gt3A_1462 = arith.cmpf ogt, %get3A_1461, %max3A_1399 : vector<16xf32>
        %max3A_1463 = arith.maximumf %max3A_1399, %get3A_1461 : vector<16xf32>
        %add3A_1464 = arith.constant 176 : i32
        %add3A_1465 = vector.broadcast %add3A_1464 : i32 to vector<16xi32>
        %add3A_1466 = arith.addi %iota3A, %add3A_1465 : vector<16xi32>
        %select_n3A_1467 = arith.select %gt3A_1462, %add3A_1466, %select_n3A_1403 : vector<16xi1>, vector<16xi32>
        %exp3A_1468 = math.exp %get3A_1461 : vector<16xf32>
        %add3A_1469 = arith.addf %add3A_1405, %exp3A_1468 : vector<16xf32>
        %get3A_1470 = arith.constant 0 : i32
        %get3A_1471 = arith.constant 0 : i32
        %get3A_1472 = arith.constant 0 : i32
        %get3A_1473 = tpu.memref_slice %arg7[%rem3A_78, %scan3A_197, %get3A_1471, %get3A_1472] : memref<2x16x1x1000xf32, #tpu.memory_space<vmem>> -> memref<1x1x1x1000xf32, #tpu.memory_space<vmem>>
        %get3A_1474 = tpu.memref_squeeze %get3A_1473 : memref<1x1x1x1000xf32, #tpu.memory_space<vmem>> -> memref<1x1000xf32, #tpu.memory_space<vmem>>
        %get3A_1475 = arith.index_cast %get3A_1470 : i32 to index
        %get3A_1476 = arith.constant 192 : index
        %get3A_1477 = tpu.vector_load %get3A_1474[%get3A_1475, %get3A_1476] {strides = array<i32>} : memref<1x1000xf32, #tpu.memory_space<vmem>>, vector<16xf32>,
        %gt3A_1478 = arith.cmpf ogt, %get3A_1477, %max3A_1415 : vector<16xf32>
        %max3A_1479 = arith.maximumf %max3A_1415, %get3A_1477 : vector<16xf32>
        %add3A_1480 = arith.constant 192 : i32
        %add3A_1481 = vector.broadcast %add3A_1480 : i32 to vector<16xi32>
        %add3A_1482 = arith.addi %iota3A, %add3A_1481 : vector<16xi32>
        %select_n3A_1483 = arith.select %gt3A_1478, %add3A_1482, %select_n3A_1419 : vector<16xi1>, vector<16xi32>
        %exp3A_1484 = math.exp %get3A_1477 : vector<16xf32>
        %add3A_1485 = arith.addf %add3A_1421, %exp3A_1484 : vector<16xf32>
        %get3A_1486 = arith.constant 0 : i32
        %get3A_1487 = arith.constant 0 : i32
        %get3A_1488 = arith.constant 0 : i32
        %get3A_1489 = tpu.memref_slice %arg7[%rem3A_78, %scan3A_197, %get3A_1487, %get3A_1488] : memref<2x16x1x1000xf32, #tpu.memory_space<vmem>> -> memref<1x1x1x1000xf32, #tpu.memory_space<vmem>>
        %get3A_1490 = tpu.memref_squeeze %get3A_1489 : memref<1x1x1x1000xf32, #tpu.memory_space<vmem>> -> memref<1x1000xf32, #tpu.memory_space<vmem>>
        %get3A_1491 = arith.index_cast %get3A_1486 : i32 to index
        %get3A_1492 = arith.constant 208 : index
        %get3A_1493 = tpu.vector_load %get3A_1490[%get3A_1491, %get3A_1492] {strides = array<i32>} : memref<1x1000xf32, #tpu.memory_space<vmem>>, vector<16xf32>,
        %gt3A_1494 = arith.cmpf ogt, %get3A_1493, %max3A_1431 : vector<16xf32>
        %max3A_1495 = arith.maximumf %max3A_1431, %get3A_1493 : vector<16xf32>
        %add3A_1496 = arith.constant 208 : i32
        %add3A_1497 = vector.broadcast %add3A_1496 : i32 to vector<16xi32>
        %add3A_1498 = arith.addi %iota3A, %add3A_1497 : vector<16xi32>
        %select_n3A_1499 = arith.select %gt3A_1494, %add3A_1498, %select_n3A_1435 : vector<16xi1>, vector<16xi32>
        %exp3A_1500 = math.exp %get3A_1493 : vector<16xf32>
        %add3A_1501 = arith.addf %add3A_1437, %exp3A_1500 : vector<16xf32>
        %get3A_1502 = arith.constant 0 : i32
        %get3A_1503 = arith.constant 0 : i32
        %get3A_1504 = arith.constant 0 : i32
        %get3A_1505 = tpu.memref_slice %arg7[%rem3A_78, %scan3A_197, %get3A_1503, %get3A_1504] : memref<2x16x1x1000xf32, #tpu.memory_space<vmem>> -> memref<1x1x1x1000xf32, #tpu.memory_space<vmem>>
        %get3A_1506 = tpu.memref_squeeze %get3A_1505 : memref<1x1x1x1000xf32, #tpu.memory_space<vmem>> -> memref<1x1000xf32, #tpu.memory_space<vmem>>
        %get3A_1507 = arith.index_cast %get3A_1502 : i32 to index
        %get3A_1508 = arith.constant 224 : index
        %get3A_1509 = tpu.vector_load %get3A_1506[%get3A_1507, %get3A_1508] {strides = array<i32>} : memref<1x1000xf32, #tpu.memory_space<vmem>>, vector<16xf32>,
        %gt3A_1510 = arith.cmpf ogt, %get3A_1509, %max3A_1447 : vector<16xf32>
        %max3A_1511 = arith.maximumf %max3A_1447, %get3A_1509 : vector<16xf32>
        %add3A_1512 = arith.constant 224 : i32
        %add3A_1513 = vector.broadcast %add3A_1512 : i32 to vector<16xi32>
        %add3A_1514 = arith.addi %iota3A, %add3A_1513 : vector<16xi32>
        %select_n3A_1515 = arith.select %gt3A_1510, %add3A_1514, %select_n3A_1451 : vector<16xi1>, vector<16xi32>
        %exp3A_1516 = math.exp %get3A_1509 : vector<16xf32>
        %add3A_1517 = arith.addf %add3A_1453, %exp3A_1516 : vector<16xf32>
        %get3A_1518 = arith.constant 0 : i32
        %get3A_1519 = arith.constant 0 : i32
        %get3A_1520 = arith.constant 0 : i32
        %get3A_1521 = tpu.memref_slice %arg7[%rem3A_78, %scan3A_197, %get3A_1519, %get3A_1520] : memref<2x16x1x1000xf32, #tpu.memory_space<vmem>> -> memref<1x1x1x1000xf32, #tpu.memory_space<vmem>>
        %get3A_1522 = tpu.memref_squeeze %get3A_1521 : memref<1x1x1x1000xf32, #tpu.memory_space<vmem>> -> memref<1x1000xf32, #tpu.memory_space<vmem>>
        %get3A_1523 = arith.index_cast %get3A_1518 : i32 to index
        %get3A_1524 = arith.constant 240 : index
        %get3A_1525 = tpu.vector_load %get3A_1522[%get3A_1523, %get3A_1524] {strides = array<i32>} : memref<1x1000xf32, #tpu.memory_space<vmem>>, vector<16xf32>,
        %gt3A_1526 = arith.cmpf ogt, %get3A_1525, %max3A_1463 : vector<16xf32>
        %max3A_1527 = arith.maximumf %max3A_1463, %get3A_1525 : vector<16xf32>
        %add3A_1528 = arith.constant 240 : i32
        %add3A_1529 = vector.broadcast %add3A_1528 : i32 to vector<16xi32>
        %add3A_1530 = arith.addi %iota3A, %add3A_1529 : vector<16xi32>
        %select_n3A_1531 = arith.select %gt3A_1526, %add3A_1530, %select_n3A_1467 : vector<16xi1>, vector<16xi32>
        %exp3A_1532 = math.exp %get3A_1525 : vector<16xf32>
        %add3A_1533 = arith.addf %add3A_1469, %exp3A_1532 : vector<16xf32>
        %get3A_1534 = arith.constant 0 : i32
        %get3A_1535 = arith.constant 0 : i32
        %get3A_1536 = arith.constant 0 : i32
        %get3A_1537 = tpu.memref_slice %arg7[%rem3A_78, %scan3A_197, %get3A_1535, %get3A_1536] : memref<2x16x1x1000xf32, #tpu.memory_space<vmem>> -> memref<1x1x1x1000xf32, #tpu.memory_space<vmem>>
        %get3A_1538 = tpu.memref_squeeze %get3A_1537 : memref<1x1x1x1000xf32, #tpu.memory_space<vmem>> -> memref<1x1000xf32, #tpu.memory_space<vmem>>
        %get3A_1539 = arith.index_cast %get3A_1534 : i32 to index
        %get3A_1540 = arith.constant 256 : index
        %get3A_1541 = tpu.vector_load %get3A_1538[%get3A_1539, %get3A_1540] {strides = array<i32>} : memref<1x1000xf32, #tpu.memory_space<vmem>>, vector<16xf32>,
        %gt3A_1542 = arith.cmpf ogt, %get3A_1541, %max3A_1479 : vector<16xf32>
        %max3A_1543 = arith.maximumf %max3A_1479, %get3A_1541 : vector<16xf32>
        %add3A_1544 = arith.constant 256 : i32
        %add3A_1545 = vector.broadcast %add3A_1544 : i32 to vector<16xi32>
        %add3A_1546 = arith.addi %iota3A, %add3A_1545 : vector<16xi32>
        %select_n3A_1547 = arith.select %gt3A_1542, %add3A_1546, %select_n3A_1483 : vector<16xi1>, vector<16xi32>
        %exp3A_1548 = math.exp %get3A_1541 : vector<16xf32>
        %add3A_1549 = arith.addf %add3A_1485, %exp3A_1548 : vector<16xf32>
        %get3A_1550 = arith.constant 0 : i32
        %get3A_1551 = arith.constant 0 : i32
        %get3A_1552 = arith.constant 0 : i32
        %get3A_1553 = tpu.memref_slice %arg7[%rem3A_78, %scan3A_197, %get3A_1551, %get3A_1552] : memref<2x16x1x1000xf32, #tpu.memory_space<vmem>> -> memref<1x1x1x1000xf32, #tpu.memory_space<vmem>>
        %get3A_1554 = tpu.memref_squeeze %get3A_1553 : memref<1x1x1x1000xf32, #tpu.memory_space<vmem>> -> memref<1x1000xf32, #tpu.memory_space<vmem>>
        %get3A_1555 = arith.index_cast %get3A_1550 : i32 to index
        %get3A_1556 = arith.constant 272 : index
        %get3A_1557 = tpu.vector_load %get3A_1554[%get3A_1555, %get3A_1556] {strides = array<i32>} : memref<1x1000xf32, #tpu.memory_space<vmem>>, vector<16xf32>,
        %gt3A_1558 = arith.cmpf ogt, %get3A_1557, %max3A_1495 : vector<16xf32>
        %max3A_1559 = arith.maximumf %max3A_1495, %get3A_1557 : vector<16xf32>
        %add3A_1560 = arith.constant 272 : i32
        %add3A_1561 = vector.broadcast %add3A_1560 : i32 to vector<16xi32>
        %add3A_1562 = arith.addi %iota3A, %add3A_1561 : vector<16xi32>
        %select_n3A_1563 = arith.select %gt3A_1558, %add3A_1562, %select_n3A_1499 : vector<16xi1>, vector<16xi32>
        %exp3A_1564 = math.exp %get3A_1557 : vector<16xf32>
        %add3A_1565 = arith.addf %add3A_1501, %exp3A_1564 : vector<16xf32>
        %get3A_1566 = arith.constant 0 : i32
        %get3A_1567 = arith.constant 0 : i32
        %get3A_1568 = arith.constant 0 : i32
        %get3A_1569 = tpu.memref_slice %arg7[%rem3A_78, %scan3A_197, %get3A_1567, %get3A_1568] : memref<2x16x1x1000xf32, #tpu.memory_space<vmem>> -> memref<1x1x1x1000xf32, #tpu.memory_space<vmem>>
        %get3A_1570 = tpu.memref_squeeze %get3A_1569 : memref<1x1x1x1000xf32, #tpu.memory_space<vmem>> -> memref<1x1000xf32, #tpu.memory_space<vmem>>
        %get3A_1571 = arith.index_cast %get3A_1566 : i32 to index
        %get3A_1572 = arith.constant 288 : index
        %get3A_1573 = tpu.vector_load %get3A_1570[%get3A_1571, %get3A_1572] {strides = array<i32>} : memref<1x1000xf32, #tpu.memory_space<vmem>>, vector<16xf32>,
        %gt3A_1574 = arith.cmpf ogt, %get3A_1573, %max3A_1511 : vector<16xf32>
        %max3A_1575 = arith.maximumf %max3A_1511, %get3A_1573 : vector<16xf32>
        %add3A_1576 = arith.constant 288 : i32
        %add3A_1577 = vector.broadcast %add3A_1576 : i32 to vector<16xi32>
        %add3A_1578 = arith.addi %iota3A, %add3A_1577 : vector<16xi32>
        %select_n3A_1579 = arith.select %gt3A_1574, %add3A_1578, %select_n3A_1515 : vector<16xi1>, vector<16xi32>
        %exp3A_1580 = math.exp %get3A_1573 : vector<16xf32>
        %add3A_1581 = arith.addf %add3A_1517, %exp3A_1580 : vector<16xf32>
        %get3A_1582 = arith.constant 0 : i32
        %get3A_1583 = arith.constant 0 : i32
        %get3A_1584 = arith.constant 0 : i32
        %get3A_1585 = tpu.memref_slice %arg7[%rem3A_78, %scan3A_197, %get3A_1583, %get3A_1584] : memref<2x16x1x1000xf32, #tpu.memory_space<vmem>> -> memref<1x1x1x1000xf32, #tpu.memory_space<vmem>>
        %get3A_1586 = tpu.memref_squeeze %get3A_1585 : memref<1x1x1x1000xf32, #tpu.memory_space<vmem>> -> memref<1x1000xf32, #tpu.memory_space<vmem>>
        %get3A_1587 = arith.index_cast %get3A_1582 : i32 to index
        %get3A_1588 = arith.constant 304 : index
        %get3A_1589 = tpu.vector_load %get3A_1586[%get3A_1587, %get3A_1588] {strides = array<i32>} : memref<1x1000xf32, #tpu.memory_space<vmem>>, vector<16xf32>,
        %gt3A_1590 = arith.cmpf ogt, %get3A_1589, %max3A_1527 : vector<16xf32>
        %max3A_1591 = arith.maximumf %max3A_1527, %get3A_1589 : vector<16xf32>
        %add3A_1592 = arith.constant 304 : i32
        %add3A_1593 = vector.broadcast %add3A_1592 : i32 to vector<16xi32>
        %add3A_1594 = arith.addi %iota3A, %add3A_1593 : vector<16xi32>
        %select_n3A_1595 = arith.select %gt3A_1590, %add3A_1594, %select_n3A_1531 : vector<16xi1>, vector<16xi32>
        %exp3A_1596 = math.exp %get3A_1589 : vector<16xf32>
        %add3A_1597 = arith.addf %add3A_1533, %exp3A_1596 : vector<16xf32>
        %get3A_1598 = arith.constant 0 : i32
        %get3A_1599 = arith.constant 0 : i32
        %get3A_1600 = arith.constant 0 : i32
        %get3A_1601 = tpu.memref_slice %arg7[%rem3A_78, %scan3A_197, %get3A_1599, %get3A_1600] : memref<2x16x1x1000xf32, #tpu.memory_space<vmem>> -> memref<1x1x1x1000xf32, #tpu.memory_space<vmem>>
        %get3A_1602 = tpu.memref_squeeze %get3A_1601 : memref<1x1x1x1000xf32, #tpu.memory_space<vmem>> -> memref<1x1000xf32, #tpu.memory_space<vmem>>
        %get3A_1603 = arith.index_cast %get3A_1598 : i32 to index
        %get3A_1604 = arith.constant 320 : index
        %get3A_1605 = tpu.vector_load %get3A_1602[%get3A_1603, %get3A_1604] {strides = array<i32>} : memref<1x1000xf32, #tpu.memory_space<vmem>>, vector<16xf32>,
        %gt3A_1606 = arith.cmpf ogt, %get3A_1605, %max3A_1543 : vector<16xf32>
        %max3A_1607 = arith.maximumf %max3A_1543, %get3A_1605 : vector<16xf32>
        %add3A_1608 = arith.constant 320 : i32
        %add3A_1609 = vector.broadcast %add3A_1608 : i32 to vector<16xi32>
        %add3A_1610 = arith.addi %iota3A, %add3A_1609 : vector<16xi32>
        %select_n3A_1611 = arith.select %gt3A_1606, %add3A_1610, %select_n3A_1547 : vector<16xi1>, vector<16xi32>
        %exp3A_1612 = math.exp %get3A_1605 : vector<16xf32>
        %add3A_1613 = arith.addf %add3A_1549, %exp3A_1612 : vector<16xf32>
        %get3A_1614 = arith.constant 0 : i32
        %get3A_1615 = arith.constant 0 : i32
        %get3A_1616 = arith.constant 0 : i32
        %get3A_1617 = tpu.memref_slice %arg7[%rem3A_78, %scan3A_197, %get3A_1615, %get3A_1616] : memref<2x16x1x1000xf32, #tpu.memory_space<vmem>> -> memref<1x1x1x1000xf32, #tpu.memory_space<vmem>>
        %get3A_1618 = tpu.memref_squeeze %get3A_1617 : memref<1x1x1x1000xf32, #tpu.memory_space<vmem>> -> memref<1x1000xf32, #tpu.memory_space<vmem>>
        %get3A_1619 = arith.index_cast %get3A_1614 : i32 to index
        %get3A_1620 = arith.constant 336 : index
        %get3A_1621 = tpu.vector_load %get3A_1618[%get3A_1619, %get3A_1620] {strides = array<i32>} : memref<1x1000xf32, #tpu.memory_space<vmem>>, vector<16xf32>,
        %gt3A_1622 = arith.cmpf ogt, %get3A_1621, %max3A_1559 : vector<16xf32>
        %max3A_1623 = arith.maximumf %max3A_1559, %get3A_1621 : vector<16xf32>
        %add3A_1624 = arith.constant 336 : i32
        %add3A_1625 = vector.broadcast %add3A_1624 : i32 to vector<16xi32>
        %add3A_1626 = arith.addi %iota3A, %add3A_1625 : vector<16xi32>
        %select_n3A_1627 = arith.select %gt3A_1622, %add3A_1626, %select_n3A_1563 : vector<16xi1>, vector<16xi32>
        %exp3A_1628 = math.exp %get3A_1621 : vector<16xf32>
        %add3A_1629 = arith.addf %add3A_1565, %exp3A_1628 : vector<16xf32>
        %get3A_1630 = arith.constant 0 : i32
        %get3A_1631 = arith.constant 0 : i32
        %get3A_1632 = arith.constant 0 : i32
        %get3A_1633 = tpu.memref_slice %arg7[%rem3A_78, %scan3A_197, %get3A_1631, %get3A_1632] : memref<2x16x1x1000xf32, #tpu.memory_space<vmem>> -> memref<1x1x1x1000xf32, #tpu.memory_space<vmem>>
        %get3A_1634 = tpu.memref_squeeze %get3A_1633 : memref<1x1x1x1000xf32, #tpu.memory_space<vmem>> -> memref<1x1000xf32, #tpu.memory_space<vmem>>
        %get3A_1635 = arith.index_cast %get3A_1630 : i32 to index
        %get3A_1636 = arith.constant 352 : index
        %get3A_1637 = tpu.vector_load %get3A_1634[%get3A_1635, %get3A_1636] {strides = array<i32>} : memref<1x1000xf32, #tpu.memory_space<vmem>>, vector<16xf32>,
        %gt3A_1638 = arith.cmpf ogt, %get3A_1637, %max3A_1575 : vector<16xf32>
        %max3A_1639 = arith.maximumf %max3A_1575, %get3A_1637 : vector<16xf32>
        %add3A_1640 = arith.constant 352 : i32
        %add3A_1641 = vector.broadcast %add3A_1640 : i32 to vector<16xi32>
        %add3A_1642 = arith.addi %iota3A, %add3A_1641 : vector<16xi32>
        %select_n3A_1643 = arith.select %gt3A_1638, %add3A_1642, %select_n3A_1579 : vector<16xi1>, vector<16xi32>
        %exp3A_1644 = math.exp %get3A_1637 : vector<16xf32>
        %add3A_1645 = arith.addf %add3A_1581, %exp3A_1644 : vector<16xf32>
        %get3A_1646 = arith.constant 0 : i32
        %get3A_1647 = arith.constant 0 : i32
        %get3A_1648 = arith.constant 0 : i32
        %get3A_1649 = tpu.memref_slice %arg7[%rem3A_78, %scan3A_197, %get3A_1647, %get3A_1648] : memref<2x16x1x1000xf32, #tpu.memory_space<vmem>> -> memref<1x1x1x1000xf32, #tpu.memory_space<vmem>>
        %get3A_1650 = tpu.memref_squeeze %get3A_1649 : memref<1x1x1x1000xf32, #tpu.memory_space<vmem>> -> memref<1x1000xf32, #tpu.memory_space<vmem>>
        %get3A_1651 = arith.index_cast %get3A_1646 : i32 to index
        %get3A_1652 = arith.constant 368 : index
        %get3A_1653 = tpu.vector_load %get3A_1650[%get3A_1651, %get3A_1652] {strides = array<i32>} : memref<1x1000xf32, #tpu.memory_space<vmem>>, vector<16xf32>,
        %gt3A_1654 = arith.cmpf ogt, %get3A_1653, %max3A_1591 : vector<16xf32>
        %max3A_1655 = arith.maximumf %max3A_1591, %get3A_1653 : vector<16xf32>
        %add3A_1656 = arith.constant 368 : i32
        %add3A_1657 = vector.broadcast %add3A_1656 : i32 to vector<16xi32>
        %add3A_1658 = arith.addi %iota3A, %add3A_1657 : vector<16xi32>
        %select_n3A_1659 = arith.select %gt3A_1654, %add3A_1658, %select_n3A_1595 : vector<16xi1>, vector<16xi32>
        %exp3A_1660 = math.exp %get3A_1653 : vector<16xf32>
        %add3A_1661 = arith.addf %add3A_1597, %exp3A_1660 : vector<16xf32>
        %get3A_1662 = arith.constant 0 : i32
        %get3A_1663 = arith.constant 0 : i32
        %get3A_1664 = arith.constant 0 : i32
        %get3A_1665 = tpu.memref_slice %arg7[%rem3A_78, %scan3A_197, %get3A_1663, %get3A_1664] : memref<2x16x1x1000xf32, #tpu.memory_space<vmem>> -> memref<1x1x1x1000xf32, #tpu.memory_space<vmem>>
        %get3A_1666 = tpu.memref_squeeze %get3A_1665 : memref<1x1x1x1000xf32, #tpu.memory_space<vmem>> -> memref<1x1000xf32, #tpu.memory_space<vmem>>
        %get3A_1667 = arith.index_cast %get3A_1662 : i32 to index
        %get3A_1668 = arith.constant 384 : index
        %get3A_1669 = tpu.vector_load %get3A_1666[%get3A_1667, %get3A_1668] {strides = array<i32>} : memref<1x1000xf32, #tpu.memory_space<vmem>>, vector<16xf32>,
        %gt3A_1670 = arith.cmpf ogt, %get3A_1669, %max3A_1607 : vector<16xf32>
        %max3A_1671 = arith.maximumf %max3A_1607, %get3A_1669 : vector<16xf32>
        %add3A_1672 = arith.constant 384 : i32
        %add3A_1673 = vector.broadcast %add3A_1672 : i32 to vector<16xi32>
        %add3A_1674 = arith.addi %iota3A, %add3A_1673 : vector<16xi32>
        %select_n3A_1675 = arith.select %gt3A_1670, %add3A_1674, %select_n3A_1611 : vector<16xi1>, vector<16xi32>
        %exp3A_1676 = math.exp %get3A_1669 : vector<16xf32>
        %add3A_1677 = arith.addf %add3A_1613, %exp3A_1676 : vector<16xf32>
        %get3A_1678 = arith.constant 0 : i32
        %get3A_1679 = arith.constant 0 : i32
        %get3A_1680 = arith.constant 0 : i32
        %get3A_1681 = tpu.memref_slice %arg7[%rem3A_78, %scan3A_197, %get3A_1679, %get3A_1680] : memref<2x16x1x1000xf32, #tpu.memory_space<vmem>> -> memref<1x1x1x1000xf32, #tpu.memory_space<vmem>>
        %get3A_1682 = tpu.memref_squeeze %get3A_1681 : memref<1x1x1x1000xf32, #tpu.memory_space<vmem>> -> memref<1x1000xf32, #tpu.memory_space<vmem>>
        %get3A_1683 = arith.index_cast %get3A_1678 : i32 to index
        %get3A_1684 = arith.constant 400 : index
        %get3A_1685 = tpu.vector_load %get3A_1682[%get3A_1683, %get3A_1684] {strides = array<i32>} : memref<1x1000xf32, #tpu.memory_space<vmem>>, vector<16xf32>,
        %gt3A_1686 = arith.cmpf ogt, %get3A_1685, %max3A_1623 : vector<16xf32>
        %max3A_1687 = arith.maximumf %max3A_1623, %get3A_1685 : vector<16xf32>
        %add3A_1688 = arith.constant 400 : i32
        %add3A_1689 = vector.broadcast %add3A_1688 : i32 to vector<16xi32>
        %add3A_1690 = arith.addi %iota3A, %add3A_1689 : vector<16xi32>
        %select_n3A_1691 = arith.select %gt3A_1686, %add3A_1690, %select_n3A_1627 : vector<16xi1>, vector<16xi32>
        %exp3A_1692 = math.exp %get3A_1685 : vector<16xf32>
        %add3A_1693 = arith.addf %add3A_1629, %exp3A_1692 : vector<16xf32>
        %get3A_1694 = arith.constant 0 : i32
        %get3A_1695 = arith.constant 0 : i32
        %get3A_1696 = arith.constant 0 : i32
        %get3A_1697 = tpu.memref_slice %arg7[%rem3A_78, %scan3A_197, %get3A_1695, %get3A_1696] : memref<2x16x1x1000xf32, #tpu.memory_space<vmem>> -> memref<1x1x1x1000xf32, #tpu.memory_space<vmem>>
        %get3A_1698 = tpu.memref_squeeze %get3A_1697 : memref<1x1x1x1000xf32, #tpu.memory_space<vmem>> -> memref<1x1000xf32, #tpu.memory_space<vmem>>
        %get3A_1699 = arith.index_cast %get3A_1694 : i32 to index
        %get3A_1700 = arith.constant 416 : index
        %get3A_1701 = tpu.vector_load %get3A_1698[%get3A_1699, %get3A_1700] {strides = array<i32>} : memref<1x1000xf32, #tpu.memory_space<vmem>>, vector<16xf32>,
        %gt3A_1702 = arith.cmpf ogt, %get3A_1701, %max3A_1639 : vector<16xf32>
        %max3A_1703 = arith.maximumf %max3A_1639, %get3A_1701 : vector<16xf32>
        %add3A_1704 = arith.constant 416 : i32
        %add3A_1705 = vector.broadcast %add3A_1704 : i32 to vector<16xi32>
        %add3A_1706 = arith.addi %iota3A, %add3A_1705 : vector<16xi32>
        %select_n3A_1707 = arith.select %gt3A_1702, %add3A_1706, %select_n3A_1643 : vector<16xi1>, vector<16xi32>
        %exp3A_1708 = math.exp %get3A_1701 : vector<16xf32>
        %add3A_1709 = arith.addf %add3A_1645, %exp3A_1708 : vector<16xf32>
        %get3A_1710 = arith.constant 0 : i32
        %get3A_1711 = arith.constant 0 : i32
        %get3A_1712 = arith.constant 0 : i32
        %get3A_1713 = tpu.memref_slice %arg7[%rem3A_78, %scan3A_197, %get3A_1711, %get3A_1712] : memref<2x16x1x1000xf32, #tpu.memory_space<vmem>> -> memref<1x1x1x1000xf32, #tpu.memory_space<vmem>>
        %get3A_1714 = tpu.memref_squeeze %get3A_1713 : memref<1x1x1x1000xf32, #tpu.memory_space<vmem>> -> memref<1x1000xf32, #tpu.memory_space<vmem>>
        %get3A_1715 = arith.index_cast %get3A_1710 : i32 to index
        %get3A_1716 = arith.constant 432 : index
        %get3A_1717 = tpu.vector_load %get3A_1714[%get3A_1715, %get3A_1716] {strides = array<i32>} : memref<1x1000xf32, #tpu.memory_space<vmem>>, vector<16xf32>,
        %gt3A_1718 = arith.cmpf ogt, %get3A_1717, %max3A_1655 : vector<16xf32>
        %max3A_1719 = arith.maximumf %max3A_1655, %get3A_1717 : vector<16xf32>
        %add3A_1720 = arith.constant 432 : i32
        %add3A_1721 = vector.broadcast %add3A_1720 : i32 to vector<16xi32>
        %add3A_1722 = arith.addi %iota3A, %add3A_1721 : vector<16xi32>
        %select_n3A_1723 = arith.select %gt3A_1718, %add3A_1722, %select_n3A_1659 : vector<16xi1>, vector<16xi32>
        %exp3A_1724 = math.exp %get3A_1717 : vector<16xf32>
        %add3A_1725 = arith.addf %add3A_1661, %exp3A_1724 : vector<16xf32>
        %get3A_1726 = arith.constant 0 : i32
        %get3A_1727 = arith.constant 0 : i32
        %get3A_1728 = arith.constant 0 : i32
        %get3A_1729 = tpu.memref_slice %arg7[%rem3A_78, %scan3A_197, %get3A_1727, %get3A_1728] : memref<2x16x1x1000xf32, #tpu.memory_space<vmem>> -> memref<1x1x1x1000xf32, #tpu.memory_space<vmem>>
        %get3A_1730 = tpu.memref_squeeze %get3A_1729 : memref<1x1x1x1000xf32, #tpu.memory_space<vmem>> -> memref<1x1000xf32, #tpu.memory_space<vmem>>
        %get3A_1731 = arith.index_cast %get3A_1726 : i32 to index
        %get3A_1732 = arith.constant 448 : index
        %get3A_1733 = tpu.vector_load %get3A_1730[%get3A_1731, %get3A_1732] {strides = array<i32>} : memref<1x1000xf32, #tpu.memory_space<vmem>>, vector<16xf32>,
        %gt3A_1734 = arith.cmpf ogt, %get3A_1733, %max3A_1671 : vector<16xf32>
        %max3A_1735 = arith.maximumf %max3A_1671, %get3A_1733 : vector<16xf32>
        %add3A_1736 = arith.constant 448 : i32
        %add3A_1737 = vector.broadcast %add3A_1736 : i32 to vector<16xi32>
        %add3A_1738 = arith.addi %iota3A, %add3A_1737 : vector<16xi32>
        %select_n3A_1739 = arith.select %gt3A_1734, %add3A_1738, %select_n3A_1675 : vector<16xi1>, vector<16xi32>
        %exp3A_1740 = math.exp %get3A_1733 : vector<16xf32>
        %add3A_1741 = arith.addf %add3A_1677, %exp3A_1740 : vector<16xf32>
        %get3A_1742 = arith.constant 0 : i32
        %get3A_1743 = arith.constant 0 : i32
        %get3A_1744 = arith.constant 0 : i32
        %get3A_1745 = tpu.memref_slice %arg7[%rem3A_78, %scan3A_197, %get3A_1743, %get3A_1744] : memref<2x16x1x1000xf32, #tpu.memory_space<vmem>> -> memref<1x1x1x1000xf32, #tpu.memory_space<vmem>>
        %get3A_1746 = tpu.memref_squeeze %get3A_1745 : memref<1x1x1x1000xf32, #tpu.memory_space<vmem>> -> memref<1x1000xf32, #tpu.memory_space<vmem>>
        %get3A_1747 = arith.index_cast %get3A_1742 : i32 to index
        %get3A_1748 = arith.constant 464 : index
        %get3A_1749 = tpu.vector_load %get3A_1746[%get3A_1747, %get3A_1748] {strides = array<i32>} : memref<1x1000xf32, #tpu.memory_space<vmem>>, vector<16xf32>,
        %gt3A_1750 = arith.cmpf ogt, %get3A_1749, %max3A_1687 : vector<16xf32>
        %max3A_1751 = arith.maximumf %max3A_1687, %get3A_1749 : vector<16xf32>
        %add3A_1752 = arith.constant 464 : i32
        %add3A_1753 = vector.broadcast %add3A_1752 : i32 to vector<16xi32>
        %add3A_1754 = arith.addi %iota3A, %add3A_1753 : vector<16xi32>
        %select_n3A_1755 = arith.select %gt3A_1750, %add3A_1754, %select_n3A_1691 : vector<16xi1>, vector<16xi32>
        %exp3A_1756 = math.exp %get3A_1749 : vector<16xf32>
        %add3A_1757 = arith.addf %add3A_1693, %exp3A_1756 : vector<16xf32>
        %get3A_1758 = arith.constant 0 : i32
        %get3A_1759 = arith.constant 0 : i32
        %get3A_1760 = arith.constant 0 : i32
        %get3A_1761 = tpu.memref_slice %arg7[%rem3A_78, %scan3A_197, %get3A_1759, %get3A_1760] : memref<2x16x1x1000xf32, #tpu.memory_space<vmem>> -> memref<1x1x1x1000xf32, #tpu.memory_space<vmem>>
        %get3A_1762 = tpu.memref_squeeze %get3A_1761 : memref<1x1x1x1000xf32, #tpu.memory_space<vmem>> -> memref<1x1000xf32, #tpu.memory_space<vmem>>
        %get3A_1763 = arith.index_cast %get3A_1758 : i32 to index
        %get3A_1764 = arith.constant 480 : index
        %get3A_1765 = tpu.vector_load %get3A_1762[%get3A_1763, %get3A_1764] {strides = array<i32>} : memref<1x1000xf32, #tpu.memory_space<vmem>>, vector<16xf32>,
        %gt3A_1766 = arith.cmpf ogt, %get3A_1765, %max3A_1703 : vector<16xf32>
        %max3A_1767 = arith.maximumf %max3A_1703, %get3A_1765 : vector<16xf32>
        %add3A_1768 = arith.constant 480 : i32
        %add3A_1769 = vector.broadcast %add3A_1768 : i32 to vector<16xi32>
        %add3A_1770 = arith.addi %iota3A, %add3A_1769 : vector<16xi32>
        %select_n3A_1771 = arith.select %gt3A_1766, %add3A_1770, %select_n3A_1707 : vector<16xi1>, vector<16xi32>
        %exp3A_1772 = math.exp %get3A_1765 : vector<16xf32>
        %add3A_1773 = arith.addf %add3A_1709, %exp3A_1772 : vector<16xf32>
        %get3A_1774 = arith.constant 0 : i32
        %get3A_1775 = arith.constant 0 : i32
        %get3A_1776 = arith.constant 0 : i32
        %get3A_1777 = tpu.memref_slice %arg7[%rem3A_78, %scan3A_197, %get3A_1775, %get3A_1776] : memref<2x16x1x1000xf32, #tpu.memory_space<vmem>> -> memref<1x1x1x1000xf32, #tpu.memory_space<vmem>>
        %get3A_1778 = tpu.memref_squeeze %get3A_1777 : memref<1x1x1x1000xf32, #tpu.memory_space<vmem>> -> memref<1x1000xf32, #tpu.memory_space<vmem>>
        %get3A_1779 = arith.index_cast %get3A_1774 : i32 to index
        %get3A_1780 = arith.constant 496 : index
        %get3A_1781 = tpu.vector_load %get3A_1778[%get3A_1779, %get3A_1780] {strides = array<i32>} : memref<1x1000xf32, #tpu.memory_space<vmem>>, vector<16xf32>,
        %gt3A_1782 = arith.cmpf ogt, %get3A_1781, %max3A_1719 : vector<16xf32>
        %max3A_1783 = arith.maximumf %max3A_1719, %get3A_1781 : vector<16xf32>
        %add3A_1784 = arith.constant 496 : i32
        %add3A_1785 = vector.broadcast %add3A_1784 : i32 to vector<16xi32>
        %add3A_1786 = arith.addi %iota3A, %add3A_1785 : vector<16xi32>
        %select_n3A_1787 = arith.select %gt3A_1782, %add3A_1786, %select_n3A_1723 : vector<16xi1>, vector<16xi32>
        %exp3A_1788 = math.exp %get3A_1781 : vector<16xf32>
        %add3A_1789 = arith.addf %add3A_1725, %exp3A_1788 : vector<16xf32>
        %get3A_1790 = arith.constant 0 : i32
        %get3A_1791 = arith.constant 0 : i32
        %get3A_1792 = arith.constant 0 : i32
        %get3A_1793 = tpu.memref_slice %arg7[%rem3A_78, %scan3A_197, %get3A_1791, %get3A_1792] : memref<2x16x1x1000xf32, #tpu.memory_space<vmem>> -> memref<1x1x1x1000xf32, #tpu.memory_space<vmem>>
        %get3A_1794 = tpu.memref_squeeze %get3A_1793 : memref<1x1x1x1000xf32, #tpu.memory_space<vmem>> -> memref<1x1000xf32, #tpu.memory_space<vmem>>
        %get3A_1795 = arith.index_cast %get3A_1790 : i32 to index
        %get3A_1796 = arith.constant 512 : index
        %get3A_1797 = tpu.vector_load %get3A_1794[%get3A_1795, %get3A_1796] {strides = array<i32>} : memref<1x1000xf32, #tpu.memory_space<vmem>>, vector<16xf32>,
        %gt3A_1798 = arith.cmpf ogt, %get3A_1797, %max3A_1735 : vector<16xf32>
        %max3A_1799 = arith.maximumf %max3A_1735, %get3A_1797 : vector<16xf32>
        %add3A_1800 = arith.constant 512 : i32
        %add3A_1801 = vector.broadcast %add3A_1800 : i32 to vector<16xi32>
        %add3A_1802 = arith.addi %iota3A, %add3A_1801 : vector<16xi32>
        %select_n3A_1803 = arith.select %gt3A_1798, %add3A_1802, %select_n3A_1739 : vector<16xi1>, vector<16xi32>
        %exp3A_1804 = math.exp %get3A_1797 : vector<16xf32>
        %add3A_1805 = arith.addf %add3A_1741, %exp3A_1804 : vector<16xf32>
        %get3A_1806 = arith.constant 0 : i32
        %get3A_1807 = arith.constant 0 : i32
        %get3A_1808 = arith.constant 0 : i32
        %get3A_1809 = tpu.memref_slice %arg7[%rem3A_78, %scan3A_197, %get3A_1807, %get3A_1808] : memref<2x16x1x1000xf32, #tpu.memory_space<vmem>> -> memref<1x1x1x1000xf32, #tpu.memory_space<vmem>>
        %get3A_1810 = tpu.memref_squeeze %get3A_1809 : memref<1x1x1x1000xf32, #tpu.memory_space<vmem>> -> memref<1x1000xf32, #tpu.memory_space<vmem>>
        %get3A_1811 = arith.index_cast %get3A_1806 : i32 to index
        %get3A_1812 = arith.constant 528 : index
        %get3A_1813 = tpu.vector_load %get3A_1810[%get3A_1811, %get3A_1812] {strides = array<i32>} : memref<1x1000xf32, #tpu.memory_space<vmem>>, vector<16xf32>,
        %gt3A_1814 = arith.cmpf ogt, %get3A_1813, %max3A_1751 : vector<16xf32>
        %max3A_1815 = arith.maximumf %max3A_1751, %get3A_1813 : vector<16xf32>
        %add3A_1816 = arith.constant 528 : i32
        %add3A_1817 = vector.broadcast %add3A_1816 : i32 to vector<16xi32>
        %add3A_1818 = arith.addi %iota3A, %add3A_1817 : vector<16xi32>
        %select_n3A_1819 = arith.select %gt3A_1814, %add3A_1818, %select_n3A_1755 : vector<16xi1>, vector<16xi32>
        %exp3A_1820 = math.exp %get3A_1813 : vector<16xf32>
        %add3A_1821 = arith.addf %add3A_1757, %exp3A_1820 : vector<16xf32>
        %get3A_1822 = arith.constant 0 : i32
        %get3A_1823 = arith.constant 0 : i32
        %get3A_1824 = arith.constant 0 : i32
        %get3A_1825 = tpu.memref_slice %arg7[%rem3A_78, %scan3A_197, %get3A_1823, %get3A_1824] : memref<2x16x1x1000xf32, #tpu.memory_space<vmem>> -> memref<1x1x1x1000xf32, #tpu.memory_space<vmem>>
        %get3A_1826 = tpu.memref_squeeze %get3A_1825 : memref<1x1x1x1000xf32, #tpu.memory_space<vmem>> -> memref<1x1000xf32, #tpu.memory_space<vmem>>
        %get3A_1827 = arith.index_cast %get3A_1822 : i32 to index
        %get3A_1828 = arith.constant 544 : index
        %get3A_1829 = tpu.vector_load %get3A_1826[%get3A_1827, %get3A_1828] {strides = array<i32>} : memref<1x1000xf32, #tpu.memory_space<vmem>>, vector<16xf32>,
        %gt3A_1830 = arith.cmpf ogt, %get3A_1829, %max3A_1767 : vector<16xf32>
        %max3A_1831 = arith.maximumf %max3A_1767, %get3A_1829 : vector<16xf32>
        %add3A_1832 = arith.constant 544 : i32
        %add3A_1833 = vector.broadcast %add3A_1832 : i32 to vector<16xi32>
        %add3A_1834 = arith.addi %iota3A, %add3A_1833 : vector<16xi32>
        %select_n3A_1835 = arith.select %gt3A_1830, %add3A_1834, %select_n3A_1771 : vector<16xi1>, vector<16xi32>
        %exp3A_1836 = math.exp %get3A_1829 : vector<16xf32>
        %add3A_1837 = arith.addf %add3A_1773, %exp3A_1836 : vector<16xf32>
        %get3A_1838 = arith.constant 0 : i32
        %get3A_1839 = arith.constant 0 : i32
        %get3A_1840 = arith.constant 0 : i32
        %get3A_1841 = tpu.memref_slice %arg7[%rem3A_78, %scan3A_197, %get3A_1839, %get3A_1840] : memref<2x16x1x1000xf32, #tpu.memory_space<vmem>> -> memref<1x1x1x1000xf32, #tpu.memory_space<vmem>>
        %get3A_1842 = tpu.memref_squeeze %get3A_1841 : memref<1x1x1x1000xf32, #tpu.memory_space<vmem>> -> memref<1x1000xf32, #tpu.memory_space<vmem>>
        %get3A_1843 = arith.index_cast %get3A_1838 : i32 to index
        %get3A_1844 = arith.constant 560 : index
        %get3A_1845 = tpu.vector_load %get3A_1842[%get3A_1843, %get3A_1844] {strides = array<i32>} : memref<1x1000xf32, #tpu.memory_space<vmem>>, vector<16xf32>,
        %gt3A_1846 = arith.cmpf ogt, %get3A_1845, %max3A_1783 : vector<16xf32>
        %max3A_1847 = arith.maximumf %max3A_1783, %get3A_1845 : vector<16xf32>
        %add3A_1848 = arith.constant 560 : i32
        %add3A_1849 = vector.broadcast %add3A_1848 : i32 to vector<16xi32>
        %add3A_1850 = arith.addi %iota3A, %add3A_1849 : vector<16xi32>
        %select_n3A_1851 = arith.select %gt3A_1846, %add3A_1850, %select_n3A_1787 : vector<16xi1>, vector<16xi32>
        %exp3A_1852 = math.exp %get3A_1845 : vector<16xf32>
        %add3A_1853 = arith.addf %add3A_1789, %exp3A_1852 : vector<16xf32>
        %get3A_1854 = arith.constant 0 : i32
        %get3A_1855 = arith.constant 0 : i32
        %get3A_1856 = arith.constant 0 : i32
        %get3A_1857 = tpu.memref_slice %arg7[%rem3A_78, %scan3A_197, %get3A_1855, %get3A_1856] : memref<2x16x1x1000xf32, #tpu.memory_space<vmem>> -> memref<1x1x1x1000xf32, #tpu.memory_space<vmem>>
        %get3A_1858 = tpu.memref_squeeze %get3A_1857 : memref<1x1x1x1000xf32, #tpu.memory_space<vmem>> -> memref<1x1000xf32, #tpu.memory_space<vmem>>
        %get3A_1859 = arith.index_cast %get3A_1854 : i32 to index
        %get3A_1860 = arith.constant 576 : index
        %get3A_1861 = tpu.vector_load %get3A_1858[%get3A_1859, %get3A_1860] {strides = array<i32>} : memref<1x1000xf32, #tpu.memory_space<vmem>>, vector<16xf32>,
        %gt3A_1862 = arith.cmpf ogt, %get3A_1861, %max3A_1799 : vector<16xf32>
        %max3A_1863 = arith.maximumf %max3A_1799, %get3A_1861 : vector<16xf32>
        %add3A_1864 = arith.constant 576 : i32
        %add3A_1865 = vector.broadcast %add3A_1864 : i32 to vector<16xi32>
        %add3A_1866 = arith.addi %iota3A, %add3A_1865 : vector<16xi32>
        %select_n3A_1867 = arith.select %gt3A_1862, %add3A_1866, %select_n3A_1803 : vector<16xi1>, vector<16xi32>
        %exp3A_1868 = math.exp %get3A_1861 : vector<16xf32>
        %add3A_1869 = arith.addf %add3A_1805, %exp3A_1868 : vector<16xf32>
        %get3A_1870 = arith.constant 0 : i32
        %get3A_1871 = arith.constant 0 : i32
        %get3A_1872 = arith.constant 0 : i32
        %get3A_1873 = tpu.memref_slice %arg7[%rem3A_78, %scan3A_197, %get3A_1871, %get3A_1872] : memref<2x16x1x1000xf32, #tpu.memory_space<vmem>> -> memref<1x1x1x1000xf32, #tpu.memory_space<vmem>>
        %get3A_1874 = tpu.memref_squeeze %get3A_1873 : memref<1x1x1x1000xf32, #tpu.memory_space<vmem>> -> memref<1x1000xf32, #tpu.memory_space<vmem>>
        %get3A_1875 = arith.index_cast %get3A_1870 : i32 to index
        %get3A_1876 = arith.constant 592 : index
        %get3A_1877 = tpu.vector_load %get3A_1874[%get3A_1875, %get3A_1876] {strides = array<i32>} : memref<1x1000xf32, #tpu.memory_space<vmem>>, vector<16xf32>,
        %gt3A_1878 = arith.cmpf ogt, %get3A_1877, %max3A_1815 : vector<16xf32>
        %max3A_1879 = arith.maximumf %max3A_1815, %get3A_1877 : vector<16xf32>
        %add3A_1880 = arith.constant 592 : i32
        %add3A_1881 = vector.broadcast %add3A_1880 : i32 to vector<16xi32>
        %add3A_1882 = arith.addi %iota3A, %add3A_1881 : vector<16xi32>
        %select_n3A_1883 = arith.select %gt3A_1878, %add3A_1882, %select_n3A_1819 : vector<16xi1>, vector<16xi32>
        %exp3A_1884 = math.exp %get3A_1877 : vector<16xf32>
        %add3A_1885 = arith.addf %add3A_1821, %exp3A_1884 : vector<16xf32>
        %get3A_1886 = arith.constant 0 : i32
        %get3A_1887 = arith.constant 0 : i32
        %get3A_1888 = arith.constant 0 : i32
        %get3A_1889 = tpu.memref_slice %arg7[%rem3A_78, %scan3A_197, %get3A_1887, %get3A_1888] : memref<2x16x1x1000xf32, #tpu.memory_space<vmem>> -> memref<1x1x1x1000xf32, #tpu.memory_space<vmem>>
        %get3A_1890 = tpu.memref_squeeze %get3A_1889 : memref<1x1x1x1000xf32, #tpu.memory_space<vmem>> -> memref<1x1000xf32, #tpu.memory_space<vmem>>
        %get3A_1891 = arith.index_cast %get3A_1886 : i32 to index
        %get3A_1892 = arith.constant 608 : index
        %get3A_1893 = tpu.vector_load %get3A_1890[%get3A_1891, %get3A_1892] {strides = array<i32>} : memref<1x1000xf32, #tpu.memory_space<vmem>>, vector<16xf32>,
        %gt3A_1894 = arith.cmpf ogt, %get3A_1893, %max3A_1831 : vector<16xf32>
        %max3A_1895 = arith.maximumf %max3A_1831, %get3A_1893 : vector<16xf32>
        %add3A_1896 = arith.constant 608 : i32
        %add3A_1897 = vector.broadcast %add3A_1896 : i32 to vector<16xi32>
        %add3A_1898 = arith.addi %iota3A, %add3A_1897 : vector<16xi32>
        %select_n3A_1899 = arith.select %gt3A_1894, %add3A_1898, %select_n3A_1835 : vector<16xi1>, vector<16xi32>
        %exp3A_1900 = math.exp %get3A_1893 : vector<16xf32>
        %add3A_1901 = arith.addf %add3A_1837, %exp3A_1900 : vector<16xf32>
        %get3A_1902 = arith.constant 0 : i32
        %get3A_1903 = arith.constant 0 : i32
        %get3A_1904 = arith.constant 0 : i32
        %get3A_1905 = tpu.memref_slice %arg7[%rem3A_78, %scan3A_197, %get3A_1903, %get3A_1904] : memref<2x16x1x1000xf32, #tpu.memory_space<vmem>> -> memref<1x1x1x1000xf32, #tpu.memory_space<vmem>>
        %get3A_1906 = tpu.memref_squeeze %get3A_1905 : memref<1x1x1x1000xf32, #tpu.memory_space<vmem>> -> memref<1x1000xf32, #tpu.memory_space<vmem>>
        %get3A_1907 = arith.index_cast %get3A_1902 : i32 to index
        %get3A_1908 = arith.constant 624 : index
        %get3A_1909 = tpu.vector_load %get3A_1906[%get3A_1907, %get3A_1908] {strides = array<i32>} : memref<1x1000xf32, #tpu.memory_space<vmem>>, vector<16xf32>,
        %gt3A_1910 = arith.cmpf ogt, %get3A_1909, %max3A_1847 : vector<16xf32>
        %max3A_1911 = arith.maximumf %max3A_1847, %get3A_1909 : vector<16xf32>
        %add3A_1912 = arith.constant 624 : i32
        %add3A_1913 = vector.broadcast %add3A_1912 : i32 to vector<16xi32>
        %add3A_1914 = arith.addi %iota3A, %add3A_1913 : vector<16xi32>
        %select_n3A_1915 = arith.select %gt3A_1910, %add3A_1914, %select_n3A_1851 : vector<16xi1>, vector<16xi32>
        %exp3A_1916 = math.exp %get3A_1909 : vector<16xf32>
        %add3A_1917 = arith.addf %add3A_1853, %exp3A_1916 : vector<16xf32>
        %get3A_1918 = arith.constant 0 : i32
        %get3A_1919 = arith.constant 0 : i32
        %get3A_1920 = arith.constant 0 : i32
        %get3A_1921 = tpu.memref_slice %arg7[%rem3A_78, %scan3A_197, %get3A_1919, %get3A_1920] : memref<2x16x1x1000xf32, #tpu.memory_space<vmem>> -> memref<1x1x1x1000xf32, #tpu.memory_space<vmem>>
        %get3A_1922 = tpu.memref_squeeze %get3A_1921 : memref<1x1x1x1000xf32, #tpu.memory_space<vmem>> -> memref<1x1000xf32, #tpu.memory_space<vmem>>
        %get3A_1923 = arith.index_cast %get3A_1918 : i32 to index
        %get3A_1924 = arith.constant 640 : index
        %get3A_1925 = tpu.vector_load %get3A_1922[%get3A_1923, %get3A_1924] {strides = array<i32>} : memref<1x1000xf32, #tpu.memory_space<vmem>>, vector<16xf32>,
        %gt3A_1926 = arith.cmpf ogt, %get3A_1925, %max3A_1863 : vector<16xf32>
        %max3A_1927 = arith.maximumf %max3A_1863, %get3A_1925 : vector<16xf32>
        %add3A_1928 = arith.constant 640 : i32
        %add3A_1929 = vector.broadcast %add3A_1928 : i32 to vector<16xi32>
        %add3A_1930 = arith.addi %iota3A, %add3A_1929 : vector<16xi32>
        %select_n3A_1931 = arith.select %gt3A_1926, %add3A_1930, %select_n3A_1867 : vector<16xi1>, vector<16xi32>
        %exp3A_1932 = math.exp %get3A_1925 : vector<16xf32>
        %add3A_1933 = arith.addf %add3A_1869, %exp3A_1932 : vector<16xf32>
        %get3A_1934 = arith.constant 0 : i32
        %get3A_1935 = arith.constant 0 : i32
        %get3A_1936 = arith.constant 0 : i32
        %get3A_1937 = tpu.memref_slice %arg7[%rem3A_78, %scan3A_197, %get3A_1935, %get3A_1936] : memref<2x16x1x1000xf32, #tpu.memory_space<vmem>> -> memref<1x1x1x1000xf32, #tpu.memory_space<vmem>>
        %get3A_1938 = tpu.memref_squeeze %get3A_1937 : memref<1x1x1x1000xf32, #tpu.memory_space<vmem>> -> memref<1x1000xf32, #tpu.memory_space<vmem>>
        %get3A_1939 = arith.index_cast %get3A_1934 : i32 to index
        %get3A_1940 = arith.constant 656 : index
        %get3A_1941 = tpu.vector_load %get3A_1938[%get3A_1939, %get3A_1940] {strides = array<i32>} : memref<1x1000xf32, #tpu.memory_space<vmem>>, vector<16xf32>,
        %gt3A_1942 = arith.cmpf ogt, %get3A_1941, %max3A_1879 : vector<16xf32>
        %max3A_1943 = arith.maximumf %max3A_1879, %get3A_1941 : vector<16xf32>
        %add3A_1944 = arith.constant 656 : i32
        %add3A_1945 = vector.broadcast %add3A_1944 : i32 to vector<16xi32>
        %add3A_1946 = arith.addi %iota3A, %add3A_1945 : vector<16xi32>
        %select_n3A_1947 = arith.select %gt3A_1942, %add3A_1946, %select_n3A_1883 : vector<16xi1>, vector<16xi32>
        %exp3A_1948 = math.exp %get3A_1941 : vector<16xf32>
        %add3A_1949 = arith.addf %add3A_1885, %exp3A_1948 : vector<16xf32>
        %get3A_1950 = arith.constant 0 : i32
        %get3A_1951 = arith.constant 0 : i32
        %get3A_1952 = arith.constant 0 : i32
        %get3A_1953 = tpu.memref_slice %arg7[%rem3A_78, %scan3A_197, %get3A_1951, %get3A_1952] : memref<2x16x1x1000xf32, #tpu.memory_space<vmem>> -> memref<1x1x1x1000xf32, #tpu.memory_space<vmem>>
        %get3A_1954 = tpu.memref_squeeze %get3A_1953 : memref<1x1x1x1000xf32, #tpu.memory_space<vmem>> -> memref<1x1000xf32, #tpu.memory_space<vmem>>
        %get3A_1955 = arith.index_cast %get3A_1950 : i32 to index
        %get3A_1956 = arith.constant 672 : index
        %get3A_1957 = tpu.vector_load %get3A_1954[%get3A_1955, %get3A_1956] {strides = array<i32>} : memref<1x1000xf32, #tpu.memory_space<vmem>>, vector<16xf32>,
        %gt3A_1958 = arith.cmpf ogt, %get3A_1957, %max3A_1895 : vector<16xf32>
        %max3A_1959 = arith.maximumf %max3A_1895, %get3A_1957 : vector<16xf32>
        %add3A_1960 = arith.constant 672 : i32
        %add3A_1961 = vector.broadcast %add3A_1960 : i32 to vector<16xi32>
        %add3A_1962 = arith.addi %iota3A, %add3A_1961 : vector<16xi32>
        %select_n3A_1963 = arith.select %gt3A_1958, %add3A_1962, %select_n3A_1899 : vector<16xi1>, vector<16xi32>
        %exp3A_1964 = math.exp %get3A_1957 : vector<16xf32>
        %add3A_1965 = arith.addf %add3A_1901, %exp3A_1964 : vector<16xf32>
        %get3A_1966 = arith.constant 0 : i32
        %get3A_1967 = arith.constant 0 : i32
        %get3A_1968 = arith.constant 0 : i32
        %get3A_1969 = tpu.memref_slice %arg7[%rem3A_78, %scan3A_197, %get3A_1967, %get3A_1968] : memref<2x16x1x1000xf32, #tpu.memory_space<vmem>> -> memref<1x1x1x1000xf32, #tpu.memory_space<vmem>>
        %get3A_1970 = tpu.memref_squeeze %get3A_1969 : memref<1x1x1x1000xf32, #tpu.memory_space<vmem>> -> memref<1x1000xf32, #tpu.memory_space<vmem>>
        %get3A_1971 = arith.index_cast %get3A_1966 : i32 to index
        %get3A_1972 = arith.constant 688 : index
        %get3A_1973 = tpu.vector_load %get3A_1970[%get3A_1971, %get3A_1972] {strides = array<i32>} : memref<1x1000xf32, #tpu.memory_space<vmem>>, vector<16xf32>,
        %gt3A_1974 = arith.cmpf ogt, %get3A_1973, %max3A_1911 : vector<16xf32>
        %max3A_1975 = arith.maximumf %max3A_1911, %get3A_1973 : vector<16xf32>
        %add3A_1976 = arith.constant 688 : i32
        %add3A_1977 = vector.broadcast %add3A_1976 : i32 to vector<16xi32>
        %add3A_1978 = arith.addi %iota3A, %add3A_1977 : vector<16xi32>
        %select_n3A_1979 = arith.select %gt3A_1974, %add3A_1978, %select_n3A_1915 : vector<16xi1>, vector<16xi32>
        %exp3A_1980 = math.exp %get3A_1973 : vector<16xf32>
        %add3A_1981 = arith.addf %add3A_1917, %exp3A_1980 : vector<16xf32>
        %get3A_1982 = arith.constant 0 : i32
        %get3A_1983 = arith.constant 0 : i32
        %get3A_1984 = arith.constant 0 : i32
        %get3A_1985 = tpu.memref_slice %arg7[%rem3A_78, %scan3A_197, %get3A_1983, %get3A_1984] : memref<2x16x1x1000xf32, #tpu.memory_space<vmem>> -> memref<1x1x1x1000xf32, #tpu.memory_space<vmem>>
        %get3A_1986 = tpu.memref_squeeze %get3A_1985 : memref<1x1x1x1000xf32, #tpu.memory_space<vmem>> -> memref<1x1000xf32, #tpu.memory_space<vmem>>
        %get3A_1987 = arith.index_cast %get3A_1982 : i32 to index
        %get3A_1988 = arith.constant 704 : index
        %get3A_1989 = tpu.vector_load %get3A_1986[%get3A_1987, %get3A_1988] {strides = array<i32>} : memref<1x1000xf32, #tpu.memory_space<vmem>>, vector<16xf32>,
        %gt3A_1990 = arith.cmpf ogt, %get3A_1989, %max3A_1927 : vector<16xf32>
        %max3A_1991 = arith.maximumf %max3A_1927, %get3A_1989 : vector<16xf32>
        %add3A_1992 = arith.constant 704 : i32
        %add3A_1993 = vector.broadcast %add3A_1992 : i32 to vector<16xi32>
        %add3A_1994 = arith.addi %iota3A, %add3A_1993 : vector<16xi32>
        %select_n3A_1995 = arith.select %gt3A_1990, %add3A_1994, %select_n3A_1931 : vector<16xi1>, vector<16xi32>
        %exp3A_1996 = math.exp %get3A_1989 : vector<16xf32>
        %add3A_1997 = arith.addf %add3A_1933, %exp3A_1996 : vector<16xf32>
        %get3A_1998 = arith.constant 0 : i32
        %get3A_1999 = arith.constant 0 : i32
        %get3A_2000 = arith.constant 0 : i32
        %get3A_2001 = tpu.memref_slice %arg7[%rem3A_78, %scan3A_197, %get3A_1999, %get3A_2000] : memref<2x16x1x1000xf32, #tpu.memory_space<vmem>> -> memref<1x1x1x1000xf32, #tpu.memory_space<vmem>>
        %get3A_2002 = tpu.memref_squeeze %get3A_2001 : memref<1x1x1x1000xf32, #tpu.memory_space<vmem>> -> memref<1x1000xf32, #tpu.memory_space<vmem>>
        %get3A_2003 = arith.index_cast %get3A_1998 : i32 to index
        %get3A_2004 = arith.constant 720 : index
        %get3A_2005 = tpu.vector_load %get3A_2002[%get3A_2003, %get3A_2004] {strides = array<i32>} : memref<1x1000xf32, #tpu.memory_space<vmem>>, vector<16xf32>,
        %gt3A_2006 = arith.cmpf ogt, %get3A_2005, %max3A_1943 : vector<16xf32>
        %max3A_2007 = arith.maximumf %max3A_1943, %get3A_2005 : vector<16xf32>
        %add3A_2008 = arith.constant 720 : i32
        %add3A_2009 = vector.broadcast %add3A_2008 : i32 to vector<16xi32>
        %add3A_2010 = arith.addi %iota3A, %add3A_2009 : vector<16xi32>
        %select_n3A_2011 = arith.select %gt3A_2006, %add3A_2010, %select_n3A_1947 : vector<16xi1>, vector<16xi32>
        %exp3A_2012 = math.exp %get3A_2005 : vector<16xf32>
        %add3A_2013 = arith.addf %add3A_1949, %exp3A_2012 : vector<16xf32>
        %get3A_2014 = arith.constant 0 : i32
        %get3A_2015 = arith.constant 0 : i32
        %get3A_2016 = arith.constant 0 : i32
        %get3A_2017 = tpu.memref_slice %arg7[%rem3A_78, %scan3A_197, %get3A_2015, %get3A_2016] : memref<2x16x1x1000xf32, #tpu.memory_space<vmem>> -> memref<1x1x1x1000xf32, #tpu.memory_space<vmem>>
        %get3A_2018 = tpu.memref_squeeze %get3A_2017 : memref<1x1x1x1000xf32, #tpu.memory_space<vmem>> -> memref<1x1000xf32, #tpu.memory_space<vmem>>
        %get3A_2019 = arith.index_cast %get3A_2014 : i32 to index
        %get3A_2020 = arith.constant 736 : index
        %get3A_2021 = tpu.vector_load %get3A_2018[%get3A_2019, %get3A_2020] {strides = array<i32>} : memref<1x1000xf32, #tpu.memory_space<vmem>>, vector<16xf32>,
        %gt3A_2022 = arith.cmpf ogt, %get3A_2021, %max3A_1959 : vector<16xf32>
        %max3A_2023 = arith.maximumf %max3A_1959, %get3A_2021 : vector<16xf32>
        %add3A_2024 = arith.constant 736 : i32
        %add3A_2025 = vector.broadcast %add3A_2024 : i32 to vector<16xi32>
        %add3A_2026 = arith.addi %iota3A, %add3A_2025 : vector<16xi32>
        %select_n3A_2027 = arith.select %gt3A_2022, %add3A_2026, %select_n3A_1963 : vector<16xi1>, vector<16xi32>
        %exp3A_2028 = math.exp %get3A_2021 : vector<16xf32>
        %add3A_2029 = arith.addf %add3A_1965, %exp3A_2028 : vector<16xf32>
        %get3A_2030 = arith.constant 0 : i32
        %get3A_2031 = arith.constant 0 : i32
        %get3A_2032 = arith.constant 0 : i32
        %get3A_2033 = tpu.memref_slice %arg7[%rem3A_78, %scan3A_197, %get3A_2031, %get3A_2032] : memref<2x16x1x1000xf32, #tpu.memory_space<vmem>> -> memref<1x1x1x1000xf32, #tpu.memory_space<vmem>>
        %get3A_2034 = tpu.memref_squeeze %get3A_2033 : memref<1x1x1x1000xf32, #tpu.memory_space<vmem>> -> memref<1x1000xf32, #tpu.memory_space<vmem>>
        %get3A_2035 = arith.index_cast %get3A_2030 : i32 to index
        %get3A_2036 = arith.constant 752 : index
        %get3A_2037 = tpu.vector_load %get3A_2034[%get3A_2035, %get3A_2036] {strides = array<i32>} : memref<1x1000xf32, #tpu.memory_space<vmem>>, vector<16xf32>,
        %gt3A_2038 = arith.cmpf ogt, %get3A_2037, %max3A_1975 : vector<16xf32>
        %max3A_2039 = arith.maximumf %max3A_1975, %get3A_2037 : vector<16xf32>
        %add3A_2040 = arith.constant 752 : i32
        %add3A_2041 = vector.broadcast %add3A_2040 : i32 to vector<16xi32>
        %add3A_2042 = arith.addi %iota3A, %add3A_2041 : vector<16xi32>
        %select_n3A_2043 = arith.select %gt3A_2038, %add3A_2042, %select_n3A_1979 : vector<16xi1>, vector<16xi32>
        %exp3A_2044 = math.exp %get3A_2037 : vector<16xf32>
        %add3A_2045 = arith.addf %add3A_1981, %exp3A_2044 : vector<16xf32>
        %get3A_2046 = arith.constant 0 : i32
        %get3A_2047 = arith.constant 0 : i32
        %get3A_2048 = arith.constant 0 : i32
        %get3A_2049 = tpu.memref_slice %arg7[%rem3A_78, %scan3A_197, %get3A_2047, %get3A_2048] : memref<2x16x1x1000xf32, #tpu.memory_space<vmem>> -> memref<1x1x1x1000xf32, #tpu.memory_space<vmem>>
        %get3A_2050 = tpu.memref_squeeze %get3A_2049 : memref<1x1x1x1000xf32, #tpu.memory_space<vmem>> -> memref<1x1000xf32, #tpu.memory_space<vmem>>
        %get3A_2051 = arith.index_cast %get3A_2046 : i32 to index
        %get3A_2052 = arith.constant 768 : index
        %get3A_2053 = tpu.vector_load %get3A_2050[%get3A_2051, %get3A_2052] {strides = array<i32>} : memref<1x1000xf32, #tpu.memory_space<vmem>>, vector<16xf32>,
        %gt3A_2054 = arith.cmpf ogt, %get3A_2053, %max3A_1991 : vector<16xf32>
        %max3A_2055 = arith.maximumf %max3A_1991, %get3A_2053 : vector<16xf32>
        %add3A_2056 = arith.constant 768 : i32
        %add3A_2057 = vector.broadcast %add3A_2056 : i32 to vector<16xi32>
        %add3A_2058 = arith.addi %iota3A, %add3A_2057 : vector<16xi32>
        %select_n3A_2059 = arith.select %gt3A_2054, %add3A_2058, %select_n3A_1995 : vector<16xi1>, vector<16xi32>
        %exp3A_2060 = math.exp %get3A_2053 : vector<16xf32>
        %add3A_2061 = arith.addf %add3A_1997, %exp3A_2060 : vector<16xf32>
        %get3A_2062 = arith.constant 0 : i32
        %get3A_2063 = arith.constant 0 : i32
        %get3A_2064 = arith.constant 0 : i32
        %get3A_2065 = tpu.memref_slice %arg7[%rem3A_78, %scan3A_197, %get3A_2063, %get3A_2064] : memref<2x16x1x1000xf32, #tpu.memory_space<vmem>> -> memref<1x1x1x1000xf32, #tpu.memory_space<vmem>>
        %get3A_2066 = tpu.memref_squeeze %get3A_2065 : memref<1x1x1x1000xf32, #tpu.memory_space<vmem>> -> memref<1x1000xf32, #tpu.memory_space<vmem>>
        %get3A_2067 = arith.index_cast %get3A_2062 : i32 to index
        %get3A_2068 = arith.constant 784 : index
        %get3A_2069 = tpu.vector_load %get3A_2066[%get3A_2067, %get3A_2068] {strides = array<i32>} : memref<1x1000xf32, #tpu.memory_space<vmem>>, vector<16xf32>,
        %gt3A_2070 = arith.cmpf ogt, %get3A_2069, %max3A_2007 : vector<16xf32>
        %max3A_2071 = arith.maximumf %max3A_2007, %get3A_2069 : vector<16xf32>
        %add3A_2072 = arith.constant 784 : i32
        %add3A_2073 = vector.broadcast %add3A_2072 : i32 to vector<16xi32>
        %add3A_2074 = arith.addi %iota3A, %add3A_2073 : vector<16xi32>
        %select_n3A_2075 = arith.select %gt3A_2070, %add3A_2074, %select_n3A_2011 : vector<16xi1>, vector<16xi32>
        %exp3A_2076 = math.exp %get3A_2069 : vector<16xf32>
        %add3A_2077 = arith.addf %add3A_2013, %exp3A_2076 : vector<16xf32>
        %get3A_2078 = arith.constant 0 : i32
        %get3A_2079 = arith.constant 0 : i32
        %get3A_2080 = arith.constant 0 : i32
        %get3A_2081 = tpu.memref_slice %arg7[%rem3A_78, %scan3A_197, %get3A_2079, %get3A_2080] : memref<2x16x1x1000xf32, #tpu.memory_space<vmem>> -> memref<1x1x1x1000xf32, #tpu.memory_space<vmem>>
        %get3A_2082 = tpu.memref_squeeze %get3A_2081 : memref<1x1x1x1000xf32, #tpu.memory_space<vmem>> -> memref<1x1000xf32, #tpu.memory_space<vmem>>
        %get3A_2083 = arith.index_cast %get3A_2078 : i32 to index
        %get3A_2084 = arith.constant 800 : index
        %get3A_2085 = tpu.vector_load %get3A_2082[%get3A_2083, %get3A_2084] {strides = array<i32>} : memref<1x1000xf32, #tpu.memory_space<vmem>>, vector<16xf32>,
        %gt3A_2086 = arith.cmpf ogt, %get3A_2085, %max3A_2023 : vector<16xf32>
        %max3A_2087 = arith.maximumf %max3A_2023, %get3A_2085 : vector<16xf32>
        %add3A_2088 = arith.constant 800 : i32
        %add3A_2089 = vector.broadcast %add3A_2088 : i32 to vector<16xi32>
        %add3A_2090 = arith.addi %iota3A, %add3A_2089 : vector<16xi32>
        %select_n3A_2091 = arith.select %gt3A_2086, %add3A_2090, %select_n3A_2027 : vector<16xi1>, vector<16xi32>
        %exp3A_2092 = math.exp %get3A_2085 : vector<16xf32>
        %add3A_2093 = arith.addf %add3A_2029, %exp3A_2092 : vector<16xf32>
        %get3A_2094 = arith.constant 0 : i32
        %get3A_2095 = arith.constant 0 : i32
        %get3A_2096 = arith.constant 0 : i32
        %get3A_2097 = tpu.memref_slice %arg7[%rem3A_78, %scan3A_197, %get3A_2095, %get3A_2096] : memref<2x16x1x1000xf32, #tpu.memory_space<vmem>> -> memref<1x1x1x1000xf32, #tpu.memory_space<vmem>>
        %get3A_2098 = tpu.memref_squeeze %get3A_2097 : memref<1x1x1x1000xf32, #tpu.memory_space<vmem>> -> memref<1x1000xf32, #tpu.memory_space<vmem>>
        %get3A_2099 = arith.index_cast %get3A_2094 : i32 to index
        %get3A_2100 = arith.constant 816 : index
        %get3A_2101 = tpu.vector_load %get3A_2098[%get3A_2099, %get3A_2100] {strides = array<i32>} : memref<1x1000xf32, #tpu.memory_space<vmem>>, vector<16xf32>,
        %gt3A_2102 = arith.cmpf ogt, %get3A_2101, %max3A_2039 : vector<16xf32>
        %max3A_2103 = arith.maximumf %max3A_2039, %get3A_2101 : vector<16xf32>
        %add3A_2104 = arith.constant 816 : i32
        %add3A_2105 = vector.broadcast %add3A_2104 : i32 to vector<16xi32>
        %add3A_2106 = arith.addi %iota3A, %add3A_2105 : vector<16xi32>
        %select_n3A_2107 = arith.select %gt3A_2102, %add3A_2106, %select_n3A_2043 : vector<16xi1>, vector<16xi32>
        %exp3A_2108 = math.exp %get3A_2101 : vector<16xf32>
        %add3A_2109 = arith.addf %add3A_2045, %exp3A_2108 : vector<16xf32>
        %get3A_2110 = arith.constant 0 : i32
        %get3A_2111 = arith.constant 0 : i32
        %get3A_2112 = arith.constant 0 : i32
        %get3A_2113 = tpu.memref_slice %arg7[%rem3A_78, %scan3A_197, %get3A_2111, %get3A_2112] : memref<2x16x1x1000xf32, #tpu.memory_space<vmem>> -> memref<1x1x1x1000xf32, #tpu.memory_space<vmem>>
        %get3A_2114 = tpu.memref_squeeze %get3A_2113 : memref<1x1x1x1000xf32, #tpu.memory_space<vmem>> -> memref<1x1000xf32, #tpu.memory_space<vmem>>
        %get3A_2115 = arith.index_cast %get3A_2110 : i32 to index
        %get3A_2116 = arith.constant 832 : index
        %get3A_2117 = tpu.vector_load %get3A_2114[%get3A_2115, %get3A_2116] {strides = array<i32>} : memref<1x1000xf32, #tpu.memory_space<vmem>>, vector<16xf32>,
        %gt3A_2118 = arith.cmpf ogt, %get3A_2117, %max3A_2055 : vector<16xf32>
        %max3A_2119 = arith.maximumf %max3A_2055, %get3A_2117 : vector<16xf32>
        %add3A_2120 = arith.constant 832 : i32
        %add3A_2121 = vector.broadcast %add3A_2120 : i32 to vector<16xi32>
        %add3A_2122 = arith.addi %iota3A, %add3A_2121 : vector<16xi32>
        %select_n3A_2123 = arith.select %gt3A_2118, %add3A_2122, %select_n3A_2059 : vector<16xi1>, vector<16xi32>
        %exp3A_2124 = math.exp %get3A_2117 : vector<16xf32>
        %add3A_2125 = arith.addf %add3A_2061, %exp3A_2124 : vector<16xf32>
        %get3A_2126 = arith.constant 0 : i32
        %get3A_2127 = arith.constant 0 : i32
        %get3A_2128 = arith.constant 0 : i32
        %get3A_2129 = tpu.memref_slice %arg7[%rem3A_78, %scan3A_197, %get3A_2127, %get3A_2128] : memref<2x16x1x1000xf32, #tpu.memory_space<vmem>> -> memref<1x1x1x1000xf32, #tpu.memory_space<vmem>>
        %get3A_2130 = tpu.memref_squeeze %get3A_2129 : memref<1x1x1x1000xf32, #tpu.memory_space<vmem>> -> memref<1x1000xf32, #tpu.memory_space<vmem>>
        %get3A_2131 = arith.index_cast %get3A_2126 : i32 to index
        %get3A_2132 = arith.constant 848 : index
        %get3A_2133 = tpu.vector_load %get3A_2130[%get3A_2131, %get3A_2132] {strides = array<i32>} : memref<1x1000xf32, #tpu.memory_space<vmem>>, vector<16xf32>,
        %gt3A_2134 = arith.cmpf ogt, %get3A_2133, %max3A_2071 : vector<16xf32>
        %max3A_2135 = arith.maximumf %max3A_2071, %get3A_2133 : vector<16xf32>
        %add3A_2136 = arith.constant 848 : i32
        %add3A_2137 = vector.broadcast %add3A_2136 : i32 to vector<16xi32>
        %add3A_2138 = arith.addi %iota3A, %add3A_2137 : vector<16xi32>
        %select_n3A_2139 = arith.select %gt3A_2134, %add3A_2138, %select_n3A_2075 : vector<16xi1>, vector<16xi32>
        %exp3A_2140 = math.exp %get3A_2133 : vector<16xf32>
        %add3A_2141 = arith.addf %add3A_2077, %exp3A_2140 : vector<16xf32>
        %get3A_2142 = arith.constant 0 : i32
        %get3A_2143 = arith.constant 0 : i32
        %get3A_2144 = arith.constant 0 : i32
        %get3A_2145 = tpu.memref_slice %arg7[%rem3A_78, %scan3A_197, %get3A_2143, %get3A_2144] : memref<2x16x1x1000xf32, #tpu.memory_space<vmem>> -> memref<1x1x1x1000xf32, #tpu.memory_space<vmem>>
        %get3A_2146 = tpu.memref_squeeze %get3A_2145 : memref<1x1x1x1000xf32, #tpu.memory_space<vmem>> -> memref<1x1000xf32, #tpu.memory_space<vmem>>
        %get3A_2147 = arith.index_cast %get3A_2142 : i32 to index
        %get3A_2148 = arith.constant 864 : index
        %get3A_2149 = tpu.vector_load %get3A_2146[%get3A_2147, %get3A_2148] {strides = array<i32>} : memref<1x1000xf32, #tpu.memory_space<vmem>>, vector<16xf32>,
        %gt3A_2150 = arith.cmpf ogt, %get3A_2149, %max3A_2087 : vector<16xf32>
        %max3A_2151 = arith.maximumf %max3A_2087, %get3A_2149 : vector<16xf32>
        %add3A_2152 = arith.constant 864 : i32
        %add3A_2153 = vector.broadcast %add3A_2152 : i32 to vector<16xi32>
        %add3A_2154 = arith.addi %iota3A, %add3A_2153 : vector<16xi32>
        %select_n3A_2155 = arith.select %gt3A_2150, %add3A_2154, %select_n3A_2091 : vector<16xi1>, vector<16xi32>
        %exp3A_2156 = math.exp %get3A_2149 : vector<16xf32>
        %add3A_2157 = arith.addf %add3A_2093, %exp3A_2156 : vector<16xf32>
        %get3A_2158 = arith.constant 0 : i32
        %get3A_2159 = arith.constant 0 : i32
        %get3A_2160 = arith.constant 0 : i32
        %get3A_2161 = tpu.memref_slice %arg7[%rem3A_78, %scan3A_197, %get3A_2159, %get3A_2160] : memref<2x16x1x1000xf32, #tpu.memory_space<vmem>> -> memref<1x1x1x1000xf32, #tpu.memory_space<vmem>>
        %get3A_2162 = tpu.memref_squeeze %get3A_2161 : memref<1x1x1x1000xf32, #tpu.memory_space<vmem>> -> memref<1x1000xf32, #tpu.memory_space<vmem>>
        %get3A_2163 = arith.index_cast %get3A_2158 : i32 to index
        %get3A_2164 = arith.constant 880 : index
        %get3A_2165 = tpu.vector_load %get3A_2162[%get3A_2163, %get3A_2164] {strides = array<i32>} : memref<1x1000xf32, #tpu.memory_space<vmem>>, vector<16xf32>,
        %gt3A_2166 = arith.cmpf ogt, %get3A_2165, %max3A_2103 : vector<16xf32>
        %max3A_2167 = arith.maximumf %max3A_2103, %get3A_2165 : vector<16xf32>
        %add3A_2168 = arith.constant 880 : i32
        %add3A_2169 = vector.broadcast %add3A_2168 : i32 to vector<16xi32>
        %add3A_2170 = arith.addi %iota3A, %add3A_2169 : vector<16xi32>
        %select_n3A_2171 = arith.select %gt3A_2166, %add3A_2170, %select_n3A_2107 : vector<16xi1>, vector<16xi32>
        %exp3A_2172 = math.exp %get3A_2165 : vector<16xf32>
        %add3A_2173 = arith.addf %add3A_2109, %exp3A_2172 : vector<16xf32>
        %get3A_2174 = arith.constant 0 : i32
        %get3A_2175 = arith.constant 0 : i32
        %get3A_2176 = arith.constant 0 : i32
        %get3A_2177 = tpu.memref_slice %arg7[%rem3A_78, %scan3A_197, %get3A_2175, %get3A_2176] : memref<2x16x1x1000xf32, #tpu.memory_space<vmem>> -> memref<1x1x1x1000xf32, #tpu.memory_space<vmem>>
        %get3A_2178 = tpu.memref_squeeze %get3A_2177 : memref<1x1x1x1000xf32, #tpu.memory_space<vmem>> -> memref<1x1000xf32, #tpu.memory_space<vmem>>
        %get3A_2179 = arith.index_cast %get3A_2174 : i32 to index
        %get3A_2180 = arith.constant 896 : index
        %get3A_2181 = tpu.vector_load %get3A_2178[%get3A_2179, %get3A_2180] {strides = array<i32>} : memref<1x1000xf32, #tpu.memory_space<vmem>>, vector<16xf32>,
        %gt3A_2182 = arith.cmpf ogt, %get3A_2181, %max3A_2119 : vector<16xf32>
        %max3A_2183 = arith.maximumf %max3A_2119, %get3A_2181 : vector<16xf32>
        %add3A_2184 = arith.constant 896 : i32
        %add3A_2185 = vector.broadcast %add3A_2184 : i32 to vector<16xi32>
        %add3A_2186 = arith.addi %iota3A, %add3A_2185 : vector<16xi32>
        %select_n3A_2187 = arith.select %gt3A_2182, %add3A_2186, %select_n3A_2123 : vector<16xi1>, vector<16xi32>
        %exp3A_2188 = math.exp %get3A_2181 : vector<16xf32>
        %add3A_2189 = arith.addf %add3A_2125, %exp3A_2188 : vector<16xf32>
        %get3A_2190 = arith.constant 0 : i32
        %get3A_2191 = arith.constant 0 : i32
        %get3A_2192 = arith.constant 0 : i32
        %get3A_2193 = tpu.memref_slice %arg7[%rem3A_78, %scan3A_197, %get3A_2191, %get3A_2192] : memref<2x16x1x1000xf32, #tpu.memory_space<vmem>> -> memref<1x1x1x1000xf32, #tpu.memory_space<vmem>>
        %get3A_2194 = tpu.memref_squeeze %get3A_2193 : memref<1x1x1x1000xf32, #tpu.memory_space<vmem>> -> memref<1x1000xf32, #tpu.memory_space<vmem>>
        %get3A_2195 = arith.index_cast %get3A_2190 : i32 to index
        %get3A_2196 = arith.constant 912 : index
        %get3A_2197 = tpu.vector_load %get3A_2194[%get3A_2195, %get3A_2196] {strides = array<i32>} : memref<1x1000xf32, #tpu.memory_space<vmem>>, vector<16xf32>,
        %gt3A_2198 = arith.cmpf ogt, %get3A_2197, %max3A_2135 : vector<16xf32>
        %max3A_2199 = arith.maximumf %max3A_2135, %get3A_2197 : vector<16xf32>
        %add3A_2200 = arith.constant 912 : i32
        %add3A_2201 = vector.broadcast %add3A_2200 : i32 to vector<16xi32>
        %add3A_2202 = arith.addi %iota3A, %add3A_2201 : vector<16xi32>
        %select_n3A_2203 = arith.select %gt3A_2198, %add3A_2202, %select_n3A_2139 : vector<16xi1>, vector<16xi32>
        %exp3A_2204 = math.exp %get3A_2197 : vector<16xf32>
        %add3A_2205 = arith.addf %add3A_2141, %exp3A_2204 : vector<16xf32>
        %get3A_2206 = arith.constant 0 : i32
        %get3A_2207 = arith.constant 0 : i32
        %get3A_2208 = arith.constant 0 : i32
        %get3A_2209 = tpu.memref_slice %arg7[%rem3A_78, %scan3A_197, %get3A_2207, %get3A_2208] : memref<2x16x1x1000xf32, #tpu.memory_space<vmem>> -> memref<1x1x1x1000xf32, #tpu.memory_space<vmem>>
        %get3A_2210 = tpu.memref_squeeze %get3A_2209 : memref<1x1x1x1000xf32, #tpu.memory_space<vmem>> -> memref<1x1000xf32, #tpu.memory_space<vmem>>
        %get3A_2211 = arith.index_cast %get3A_2206 : i32 to index
        %get3A_2212 = arith.constant 928 : index
        %get3A_2213 = tpu.vector_load %get3A_2210[%get3A_2211, %get3A_2212] {strides = array<i32>} : memref<1x1000xf32, #tpu.memory_space<vmem>>, vector<16xf32>,
        %gt3A_2214 = arith.cmpf ogt, %get3A_2213, %max3A_2151 : vector<16xf32>
        %max3A_2215 = arith.maximumf %max3A_2151, %get3A_2213 : vector<16xf32>
        %add3A_2216 = arith.constant 928 : i32
        %add3A_2217 = vector.broadcast %add3A_2216 : i32 to vector<16xi32>
        %add3A_2218 = arith.addi %iota3A, %add3A_2217 : vector<16xi32>
        %select_n3A_2219 = arith.select %gt3A_2214, %add3A_2218, %select_n3A_2155 : vector<16xi1>, vector<16xi32>
        %exp3A_2220 = math.exp %get3A_2213 : vector<16xf32>
        %add3A_2221 = arith.addf %add3A_2157, %exp3A_2220 : vector<16xf32>
        %get3A_2222 = arith.constant 0 : i32
        %get3A_2223 = arith.constant 0 : i32
        %get3A_2224 = arith.constant 0 : i32
        %get3A_2225 = tpu.memref_slice %arg7[%rem3A_78, %scan3A_197, %get3A_2223, %get3A_2224] : memref<2x16x1x1000xf32, #tpu.memory_space<vmem>> -> memref<1x1x1x1000xf32, #tpu.memory_space<vmem>>
        %get3A_2226 = tpu.memref_squeeze %get3A_2225 : memref<1x1x1x1000xf32, #tpu.memory_space<vmem>> -> memref<1x1000xf32, #tpu.memory_space<vmem>>
        %get3A_2227 = arith.index_cast %get3A_2222 : i32 to index
        %get3A_2228 = arith.constant 944 : index
        %get3A_2229 = tpu.vector_load %get3A_2226[%get3A_2227, %get3A_2228] {strides = array<i32>} : memref<1x1000xf32, #tpu.memory_space<vmem>>, vector<16xf32>,
        %gt3A_2230 = arith.cmpf ogt, %get3A_2229, %max3A_2167 : vector<16xf32>
        %max3A_2231 = arith.maximumf %max3A_2167, %get3A_2229 : vector<16xf32>
        %add3A_2232 = arith.constant 944 : i32
        %add3A_2233 = vector.broadcast %add3A_2232 : i32 to vector<16xi32>
        %add3A_2234 = arith.addi %iota3A, %add3A_2233 : vector<16xi32>
        %select_n3A_2235 = arith.select %gt3A_2230, %add3A_2234, %select_n3A_2171 : vector<16xi1>, vector<16xi32>
        %exp3A_2236 = math.exp %get3A_2229 : vector<16xf32>
        %add3A_2237 = arith.addf %add3A_2173, %exp3A_2236 : vector<16xf32>
        %get3A_2238 = arith.constant 0 : i32
        %get3A_2239 = arith.constant 0 : i32
        %get3A_2240 = arith.constant 0 : i32
        %get3A_2241 = tpu.memref_slice %arg7[%rem3A_78, %scan3A_197, %get3A_2239, %get3A_2240] : memref<2x16x1x1000xf32, #tpu.memory_space<vmem>> -> memref<1x1x1x1000xf32, #tpu.memory_space<vmem>>
        %get3A_2242 = tpu.memref_squeeze %get3A_2241 : memref<1x1x1x1000xf32, #tpu.memory_space<vmem>> -> memref<1x1000xf32, #tpu.memory_space<vmem>>
        %get3A_2243 = arith.index_cast %get3A_2238 : i32 to index
        %get3A_2244 = arith.constant 960 : index
        %get3A_2245 = tpu.vector_load %get3A_2242[%get3A_2243, %get3A_2244] {strides = array<i32>} : memref<1x1000xf32, #tpu.memory_space<vmem>>, vector<16xf32>,
        %gt3A_2246 = arith.cmpf ogt, %get3A_2245, %max3A_2183 : vector<16xf32>
        %max3A_2247 = arith.maximumf %max3A_2183, %get3A_2245 : vector<16xf32>
        %add3A_2248 = arith.constant 960 : i32
        %add3A_2249 = vector.broadcast %add3A_2248 : i32 to vector<16xi32>
        %add3A_2250 = arith.addi %iota3A, %add3A_2249 : vector<16xi32>
        %select_n3A_2251 = arith.select %gt3A_2246, %add3A_2250, %select_n3A_2187 : vector<16xi1>, vector<16xi32>
        %exp3A_2252 = math.exp %get3A_2245 : vector<16xf32>
        %add3A_2253 = arith.addf %add3A_2189, %exp3A_2252 : vector<16xf32>
        %get3A_2254 = arith.constant 0 : i32
        %get3A_2255 = arith.constant 0 : i32
        %get3A_2256 = arith.constant 0 : i32
        %get3A_2257 = tpu.memref_slice %arg7[%rem3A_78, %scan3A_197, %get3A_2255, %get3A_2256] : memref<2x16x1x1000xf32, #tpu.memory_space<vmem>> -> memref<1x1x1x1000xf32, #tpu.memory_space<vmem>>
        %get3A_2258 = tpu.memref_squeeze %get3A_2257 : memref<1x1x1x1000xf32, #tpu.memory_space<vmem>> -> memref<1x1000xf32, #tpu.memory_space<vmem>>
        %get3A_2259 = arith.index_cast %get3A_2254 : i32 to index
        %get3A_2260 = arith.constant 976 : index
        %get3A_2261 = tpu.vector_load %get3A_2258[%get3A_2259, %get3A_2260] {strides = array<i32>} : memref<1x1000xf32, #tpu.memory_space<vmem>>, vector<16xf32>,
        %gt3A_2262 = arith.cmpf ogt, %get3A_2261, %max3A_2199 : vector<16xf32>
        %max3A_2263 = arith.maximumf %max3A_2199, %get3A_2261 : vector<16xf32>
        %add3A_2264 = arith.constant 976 : i32
        %add3A_2265 = vector.broadcast %add3A_2264 : i32 to vector<16xi32>
        %add3A_2266 = arith.addi %iota3A, %add3A_2265 : vector<16xi32>
        %select_n3A_2267 = arith.select %gt3A_2262, %add3A_2266, %select_n3A_2203 : vector<16xi1>, vector<16xi32>
        %exp3A_2268 = math.exp %get3A_2261 : vector<16xf32>
        %add3A_2269 = arith.addf %add3A_2205, %exp3A_2268 : vector<16xf32>
        %get3A_2270 = arith.constant 0 : i32
        %get3A_2271 = arith.constant 0 : i32
        %get3A_2272 = arith.constant 0 : i32
        %get3A_2273 = tpu.memref_slice %arg7[%rem3A_78, %scan3A_197, %get3A_2271, %get3A_2272] : memref<2x16x1x1000xf32, #tpu.memory_space<vmem>> -> memref<1x1x1x1000xf32, #tpu.memory_space<vmem>>
        %get3A_2274 = tpu.memref_squeeze %get3A_2273 : memref<1x1x1x1000xf32, #tpu.memory_space<vmem>> -> memref<1x1000xf32, #tpu.memory_space<vmem>>
        %get3A_2275 = arith.index_cast %get3A_2270 : i32 to index
        %get3A_2276 = arith.constant 984 : index
        %get3A_2277 = tpu.vector_load %get3A_2274[%get3A_2275, %get3A_2276] {strides = array<i32>} : memref<1x1000xf32, #tpu.memory_space<vmem>>, vector<16xf32>,
        %gt3A_2278 = arith.cmpf ogt, %get3A_2277, %max3A_2231 : vector<16xf32>
        %max3A_2279 = arith.maximumf %max3A_2231, %get3A_2277 : vector<16xf32>
        %add3A_2280 = arith.constant 984 : i32
        %add3A_2281 = vector.broadcast %add3A_2280 : i32 to vector<16xi32>
        %add3A_2282 = arith.addi %iota3A, %add3A_2281 : vector<16xi32>
        %select_n3A_2283 = arith.select %gt3A_2278, %add3A_2282, %select_n3A_2235 : vector<16xi1>, vector<16xi32>
        %ge3A_2284 = arith.constant 8 : i32
        %ge3A_2285 = vector.broadcast %ge3A_2284 : i32 to vector<16xi32>
        %ge3A_2286 = arith.cmpi sge, %iota3A, %ge3A_2285 : vector<16xi32>
        %exp3A_2287 = math.exp %get3A_2277 : vector<16xf32>
        %jit3A_2288 = arith.constant 0.000000e+00 : f32
        %broadcast_in_dim3A_2289 = vector.broadcast %jit3A_2288 : f32 to vector<16xf32>
        %select_n3A_2290 = arith.select %ge3A_2286, %exp3A_2287, %broadcast_in_dim3A_2289 : vector<16xi1>, vector<16xf32>
        %add3A_2291 = arith.addf %add3A_2237, %select_n3A_2290 : vector<16xf32>
        %gt3A_2292 = arith.cmpf ogt, %max3A_2263, %max3A_2247 : vector<16xf32>
        %eq3A_2293 = arith.cmpf oeq, %max3A_2263, %max3A_2247 : vector<16xf32>
        %min3A_2294 = arith.minsi %select_n3A_2251, %select_n3A_2267 : vector<16xi32>
        %select_n3A_2295 = arith.select %eq3A_2293, %min3A_2294, %select_n3A_2251 : vector<16xi1>, vector<16xi32>
        %select_n3A_2296 = arith.select %gt3A_2292, %select_n3A_2267, %select_n3A_2295 : vector<16xi1>, vector<16xi32>
        %max3A_2297 = arith.maximumf %max3A_2247, %max3A_2263 : vector<16xf32>
        %add3A_2298 = arith.addf %add3A_2253, %add3A_2269 : vector<16xf32>
        %gt3A_2299 = arith.cmpf ogt, %max3A_2215, %max3A_2297 : vector<16xf32>
        %eq3A_2300 = arith.cmpf oeq, %max3A_2215, %max3A_2297 : vector<16xf32>
        %min3A_2301 = arith.minsi %select_n3A_2296, %select_n3A_2219 : vector<16xi32>
        %select_n3A_2302 = arith.select %eq3A_2300, %min3A_2301, %select_n3A_2296 : vector<16xi1>, vector<16xi32>
        %select_n3A_2303 = arith.select %gt3A_2299, %select_n3A_2219, %select_n3A_2302 : vector<16xi1>, vector<16xi32>
        %max3A_2304 = arith.maximumf %max3A_2297, %max3A_2215 : vector<16xf32>
        %add3A_2305 = arith.addf %add3A_2298, %add3A_2221 : vector<16xf32>
        %gt3A_2306 = arith.cmpf ogt, %max3A_2279, %max3A_2304 : vector<16xf32>
        %eq3A_2307 = arith.cmpf oeq, %max3A_2279, %max3A_2304 : vector<16xf32>
        %min3A_2308 = arith.minsi %select_n3A_2303, %select_n3A_2283 : vector<16xi32>
        %select_n3A_2309 = arith.select %eq3A_2307, %min3A_2308, %select_n3A_2303 : vector<16xi1>, vector<16xi32>
        %select_n3A_2310 = arith.select %gt3A_2306, %select_n3A_2283, %select_n3A_2309 : vector<16xi1>, vector<16xi32>
        %max3A_2311 = arith.maximumf %max3A_2304, %max3A_2279 : vector<16xf32>
        %add3A_2312 = arith.addf %add3A_2305, %add3A_2291 : vector<16xf32>
        %reduce_max3A_2313 = arith.constant true
        %reduce_max3A_2314 = vector.broadcast %reduce_max3A_2313 : i1 to vector<16xi1>
        %reduce_max3A_2315 = tpu.scan <max>, %max3A_2311 masked %reduce_max3A_2314 : vector<16xf32>, vector<16xi1> -> vector<16xf32>
        %reduce_max3A_2316 = vector.extract %reduce_max3A_2315[15] : f32 from vector<16xf32>
        %reduce_sum3A_2317 = arith.constant true
        %reduce_sum3A_2318 = vector.broadcast %reduce_sum3A_2317 : i1 to vector<16xi1>
        %reduce_sum3A_2319 = tpu.scan <sum>, %add3A_2312 masked %reduce_sum3A_2318 : vector<16xf32>, vector<16xi1> -> vector<16xf32>
        %reduce_sum3A_2320 = vector.extract %reduce_sum3A_2319[15] : f32 from vector<16xf32>
        %eq3A_2321 = vector.broadcast %reduce_max3A_2316 : f32 to vector<16xf32>
        %eq3A_2322 = arith.cmpf oeq, %max3A_2311, %eq3A_2321 : vector<16xf32>
        %jit3A_2323 = arith.constant 1000 : i32
        %broadcast_in_dim3A_2324 = vector.broadcast %jit3A_2323 : i32 to vector<16xi32>
        %select_n3A_2325 = arith.select %eq3A_2322, %select_n3A_2310, %broadcast_in_dim3A_2324 : vector<16xi1>, vector<16xi32>
        %reduce_min3A_2326 = arith.constant true
        %reduce_min3A_2327 = vector.broadcast %reduce_min3A_2326 : i1 to vector<16xi1>
        %reduce_min3A_2328 = arith.constant -2147483648 : i32
        %reduce_min3A_2329 = vector.broadcast %reduce_min3A_2328 : i32 to vector<16xi32>
        %reduce_min3A_2330 = arith.xori %select_n3A_2325, %reduce_min3A_2329 : vector<16xi32>
        %reduce_min3A_2331 = tpu.scan <min>, %reduce_min3A_2330 masked %reduce_min3A_2327 : vector<16xi32>, vector<16xi1> -> vector<16xi32>
        %reduce_min3A_2332 = arith.xori %reduce_min3A_2331, %reduce_min3A_2329 : vector<16xi32>
        %reduce_min3A_2333 = vector.extract %reduce_min3A_2332[15] : i32 from vector<16xi32>
        %broadcast_in_dim3A_2334 = vector.broadcast %reduce_max3A_2316 : f32 to vector<16xf32>
        %select_n3A_2335 = arith.select %eq3A_208, %broadcast_in_dim3A_2334, %scan3A_199 : vector<16xi1>, vector<16xf32>
        %broadcast_in_dim3A_2336 = vector.broadcast %reduce_sum3A_2320 : f32 to vector<16xf32>
        %select_n3A_2337 = arith.select %eq3A_208, %broadcast_in_dim3A_2336, %scan3A_202 : vector<16xi1>, vector<16xf32>
        %broadcast_in_dim3A_2338 = vector.broadcast %reduce_min3A_2333 : i32 to vector<16xi32>
        %select_n3A_2339 = arith.select %eq3A_208, %broadcast_in_dim3A_2338, %scan3A_205 : vector<16xi1>, vector<16xi32>
        %broadcast_in_dim3A_2340 = arith.constant 0xFF800000 : f32
        %broadcast_in_dim3A_2341 = vector.broadcast %broadcast_in_dim3A_2340 : f32 to vector<16xf32>
        %broadcast_in_dim3A_2342 = arith.constant 0xFF800000 : f32
        %broadcast_in_dim3A_2343 = vector.broadcast %broadcast_in_dim3A_2342 : f32 to vector<16xf32>
        %broadcast_in_dim3A_2344 = arith.constant 0xFF800000 : f32
        %broadcast_in_dim3A_2345 = vector.broadcast %broadcast_in_dim3A_2344 : f32 to vector<16xf32>
        %broadcast_in_dim3A_2346 = arith.constant 0xFF800000 : f32
        %broadcast_in_dim3A_2347 = vector.broadcast %broadcast_in_dim3A_2346 : f32 to vector<16xf32>
        %get3A_2348 = arith.constant 0 : i32
        %get3A_2349 = arith.constant 0 : i32
        %get3A_2350 = arith.constant 0 : i32
        %get3A_2351 = tpu.memref_slice %arg8[%rem3A_78, %scan3A_197, %get3A_2349, %get3A_2350] : memref<2x16x1x1000xf32, #tpu.memory_space<vmem>> -> memref<1x1x1x1000xf32, #tpu.memory_space<vmem>>
        %get3A_2352 = tpu.memref_squeeze %get3A_2351 : memref<1x1x1x1000xf32, #tpu.memory_space<vmem>> -> memref<1x1000xf32, #tpu.memory_space<vmem>>
        %get3A_2353 = arith.index_cast %get3A_2348 : i32 to index
        %get3A_2354 = arith.constant 0 : index
        %get3A_2355 = tpu.vector_load %get3A_2352[%get3A_2353, %get3A_2354] {strides = array<i32>} : memref<1x1000xf32, #tpu.memory_space<vmem>>, vector<16xf32>,
        %gt3A_2356 = arith.cmpf ogt, %get3A_2355, %broadcast_in_dim3A_2341 : vector<16xf32>
        %max3A_2357 = arith.maximumf %broadcast_in_dim3A_2341, %get3A_2355 : vector<16xf32>
        %add3A_2358 = arith.constant 0 : i32
        %add3A_2359 = vector.broadcast %add3A_2358 : i32 to vector<16xi32>
        %add3A_2360 = arith.addi %iota3A, %add3A_2359 : vector<16xi32>
        %select_n3A_2361 = arith.select %gt3A_2356, %add3A_2360, %broadcast_in_dim3A_68 : vector<16xi1>, vector<16xi32>
        %exp3A_2362 = math.exp %get3A_2355 : vector<16xf32>
        %add3A_2363 = arith.addf %broadcast_in_dim3A_70, %exp3A_2362 : vector<16xf32>
        %get3A_2364 = arith.constant 0 : i32
        %get3A_2365 = arith.constant 0 : i32
        %get3A_2366 = arith.constant 0 : i32
        %get3A_2367 = tpu.memref_slice %arg8[%rem3A_78, %scan3A_197, %get3A_2365, %get3A_2366] : memref<2x16x1x1000xf32, #tpu.memory_space<vmem>> -> memref<1x1x1x1000xf32, #tpu.memory_space<vmem>>
        %get3A_2368 = tpu.memref_squeeze %get3A_2367 : memref<1x1x1x1000xf32, #tpu.memory_space<vmem>> -> memref<1x1000xf32, #tpu.memory_space<vmem>>
        %get3A_2369 = arith.index_cast %get3A_2364 : i32 to index
        %get3A_2370 = arith.constant 16 : index
        %get3A_2371 = tpu.vector_load %get3A_2368[%get3A_2369, %get3A_2370] {strides = array<i32>} : memref<1x1000xf32, #tpu.memory_space<vmem>>, vector<16xf32>,
        %gt3A_2372 = arith.cmpf ogt, %get3A_2371, %broadcast_in_dim3A_2343 : vector<16xf32>
        %max3A_2373 = arith.maximumf %broadcast_in_dim3A_2343, %get3A_2371 : vector<16xf32>
        %add3A_2374 = arith.constant 16 : i32
        %add3A_2375 = vector.broadcast %add3A_2374 : i32 to vector<16xi32>
        %add3A_2376 = arith.addi %iota3A, %add3A_2375 : vector<16xi32>
        %select_n3A_2377 = arith.select %gt3A_2372, %add3A_2376, %broadcast_in_dim3A_68 : vector<16xi1>, vector<16xi32>
        %exp3A_2378 = math.exp %get3A_2371 : vector<16xf32>
        %add3A_2379 = arith.addf %broadcast_in_dim3A_70, %exp3A_2378 : vector<16xf32>
        %get3A_2380 = arith.constant 0 : i32
        %get3A_2381 = arith.constant 0 : i32
        %get3A_2382 = arith.constant 0 : i32
        %get3A_2383 = tpu.memref_slice %arg8[%rem3A_78, %scan3A_197, %get3A_2381, %get3A_2382] : memref<2x16x1x1000xf32, #tpu.memory_space<vmem>> -> memref<1x1x1x1000xf32, #tpu.memory_space<vmem>>
        %get3A_2384 = tpu.memref_squeeze %get3A_2383 : memref<1x1x1x1000xf32, #tpu.memory_space<vmem>> -> memref<1x1000xf32, #tpu.memory_space<vmem>>
        %get3A_2385 = arith.index_cast %get3A_2380 : i32 to index
        %get3A_2386 = arith.constant 32 : index
        %get3A_2387 = tpu.vector_load %get3A_2384[%get3A_2385, %get3A_2386] {strides = array<i32>} : memref<1x1000xf32, #tpu.memory_space<vmem>>, vector<16xf32>,
        %gt3A_2388 = arith.cmpf ogt, %get3A_2387, %broadcast_in_dim3A_2345 : vector<16xf32>
        %max3A_2389 = arith.maximumf %broadcast_in_dim3A_2345, %get3A_2387 : vector<16xf32>
        %add3A_2390 = arith.constant 32 : i32
        %add3A_2391 = vector.broadcast %add3A_2390 : i32 to vector<16xi32>
        %add3A_2392 = arith.addi %iota3A, %add3A_2391 : vector<16xi32>
        %select_n3A_2393 = arith.select %gt3A_2388, %add3A_2392, %broadcast_in_dim3A_68 : vector<16xi1>, vector<16xi32>
        %exp3A_2394 = math.exp %get3A_2387 : vector<16xf32>
        %add3A_2395 = arith.addf %broadcast_in_dim3A_70, %exp3A_2394 : vector<16xf32>
        %get3A_2396 = arith.constant 0 : i32
        %get3A_2397 = arith.constant 0 : i32
        %get3A_2398 = arith.constant 0 : i32
        %get3A_2399 = tpu.memref_slice %arg8[%rem3A_78, %scan3A_197, %get3A_2397, %get3A_2398] : memref<2x16x1x1000xf32, #tpu.memory_space<vmem>> -> memref<1x1x1x1000xf32, #tpu.memory_space<vmem>>
        %get3A_2400 = tpu.memref_squeeze %get3A_2399 : memref<1x1x1x1000xf32, #tpu.memory_space<vmem>> -> memref<1x1000xf32, #tpu.memory_space<vmem>>
        %get3A_2401 = arith.index_cast %get3A_2396 : i32 to index
        %get3A_2402 = arith.constant 48 : index
        %get3A_2403 = tpu.vector_load %get3A_2400[%get3A_2401, %get3A_2402] {strides = array<i32>} : memref<1x1000xf32, #tpu.memory_space<vmem>>, vector<16xf32>,
        %gt3A_2404 = arith.cmpf ogt, %get3A_2403, %broadcast_in_dim3A_2347 : vector<16xf32>
        %max3A_2405 = arith.maximumf %broadcast_in_dim3A_2347, %get3A_2403 : vector<16xf32>
        %add3A_2406 = arith.constant 48 : i32
        %add3A_2407 = vector.broadcast %add3A_2406 : i32 to vector<16xi32>
        %add3A_2408 = arith.addi %iota3A, %add3A_2407 : vector<16xi32>
        %select_n3A_2409 = arith.select %gt3A_2404, %add3A_2408, %broadcast_in_dim3A_68 : vector<16xi1>, vector<16xi32>
        %exp3A_2410 = math.exp %get3A_2403 : vector<16xf32>
        %add3A_2411 = arith.addf %broadcast_in_dim3A_70, %exp3A_2410 : vector<16xf32>
        %get3A_2412 = arith.constant 0 : i32
        %get3A_2413 = arith.constant 0 : i32
        %get3A_2414 = arith.constant 0 : i32
        %get3A_2415 = tpu.memref_slice %arg8[%rem3A_78, %scan3A_197, %get3A_2413, %get3A_2414] : memref<2x16x1x1000xf32, #tpu.memory_space<vmem>> -> memref<1x1x1x1000xf32, #tpu.memory_space<vmem>>
        %get3A_2416 = tpu.memref_squeeze %get3A_2415 : memref<1x1x1x1000xf32, #tpu.memory_space<vmem>> -> memref<1x1000xf32, #tpu.memory_space<vmem>>
        %get3A_2417 = arith.index_cast %get3A_2412 : i32 to index
        %get3A_2418 = arith.constant 64 : index
        %get3A_2419 = tpu.vector_load %get3A_2416[%get3A_2417, %get3A_2418] {strides = array<i32>} : memref<1x1000xf32, #tpu.memory_space<vmem>>, vector<16xf32>,
        %gt3A_2420 = arith.cmpf ogt, %get3A_2419, %max3A_2357 : vector<16xf32>
        %max3A_2421 = arith.maximumf %max3A_2357, %get3A_2419 : vector<16xf32>
        %add3A_2422 = arith.constant 64 : i32
        %add3A_2423 = vector.broadcast %add3A_2422 : i32 to vector<16xi32>
        %add3A_2424 = arith.addi %iota3A, %add3A_2423 : vector<16xi32>
        %select_n3A_2425 = arith.select %gt3A_2420, %add3A_2424, %select_n3A_2361 : vector<16xi1>, vector<16xi32>
        %exp3A_2426 = math.exp %get3A_2419 : vector<16xf32>
        %add3A_2427 = arith.addf %add3A_2363, %exp3A_2426 : vector<16xf32>
        %get3A_2428 = arith.constant 0 : i32
        %get3A_2429 = arith.constant 0 : i32
        %get3A_2430 = arith.constant 0 : i32
        %get3A_2431 = tpu.memref_slice %arg8[%rem3A_78, %scan3A_197, %get3A_2429, %get3A_2430] : memref<2x16x1x1000xf32, #tpu.memory_space<vmem>> -> memref<1x1x1x1000xf32, #tpu.memory_space<vmem>>
        %get3A_2432 = tpu.memref_squeeze %get3A_2431 : memref<1x1x1x1000xf32, #tpu.memory_space<vmem>> -> memref<1x1000xf32, #tpu.memory_space<vmem>>
        %get3A_2433 = arith.index_cast %get3A_2428 : i32 to index
        %get3A_2434 = arith.constant 80 : index
        %get3A_2435 = tpu.vector_load %get3A_2432[%get3A_2433, %get3A_2434] {strides = array<i32>} : memref<1x1000xf32, #tpu.memory_space<vmem>>, vector<16xf32>,
        %gt3A_2436 = arith.cmpf ogt, %get3A_2435, %max3A_2373 : vector<16xf32>
        %max3A_2437 = arith.maximumf %max3A_2373, %get3A_2435 : vector<16xf32>
        %add3A_2438 = arith.constant 80 : i32
        %add3A_2439 = vector.broadcast %add3A_2438 : i32 to vector<16xi32>
        %add3A_2440 = arith.addi %iota3A, %add3A_2439 : vector<16xi32>
        %select_n3A_2441 = arith.select %gt3A_2436, %add3A_2440, %select_n3A_2377 : vector<16xi1>, vector<16xi32>
        %exp3A_2442 = math.exp %get3A_2435 : vector<16xf32>
        %add3A_2443 = arith.addf %add3A_2379, %exp3A_2442 : vector<16xf32>
        %get3A_2444 = arith.constant 0 : i32
        %get3A_2445 = arith.constant 0 : i32
        %get3A_2446 = arith.constant 0 : i32
        %get3A_2447 = tpu.memref_slice %arg8[%rem3A_78, %scan3A_197, %get3A_2445, %get3A_2446] : memref<2x16x1x1000xf32, #tpu.memory_space<vmem>> -> memref<1x1x1x1000xf32, #tpu.memory_space<vmem>>
        %get3A_2448 = tpu.memref_squeeze %get3A_2447 : memref<1x1x1x1000xf32, #tpu.memory_space<vmem>> -> memref<1x1000xf32, #tpu.memory_space<vmem>>
        %get3A_2449 = arith.index_cast %get3A_2444 : i32 to index
        %get3A_2450 = arith.constant 96 : index
        %get3A_2451 = tpu.vector_load %get3A_2448[%get3A_2449, %get3A_2450] {strides = array<i32>} : memref<1x1000xf32, #tpu.memory_space<vmem>>, vector<16xf32>,
        %gt3A_2452 = arith.cmpf ogt, %get3A_2451, %max3A_2389 : vector<16xf32>
        %max3A_2453 = arith.maximumf %max3A_2389, %get3A_2451 : vector<16xf32>
        %add3A_2454 = arith.constant 96 : i32
        %add3A_2455 = vector.broadcast %add3A_2454 : i32 to vector<16xi32>
        %add3A_2456 = arith.addi %iota3A, %add3A_2455 : vector<16xi32>
        %select_n3A_2457 = arith.select %gt3A_2452, %add3A_2456, %select_n3A_2393 : vector<16xi1>, vector<16xi32>
        %exp3A_2458 = math.exp %get3A_2451 : vector<16xf32>
        %add3A_2459 = arith.addf %add3A_2395, %exp3A_2458 : vector<16xf32>
        %get3A_2460 = arith.constant 0 : i32
        %get3A_2461 = arith.constant 0 : i32
        %get3A_2462 = arith.constant 0 : i32
        %get3A_2463 = tpu.memref_slice %arg8[%rem3A_78, %scan3A_197, %get3A_2461, %get3A_2462] : memref<2x16x1x1000xf32, #tpu.memory_space<vmem>> -> memref<1x1x1x1000xf32, #tpu.memory_space<vmem>>
        %get3A_2464 = tpu.memref_squeeze %get3A_2463 : memref<1x1x1x1000xf32, #tpu.memory_space<vmem>> -> memref<1x1000xf32, #tpu.memory_space<vmem>>
        %get3A_2465 = arith.index_cast %get3A_2460 : i32 to index
        %get3A_2466 = arith.constant 112 : index
        %get3A_2467 = tpu.vector_load %get3A_2464[%get3A_2465, %get3A_2466] {strides = array<i32>} : memref<1x1000xf32, #tpu.memory_space<vmem>>, vector<16xf32>,
        %gt3A_2468 = arith.cmpf ogt, %get3A_2467, %max3A_2405 : vector<16xf32>
        %max3A_2469 = arith.maximumf %max3A_2405, %get3A_2467 : vector<16xf32>
        %add3A_2470 = arith.constant 112 : i32
        %add3A_2471 = vector.broadcast %add3A_2470 : i32 to vector<16xi32>
        %add3A_2472 = arith.addi %iota3A, %add3A_2471 : vector<16xi32>
        %select_n3A_2473 = arith.select %gt3A_2468, %add3A_2472, %select_n3A_2409 : vector<16xi1>, vector<16xi32>
        %exp3A_2474 = math.exp %get3A_2467 : vector<16xf32>
        %add3A_2475 = arith.addf %add3A_2411, %exp3A_2474 : vector<16xf32>
        %get3A_2476 = arith.constant 0 : i32
        %get3A_2477 = arith.constant 0 : i32
        %get3A_2478 = arith.constant 0 : i32
        %get3A_2479 = tpu.memref_slice %arg8[%rem3A_78, %scan3A_197, %get3A_2477, %get3A_2478] : memref<2x16x1x1000xf32, #tpu.memory_space<vmem>> -> memref<1x1x1x1000xf32, #tpu.memory_space<vmem>>
        %get3A_2480 = tpu.memref_squeeze %get3A_2479 : memref<1x1x1x1000xf32, #tpu.memory_space<vmem>> -> memref<1x1000xf32, #tpu.memory_space<vmem>>
        %get3A_2481 = arith.index_cast %get3A_2476 : i32 to index
        %get3A_2482 = arith.constant 128 : index
        %get3A_2483 = tpu.vector_load %get3A_2480[%get3A_2481, %get3A_2482] {strides = array<i32>} : memref<1x1000xf32, #tpu.memory_space<vmem>>, vector<16xf32>,
        %gt3A_2484 = arith.cmpf ogt, %get3A_2483, %max3A_2421 : vector<16xf32>
        %max3A_2485 = arith.maximumf %max3A_2421, %get3A_2483 : vector<16xf32>
        %add3A_2486 = arith.constant 128 : i32
        %add3A_2487 = vector.broadcast %add3A_2486 : i32 to vector<16xi32>
        %add3A_2488 = arith.addi %iota3A, %add3A_2487 : vector<16xi32>
        %select_n3A_2489 = arith.select %gt3A_2484, %add3A_2488, %select_n3A_2425 : vector<16xi1>, vector<16xi32>
        %exp3A_2490 = math.exp %get3A_2483 : vector<16xf32>
        %add3A_2491 = arith.addf %add3A_2427, %exp3A_2490 : vector<16xf32>
        %get3A_2492 = arith.constant 0 : i32
        %get3A_2493 = arith.constant 0 : i32
        %get3A_2494 = arith.constant 0 : i32
        %get3A_2495 = tpu.memref_slice %arg8[%rem3A_78, %scan3A_197, %get3A_2493, %get3A_2494] : memref<2x16x1x1000xf32, #tpu.memory_space<vmem>> -> memref<1x1x1x1000xf32, #tpu.memory_space<vmem>>
        %get3A_2496 = tpu.memref_squeeze %get3A_2495 : memref<1x1x1x1000xf32, #tpu.memory_space<vmem>> -> memref<1x1000xf32, #tpu.memory_space<vmem>>
        %get3A_2497 = arith.index_cast %get3A_2492 : i32 to index
        %get3A_2498 = arith.constant 144 : index
        %get3A_2499 = tpu.vector_load %get3A_2496[%get3A_2497, %get3A_2498] {strides = array<i32>} : memref<1x1000xf32, #tpu.memory_space<vmem>>, vector<16xf32>,
        %gt3A_2500 = arith.cmpf ogt, %get3A_2499, %max3A_2437 : vector<16xf32>
        %max3A_2501 = arith.maximumf %max3A_2437, %get3A_2499 : vector<16xf32>
        %add3A_2502 = arith.constant 144 : i32
        %add3A_2503 = vector.broadcast %add3A_2502 : i32 to vector<16xi32>
        %add3A_2504 = arith.addi %iota3A, %add3A_2503 : vector<16xi32>
        %select_n3A_2505 = arith.select %gt3A_2500, %add3A_2504, %select_n3A_2441 : vector<16xi1>, vector<16xi32>
        %exp3A_2506 = math.exp %get3A_2499 : vector<16xf32>
        %add3A_2507 = arith.addf %add3A_2443, %exp3A_2506 : vector<16xf32>
        %get3A_2508 = arith.constant 0 : i32
        %get3A_2509 = arith.constant 0 : i32
        %get3A_2510 = arith.constant 0 : i32
        %get3A_2511 = tpu.memref_slice %arg8[%rem3A_78, %scan3A_197, %get3A_2509, %get3A_2510] : memref<2x16x1x1000xf32, #tpu.memory_space<vmem>> -> memref<1x1x1x1000xf32, #tpu.memory_space<vmem>>
        %get3A_2512 = tpu.memref_squeeze %get3A_2511 : memref<1x1x1x1000xf32, #tpu.memory_space<vmem>> -> memref<1x1000xf32, #tpu.memory_space<vmem>>
        %get3A_2513 = arith.index_cast %get3A_2508 : i32 to index
        %get3A_2514 = arith.constant 160 : index
        %get3A_2515 = tpu.vector_load %get3A_2512[%get3A_2513, %get3A_2514] {strides = array<i32>} : memref<1x1000xf32, #tpu.memory_space<vmem>>, vector<16xf32>,
        %gt3A_2516 = arith.cmpf ogt, %get3A_2515, %max3A_2453 : vector<16xf32>
        %max3A_2517 = arith.maximumf %max3A_2453, %get3A_2515 : vector<16xf32>
        %add3A_2518 = arith.constant 160 : i32
        %add3A_2519 = vector.broadcast %add3A_2518 : i32 to vector<16xi32>
        %add3A_2520 = arith.addi %iota3A, %add3A_2519 : vector<16xi32>
        %select_n3A_2521 = arith.select %gt3A_2516, %add3A_2520, %select_n3A_2457 : vector<16xi1>, vector<16xi32>
        %exp3A_2522 = math.exp %get3A_2515 : vector<16xf32>
        %add3A_2523 = arith.addf %add3A_2459, %exp3A_2522 : vector<16xf32>
        %get3A_2524 = arith.constant 0 : i32
        %get3A_2525 = arith.constant 0 : i32
        %get3A_2526 = arith.constant 0 : i32
        %get3A_2527 = tpu.memref_slice %arg8[%rem3A_78, %scan3A_197, %get3A_2525, %get3A_2526] : memref<2x16x1x1000xf32, #tpu.memory_space<vmem>> -> memref<1x1x1x1000xf32, #tpu.memory_space<vmem>>
        %get3A_2528 = tpu.memref_squeeze %get3A_2527 : memref<1x1x1x1000xf32, #tpu.memory_space<vmem>> -> memref<1x1000xf32, #tpu.memory_space<vmem>>
        %get3A_2529 = arith.index_cast %get3A_2524 : i32 to index
        %get3A_2530 = arith.constant 176 : index
        %get3A_2531 = tpu.vector_load %get3A_2528[%get3A_2529, %get3A_2530] {strides = array<i32>} : memref<1x1000xf32, #tpu.memory_space<vmem>>, vector<16xf32>,
        %gt3A_2532 = arith.cmpf ogt, %get3A_2531, %max3A_2469 : vector<16xf32>
        %max3A_2533 = arith.maximumf %max3A_2469, %get3A_2531 : vector<16xf32>
        %add3A_2534 = arith.constant 176 : i32
        %add3A_2535 = vector.broadcast %add3A_2534 : i32 to vector<16xi32>
        %add3A_2536 = arith.addi %iota3A, %add3A_2535 : vector<16xi32>
        %select_n3A_2537 = arith.select %gt3A_2532, %add3A_2536, %select_n3A_2473 : vector<16xi1>, vector<16xi32>
        %exp3A_2538 = math.exp %get3A_2531 : vector<16xf32>
        %add3A_2539 = arith.addf %add3A_2475, %exp3A_2538 : vector<16xf32>
        %get3A_2540 = arith.constant 0 : i32
        %get3A_2541 = arith.constant 0 : i32
        %get3A_2542 = arith.constant 0 : i32
        %get3A_2543 = tpu.memref_slice %arg8[%rem3A_78, %scan3A_197, %get3A_2541, %get3A_2542] : memref<2x16x1x1000xf32, #tpu.memory_space<vmem>> -> memref<1x1x1x1000xf32, #tpu.memory_space<vmem>>
        %get3A_2544 = tpu.memref_squeeze %get3A_2543 : memref<1x1x1x1000xf32, #tpu.memory_space<vmem>> -> memref<1x1000xf32, #tpu.memory_space<vmem>>
        %get3A_2545 = arith.index_cast %get3A_2540 : i32 to index
        %get3A_2546 = arith.constant 192 : index
        %get3A_2547 = tpu.vector_load %get3A_2544[%get3A_2545, %get3A_2546] {strides = array<i32>} : memref<1x1000xf32, #tpu.memory_space<vmem>>, vector<16xf32>,
        %gt3A_2548 = arith.cmpf ogt, %get3A_2547, %max3A_2485 : vector<16xf32>
        %max3A_2549 = arith.maximumf %max3A_2485, %get3A_2547 : vector<16xf32>
        %add3A_2550 = arith.constant 192 : i32
        %add3A_2551 = vector.broadcast %add3A_2550 : i32 to vector<16xi32>
        %add3A_2552 = arith.addi %iota3A, %add3A_2551 : vector<16xi32>
        %select_n3A_2553 = arith.select %gt3A_2548, %add3A_2552, %select_n3A_2489 : vector<16xi1>, vector<16xi32>
        %exp3A_2554 = math.exp %get3A_2547 : vector<16xf32>
        %add3A_2555 = arith.addf %add3A_2491, %exp3A_2554 : vector<16xf32>
        %get3A_2556 = arith.constant 0 : i32
        %get3A_2557 = arith.constant 0 : i32
        %get3A_2558 = arith.constant 0 : i32
        %get3A_2559 = tpu.memref_slice %arg8[%rem3A_78, %scan3A_197, %get3A_2557, %get3A_2558] : memref<2x16x1x1000xf32, #tpu.memory_space<vmem>> -> memref<1x1x1x1000xf32, #tpu.memory_space<vmem>>
        %get3A_2560 = tpu.memref_squeeze %get3A_2559 : memref<1x1x1x1000xf32, #tpu.memory_space<vmem>> -> memref<1x1000xf32, #tpu.memory_space<vmem>>
        %get3A_2561 = arith.index_cast %get3A_2556 : i32 to index
        %get3A_2562 = arith.constant 208 : index
        %get3A_2563 = tpu.vector_load %get3A_2560[%get3A_2561, %get3A_2562] {strides = array<i32>} : memref<1x1000xf32, #tpu.memory_space<vmem>>, vector<16xf32>,
        %gt3A_2564 = arith.cmpf ogt, %get3A_2563, %max3A_2501 : vector<16xf32>
        %max3A_2565 = arith.maximumf %max3A_2501, %get3A_2563 : vector<16xf32>
        %add3A_2566 = arith.constant 208 : i32
        %add3A_2567 = vector.broadcast %add3A_2566 : i32 to vector<16xi32>
        %add3A_2568 = arith.addi %iota3A, %add3A_2567 : vector<16xi32>
        %select_n3A_2569 = arith.select %gt3A_2564, %add3A_2568, %select_n3A_2505 : vector<16xi1>, vector<16xi32>
        %exp3A_2570 = math.exp %get3A_2563 : vector<16xf32>
        %add3A_2571 = arith.addf %add3A_2507, %exp3A_2570 : vector<16xf32>
        %get3A_2572 = arith.constant 0 : i32
        %get3A_2573 = arith.constant 0 : i32
        %get3A_2574 = arith.constant 0 : i32
        %get3A_2575 = tpu.memref_slice %arg8[%rem3A_78, %scan3A_197, %get3A_2573, %get3A_2574] : memref<2x16x1x1000xf32, #tpu.memory_space<vmem>> -> memref<1x1x1x1000xf32, #tpu.memory_space<vmem>>
        %get3A_2576 = tpu.memref_squeeze %get3A_2575 : memref<1x1x1x1000xf32, #tpu.memory_space<vmem>> -> memref<1x1000xf32, #tpu.memory_space<vmem>>
        %get3A_2577 = arith.index_cast %get3A_2572 : i32 to index
        %get3A_2578 = arith.constant 224 : index
        %get3A_2579 = tpu.vector_load %get3A_2576[%get3A_2577, %get3A_2578] {strides = array<i32>} : memref<1x1000xf32, #tpu.memory_space<vmem>>, vector<16xf32>,
        %gt3A_2580 = arith.cmpf ogt, %get3A_2579, %max3A_2517 : vector<16xf32>
        %max3A_2581 = arith.maximumf %max3A_2517, %get3A_2579 : vector<16xf32>
        %add3A_2582 = arith.constant 224 : i32
        %add3A_2583 = vector.broadcast %add3A_2582 : i32 to vector<16xi32>
        %add3A_2584 = arith.addi %iota3A, %add3A_2583 : vector<16xi32>
        %select_n3A_2585 = arith.select %gt3A_2580, %add3A_2584, %select_n3A_2521 : vector<16xi1>, vector<16xi32>
        %exp3A_2586 = math.exp %get3A_2579 : vector<16xf32>
        %add3A_2587 = arith.addf %add3A_2523, %exp3A_2586 : vector<16xf32>
        %get3A_2588 = arith.constant 0 : i32
        %get3A_2589 = arith.constant 0 : i32
        %get3A_2590 = arith.constant 0 : i32
        %get3A_2591 = tpu.memref_slice %arg8[%rem3A_78, %scan3A_197, %get3A_2589, %get3A_2590] : memref<2x16x1x1000xf32, #tpu.memory_space<vmem>> -> memref<1x1x1x1000xf32, #tpu.memory_space<vmem>>
        %get3A_2592 = tpu.memref_squeeze %get3A_2591 : memref<1x1x1x1000xf32, #tpu.memory_space<vmem>> -> memref<1x1000xf32, #tpu.memory_space<vmem>>
        %get3A_2593 = arith.index_cast %get3A_2588 : i32 to index
        %get3A_2594 = arith.constant 240 : index
        %get3A_2595 = tpu.vector_load %get3A_2592[%get3A_2593, %get3A_2594] {strides = array<i32>} : memref<1x1000xf32, #tpu.memory_space<vmem>>, vector<16xf32>,
        %gt3A_2596 = arith.cmpf ogt, %get3A_2595, %max3A_2533 : vector<16xf32>
        %max3A_2597 = arith.maximumf %max3A_2533, %get3A_2595 : vector<16xf32>
        %add3A_2598 = arith.constant 240 : i32
        %add3A_2599 = vector.broadcast %add3A_2598 : i32 to vector<16xi32>
        %add3A_2600 = arith.addi %iota3A, %add3A_2599 : vector<16xi32>
        %select_n3A_2601 = arith.select %gt3A_2596, %add3A_2600, %select_n3A_2537 : vector<16xi1>, vector<16xi32>
        %exp3A_2602 = math.exp %get3A_2595 : vector<16xf32>
        %add3A_2603 = arith.addf %add3A_2539, %exp3A_2602 : vector<16xf32>
        %get3A_2604 = arith.constant 0 : i32
        %get3A_2605 = arith.constant 0 : i32
        %get3A_2606 = arith.constant 0 : i32
        %get3A_2607 = tpu.memref_slice %arg8[%rem3A_78, %scan3A_197, %get3A_2605, %get3A_2606] : memref<2x16x1x1000xf32, #tpu.memory_space<vmem>> -> memref<1x1x1x1000xf32, #tpu.memory_space<vmem>>
        %get3A_2608 = tpu.memref_squeeze %get3A_2607 : memref<1x1x1x1000xf32, #tpu.memory_space<vmem>> -> memref<1x1000xf32, #tpu.memory_space<vmem>>
        %get3A_2609 = arith.index_cast %get3A_2604 : i32 to index
        %get3A_2610 = arith.constant 256 : index
        %get3A_2611 = tpu.vector_load %get3A_2608[%get3A_2609, %get3A_2610] {strides = array<i32>} : memref<1x1000xf32, #tpu.memory_space<vmem>>, vector<16xf32>,
        %gt3A_2612 = arith.cmpf ogt, %get3A_2611, %max3A_2549 : vector<16xf32>
        %max3A_2613 = arith.maximumf %max3A_2549, %get3A_2611 : vector<16xf32>
        %add3A_2614 = arith.constant 256 : i32
        %add3A_2615 = vector.broadcast %add3A_2614 : i32 to vector<16xi32>
        %add3A_2616 = arith.addi %iota3A, %add3A_2615 : vector<16xi32>
        %select_n3A_2617 = arith.select %gt3A_2612, %add3A_2616, %select_n3A_2553 : vector<16xi1>, vector<16xi32>
        %exp3A_2618 = math.exp %get3A_2611 : vector<16xf32>
        %add3A_2619 = arith.addf %add3A_2555, %exp3A_2618 : vector<16xf32>
        %get3A_2620 = arith.constant 0 : i32
        %get3A_2621 = arith.constant 0 : i32
        %get3A_2622 = arith.constant 0 : i32
        %get3A_2623 = tpu.memref_slice %arg8[%rem3A_78, %scan3A_197, %get3A_2621, %get3A_2622] : memref<2x16x1x1000xf32, #tpu.memory_space<vmem>> -> memref<1x1x1x1000xf32, #tpu.memory_space<vmem>>
        %get3A_2624 = tpu.memref_squeeze %get3A_2623 : memref<1x1x1x1000xf32, #tpu.memory_space<vmem>> -> memref<1x1000xf32, #tpu.memory_space<vmem>>
        %get3A_2625 = arith.index_cast %get3A_2620 : i32 to index
        %get3A_2626 = arith.constant 272 : index
        %get3A_2627 = tpu.vector_load %get3A_2624[%get3A_2625, %get3A_2626] {strides = array<i32>} : memref<1x1000xf32, #tpu.memory_space<vmem>>, vector<16xf32>,
        %gt3A_2628 = arith.cmpf ogt, %get3A_2627, %max3A_2565 : vector<16xf32>
        %max3A_2629 = arith.maximumf %max3A_2565, %get3A_2627 : vector<16xf32>
        %add3A_2630 = arith.constant 272 : i32
        %add3A_2631 = vector.broadcast %add3A_2630 : i32 to vector<16xi32>
        %add3A_2632 = arith.addi %iota3A, %add3A_2631 : vector<16xi32>
        %select_n3A_2633 = arith.select %gt3A_2628, %add3A_2632, %select_n3A_2569 : vector<16xi1>, vector<16xi32>
        %exp3A_2634 = math.exp %get3A_2627 : vector<16xf32>
        %add3A_2635 = arith.addf %add3A_2571, %exp3A_2634 : vector<16xf32>
        %get3A_2636 = arith.constant 0 : i32
        %get3A_2637 = arith.constant 0 : i32
        %get3A_2638 = arith.constant 0 : i32
        %get3A_2639 = tpu.memref_slice %arg8[%rem3A_78, %scan3A_197, %get3A_2637, %get3A_2638] : memref<2x16x1x1000xf32, #tpu.memory_space<vmem>> -> memref<1x1x1x1000xf32, #tpu.memory_space<vmem>>
        %get3A_2640 = tpu.memref_squeeze %get3A_2639 : memref<1x1x1x1000xf32, #tpu.memory_space<vmem>> -> memref<1x1000xf32, #tpu.memory_space<vmem>>
        %get3A_2641 = arith.index_cast %get3A_2636 : i32 to index
        %get3A_2642 = arith.constant 288 : index
        %get3A_2643 = tpu.vector_load %get3A_2640[%get3A_2641, %get3A_2642] {strides = array<i32>} : memref<1x1000xf32, #tpu.memory_space<vmem>>, vector<16xf32>,
        %gt3A_2644 = arith.cmpf ogt, %get3A_2643, %max3A_2581 : vector<16xf32>
        %max3A_2645 = arith.maximumf %max3A_2581, %get3A_2643 : vector<16xf32>
        %add3A_2646 = arith.constant 288 : i32
        %add3A_2647 = vector.broadcast %add3A_2646 : i32 to vector<16xi32>
        %add3A_2648 = arith.addi %iota3A, %add3A_2647 : vector<16xi32>
        %select_n3A_2649 = arith.select %gt3A_2644, %add3A_2648, %select_n3A_2585 : vector<16xi1>, vector<16xi32>
        %exp3A_2650 = math.exp %get3A_2643 : vector<16xf32>
        %add3A_2651 = arith.addf %add3A_2587, %exp3A_2650 : vector<16xf32>
        %get3A_2652 = arith.constant 0 : i32
        %get3A_2653 = arith.constant 0 : i32
        %get3A_2654 = arith.constant 0 : i32
        %get3A_2655 = tpu.memref_slice %arg8[%rem3A_78, %scan3A_197, %get3A_2653, %get3A_2654] : memref<2x16x1x1000xf32, #tpu.memory_space<vmem>> -> memref<1x1x1x1000xf32, #tpu.memory_space<vmem>>
        %get3A_2656 = tpu.memref_squeeze %get3A_2655 : memref<1x1x1x1000xf32, #tpu.memory_space<vmem>> -> memref<1x1000xf32, #tpu.memory_space<vmem>>
        %get3A_2657 = arith.index_cast %get3A_2652 : i32 to index
        %get3A_2658 = arith.constant 304 : index
        %get3A_2659 = tpu.vector_load %get3A_2656[%get3A_2657, %get3A_2658] {strides = array<i32>} : memref<1x1000xf32, #tpu.memory_space<vmem>>, vector<16xf32>,
        %gt3A_2660 = arith.cmpf ogt, %get3A_2659, %max3A_2597 : vector<16xf32>
        %max3A_2661 = arith.maximumf %max3A_2597, %get3A_2659 : vector<16xf32>
        %add3A_2662 = arith.constant 304 : i32
        %add3A_2663 = vector.broadcast %add3A_2662 : i32 to vector<16xi32>
        %add3A_2664 = arith.addi %iota3A, %add3A_2663 : vector<16xi32>
        %select_n3A_2665 = arith.select %gt3A_2660, %add3A_2664, %select_n3A_2601 : vector<16xi1>, vector<16xi32>
        %exp3A_2666 = math.exp %get3A_2659 : vector<16xf32>
        %add3A_2667 = arith.addf %add3A_2603, %exp3A_2666 : vector<16xf32>
        %get3A_2668 = arith.constant 0 : i32
        %get3A_2669 = arith.constant 0 : i32
        %get3A_2670 = arith.constant 0 : i32
        %get3A_2671 = tpu.memref_slice %arg8[%rem3A_78, %scan3A_197, %get3A_2669, %get3A_2670] : memref<2x16x1x1000xf32, #tpu.memory_space<vmem>> -> memref<1x1x1x1000xf32, #tpu.memory_space<vmem>>
        %get3A_2672 = tpu.memref_squeeze %get3A_2671 : memref<1x1x1x1000xf32, #tpu.memory_space<vmem>> -> memref<1x1000xf32, #tpu.memory_space<vmem>>
        %get3A_2673 = arith.index_cast %get3A_2668 : i32 to index
        %get3A_2674 = arith.constant 320 : index
        %get3A_2675 = tpu.vector_load %get3A_2672[%get3A_2673, %get3A_2674] {strides = array<i32>} : memref<1x1000xf32, #tpu.memory_space<vmem>>, vector<16xf32>,
        %gt3A_2676 = arith.cmpf ogt, %get3A_2675, %max3A_2613 : vector<16xf32>
        %max3A_2677 = arith.maximumf %max3A_2613, %get3A_2675 : vector<16xf32>
        %add3A_2678 = arith.constant 320 : i32
        %add3A_2679 = vector.broadcast %add3A_2678 : i32 to vector<16xi32>
        %add3A_2680 = arith.addi %iota3A, %add3A_2679 : vector<16xi32>
        %select_n3A_2681 = arith.select %gt3A_2676, %add3A_2680, %select_n3A_2617 : vector<16xi1>, vector<16xi32>
        %exp3A_2682 = math.exp %get3A_2675 : vector<16xf32>
        %add3A_2683 = arith.addf %add3A_2619, %exp3A_2682 : vector<16xf32>
        %get3A_2684 = arith.constant 0 : i32
        %get3A_2685 = arith.constant 0 : i32
        %get3A_2686 = arith.constant 0 : i32
        %get3A_2687 = tpu.memref_slice %arg8[%rem3A_78, %scan3A_197, %get3A_2685, %get3A_2686] : memref<2x16x1x1000xf32, #tpu.memory_space<vmem>> -> memref<1x1x1x1000xf32, #tpu.memory_space<vmem>>
        %get3A_2688 = tpu.memref_squeeze %get3A_2687 : memref<1x1x1x1000xf32, #tpu.memory_space<vmem>> -> memref<1x1000xf32, #tpu.memory_space<vmem>>
        %get3A_2689 = arith.index_cast %get3A_2684 : i32 to index
        %get3A_2690 = arith.constant 336 : index
        %get3A_2691 = tpu.vector_load %get3A_2688[%get3A_2689, %get3A_2690] {strides = array<i32>} : memref<1x1000xf32, #tpu.memory_space<vmem>>, vector<16xf32>,
        %gt3A_2692 = arith.cmpf ogt, %get3A_2691, %max3A_2629 : vector<16xf32>
        %max3A_2693 = arith.maximumf %max3A_2629, %get3A_2691 : vector<16xf32>
        %add3A_2694 = arith.constant 336 : i32
        %add3A_2695 = vector.broadcast %add3A_2694 : i32 to vector<16xi32>
        %add3A_2696 = arith.addi %iota3A, %add3A_2695 : vector<16xi32>
        %select_n3A_2697 = arith.select %gt3A_2692, %add3A_2696, %select_n3A_2633 : vector<16xi1>, vector<16xi32>
        %exp3A_2698 = math.exp %get3A_2691 : vector<16xf32>
        %add3A_2699 = arith.addf %add3A_2635, %exp3A_2698 : vector<16xf32>
        %get3A_2700 = arith.constant 0 : i32
        %get3A_2701 = arith.constant 0 : i32
        %get3A_2702 = arith.constant 0 : i32
        %get3A_2703 = tpu.memref_slice %arg8[%rem3A_78, %scan3A_197, %get3A_2701, %get3A_2702] : memref<2x16x1x1000xf32, #tpu.memory_space<vmem>> -> memref<1x1x1x1000xf32, #tpu.memory_space<vmem>>
        %get3A_2704 = tpu.memref_squeeze %get3A_2703 : memref<1x1x1x1000xf32, #tpu.memory_space<vmem>> -> memref<1x1000xf32, #tpu.memory_space<vmem>>
        %get3A_2705 = arith.index_cast %get3A_2700 : i32 to index
        %get3A_2706 = arith.constant 352 : index
        %get3A_2707 = tpu.vector_load %get3A_2704[%get3A_2705, %get3A_2706] {strides = array<i32>} : memref<1x1000xf32, #tpu.memory_space<vmem>>, vector<16xf32>,
        %gt3A_2708 = arith.cmpf ogt, %get3A_2707, %max3A_2645 : vector<16xf32>
        %max3A_2709 = arith.maximumf %max3A_2645, %get3A_2707 : vector<16xf32>
        %add3A_2710 = arith.constant 352 : i32
        %add3A_2711 = vector.broadcast %add3A_2710 : i32 to vector<16xi32>
        %add3A_2712 = arith.addi %iota3A, %add3A_2711 : vector<16xi32>
        %select_n3A_2713 = arith.select %gt3A_2708, %add3A_2712, %select_n3A_2649 : vector<16xi1>, vector<16xi32>
        %exp3A_2714 = math.exp %get3A_2707 : vector<16xf32>
        %add3A_2715 = arith.addf %add3A_2651, %exp3A_2714 : vector<16xf32>
        %get3A_2716 = arith.constant 0 : i32
        %get3A_2717 = arith.constant 0 : i32
        %get3A_2718 = arith.constant 0 : i32
        %get3A_2719 = tpu.memref_slice %arg8[%rem3A_78, %scan3A_197, %get3A_2717, %get3A_2718] : memref<2x16x1x1000xf32, #tpu.memory_space<vmem>> -> memref<1x1x1x1000xf32, #tpu.memory_space<vmem>>
        %get3A_2720 = tpu.memref_squeeze %get3A_2719 : memref<1x1x1x1000xf32, #tpu.memory_space<vmem>> -> memref<1x1000xf32, #tpu.memory_space<vmem>>
        %get3A_2721 = arith.index_cast %get3A_2716 : i32 to index
        %get3A_2722 = arith.constant 368 : index
        %get3A_2723 = tpu.vector_load %get3A_2720[%get3A_2721, %get3A_2722] {strides = array<i32>} : memref<1x1000xf32, #tpu.memory_space<vmem>>, vector<16xf32>,
        %gt3A_2724 = arith.cmpf ogt, %get3A_2723, %max3A_2661 : vector<16xf32>
        %max3A_2725 = arith.maximumf %max3A_2661, %get3A_2723 : vector<16xf32>
        %add3A_2726 = arith.constant 368 : i32
        %add3A_2727 = vector.broadcast %add3A_2726 : i32 to vector<16xi32>
        %add3A_2728 = arith.addi %iota3A, %add3A_2727 : vector<16xi32>
        %select_n3A_2729 = arith.select %gt3A_2724, %add3A_2728, %select_n3A_2665 : vector<16xi1>, vector<16xi32>
        %exp3A_2730 = math.exp %get3A_2723 : vector<16xf32>
        %add3A_2731 = arith.addf %add3A_2667, %exp3A_2730 : vector<16xf32>
        %get3A_2732 = arith.constant 0 : i32
        %get3A_2733 = arith.constant 0 : i32
        %get3A_2734 = arith.constant 0 : i32
        %get3A_2735 = tpu.memref_slice %arg8[%rem3A_78, %scan3A_197, %get3A_2733, %get3A_2734] : memref<2x16x1x1000xf32, #tpu.memory_space<vmem>> -> memref<1x1x1x1000xf32, #tpu.memory_space<vmem>>
        %get3A_2736 = tpu.memref_squeeze %get3A_2735 : memref<1x1x1x1000xf32, #tpu.memory_space<vmem>> -> memref<1x1000xf32, #tpu.memory_space<vmem>>
        %get3A_2737 = arith.index_cast %get3A_2732 : i32 to index
        %get3A_2738 = arith.constant 384 : index
        %get3A_2739 = tpu.vector_load %get3A_2736[%get3A_2737, %get3A_2738] {strides = array<i32>} : memref<1x1000xf32, #tpu.memory_space<vmem>>, vector<16xf32>,
        %gt3A_2740 = arith.cmpf ogt, %get3A_2739, %max3A_2677 : vector<16xf32>
        %max3A_2741 = arith.maximumf %max3A_2677, %get3A_2739 : vector<16xf32>
        %add3A_2742 = arith.constant 384 : i32
        %add3A_2743 = vector.broadcast %add3A_2742 : i32 to vector<16xi32>
        %add3A_2744 = arith.addi %iota3A, %add3A_2743 : vector<16xi32>
        %select_n3A_2745 = arith.select %gt3A_2740, %add3A_2744, %select_n3A_2681 : vector<16xi1>, vector<16xi32>
        %exp3A_2746 = math.exp %get3A_2739 : vector<16xf32>
        %add3A_2747 = arith.addf %add3A_2683, %exp3A_2746 : vector<16xf32>
        %get3A_2748 = arith.constant 0 : i32
        %get3A_2749 = arith.constant 0 : i32
        %get3A_2750 = arith.constant 0 : i32
        %get3A_2751 = tpu.memref_slice %arg8[%rem3A_78, %scan3A_197, %get3A_2749, %get3A_2750] : memref<2x16x1x1000xf32, #tpu.memory_space<vmem>> -> memref<1x1x1x1000xf32, #tpu.memory_space<vmem>>
        %get3A_2752 = tpu.memref_squeeze %get3A_2751 : memref<1x1x1x1000xf32, #tpu.memory_space<vmem>> -> memref<1x1000xf32, #tpu.memory_space<vmem>>
        %get3A_2753 = arith.index_cast %get3A_2748 : i32 to index
        %get3A_2754 = arith.constant 400 : index
        %get3A_2755 = tpu.vector_load %get3A_2752[%get3A_2753, %get3A_2754] {strides = array<i32>} : memref<1x1000xf32, #tpu.memory_space<vmem>>, vector<16xf32>,
        %gt3A_2756 = arith.cmpf ogt, %get3A_2755, %max3A_2693 : vector<16xf32>
        %max3A_2757 = arith.maximumf %max3A_2693, %get3A_2755 : vector<16xf32>
        %add3A_2758 = arith.constant 400 : i32
        %add3A_2759 = vector.broadcast %add3A_2758 : i32 to vector<16xi32>
        %add3A_2760 = arith.addi %iota3A, %add3A_2759 : vector<16xi32>
        %select_n3A_2761 = arith.select %gt3A_2756, %add3A_2760, %select_n3A_2697 : vector<16xi1>, vector<16xi32>
        %exp3A_2762 = math.exp %get3A_2755 : vector<16xf32>
        %add3A_2763 = arith.addf %add3A_2699, %exp3A_2762 : vector<16xf32>
        %get3A_2764 = arith.constant 0 : i32
        %get3A_2765 = arith.constant 0 : i32
        %get3A_2766 = arith.constant 0 : i32
        %get3A_2767 = tpu.memref_slice %arg8[%rem3A_78, %scan3A_197, %get3A_2765, %get3A_2766] : memref<2x16x1x1000xf32, #tpu.memory_space<vmem>> -> memref<1x1x1x1000xf32, #tpu.memory_space<vmem>>
        %get3A_2768 = tpu.memref_squeeze %get3A_2767 : memref<1x1x1x1000xf32, #tpu.memory_space<vmem>> -> memref<1x1000xf32, #tpu.memory_space<vmem>>
        %get3A_2769 = arith.index_cast %get3A_2764 : i32 to index
        %get3A_2770 = arith.constant 416 : index
        %get3A_2771 = tpu.vector_load %get3A_2768[%get3A_2769, %get3A_2770] {strides = array<i32>} : memref<1x1000xf32, #tpu.memory_space<vmem>>, vector<16xf32>,
        %gt3A_2772 = arith.cmpf ogt, %get3A_2771, %max3A_2709 : vector<16xf32>
        %max3A_2773 = arith.maximumf %max3A_2709, %get3A_2771 : vector<16xf32>
        %add3A_2774 = arith.constant 416 : i32
        %add3A_2775 = vector.broadcast %add3A_2774 : i32 to vector<16xi32>
        %add3A_2776 = arith.addi %iota3A, %add3A_2775 : vector<16xi32>
        %select_n3A_2777 = arith.select %gt3A_2772, %add3A_2776, %select_n3A_2713 : vector<16xi1>, vector<16xi32>
        %exp3A_2778 = math.exp %get3A_2771 : vector<16xf32>
        %add3A_2779 = arith.addf %add3A_2715, %exp3A_2778 : vector<16xf32>
        %get3A_2780 = arith.constant 0 : i32
        %get3A_2781 = arith.constant 0 : i32
        %get3A_2782 = arith.constant 0 : i32
        %get3A_2783 = tpu.memref_slice %arg8[%rem3A_78, %scan3A_197, %get3A_2781, %get3A_2782] : memref<2x16x1x1000xf32, #tpu.memory_space<vmem>> -> memref<1x1x1x1000xf32, #tpu.memory_space<vmem>>
        %get3A_2784 = tpu.memref_squeeze %get3A_2783 : memref<1x1x1x1000xf32, #tpu.memory_space<vmem>> -> memref<1x1000xf32, #tpu.memory_space<vmem>>
        %get3A_2785 = arith.index_cast %get3A_2780 : i32 to index
        %get3A_2786 = arith.constant 432 : index
        %get3A_2787 = tpu.vector_load %get3A_2784[%get3A_2785, %get3A_2786] {strides = array<i32>} : memref<1x1000xf32, #tpu.memory_space<vmem>>, vector<16xf32>,
        %gt3A_2788 = arith.cmpf ogt, %get3A_2787, %max3A_2725 : vector<16xf32>
        %max3A_2789 = arith.maximumf %max3A_2725, %get3A_2787 : vector<16xf32>
        %add3A_2790 = arith.constant 432 : i32
        %add3A_2791 = vector.broadcast %add3A_2790 : i32 to vector<16xi32>
        %add3A_2792 = arith.addi %iota3A, %add3A_2791 : vector<16xi32>
        %select_n3A_2793 = arith.select %gt3A_2788, %add3A_2792, %select_n3A_2729 : vector<16xi1>, vector<16xi32>
        %exp3A_2794 = math.exp %get3A_2787 : vector<16xf32>
        %add3A_2795 = arith.addf %add3A_2731, %exp3A_2794 : vector<16xf32>
        %get3A_2796 = arith.constant 0 : i32
        %get3A_2797 = arith.constant 0 : i32
        %get3A_2798 = arith.constant 0 : i32
        %get3A_2799 = tpu.memref_slice %arg8[%rem3A_78, %scan3A_197, %get3A_2797, %get3A_2798] : memref<2x16x1x1000xf32, #tpu.memory_space<vmem>> -> memref<1x1x1x1000xf32, #tpu.memory_space<vmem>>
        %get3A_2800 = tpu.memref_squeeze %get3A_2799 : memref<1x1x1x1000xf32, #tpu.memory_space<vmem>> -> memref<1x1000xf32, #tpu.memory_space<vmem>>
        %get3A_2801 = arith.index_cast %get3A_2796 : i32 to index
        %get3A_2802 = arith.constant 448 : index
        %get3A_2803 = tpu.vector_load %get3A_2800[%get3A_2801, %get3A_2802] {strides = array<i32>} : memref<1x1000xf32, #tpu.memory_space<vmem>>, vector<16xf32>,
        %gt3A_2804 = arith.cmpf ogt, %get3A_2803, %max3A_2741 : vector<16xf32>
        %max3A_2805 = arith.maximumf %max3A_2741, %get3A_2803 : vector<16xf32>
        %add3A_2806 = arith.constant 448 : i32
        %add3A_2807 = vector.broadcast %add3A_2806 : i32 to vector<16xi32>
        %add3A_2808 = arith.addi %iota3A, %add3A_2807 : vector<16xi32>
        %select_n3A_2809 = arith.select %gt3A_2804, %add3A_2808, %select_n3A_2745 : vector<16xi1>, vector<16xi32>
        %exp3A_2810 = math.exp %get3A_2803 : vector<16xf32>
        %add3A_2811 = arith.addf %add3A_2747, %exp3A_2810 : vector<16xf32>
        %get3A_2812 = arith.constant 0 : i32
        %get3A_2813 = arith.constant 0 : i32
        %get3A_2814 = arith.constant 0 : i32
        %get3A_2815 = tpu.memref_slice %arg8[%rem3A_78, %scan3A_197, %get3A_2813, %get3A_2814] : memref<2x16x1x1000xf32, #tpu.memory_space<vmem>> -> memref<1x1x1x1000xf32, #tpu.memory_space<vmem>>
        %get3A_2816 = tpu.memref_squeeze %get3A_2815 : memref<1x1x1x1000xf32, #tpu.memory_space<vmem>> -> memref<1x1000xf32, #tpu.memory_space<vmem>>
        %get3A_2817 = arith.index_cast %get3A_2812 : i32 to index
        %get3A_2818 = arith.constant 464 : index
        %get3A_2819 = tpu.vector_load %get3A_2816[%get3A_2817, %get3A_2818] {strides = array<i32>} : memref<1x1000xf32, #tpu.memory_space<vmem>>, vector<16xf32>,
        %gt3A_2820 = arith.cmpf ogt, %get3A_2819, %max3A_2757 : vector<16xf32>
        %max3A_2821 = arith.maximumf %max3A_2757, %get3A_2819 : vector<16xf32>
        %add3A_2822 = arith.constant 464 : i32
        %add3A_2823 = vector.broadcast %add3A_2822 : i32 to vector<16xi32>
        %add3A_2824 = arith.addi %iota3A, %add3A_2823 : vector<16xi32>
        %select_n3A_2825 = arith.select %gt3A_2820, %add3A_2824, %select_n3A_2761 : vector<16xi1>, vector<16xi32>
        %exp3A_2826 = math.exp %get3A_2819 : vector<16xf32>
        %add3A_2827 = arith.addf %add3A_2763, %exp3A_2826 : vector<16xf32>
        %get3A_2828 = arith.constant 0 : i32
        %get3A_2829 = arith.constant 0 : i32
        %get3A_2830 = arith.constant 0 : i32
        %get3A_2831 = tpu.memref_slice %arg8[%rem3A_78, %scan3A_197, %get3A_2829, %get3A_2830] : memref<2x16x1x1000xf32, #tpu.memory_space<vmem>> -> memref<1x1x1x1000xf32, #tpu.memory_space<vmem>>
        %get3A_2832 = tpu.memref_squeeze %get3A_2831 : memref<1x1x1x1000xf32, #tpu.memory_space<vmem>> -> memref<1x1000xf32, #tpu.memory_space<vmem>>
        %get3A_2833 = arith.index_cast %get3A_2828 : i32 to index
        %get3A_2834 = arith.constant 480 : index
        %get3A_2835 = tpu.vector_load %get3A_2832[%get3A_2833, %get3A_2834] {strides = array<i32>} : memref<1x1000xf32, #tpu.memory_space<vmem>>, vector<16xf32>,
        %gt3A_2836 = arith.cmpf ogt, %get3A_2835, %max3A_2773 : vector<16xf32>
        %max3A_2837 = arith.maximumf %max3A_2773, %get3A_2835 : vector<16xf32>
        %add3A_2838 = arith.constant 480 : i32
        %add3A_2839 = vector.broadcast %add3A_2838 : i32 to vector<16xi32>
        %add3A_2840 = arith.addi %iota3A, %add3A_2839 : vector<16xi32>
        %select_n3A_2841 = arith.select %gt3A_2836, %add3A_2840, %select_n3A_2777 : vector<16xi1>, vector<16xi32>
        %exp3A_2842 = math.exp %get3A_2835 : vector<16xf32>
        %add3A_2843 = arith.addf %add3A_2779, %exp3A_2842 : vector<16xf32>
        %get3A_2844 = arith.constant 0 : i32
        %get3A_2845 = arith.constant 0 : i32
        %get3A_2846 = arith.constant 0 : i32
        %get3A_2847 = tpu.memref_slice %arg8[%rem3A_78, %scan3A_197, %get3A_2845, %get3A_2846] : memref<2x16x1x1000xf32, #tpu.memory_space<vmem>> -> memref<1x1x1x1000xf32, #tpu.memory_space<vmem>>
        %get3A_2848 = tpu.memref_squeeze %get3A_2847 : memref<1x1x1x1000xf32, #tpu.memory_space<vmem>> -> memref<1x1000xf32, #tpu.memory_space<vmem>>
        %get3A_2849 = arith.index_cast %get3A_2844 : i32 to index
        %get3A_2850 = arith.constant 496 : index
        %get3A_2851 = tpu.vector_load %get3A_2848[%get3A_2849, %get3A_2850] {strides = array<i32>} : memref<1x1000xf32, #tpu.memory_space<vmem>>, vector<16xf32>,
        %gt3A_2852 = arith.cmpf ogt, %get3A_2851, %max3A_2789 : vector<16xf32>
        %max3A_2853 = arith.maximumf %max3A_2789, %get3A_2851 : vector<16xf32>
        %add3A_2854 = arith.constant 496 : i32
        %add3A_2855 = vector.broadcast %add3A_2854 : i32 to vector<16xi32>
        %add3A_2856 = arith.addi %iota3A, %add3A_2855 : vector<16xi32>
        %select_n3A_2857 = arith.select %gt3A_2852, %add3A_2856, %select_n3A_2793 : vector<16xi1>, vector<16xi32>
        %exp3A_2858 = math.exp %get3A_2851 : vector<16xf32>
        %add3A_2859 = arith.addf %add3A_2795, %exp3A_2858 : vector<16xf32>
        %get3A_2860 = arith.constant 0 : i32
        %get3A_2861 = arith.constant 0 : i32
        %get3A_2862 = arith.constant 0 : i32
        %get3A_2863 = tpu.memref_slice %arg8[%rem3A_78, %scan3A_197, %get3A_2861, %get3A_2862] : memref<2x16x1x1000xf32, #tpu.memory_space<vmem>> -> memref<1x1x1x1000xf32, #tpu.memory_space<vmem>>
        %get3A_2864 = tpu.memref_squeeze %get3A_2863 : memref<1x1x1x1000xf32, #tpu.memory_space<vmem>> -> memref<1x1000xf32, #tpu.memory_space<vmem>>
        %get3A_2865 = arith.index_cast %get3A_2860 : i32 to index
        %get3A_2866 = arith.constant 512 : index
        %get3A_2867 = tpu.vector_load %get3A_2864[%get3A_2865, %get3A_2866] {strides = array<i32>} : memref<1x1000xf32, #tpu.memory_space<vmem>>, vector<16xf32>,
        %gt3A_2868 = arith.cmpf ogt, %get3A_2867, %max3A_2805 : vector<16xf32>
        %max3A_2869 = arith.maximumf %max3A_2805, %get3A_2867 : vector<16xf32>
        %add3A_2870 = arith.constant 512 : i32
        %add3A_2871 = vector.broadcast %add3A_2870 : i32 to vector<16xi32>
        %add3A_2872 = arith.addi %iota3A, %add3A_2871 : vector<16xi32>
        %select_n3A_2873 = arith.select %gt3A_2868, %add3A_2872, %select_n3A_2809 : vector<16xi1>, vector<16xi32>
        %exp3A_2874 = math.exp %get3A_2867 : vector<16xf32>
        %add3A_2875 = arith.addf %add3A_2811, %exp3A_2874 : vector<16xf32>
        %get3A_2876 = arith.constant 0 : i32
        %get3A_2877 = arith.constant 0 : i32
        %get3A_2878 = arith.constant 0 : i32
        %get3A_2879 = tpu.memref_slice %arg8[%rem3A_78, %scan3A_197, %get3A_2877, %get3A_2878] : memref<2x16x1x1000xf32, #tpu.memory_space<vmem>> -> memref<1x1x1x1000xf32, #tpu.memory_space<vmem>>
        %get3A_2880 = tpu.memref_squeeze %get3A_2879 : memref<1x1x1x1000xf32, #tpu.memory_space<vmem>> -> memref<1x1000xf32, #tpu.memory_space<vmem>>
        %get3A_2881 = arith.index_cast %get3A_2876 : i32 to index
        %get3A_2882 = arith.constant 528 : index
        %get3A_2883 = tpu.vector_load %get3A_2880[%get3A_2881, %get3A_2882] {strides = array<i32>} : memref<1x1000xf32, #tpu.memory_space<vmem>>, vector<16xf32>,
        %gt3A_2884 = arith.cmpf ogt, %get3A_2883, %max3A_2821 : vector<16xf32>
        %max3A_2885 = arith.maximumf %max3A_2821, %get3A_2883 : vector<16xf32>
        %add3A_2886 = arith.constant 528 : i32
        %add3A_2887 = vector.broadcast %add3A_2886 : i32 to vector<16xi32>
        %add3A_2888 = arith.addi %iota3A, %add3A_2887 : vector<16xi32>
        %select_n3A_2889 = arith.select %gt3A_2884, %add3A_2888, %select_n3A_2825 : vector<16xi1>, vector<16xi32>
        %exp3A_2890 = math.exp %get3A_2883 : vector<16xf32>
        %add3A_2891 = arith.addf %add3A_2827, %exp3A_2890 : vector<16xf32>
        %get3A_2892 = arith.constant 0 : i32
        %get3A_2893 = arith.constant 0 : i32
        %get3A_2894 = arith.constant 0 : i32
        %get3A_2895 = tpu.memref_slice %arg8[%rem3A_78, %scan3A_197, %get3A_2893, %get3A_2894] : memref<2x16x1x1000xf32, #tpu.memory_space<vmem>> -> memref<1x1x1x1000xf32, #tpu.memory_space<vmem>>
        %get3A_2896 = tpu.memref_squeeze %get3A_2895 : memref<1x1x1x1000xf32, #tpu.memory_space<vmem>> -> memref<1x1000xf32, #tpu.memory_space<vmem>>
        %get3A_2897 = arith.index_cast %get3A_2892 : i32 to index
        %get3A_2898 = arith.constant 544 : index
        %get3A_2899 = tpu.vector_load %get3A_2896[%get3A_2897, %get3A_2898] {strides = array<i32>} : memref<1x1000xf32, #tpu.memory_space<vmem>>, vector<16xf32>,
        %gt3A_2900 = arith.cmpf ogt, %get3A_2899, %max3A_2837 : vector<16xf32>
        %max3A_2901 = arith.maximumf %max3A_2837, %get3A_2899 : vector<16xf32>
        %add3A_2902 = arith.constant 544 : i32
        %add3A_2903 = vector.broadcast %add3A_2902 : i32 to vector<16xi32>
        %add3A_2904 = arith.addi %iota3A, %add3A_2903 : vector<16xi32>
        %select_n3A_2905 = arith.select %gt3A_2900, %add3A_2904, %select_n3A_2841 : vector<16xi1>, vector<16xi32>
        %exp3A_2906 = math.exp %get3A_2899 : vector<16xf32>
        %add3A_2907 = arith.addf %add3A_2843, %exp3A_2906 : vector<16xf32>
        %get3A_2908 = arith.constant 0 : i32
        %get3A_2909 = arith.constant 0 : i32
        %get3A_2910 = arith.constant 0 : i32
        %get3A_2911 = tpu.memref_slice %arg8[%rem3A_78, %scan3A_197, %get3A_2909, %get3A_2910] : memref<2x16x1x1000xf32, #tpu.memory_space<vmem>> -> memref<1x1x1x1000xf32, #tpu.memory_space<vmem>>
        %get3A_2912 = tpu.memref_squeeze %get3A_2911 : memref<1x1x1x1000xf32, #tpu.memory_space<vmem>> -> memref<1x1000xf32, #tpu.memory_space<vmem>>
        %get3A_2913 = arith.index_cast %get3A_2908 : i32 to index
        %get3A_2914 = arith.constant 560 : index
        %get3A_2915 = tpu.vector_load %get3A_2912[%get3A_2913, %get3A_2914] {strides = array<i32>} : memref<1x1000xf32, #tpu.memory_space<vmem>>, vector<16xf32>,
        %gt3A_2916 = arith.cmpf ogt, %get3A_2915, %max3A_2853 : vector<16xf32>
        %max3A_2917 = arith.maximumf %max3A_2853, %get3A_2915 : vector<16xf32>
        %add3A_2918 = arith.constant 560 : i32
        %add3A_2919 = vector.broadcast %add3A_2918 : i32 to vector<16xi32>
        %add3A_2920 = arith.addi %iota3A, %add3A_2919 : vector<16xi32>
        %select_n3A_2921 = arith.select %gt3A_2916, %add3A_2920, %select_n3A_2857 : vector<16xi1>, vector<16xi32>
        %exp3A_2922 = math.exp %get3A_2915 : vector<16xf32>
        %add3A_2923 = arith.addf %add3A_2859, %exp3A_2922 : vector<16xf32>
        %get3A_2924 = arith.constant 0 : i32
        %get3A_2925 = arith.constant 0 : i32
        %get3A_2926 = arith.constant 0 : i32
        %get3A_2927 = tpu.memref_slice %arg8[%rem3A_78, %scan3A_197, %get3A_2925, %get3A_2926] : memref<2x16x1x1000xf32, #tpu.memory_space<vmem>> -> memref<1x1x1x1000xf32, #tpu.memory_space<vmem>>
        %get3A_2928 = tpu.memref_squeeze %get3A_2927 : memref<1x1x1x1000xf32, #tpu.memory_space<vmem>> -> memref<1x1000xf32, #tpu.memory_space<vmem>>
        %get3A_2929 = arith.index_cast %get3A_2924 : i32 to index
        %get3A_2930 = arith.constant 576 : index
        %get3A_2931 = tpu.vector_load %get3A_2928[%get3A_2929, %get3A_2930] {strides = array<i32>} : memref<1x1000xf32, #tpu.memory_space<vmem>>, vector<16xf32>,
        %gt3A_2932 = arith.cmpf ogt, %get3A_2931, %max3A_2869 : vector<16xf32>
        %max3A_2933 = arith.maximumf %max3A_2869, %get3A_2931 : vector<16xf32>
        %add3A_2934 = arith.constant 576 : i32
        %add3A_2935 = vector.broadcast %add3A_2934 : i32 to vector<16xi32>
        %add3A_2936 = arith.addi %iota3A, %add3A_2935 : vector<16xi32>
        %select_n3A_2937 = arith.select %gt3A_2932, %add3A_2936, %select_n3A_2873 : vector<16xi1>, vector<16xi32>
        %exp3A_2938 = math.exp %get3A_2931 : vector<16xf32>
        %add3A_2939 = arith.addf %add3A_2875, %exp3A_2938 : vector<16xf32>
        %get3A_2940 = arith.constant 0 : i32
        %get3A_2941 = arith.constant 0 : i32
        %get3A_2942 = arith.constant 0 : i32
        %get3A_2943 = tpu.memref_slice %arg8[%rem3A_78, %scan3A_197, %get3A_2941, %get3A_2942] : memref<2x16x1x1000xf32, #tpu.memory_space<vmem>> -> memref<1x1x1x1000xf32, #tpu.memory_space<vmem>>
        %get3A_2944 = tpu.memref_squeeze %get3A_2943 : memref<1x1x1x1000xf32, #tpu.memory_space<vmem>> -> memref<1x1000xf32, #tpu.memory_space<vmem>>
        %get3A_2945 = arith.index_cast %get3A_2940 : i32 to index
        %get3A_2946 = arith.constant 592 : index
        %get3A_2947 = tpu.vector_load %get3A_2944[%get3A_2945, %get3A_2946] {strides = array<i32>} : memref<1x1000xf32, #tpu.memory_space<vmem>>, vector<16xf32>,
        %gt3A_2948 = arith.cmpf ogt, %get3A_2947, %max3A_2885 : vector<16xf32>
        %max3A_2949 = arith.maximumf %max3A_2885, %get3A_2947 : vector<16xf32>
        %add3A_2950 = arith.constant 592 : i32
        %add3A_2951 = vector.broadcast %add3A_2950 : i32 to vector<16xi32>
        %add3A_2952 = arith.addi %iota3A, %add3A_2951 : vector<16xi32>
        %select_n3A_2953 = arith.select %gt3A_2948, %add3A_2952, %select_n3A_2889 : vector<16xi1>, vector<16xi32>
        %exp3A_2954 = math.exp %get3A_2947 : vector<16xf32>
        %add3A_2955 = arith.addf %add3A_2891, %exp3A_2954 : vector<16xf32>
        %get3A_2956 = arith.constant 0 : i32
        %get3A_2957 = arith.constant 0 : i32
        %get3A_2958 = arith.constant 0 : i32
        %get3A_2959 = tpu.memref_slice %arg8[%rem3A_78, %scan3A_197, %get3A_2957, %get3A_2958] : memref<2x16x1x1000xf32, #tpu.memory_space<vmem>> -> memref<1x1x1x1000xf32, #tpu.memory_space<vmem>>
        %get3A_2960 = tpu.memref_squeeze %get3A_2959 : memref<1x1x1x1000xf32, #tpu.memory_space<vmem>> -> memref<1x1000xf32, #tpu.memory_space<vmem>>
        %get3A_2961 = arith.index_cast %get3A_2956 : i32 to index
        %get3A_2962 = arith.constant 608 : index
        %get3A_2963 = tpu.vector_load %get3A_2960[%get3A_2961, %get3A_2962] {strides = array<i32>} : memref<1x1000xf32, #tpu.memory_space<vmem>>, vector<16xf32>,
        %gt3A_2964 = arith.cmpf ogt, %get3A_2963, %max3A_2901 : vector<16xf32>
        %max3A_2965 = arith.maximumf %max3A_2901, %get3A_2963 : vector<16xf32>
        %add3A_2966 = arith.constant 608 : i32
        %add3A_2967 = vector.broadcast %add3A_2966 : i32 to vector<16xi32>
        %add3A_2968 = arith.addi %iota3A, %add3A_2967 : vector<16xi32>
        %select_n3A_2969 = arith.select %gt3A_2964, %add3A_2968, %select_n3A_2905 : vector<16xi1>, vector<16xi32>
        %exp3A_2970 = math.exp %get3A_2963 : vector<16xf32>
        %add3A_2971 = arith.addf %add3A_2907, %exp3A_2970 : vector<16xf32>
        %get3A_2972 = arith.constant 0 : i32
        %get3A_2973 = arith.constant 0 : i32
        %get3A_2974 = arith.constant 0 : i32
        %get3A_2975 = tpu.memref_slice %arg8[%rem3A_78, %scan3A_197, %get3A_2973, %get3A_2974] : memref<2x16x1x1000xf32, #tpu.memory_space<vmem>> -> memref<1x1x1x1000xf32, #tpu.memory_space<vmem>>
        %get3A_2976 = tpu.memref_squeeze %get3A_2975 : memref<1x1x1x1000xf32, #tpu.memory_space<vmem>> -> memref<1x1000xf32, #tpu.memory_space<vmem>>
        %get3A_2977 = arith.index_cast %get3A_2972 : i32 to index
        %get3A_2978 = arith.constant 624 : index
        %get3A_2979 = tpu.vector_load %get3A_2976[%get3A_2977, %get3A_2978] {strides = array<i32>} : memref<1x1000xf32, #tpu.memory_space<vmem>>, vector<16xf32>,
        %gt3A_2980 = arith.cmpf ogt, %get3A_2979, %max3A_2917 : vector<16xf32>
        %max3A_2981 = arith.maximumf %max3A_2917, %get3A_2979 : vector<16xf32>
        %add3A_2982 = arith.constant 624 : i32
        %add3A_2983 = vector.broadcast %add3A_2982 : i32 to vector<16xi32>
        %add3A_2984 = arith.addi %iota3A, %add3A_2983 : vector<16xi32>
        %select_n3A_2985 = arith.select %gt3A_2980, %add3A_2984, %select_n3A_2921 : vector<16xi1>, vector<16xi32>
        %exp3A_2986 = math.exp %get3A_2979 : vector<16xf32>
        %add3A_2987 = arith.addf %add3A_2923, %exp3A_2986 : vector<16xf32>
        %get3A_2988 = arith.constant 0 : i32
        %get3A_2989 = arith.constant 0 : i32
        %get3A_2990 = arith.constant 0 : i32
        %get3A_2991 = tpu.memref_slice %arg8[%rem3A_78, %scan3A_197, %get3A_2989, %get3A_2990] : memref<2x16x1x1000xf32, #tpu.memory_space<vmem>> -> memref<1x1x1x1000xf32, #tpu.memory_space<vmem>>
        %get3A_2992 = tpu.memref_squeeze %get3A_2991 : memref<1x1x1x1000xf32, #tpu.memory_space<vmem>> -> memref<1x1000xf32, #tpu.memory_space<vmem>>
        %get3A_2993 = arith.index_cast %get3A_2988 : i32 to index
        %get3A_2994 = arith.constant 640 : index
        %get3A_2995 = tpu.vector_load %get3A_2992[%get3A_2993, %get3A_2994] {strides = array<i32>} : memref<1x1000xf32, #tpu.memory_space<vmem>>, vector<16xf32>,
        %gt3A_2996 = arith.cmpf ogt, %get3A_2995, %max3A_2933 : vector<16xf32>
        %max3A_2997 = arith.maximumf %max3A_2933, %get3A_2995 : vector<16xf32>
        %add3A_2998 = arith.constant 640 : i32
        %add3A_2999 = vector.broadcast %add3A_2998 : i32 to vector<16xi32>
        %add3A_3000 = arith.addi %iota3A, %add3A_2999 : vector<16xi32>
        %select_n3A_3001 = arith.select %gt3A_2996, %add3A_3000, %select_n3A_2937 : vector<16xi1>, vector<16xi32>
        %exp3A_3002 = math.exp %get3A_2995 : vector<16xf32>
        %add3A_3003 = arith.addf %add3A_2939, %exp3A_3002 : vector<16xf32>
        %get3A_3004 = arith.constant 0 : i32
        %get3A_3005 = arith.constant 0 : i32
        %get3A_3006 = arith.constant 0 : i32
        %get3A_3007 = tpu.memref_slice %arg8[%rem3A_78, %scan3A_197, %get3A_3005, %get3A_3006] : memref<2x16x1x1000xf32, #tpu.memory_space<vmem>> -> memref<1x1x1x1000xf32, #tpu.memory_space<vmem>>
        %get3A_3008 = tpu.memref_squeeze %get3A_3007 : memref<1x1x1x1000xf32, #tpu.memory_space<vmem>> -> memref<1x1000xf32, #tpu.memory_space<vmem>>
        %get3A_3009 = arith.index_cast %get3A_3004 : i32 to index
        %get3A_3010 = arith.constant 656 : index
        %get3A_3011 = tpu.vector_load %get3A_3008[%get3A_3009, %get3A_3010] {strides = array<i32>} : memref<1x1000xf32, #tpu.memory_space<vmem>>, vector<16xf32>,
        %gt3A_3012 = arith.cmpf ogt, %get3A_3011, %max3A_2949 : vector<16xf32>
        %max3A_3013 = arith.maximumf %max3A_2949, %get3A_3011 : vector<16xf32>
        %add3A_3014 = arith.constant 656 : i32
        %add3A_3015 = vector.broadcast %add3A_3014 : i32 to vector<16xi32>
        %add3A_3016 = arith.addi %iota3A, %add3A_3015 : vector<16xi32>
        %select_n3A_3017 = arith.select %gt3A_3012, %add3A_3016, %select_n3A_2953 : vector<16xi1>, vector<16xi32>
        %exp3A_3018 = math.exp %get3A_3011 : vector<16xf32>
        %add3A_3019 = arith.addf %add3A_2955, %exp3A_3018 : vector<16xf32>
        %get3A_3020 = arith.constant 0 : i32
        %get3A_3021 = arith.constant 0 : i32
        %get3A_3022 = arith.constant 0 : i32
        %get3A_3023 = tpu.memref_slice %arg8[%rem3A_78, %scan3A_197, %get3A_3021, %get3A_3022] : memref<2x16x1x1000xf32, #tpu.memory_space<vmem>> -> memref<1x1x1x1000xf32, #tpu.memory_space<vmem>>
        %get3A_3024 = tpu.memref_squeeze %get3A_3023 : memref<1x1x1x1000xf32, #tpu.memory_space<vmem>> -> memref<1x1000xf32, #tpu.memory_space<vmem>>
        %get3A_3025 = arith.index_cast %get3A_3020 : i32 to index
        %get3A_3026 = arith.constant 672 : index
        %get3A_3027 = tpu.vector_load %get3A_3024[%get3A_3025, %get3A_3026] {strides = array<i32>} : memref<1x1000xf32, #tpu.memory_space<vmem>>, vector<16xf32>,
        %gt3A_3028 = arith.cmpf ogt, %get3A_3027, %max3A_2965 : vector<16xf32>
        %max3A_3029 = arith.maximumf %max3A_2965, %get3A_3027 : vector<16xf32>
        %add3A_3030 = arith.constant 672 : i32
        %add3A_3031 = vector.broadcast %add3A_3030 : i32 to vector<16xi32>
        %add3A_3032 = arith.addi %iota3A, %add3A_3031 : vector<16xi32>
        %select_n3A_3033 = arith.select %gt3A_3028, %add3A_3032, %select_n3A_2969 : vector<16xi1>, vector<16xi32>
        %exp3A_3034 = math.exp %get3A_3027 : vector<16xf32>
        %add3A_3035 = arith.addf %add3A_2971, %exp3A_3034 : vector<16xf32>
        %get3A_3036 = arith.constant 0 : i32
        %get3A_3037 = arith.constant 0 : i32
        %get3A_3038 = arith.constant 0 : i32
        %get3A_3039 = tpu.memref_slice %arg8[%rem3A_78, %scan3A_197, %get3A_3037, %get3A_3038] : memref<2x16x1x1000xf32, #tpu.memory_space<vmem>> -> memref<1x1x1x1000xf32, #tpu.memory_space<vmem>>
        %get3A_3040 = tpu.memref_squeeze %get3A_3039 : memref<1x1x1x1000xf32, #tpu.memory_space<vmem>> -> memref<1x1000xf32, #tpu.memory_space<vmem>>
        %get3A_3041 = arith.index_cast %get3A_3036 : i32 to index
        %get3A_3042 = arith.constant 688 : index
        %get3A_3043 = tpu.vector_load %get3A_3040[%get3A_3041, %get3A_3042] {strides = array<i32>} : memref<1x1000xf32, #tpu.memory_space<vmem>>, vector<16xf32>,
        %gt3A_3044 = arith.cmpf ogt, %get3A_3043, %max3A_2981 : vector<16xf32>
        %max3A_3045 = arith.maximumf %max3A_2981, %get3A_3043 : vector<16xf32>
        %add3A_3046 = arith.constant 688 : i32
        %add3A_3047 = vector.broadcast %add3A_3046 : i32 to vector<16xi32>
        %add3A_3048 = arith.addi %iota3A, %add3A_3047 : vector<16xi32>
        %select_n3A_3049 = arith.select %gt3A_3044, %add3A_3048, %select_n3A_2985 : vector<16xi1>, vector<16xi32>
        %exp3A_3050 = math.exp %get3A_3043 : vector<16xf32>
        %add3A_3051 = arith.addf %add3A_2987, %exp3A_3050 : vector<16xf32>
        %get3A_3052 = arith.constant 0 : i32
        %get3A_3053 = arith.constant 0 : i32
        %get3A_3054 = arith.constant 0 : i32
        %get3A_3055 = tpu.memref_slice %arg8[%rem3A_78, %scan3A_197, %get3A_3053, %get3A_3054] : memref<2x16x1x1000xf32, #tpu.memory_space<vmem>> -> memref<1x1x1x1000xf32, #tpu.memory_space<vmem>>
        %get3A_3056 = tpu.memref_squeeze %get3A_3055 : memref<1x1x1x1000xf32, #tpu.memory_space<vmem>> -> memref<1x1000xf32, #tpu.memory_space<vmem>>
        %get3A_3057 = arith.index_cast %get3A_3052 : i32 to index
        %get3A_3058 = arith.constant 704 : index
        %get3A_3059 = tpu.vector_load %get3A_3056[%get3A_3057, %get3A_3058] {strides = array<i32>} : memref<1x1000xf32, #tpu.memory_space<vmem>>, vector<16xf32>,
        %gt3A_3060 = arith.cmpf ogt, %get3A_3059, %max3A_2997 : vector<16xf32>
        %max3A_3061 = arith.maximumf %max3A_2997, %get3A_3059 : vector<16xf32>
        %add3A_3062 = arith.constant 704 : i32
        %add3A_3063 = vector.broadcast %add3A_3062 : i32 to vector<16xi32>
        %add3A_3064 = arith.addi %iota3A, %add3A_3063 : vector<16xi32>
        %select_n3A_3065 = arith.select %gt3A_3060, %add3A_3064, %select_n3A_3001 : vector<16xi1>, vector<16xi32>
        %exp3A_3066 = math.exp %get3A_3059 : vector<16xf32>
        %add3A_3067 = arith.addf %add3A_3003, %exp3A_3066 : vector<16xf32>
        %get3A_3068 = arith.constant 0 : i32
        %get3A_3069 = arith.constant 0 : i32
        %get3A_3070 = arith.constant 0 : i32
        %get3A_3071 = tpu.memref_slice %arg8[%rem3A_78, %scan3A_197, %get3A_3069, %get3A_3070] : memref<2x16x1x1000xf32, #tpu.memory_space<vmem>> -> memref<1x1x1x1000xf32, #tpu.memory_space<vmem>>
        %get3A_3072 = tpu.memref_squeeze %get3A_3071 : memref<1x1x1x1000xf32, #tpu.memory_space<vmem>> -> memref<1x1000xf32, #tpu.memory_space<vmem>>
        %get3A_3073 = arith.index_cast %get3A_3068 : i32 to index
        %get3A_3074 = arith.constant 720 : index
        %get3A_3075 = tpu.vector_load %get3A_3072[%get3A_3073, %get3A_3074] {strides = array<i32>} : memref<1x1000xf32, #tpu.memory_space<vmem>>, vector<16xf32>,
        %gt3A_3076 = arith.cmpf ogt, %get3A_3075, %max3A_3013 : vector<16xf32>
        %max3A_3077 = arith.maximumf %max3A_3013, %get3A_3075 : vector<16xf32>
        %add3A_3078 = arith.constant 720 : i32
        %add3A_3079 = vector.broadcast %add3A_3078 : i32 to vector<16xi32>
        %add3A_3080 = arith.addi %iota3A, %add3A_3079 : vector<16xi32>
        %select_n3A_3081 = arith.select %gt3A_3076, %add3A_3080, %select_n3A_3017 : vector<16xi1>, vector<16xi32>
        %exp3A_3082 = math.exp %get3A_3075 : vector<16xf32>
        %add3A_3083 = arith.addf %add3A_3019, %exp3A_3082 : vector<16xf32>
        %get3A_3084 = arith.constant 0 : i32
        %get3A_3085 = arith.constant 0 : i32
        %get3A_3086 = arith.constant 0 : i32
        %get3A_3087 = tpu.memref_slice %arg8[%rem3A_78, %scan3A_197, %get3A_3085, %get3A_3086] : memref<2x16x1x1000xf32, #tpu.memory_space<vmem>> -> memref<1x1x1x1000xf32, #tpu.memory_space<vmem>>
        %get3A_3088 = tpu.memref_squeeze %get3A_3087 : memref<1x1x1x1000xf32, #tpu.memory_space<vmem>> -> memref<1x1000xf32, #tpu.memory_space<vmem>>
        %get3A_3089 = arith.index_cast %get3A_3084 : i32 to index
        %get3A_3090 = arith.constant 736 : index
        %get3A_3091 = tpu.vector_load %get3A_3088[%get3A_3089, %get3A_3090] {strides = array<i32>} : memref<1x1000xf32, #tpu.memory_space<vmem>>, vector<16xf32>,
        %gt3A_3092 = arith.cmpf ogt, %get3A_3091, %max3A_3029 : vector<16xf32>
        %max3A_3093 = arith.maximumf %max3A_3029, %get3A_3091 : vector<16xf32>
        %add3A_3094 = arith.constant 736 : i32
        %add3A_3095 = vector.broadcast %add3A_3094 : i32 to vector<16xi32>
        %add3A_3096 = arith.addi %iota3A, %add3A_3095 : vector<16xi32>
        %select_n3A_3097 = arith.select %gt3A_3092, %add3A_3096, %select_n3A_3033 : vector<16xi1>, vector<16xi32>
        %exp3A_3098 = math.exp %get3A_3091 : vector<16xf32>
        %add3A_3099 = arith.addf %add3A_3035, %exp3A_3098 : vector<16xf32>
        %get3A_3100 = arith.constant 0 : i32
        %get3A_3101 = arith.constant 0 : i32
        %get3A_3102 = arith.constant 0 : i32
        %get3A_3103 = tpu.memref_slice %arg8[%rem3A_78, %scan3A_197, %get3A_3101, %get3A_3102] : memref<2x16x1x1000xf32, #tpu.memory_space<vmem>> -> memref<1x1x1x1000xf32, #tpu.memory_space<vmem>>
        %get3A_3104 = tpu.memref_squeeze %get3A_3103 : memref<1x1x1x1000xf32, #tpu.memory_space<vmem>> -> memref<1x1000xf32, #tpu.memory_space<vmem>>
        %get3A_3105 = arith.index_cast %get3A_3100 : i32 to index
        %get3A_3106 = arith.constant 752 : index
        %get3A_3107 = tpu.vector_load %get3A_3104[%get3A_3105, %get3A_3106] {strides = array<i32>} : memref<1x1000xf32, #tpu.memory_space<vmem>>, vector<16xf32>,
        %gt3A_3108 = arith.cmpf ogt, %get3A_3107, %max3A_3045 : vector<16xf32>
        %max3A_3109 = arith.maximumf %max3A_3045, %get3A_3107 : vector<16xf32>
        %add3A_3110 = arith.constant 752 : i32
        %add3A_3111 = vector.broadcast %add3A_3110 : i32 to vector<16xi32>
        %add3A_3112 = arith.addi %iota3A, %add3A_3111 : vector<16xi32>
        %select_n3A_3113 = arith.select %gt3A_3108, %add3A_3112, %select_n3A_3049 : vector<16xi1>, vector<16xi32>
        %exp3A_3114 = math.exp %get3A_3107 : vector<16xf32>
        %add3A_3115 = arith.addf %add3A_3051, %exp3A_3114 : vector<16xf32>
        %get3A_3116 = arith.constant 0 : i32
        %get3A_3117 = arith.constant 0 : i32
        %get3A_3118 = arith.constant 0 : i32
        %get3A_3119 = tpu.memref_slice %arg8[%rem3A_78, %scan3A_197, %get3A_3117, %get3A_3118] : memref<2x16x1x1000xf32, #tpu.memory_space<vmem>> -> memref<1x1x1x1000xf32, #tpu.memory_space<vmem>>
        %get3A_3120 = tpu.memref_squeeze %get3A_3119 : memref<1x1x1x1000xf32, #tpu.memory_space<vmem>> -> memref<1x1000xf32, #tpu.memory_space<vmem>>
        %get3A_3121 = arith.index_cast %get3A_3116 : i32 to index
        %get3A_3122 = arith.constant 768 : index
        %get3A_3123 = tpu.vector_load %get3A_3120[%get3A_3121, %get3A_3122] {strides = array<i32>} : memref<1x1000xf32, #tpu.memory_space<vmem>>, vector<16xf32>,
        %gt3A_3124 = arith.cmpf ogt, %get3A_3123, %max3A_3061 : vector<16xf32>
        %max3A_3125 = arith.maximumf %max3A_3061, %get3A_3123 : vector<16xf32>
        %add3A_3126 = arith.constant 768 : i32
        %add3A_3127 = vector.broadcast %add3A_3126 : i32 to vector<16xi32>
        %add3A_3128 = arith.addi %iota3A, %add3A_3127 : vector<16xi32>
        %select_n3A_3129 = arith.select %gt3A_3124, %add3A_3128, %select_n3A_3065 : vector<16xi1>, vector<16xi32>
        %exp3A_3130 = math.exp %get3A_3123 : vector<16xf32>
        %add3A_3131 = arith.addf %add3A_3067, %exp3A_3130 : vector<16xf32>
        %get3A_3132 = arith.constant 0 : i32
        %get3A_3133 = arith.constant 0 : i32
        %get3A_3134 = arith.constant 0 : i32
        %get3A_3135 = tpu.memref_slice %arg8[%rem3A_78, %scan3A_197, %get3A_3133, %get3A_3134] : memref<2x16x1x1000xf32, #tpu.memory_space<vmem>> -> memref<1x1x1x1000xf32, #tpu.memory_space<vmem>>
        %get3A_3136 = tpu.memref_squeeze %get3A_3135 : memref<1x1x1x1000xf32, #tpu.memory_space<vmem>> -> memref<1x1000xf32, #tpu.memory_space<vmem>>
        %get3A_3137 = arith.index_cast %get3A_3132 : i32 to index
        %get3A_3138 = arith.constant 784 : index
        %get3A_3139 = tpu.vector_load %get3A_3136[%get3A_3137, %get3A_3138] {strides = array<i32>} : memref<1x1000xf32, #tpu.memory_space<vmem>>, vector<16xf32>,
        %gt3A_3140 = arith.cmpf ogt, %get3A_3139, %max3A_3077 : vector<16xf32>
        %max3A_3141 = arith.maximumf %max3A_3077, %get3A_3139 : vector<16xf32>
        %add3A_3142 = arith.constant 784 : i32
        %add3A_3143 = vector.broadcast %add3A_3142 : i32 to vector<16xi32>
        %add3A_3144 = arith.addi %iota3A, %add3A_3143 : vector<16xi32>
        %select_n3A_3145 = arith.select %gt3A_3140, %add3A_3144, %select_n3A_3081 : vector<16xi1>, vector<16xi32>
        %exp3A_3146 = math.exp %get3A_3139 : vector<16xf32>
        %add3A_3147 = arith.addf %add3A_3083, %exp3A_3146 : vector<16xf32>
        %get3A_3148 = arith.constant 0 : i32
        %get3A_3149 = arith.constant 0 : i32
        %get3A_3150 = arith.constant 0 : i32
        %get3A_3151 = tpu.memref_slice %arg8[%rem3A_78, %scan3A_197, %get3A_3149, %get3A_3150] : memref<2x16x1x1000xf32, #tpu.memory_space<vmem>> -> memref<1x1x1x1000xf32, #tpu.memory_space<vmem>>
        %get3A_3152 = tpu.memref_squeeze %get3A_3151 : memref<1x1x1x1000xf32, #tpu.memory_space<vmem>> -> memref<1x1000xf32, #tpu.memory_space<vmem>>
        %get3A_3153 = arith.index_cast %get3A_3148 : i32 to index
        %get3A_3154 = arith.constant 800 : index
        %get3A_3155 = tpu.vector_load %get3A_3152[%get3A_3153, %get3A_3154] {strides = array<i32>} : memref<1x1000xf32, #tpu.memory_space<vmem>>, vector<16xf32>,
        %gt3A_3156 = arith.cmpf ogt, %get3A_3155, %max3A_3093 : vector<16xf32>
        %max3A_3157 = arith.maximumf %max3A_3093, %get3A_3155 : vector<16xf32>
        %add3A_3158 = arith.constant 800 : i32
        %add3A_3159 = vector.broadcast %add3A_3158 : i32 to vector<16xi32>
        %add3A_3160 = arith.addi %iota3A, %add3A_3159 : vector<16xi32>
        %select_n3A_3161 = arith.select %gt3A_3156, %add3A_3160, %select_n3A_3097 : vector<16xi1>, vector<16xi32>
        %exp3A_3162 = math.exp %get3A_3155 : vector<16xf32>
        %add3A_3163 = arith.addf %add3A_3099, %exp3A_3162 : vector<16xf32>
        %get3A_3164 = arith.constant 0 : i32
        %get3A_3165 = arith.constant 0 : i32
        %get3A_3166 = arith.constant 0 : i32
        %get3A_3167 = tpu.memref_slice %arg8[%rem3A_78, %scan3A_197, %get3A_3165, %get3A_3166] : memref<2x16x1x1000xf32, #tpu.memory_space<vmem>> -> memref<1x1x1x1000xf32, #tpu.memory_space<vmem>>
        %get3A_3168 = tpu.memref_squeeze %get3A_3167 : memref<1x1x1x1000xf32, #tpu.memory_space<vmem>> -> memref<1x1000xf32, #tpu.memory_space<vmem>>
        %get3A_3169 = arith.index_cast %get3A_3164 : i32 to index
        %get3A_3170 = arith.constant 816 : index
        %get3A_3171 = tpu.vector_load %get3A_3168[%get3A_3169, %get3A_3170] {strides = array<i32>} : memref<1x1000xf32, #tpu.memory_space<vmem>>, vector<16xf32>,
        %gt3A_3172 = arith.cmpf ogt, %get3A_3171, %max3A_3109 : vector<16xf32>
        %max3A_3173 = arith.maximumf %max3A_3109, %get3A_3171 : vector<16xf32>
        %add3A_3174 = arith.constant 816 : i32
        %add3A_3175 = vector.broadcast %add3A_3174 : i32 to vector<16xi32>
        %add3A_3176 = arith.addi %iota3A, %add3A_3175 : vector<16xi32>
        %select_n3A_3177 = arith.select %gt3A_3172, %add3A_3176, %select_n3A_3113 : vector<16xi1>, vector<16xi32>
        %exp3A_3178 = math.exp %get3A_3171 : vector<16xf32>
        %add3A_3179 = arith.addf %add3A_3115, %exp3A_3178 : vector<16xf32>
        %get3A_3180 = arith.constant 0 : i32
        %get3A_3181 = arith.constant 0 : i32
        %get3A_3182 = arith.constant 0 : i32
        %get3A_3183 = tpu.memref_slice %arg8[%rem3A_78, %scan3A_197, %get3A_3181, %get3A_3182] : memref<2x16x1x1000xf32, #tpu.memory_space<vmem>> -> memref<1x1x1x1000xf32, #tpu.memory_space<vmem>>
        %get3A_3184 = tpu.memref_squeeze %get3A_3183 : memref<1x1x1x1000xf32, #tpu.memory_space<vmem>> -> memref<1x1000xf32, #tpu.memory_space<vmem>>
        %get3A_3185 = arith.index_cast %get3A_3180 : i32 to index
        %get3A_3186 = arith.constant 832 : index
        %get3A_3187 = tpu.vector_load %get3A_3184[%get3A_3185, %get3A_3186] {strides = array<i32>} : memref<1x1000xf32, #tpu.memory_space<vmem>>, vector<16xf32>,
        %gt3A_3188 = arith.cmpf ogt, %get3A_3187, %max3A_3125 : vector<16xf32>
        %max3A_3189 = arith.maximumf %max3A_3125, %get3A_3187 : vector<16xf32>
        %add3A_3190 = arith.constant 832 : i32
        %add3A_3191 = vector.broadcast %add3A_3190 : i32 to vector<16xi32>
        %add3A_3192 = arith.addi %iota3A, %add3A_3191 : vector<16xi32>
        %select_n3A_3193 = arith.select %gt3A_3188, %add3A_3192, %select_n3A_3129 : vector<16xi1>, vector<16xi32>
        %exp3A_3194 = math.exp %get3A_3187 : vector<16xf32>
        %add3A_3195 = arith.addf %add3A_3131, %exp3A_3194 : vector<16xf32>
        %get3A_3196 = arith.constant 0 : i32
        %get3A_3197 = arith.constant 0 : i32
        %get3A_3198 = arith.constant 0 : i32
        %get3A_3199 = tpu.memref_slice %arg8[%rem3A_78, %scan3A_197, %get3A_3197, %get3A_3198] : memref<2x16x1x1000xf32, #tpu.memory_space<vmem>> -> memref<1x1x1x1000xf32, #tpu.memory_space<vmem>>
        %get3A_3200 = tpu.memref_squeeze %get3A_3199 : memref<1x1x1x1000xf32, #tpu.memory_space<vmem>> -> memref<1x1000xf32, #tpu.memory_space<vmem>>
        %get3A_3201 = arith.index_cast %get3A_3196 : i32 to index
        %get3A_3202 = arith.constant 848 : index
        %get3A_3203 = tpu.vector_load %get3A_3200[%get3A_3201, %get3A_3202] {strides = array<i32>} : memref<1x1000xf32, #tpu.memory_space<vmem>>, vector<16xf32>,
        %gt3A_3204 = arith.cmpf ogt, %get3A_3203, %max3A_3141 : vector<16xf32>
        %max3A_3205 = arith.maximumf %max3A_3141, %get3A_3203 : vector<16xf32>
        %add3A_3206 = arith.constant 848 : i32
        %add3A_3207 = vector.broadcast %add3A_3206 : i32 to vector<16xi32>
        %add3A_3208 = arith.addi %iota3A, %add3A_3207 : vector<16xi32>
        %select_n3A_3209 = arith.select %gt3A_3204, %add3A_3208, %select_n3A_3145 : vector<16xi1>, vector<16xi32>
        %exp3A_3210 = math.exp %get3A_3203 : vector<16xf32>
        %add3A_3211 = arith.addf %add3A_3147, %exp3A_3210 : vector<16xf32>
        %get3A_3212 = arith.constant 0 : i32
        %get3A_3213 = arith.constant 0 : i32
        %get3A_3214 = arith.constant 0 : i32
        %get3A_3215 = tpu.memref_slice %arg8[%rem3A_78, %scan3A_197, %get3A_3213, %get3A_3214] : memref<2x16x1x1000xf32, #tpu.memory_space<vmem>> -> memref<1x1x1x1000xf32, #tpu.memory_space<vmem>>
        %get3A_3216 = tpu.memref_squeeze %get3A_3215 : memref<1x1x1x1000xf32, #tpu.memory_space<vmem>> -> memref<1x1000xf32, #tpu.memory_space<vmem>>
        %get3A_3217 = arith.index_cast %get3A_3212 : i32 to index
        %get3A_3218 = arith.constant 864 : index
        %get3A_3219 = tpu.vector_load %get3A_3216[%get3A_3217, %get3A_3218] {strides = array<i32>} : memref<1x1000xf32, #tpu.memory_space<vmem>>, vector<16xf32>,
        %gt3A_3220 = arith.cmpf ogt, %get3A_3219, %max3A_3157 : vector<16xf32>
        %max3A_3221 = arith.maximumf %max3A_3157, %get3A_3219 : vector<16xf32>
        %add3A_3222 = arith.constant 864 : i32
        %add3A_3223 = vector.broadcast %add3A_3222 : i32 to vector<16xi32>
        %add3A_3224 = arith.addi %iota3A, %add3A_3223 : vector<16xi32>
        %select_n3A_3225 = arith.select %gt3A_3220, %add3A_3224, %select_n3A_3161 : vector<16xi1>, vector<16xi32>
        %exp3A_3226 = math.exp %get3A_3219 : vector<16xf32>
        %add3A_3227 = arith.addf %add3A_3163, %exp3A_3226 : vector<16xf32>
        %get3A_3228 = arith.constant 0 : i32
        %get3A_3229 = arith.constant 0 : i32
        %get3A_3230 = arith.constant 0 : i32
        %get3A_3231 = tpu.memref_slice %arg8[%rem3A_78, %scan3A_197, %get3A_3229, %get3A_3230] : memref<2x16x1x1000xf32, #tpu.memory_space<vmem>> -> memref<1x1x1x1000xf32, #tpu.memory_space<vmem>>
        %get3A_3232 = tpu.memref_squeeze %get3A_3231 : memref<1x1x1x1000xf32, #tpu.memory_space<vmem>> -> memref<1x1000xf32, #tpu.memory_space<vmem>>
        %get3A_3233 = arith.index_cast %get3A_3228 : i32 to index
        %get3A_3234 = arith.constant 880 : index
        %get3A_3235 = tpu.vector_load %get3A_3232[%get3A_3233, %get3A_3234] {strides = array<i32>} : memref<1x1000xf32, #tpu.memory_space<vmem>>, vector<16xf32>,
        %gt3A_3236 = arith.cmpf ogt, %get3A_3235, %max3A_3173 : vector<16xf32>
        %max3A_3237 = arith.maximumf %max3A_3173, %get3A_3235 : vector<16xf32>
        %add3A_3238 = arith.constant 880 : i32
        %add3A_3239 = vector.broadcast %add3A_3238 : i32 to vector<16xi32>
        %add3A_3240 = arith.addi %iota3A, %add3A_3239 : vector<16xi32>
        %select_n3A_3241 = arith.select %gt3A_3236, %add3A_3240, %select_n3A_3177 : vector<16xi1>, vector<16xi32>
        %exp3A_3242 = math.exp %get3A_3235 : vector<16xf32>
        %add3A_3243 = arith.addf %add3A_3179, %exp3A_3242 : vector<16xf32>
        %get3A_3244 = arith.constant 0 : i32
        %get3A_3245 = arith.constant 0 : i32
        %get3A_3246 = arith.constant 0 : i32
        %get3A_3247 = tpu.memref_slice %arg8[%rem3A_78, %scan3A_197, %get3A_3245, %get3A_3246] : memref<2x16x1x1000xf32, #tpu.memory_space<vmem>> -> memref<1x1x1x1000xf32, #tpu.memory_space<vmem>>
        %get3A_3248 = tpu.memref_squeeze %get3A_3247 : memref<1x1x1x1000xf32, #tpu.memory_space<vmem>> -> memref<1x1000xf32, #tpu.memory_space<vmem>>
        %get3A_3249 = arith.index_cast %get3A_3244 : i32 to index
        %get3A_3250 = arith.constant 896 : index
        %get3A_3251 = tpu.vector_load %get3A_3248[%get3A_3249, %get3A_3250] {strides = array<i32>} : memref<1x1000xf32, #tpu.memory_space<vmem>>, vector<16xf32>,
        %gt3A_3252 = arith.cmpf ogt, %get3A_3251, %max3A_3189 : vector<16xf32>
        %max3A_3253 = arith.maximumf %max3A_3189, %get3A_3251 : vector<16xf32>
        %add3A_3254 = arith.constant 896 : i32
        %add3A_3255 = vector.broadcast %add3A_3254 : i32 to vector<16xi32>
        %add3A_3256 = arith.addi %iota3A, %add3A_3255 : vector<16xi32>
        %select_n3A_3257 = arith.select %gt3A_3252, %add3A_3256, %select_n3A_3193 : vector<16xi1>, vector<16xi32>
        %exp3A_3258 = math.exp %get3A_3251 : vector<16xf32>
        %add3A_3259 = arith.addf %add3A_3195, %exp3A_3258 : vector<16xf32>
        %get3A_3260 = arith.constant 0 : i32
        %get3A_3261 = arith.constant 0 : i32
        %get3A_3262 = arith.constant 0 : i32
        %get3A_3263 = tpu.memref_slice %arg8[%rem3A_78, %scan3A_197, %get3A_3261, %get3A_3262] : memref<2x16x1x1000xf32, #tpu.memory_space<vmem>> -> memref<1x1x1x1000xf32, #tpu.memory_space<vmem>>
        %get3A_3264 = tpu.memref_squeeze %get3A_3263 : memref<1x1x1x1000xf32, #tpu.memory_space<vmem>> -> memref<1x1000xf32, #tpu.memory_space<vmem>>
        %get3A_3265 = arith.index_cast %get3A_3260 : i32 to index
        %get3A_3266 = arith.constant 912 : index
        %get3A_3267 = tpu.vector_load %get3A_3264[%get3A_3265, %get3A_3266] {strides = array<i32>} : memref<1x1000xf32, #tpu.memory_space<vmem>>, vector<16xf32>,
        %gt3A_3268 = arith.cmpf ogt, %get3A_3267, %max3A_3205 : vector<16xf32>
        %max3A_3269 = arith.maximumf %max3A_3205, %get3A_3267 : vector<16xf32>
        %add3A_3270 = arith.constant 912 : i32
        %add3A_3271 = vector.broadcast %add3A_3270 : i32 to vector<16xi32>
        %add3A_3272 = arith.addi %iota3A, %add3A_3271 : vector<16xi32>
        %select_n3A_3273 = arith.select %gt3A_3268, %add3A_3272, %select_n3A_3209 : vector<16xi1>, vector<16xi32>
        %exp3A_3274 = math.exp %get3A_3267 : vector<16xf32>
        %add3A_3275 = arith.addf %add3A_3211, %exp3A_3274 : vector<16xf32>
        %get3A_3276 = arith.constant 0 : i32
        %get3A_3277 = arith.constant 0 : i32
        %get3A_3278 = arith.constant 0 : i32
        %get3A_3279 = tpu.memref_slice %arg8[%rem3A_78, %scan3A_197, %get3A_3277, %get3A_3278] : memref<2x16x1x1000xf32, #tpu.memory_space<vmem>> -> memref<1x1x1x1000xf32, #tpu.memory_space<vmem>>
        %get3A_3280 = tpu.memref_squeeze %get3A_3279 : memref<1x1x1x1000xf32, #tpu.memory_space<vmem>> -> memref<1x1000xf32, #tpu.memory_space<vmem>>
        %get3A_3281 = arith.index_cast %get3A_3276 : i32 to index
        %get3A_3282 = arith.constant 928 : index
        %get3A_3283 = tpu.vector_load %get3A_3280[%get3A_3281, %get3A_3282] {strides = array<i32>} : memref<1x1000xf32, #tpu.memory_space<vmem>>, vector<16xf32>,
        %gt3A_3284 = arith.cmpf ogt, %get3A_3283, %max3A_3221 : vector<16xf32>
        %max3A_3285 = arith.maximumf %max3A_3221, %get3A_3283 : vector<16xf32>
        %add3A_3286 = arith.constant 928 : i32
        %add3A_3287 = vector.broadcast %add3A_3286 : i32 to vector<16xi32>
        %add3A_3288 = arith.addi %iota3A, %add3A_3287 : vector<16xi32>
        %select_n3A_3289 = arith.select %gt3A_3284, %add3A_3288, %select_n3A_3225 : vector<16xi1>, vector<16xi32>
        %exp3A_3290 = math.exp %get3A_3283 : vector<16xf32>
        %add3A_3291 = arith.addf %add3A_3227, %exp3A_3290 : vector<16xf32>
        %get3A_3292 = arith.constant 0 : i32
        %get3A_3293 = arith.constant 0 : i32
        %get3A_3294 = arith.constant 0 : i32
        %get3A_3295 = tpu.memref_slice %arg8[%rem3A_78, %scan3A_197, %get3A_3293, %get3A_3294] : memref<2x16x1x1000xf32, #tpu.memory_space<vmem>> -> memref<1x1x1x1000xf32, #tpu.memory_space<vmem>>
        %get3A_3296 = tpu.memref_squeeze %get3A_3295 : memref<1x1x1x1000xf32, #tpu.memory_space<vmem>> -> memref<1x1000xf32, #tpu.memory_space<vmem>>
        %get3A_3297 = arith.index_cast %get3A_3292 : i32 to index
        %get3A_3298 = arith.constant 944 : index
        %get3A_3299 = tpu.vector_load %get3A_3296[%get3A_3297, %get3A_3298] {strides = array<i32>} : memref<1x1000xf32, #tpu.memory_space<vmem>>, vector<16xf32>,
        %gt3A_3300 = arith.cmpf ogt, %get3A_3299, %max3A_3237 : vector<16xf32>
        %max3A_3301 = arith.maximumf %max3A_3237, %get3A_3299 : vector<16xf32>
        %add3A_3302 = arith.constant 944 : i32
        %add3A_3303 = vector.broadcast %add3A_3302 : i32 to vector<16xi32>
        %add3A_3304 = arith.addi %iota3A, %add3A_3303 : vector<16xi32>
        %select_n3A_3305 = arith.select %gt3A_3300, %add3A_3304, %select_n3A_3241 : vector<16xi1>, vector<16xi32>
        %exp3A_3306 = math.exp %get3A_3299 : vector<16xf32>
        %add3A_3307 = arith.addf %add3A_3243, %exp3A_3306 : vector<16xf32>
        %get3A_3308 = arith.constant 0 : i32
        %get3A_3309 = arith.constant 0 : i32
        %get3A_3310 = arith.constant 0 : i32
        %get3A_3311 = tpu.memref_slice %arg8[%rem3A_78, %scan3A_197, %get3A_3309, %get3A_3310] : memref<2x16x1x1000xf32, #tpu.memory_space<vmem>> -> memref<1x1x1x1000xf32, #tpu.memory_space<vmem>>
        %get3A_3312 = tpu.memref_squeeze %get3A_3311 : memref<1x1x1x1000xf32, #tpu.memory_space<vmem>> -> memref<1x1000xf32, #tpu.memory_space<vmem>>
        %get3A_3313 = arith.index_cast %get3A_3308 : i32 to index
        %get3A_3314 = arith.constant 960 : index
        %get3A_3315 = tpu.vector_load %get3A_3312[%get3A_3313, %get3A_3314] {strides = array<i32>} : memref<1x1000xf32, #tpu.memory_space<vmem>>, vector<16xf32>,
        %gt3A_3316 = arith.cmpf ogt, %get3A_3315, %max3A_3253 : vector<16xf32>
        %max3A_3317 = arith.maximumf %max3A_3253, %get3A_3315 : vector<16xf32>
        %add3A_3318 = arith.constant 960 : i32
        %add3A_3319 = vector.broadcast %add3A_3318 : i32 to vector<16xi32>
        %add3A_3320 = arith.addi %iota3A, %add3A_3319 : vector<16xi32>
        %select_n3A_3321 = arith.select %gt3A_3316, %add3A_3320, %select_n3A_3257 : vector<16xi1>, vector<16xi32>
        %exp3A_3322 = math.exp %get3A_3315 : vector<16xf32>
        %add3A_3323 = arith.addf %add3A_3259, %exp3A_3322 : vector<16xf32>
        %get3A_3324 = arith.constant 0 : i32
        %get3A_3325 = arith.constant 0 : i32
        %get3A_3326 = arith.constant 0 : i32
        %get3A_3327 = tpu.memref_slice %arg8[%rem3A_78, %scan3A_197, %get3A_3325, %get3A_3326] : memref<2x16x1x1000xf32, #tpu.memory_space<vmem>> -> memref<1x1x1x1000xf32, #tpu.memory_space<vmem>>
        %get3A_3328 = tpu.memref_squeeze %get3A_3327 : memref<1x1x1x1000xf32, #tpu.memory_space<vmem>> -> memref<1x1000xf32, #tpu.memory_space<vmem>>
        %get3A_3329 = arith.index_cast %get3A_3324 : i32 to index
        %get3A_3330 = arith.constant 976 : index
        %get3A_3331 = tpu.vector_load %get3A_3328[%get3A_3329, %get3A_3330] {strides = array<i32>} : memref<1x1000xf32, #tpu.memory_space<vmem>>, vector<16xf32>,
        %gt3A_3332 = arith.cmpf ogt, %get3A_3331, %max3A_3269 : vector<16xf32>
        %max3A_3333 = arith.maximumf %max3A_3269, %get3A_3331 : vector<16xf32>
        %add3A_3334 = arith.constant 976 : i32
        %add3A_3335 = vector.broadcast %add3A_3334 : i32 to vector<16xi32>
        %add3A_3336 = arith.addi %iota3A, %add3A_3335 : vector<16xi32>
        %select_n3A_3337 = arith.select %gt3A_3332, %add3A_3336, %select_n3A_3273 : vector<16xi1>, vector<16xi32>
        %exp3A_3338 = math.exp %get3A_3331 : vector<16xf32>
        %add3A_3339 = arith.addf %add3A_3275, %exp3A_3338 : vector<16xf32>
        %get3A_3340 = arith.constant 0 : i32
        %get3A_3341 = arith.constant 0 : i32
        %get3A_3342 = arith.constant 0 : i32
        %get3A_3343 = tpu.memref_slice %arg8[%rem3A_78, %scan3A_197, %get3A_3341, %get3A_3342] : memref<2x16x1x1000xf32, #tpu.memory_space<vmem>> -> memref<1x1x1x1000xf32, #tpu.memory_space<vmem>>
        %get3A_3344 = tpu.memref_squeeze %get3A_3343 : memref<1x1x1x1000xf32, #tpu.memory_space<vmem>> -> memref<1x1000xf32, #tpu.memory_space<vmem>>
        %get3A_3345 = arith.index_cast %get3A_3340 : i32 to index
        %get3A_3346 = arith.constant 984 : index
        %get3A_3347 = tpu.vector_load %get3A_3344[%get3A_3345, %get3A_3346] {strides = array<i32>} : memref<1x1000xf32, #tpu.memory_space<vmem>>, vector<16xf32>,
        %gt3A_3348 = arith.cmpf ogt, %get3A_3347, %max3A_3301 : vector<16xf32>
        %max3A_3349 = arith.maximumf %max3A_3301, %get3A_3347 : vector<16xf32>
        %add3A_3350 = arith.constant 984 : i32
        %add3A_3351 = vector.broadcast %add3A_3350 : i32 to vector<16xi32>
        %add3A_3352 = arith.addi %iota3A, %add3A_3351 : vector<16xi32>
        %select_n3A_3353 = arith.select %gt3A_3348, %add3A_3352, %select_n3A_3305 : vector<16xi1>, vector<16xi32>
        %ge3A_3354 = arith.constant 8 : i32
        %ge3A_3355 = vector.broadcast %ge3A_3354 : i32 to vector<16xi32>
        %ge3A_3356 = arith.cmpi sge, %iota3A, %ge3A_3355 : vector<16xi32>
        %exp3A_3357 = math.exp %get3A_3347 : vector<16xf32>
        %jit3A_3358 = arith.constant 0.000000e+00 : f32
        %broadcast_in_dim3A_3359 = vector.broadcast %jit3A_3358 : f32 to vector<16xf32>
        %select_n3A_3360 = arith.select %ge3A_3356, %exp3A_3357, %broadcast_in_dim3A_3359 : vector<16xi1>, vector<16xf32>
        %add3A_3361 = arith.addf %add3A_3307, %select_n3A_3360 : vector<16xf32>
        %gt3A_3362 = arith.cmpf ogt, %max3A_3333, %max3A_3317 : vector<16xf32>
        %eq3A_3363 = arith.cmpf oeq, %max3A_3333, %max3A_3317 : vector<16xf32>
        %min3A_3364 = arith.minsi %select_n3A_3321, %select_n3A_3337 : vector<16xi32>
        %select_n3A_3365 = arith.select %eq3A_3363, %min3A_3364, %select_n3A_3321 : vector<16xi1>, vector<16xi32>
        %select_n3A_3366 = arith.select %gt3A_3362, %select_n3A_3337, %select_n3A_3365 : vector<16xi1>, vector<16xi32>
        %max3A_3367 = arith.maximumf %max3A_3317, %max3A_3333 : vector<16xf32>
        %add3A_3368 = arith.addf %add3A_3323, %add3A_3339 : vector<16xf32>
        %gt3A_3369 = arith.cmpf ogt, %max3A_3285, %max3A_3367 : vector<16xf32>
        %eq3A_3370 = arith.cmpf oeq, %max3A_3285, %max3A_3367 : vector<16xf32>
        %min3A_3371 = arith.minsi %select_n3A_3366, %select_n3A_3289 : vector<16xi32>
        %select_n3A_3372 = arith.select %eq3A_3370, %min3A_3371, %select_n3A_3366 : vector<16xi1>, vector<16xi32>
        %select_n3A_3373 = arith.select %gt3A_3369, %select_n3A_3289, %select_n3A_3372 : vector<16xi1>, vector<16xi32>
        %max3A_3374 = arith.maximumf %max3A_3367, %max3A_3285 : vector<16xf32>
        %add3A_3375 = arith.addf %add3A_3368, %add3A_3291 : vector<16xf32>
        %gt3A_3376 = arith.cmpf ogt, %max3A_3349, %max3A_3374 : vector<16xf32>
        %eq3A_3377 = arith.cmpf oeq, %max3A_3349, %max3A_3374 : vector<16xf32>
        %min3A_3378 = arith.minsi %select_n3A_3373, %select_n3A_3353 : vector<16xi32>
        %select_n3A_3379 = arith.select %eq3A_3377, %min3A_3378, %select_n3A_3373 : vector<16xi1>, vector<16xi32>
        %select_n3A_3380 = arith.select %gt3A_3376, %select_n3A_3353, %select_n3A_3379 : vector<16xi1>, vector<16xi32>
        %max3A_3381 = arith.maximumf %max3A_3374, %max3A_3349 : vector<16xf32>
        %add3A_3382 = arith.addf %add3A_3375, %add3A_3361 : vector<16xf32>
        %reduce_max3A_3383 = arith.constant true
        %reduce_max3A_3384 = vector.broadcast %reduce_max3A_3383 : i1 to vector<16xi1>
        %reduce_max3A_3385 = tpu.scan <max>, %max3A_3381 masked %reduce_max3A_3384 : vector<16xf32>, vector<16xi1> -> vector<16xf32>
        %reduce_max3A_3386 = vector.extract %reduce_max3A_3385[15] : f32 from vector<16xf32>
        %reduce_sum3A_3387 = arith.constant true
        %reduce_sum3A_3388 = vector.broadcast %reduce_sum3A_3387 : i1 to vector<16xi1>
        %reduce_sum3A_3389 = tpu.scan <sum>, %add3A_3382 masked %reduce_sum3A_3388 : vector<16xf32>, vector<16xi1> -> vector<16xf32>
        %reduce_sum3A_3390 = vector.extract %reduce_sum3A_3389[15] : f32 from vector<16xf32>
        %eq3A_3391 = vector.broadcast %reduce_max3A_3386 : f32 to vector<16xf32>
        %eq3A_3392 = arith.cmpf oeq, %max3A_3381, %eq3A_3391 : vector<16xf32>
        %jit3A_3393 = arith.constant 1000 : i32
        %broadcast_in_dim3A_3394 = vector.broadcast %jit3A_3393 : i32 to vector<16xi32>
        %select_n3A_3395 = arith.select %eq3A_3392, %select_n3A_3380, %broadcast_in_dim3A_3394 : vector<16xi1>, vector<16xi32>
        %reduce_min3A_3396 = arith.constant true
        %reduce_min3A_3397 = vector.broadcast %reduce_min3A_3396 : i1 to vector<16xi1>
        %reduce_min3A_3398 = arith.constant -2147483648 : i32
        %reduce_min3A_3399 = vector.broadcast %reduce_min3A_3398 : i32 to vector<16xi32>
        %reduce_min3A_3400 = arith.xori %select_n3A_3395, %reduce_min3A_3399 : vector<16xi32>
        %reduce_min3A_3401 = tpu.scan <min>, %reduce_min3A_3400 masked %reduce_min3A_3397 : vector<16xi32>, vector<16xi1> -> vector<16xi32>
        %reduce_min3A_3402 = arith.xori %reduce_min3A_3401, %reduce_min3A_3399 : vector<16xi32>
        %reduce_min3A_3403 = vector.extract %reduce_min3A_3402[15] : i32 from vector<16xi32>
        %broadcast_in_dim3A_3404 = vector.broadcast %reduce_max3A_3386 : f32 to vector<16xf32>
        %select_n3A_3405 = arith.select %eq3A_208, %broadcast_in_dim3A_3404, %scan3A_200 : vector<16xi1>, vector<16xf32>
        %broadcast_in_dim3A_3406 = vector.broadcast %reduce_sum3A_3390 : f32 to vector<16xf32>
        %select_n3A_3407 = arith.select %eq3A_208, %broadcast_in_dim3A_3406, %scan3A_203 : vector<16xi1>, vector<16xf32>
        %broadcast_in_dim3A_3408 = vector.broadcast %reduce_min3A_3403 : i32 to vector<16xi32>
        %select_n3A_3409 = arith.select %eq3A_208, %broadcast_in_dim3A_3408, %scan3A_206 : vector<16xi1>, vector<16xi32>
        scf.yield %select_n3A_1265, %select_n3A_2335, %select_n3A_3405, %select_n3A_1267, %select_n3A_2337, %select_n3A_3407, %select_n3A_1269, %select_n3A_2339, %select_n3A_3409 : vector<16xf32>, vector<16xf32>, vector<16xf32>, vector<16xf32>, vector<16xf32>, vector<16xf32>, vector<16xi32>, vector<16xi32>, vector<16xi32>
      }
      %scan3A_152 = arith.constant 16 : i32
      %broadcast_in_dim3A_153 = arith.constant 1.000000e+00 : f32
      %broadcast_in_dim3A_154 = vector.broadcast %broadcast_in_dim3A_153 : f32 to vector<16xf32>
      %exp3A = math.exp %scan3A_151#0 : vector<16xf32>
      %div3A = arith.divf %exp3A, %scan3A_151#3 : vector<16xf32>
      %mul3A_155 = arith.mulf %broadcast_in_dim3A_154, %div3A : vector<16xf32>
      %mul3A_156 = arith.constant 16 : i32
      %mul3A_157 = arith.muli %scan3A_77, %mul3A_156 : i32
      %get3A = arith.constant 0 : i32
      %get3A_158 = arith.index_cast %get3A : i32 to index
      %get3A_159 = arith.index_cast %mul3A_157 : i32 to index
      %get3A_160 = tpu.vector_load %arg9[%get3A_158, %get3A_159] {strides = array<i32>} : memref<1x256xi32, #tpu.memory_space<vmem>>, vector<16xi32>,
      %eq3A = arith.cmpi eq, %scan3A_151#6, %get3A_160 : vector<16xi32>
      %convert_element_type3A_161 = arith.extui %eq3A : vector<16xi1> to vector<16xi32>
      %convert_element_type3A_162 = arith.sitofp %convert_element_type3A_161 : vector<16xi32> to vector<16xf32>
      %add3A_163 = arith.addf %broadcast_in_dim3A_70, %convert_element_type3A_162 : vector<16xf32>
      %exp3A_164 = math.exp %scan3A_151#1 : vector<16xf32>
      %div3A_165 = arith.divf %exp3A_164, %scan3A_151#4 : vector<16xf32>
      %mul3A_166 = arith.mulf %mul3A_155, %div3A_165 : vector<16xf32>
      %mul3A_167 = arith.constant 16 : i32
      %mul3A_168 = arith.muli %scan3A_77, %mul3A_167 : i32
      %get3A_169 = arith.constant 0 : i32
      %get3A_170 = arith.index_cast %get3A_169 : i32 to index
      %get3A_171 = arith.index_cast %mul3A_168 : i32 to index
      %get3A_172 = tpu.vector_load %arg10[%get3A_170, %get3A_171] {strides = array<i32>} : memref<1x256xi32, #tpu.memory_space<vmem>>, vector<16xi32>,
      %eq3A_173 = arith.cmpi eq, %scan3A_151#7, %get3A_172 : vector<16xi32>
      %convert_element_type3A_174 = arith.extui %eq3A_173 : vector<16xi1> to vector<16xi32>
      %convert_element_type3A_175 = arith.sitofp %convert_element_type3A_174 : vector<16xi32> to vector<16xf32>
      %add3A_176 = arith.addf %add3A_163, %convert_element_type3A_175 : vector<16xf32>
      %exp3A_177 = math.exp %scan3A_151#2 : vector<16xf32>
      %div3A_178 = arith.divf %exp3A_177, %scan3A_151#5 : vector<16xf32>
      %mul3A_179 = arith.mulf %mul3A_166, %div3A_178 : vector<16xf32>
      %mul3A_180 = arith.constant 16 : i32
      %mul3A_181 = arith.muli %scan3A_77, %mul3A_180 : i32
      %get3A_182 = arith.constant 0 : i32
      %get3A_183 = arith.index_cast %get3A_182 : i32 to index
      %get3A_184 = arith.index_cast %mul3A_181 : i32 to index
      %get3A_185 = tpu.vector_load %arg11[%get3A_183, %get3A_184] {strides = array<i32>} : memref<1x256xi32, #tpu.memory_space<vmem>>, vector<16xi32>,
      %eq3A_186 = arith.cmpi eq, %scan3A_151#8, %get3A_185 : vector<16xi32>
      %convert_element_type3A_187 = arith.extui %eq3A_186 : vector<16xi1> to vector<16xi32>
      %convert_element_type3A_188 = arith.sitofp %convert_element_type3A_187 : vector<16xi32> to vector<16xf32>
      %add3A_189 = arith.addf %add3A_176, %convert_element_type3A_188 : vector<16xf32>
      %mul3A_190 = arith.constant 16 : i32
      %mul3A_191 = arith.muli %scan3A_77, %mul3A_190 : i32
      %swap3A = arith.index_cast %mul3A_191 : i32 to index
      %swap3A_192 = tpu.vector_load %arg12[%swap3A] {strides = array<i32>} : memref<256xf32, #tpu.memory_space<vmem>>, vector<16xf32>,
      tpu.vector_store %arg12[%swap3A], %mul3A_179 {strides = array<i32>} : memref<256xf32, #tpu.memory_space<vmem>>, vector<16xf32>,
      %mul3A_193 = arith.constant 16 : i32
      %mul3A_194 = arith.muli %scan3A_77, %mul3A_193 : i32
      %swap3A_195 = arith.index_cast %mul3A_194 : i32 to index
      %swap3A_196 = tpu.vector_load %arg13[%swap3A_195] {strides = array<i32>} : memref<256xf32, #tpu.memory_space<vmem>>, vector<16xf32>,
      tpu.vector_store %arg13[%swap3A_195], %add3A_189 {strides = array<i32>} : memref<256xf32, #tpu.memory_space<vmem>>, vector<16xf32>,
    }
    %scan3A_75 = arith.constant 16 : i32
    %run_scoped3A = arith.constant 0 : i32
    "tpu.region"() ({
      %run_scoped3A_77 = tpu.sem_alloc : memref<!tpu.dma_semaphore, #tpu.memory_space<semaphore_mem>>
      %dma_start3A_78 = tpu.memref_slice %arg4[%run_scoped3A, %mul3A_2] : memref<1x8192xf32, #tpu.memory_space<hbm>> -> memref<1x256xf32, #tpu.memory_space<hbm>>
      %dma_start3A_79 = tpu.memref_squeeze %dma_start3A_78 : memref<1x256xf32, #tpu.memory_space<hbm>> -> memref<256xf32, #tpu.memory_space<hbm>>
      %dma_start3A_80 = tpu.memref_slice %arg4[%run_scoped3A, %mul3A_2] : memref<1x8192xf32, #tpu.memory_space<hbm>> -> memref<1x256xf32, #tpu.memory_space<hbm>>
      %dma_start3A_81 = tpu.memref_squeeze %dma_start3A_80 : memref<1x256xf32, #tpu.memory_space<hbm>> -> memref<256xf32, #tpu.memory_space<hbm>>
      tpu.enqueue_dma source(%arg12 : memref<256xf32, #tpu.memory_space<vmem>>) target(%dma_start3A_81 : memref<256xf32, #tpu.memory_space<hbm>>) target_semaphore(%run_scoped3A_77 : memref<!tpu.dma_semaphore, #tpu.memory_space<semaphore_mem>>)
      %dma_wait3A = tpu.memref_slice %arg4[%run_scoped3A, %mul3A_2] : memref<1x8192xf32, #tpu.memory_space<hbm>> -> memref<1x256xf32, #tpu.memory_space<hbm>>
      %dma_wait3A_82 = tpu.memref_squeeze %dma_wait3A : memref<1x256xf32, #tpu.memory_space<hbm>> -> memref<256xf32, #tpu.memory_space<hbm>>
      %dma_wait3A_83 = tpu.memref_slice %arg4[%run_scoped3A, %mul3A_2] : memref<1x8192xf32, #tpu.memory_space<hbm>> -> memref<1x256xf32, #tpu.memory_space<hbm>>
      %dma_wait3A_84 = tpu.memref_squeeze %dma_wait3A_83 : memref<1x256xf32, #tpu.memory_space<hbm>> -> memref<256xf32, #tpu.memory_space<hbm>>
      tpu.wait_dma2 semaphore(%run_scoped3A_77 : memref<!tpu.dma_semaphore, #tpu.memory_space<semaphore_mem>>) src(%arg12 : memref<256xf32, #tpu.memory_space<vmem>>) dst(%dma_wait3A_84 : memref<256xf32, #tpu.memory_space<hbm>>)
      tpu.yield
    }) : () -> ()
    %run_scoped3A_76 = arith.constant 0 : i32
    "tpu.region"() ({
      %run_scoped3A_77 = tpu.sem_alloc : memref<!tpu.dma_semaphore, #tpu.memory_space<semaphore_mem>>
      %dma_start3A_78 = tpu.memref_slice %arg5[%run_scoped3A_76, %mul3A_2] : memref<1x8192xf32, #tpu.memory_space<hbm>> -> memref<1x256xf32, #tpu.memory_space<hbm>>
      %dma_start3A_79 = tpu.memref_squeeze %dma_start3A_78 : memref<1x256xf32, #tpu.memory_space<hbm>> -> memref<256xf32, #tpu.memory_space<hbm>>
      %dma_start3A_80 = tpu.memref_slice %arg5[%run_scoped3A_76, %mul3A_2] : memref<1x8192xf32, #tpu.memory_space<hbm>> -> memref<1x256xf32, #tpu.memory_space<hbm>>
      %dma_start3A_81 = tpu.memref_squeeze %dma_start3A_80 : memref<1x256xf32, #tpu.memory_space<hbm>> -> memref<256xf32, #tpu.memory_space<hbm>>
      tpu.enqueue_dma source(%arg13 : memref<256xf32, #tpu.memory_space<vmem>>) target(%dma_start3A_81 : memref<256xf32, #tpu.memory_space<hbm>>) target_semaphore(%run_scoped3A_77 : memref<!tpu.dma_semaphore, #tpu.memory_space<semaphore_mem>>)
      %dma_wait3A = tpu.memref_slice %arg5[%run_scoped3A_76, %mul3A_2] : memref<1x8192xf32, #tpu.memory_space<hbm>> -> memref<1x256xf32, #tpu.memory_space<hbm>>
      %dma_wait3A_82 = tpu.memref_squeeze %dma_wait3A : memref<1x256xf32, #tpu.memory_space<hbm>> -> memref<256xf32, #tpu.memory_space<hbm>>
      %dma_wait3A_83 = tpu.memref_slice %arg5[%run_scoped3A_76, %mul3A_2] : memref<1x8192xf32, #tpu.memory_space<hbm>> -> memref<1x256xf32, #tpu.memory_space<hbm>>
      %dma_wait3A_84 = tpu.memref_squeeze %dma_wait3A_83 : memref<1x256xf32, #tpu.memory_space<hbm>> -> memref<256xf32, #tpu.memory_space<hbm>>
      tpu.wait_dma2 semaphore(%run_scoped3A_77 : memref<!tpu.dma_semaphore, #tpu.memory_space<semaphore_mem>>) src(%arg13 : memref<256xf32, #tpu.memory_space<vmem>>) dst(%dma_wait3A_84 : memref<256xf32, #tpu.memory_space<hbm>>)
      tpu.yield
    }) : () -> ()
    return
  }
}

module attributes {stable_mosaic.version = 14 : i64} {
  func.func @_tc_body(%arg0: i32, %arg1: memref<512x4x1000xf32, #tpu.memory_space<vmem>>, %arg2: memref<512x4xi32, #tpu.memory_space<vmem>>, %arg3: memref<3x16xf32, #tpu.memory_space<vmem>>, %arg4: memref<8x128xf32, #tpu.memory_space<vmem>>) attributes {dimension_semantics = [#tpu.dimension_semantics<arbitrary>], iteration_bounds = array<i64: 16>, scalar_prefetch = 0 : i64, scratch_operands = 1 : i64, tpu.core_type = #tpu.core_type<tc>, window_params = [{transform_indices = @transform_0, window_bounds = array<i64: 512, 4, 1000>}, {transform_indices = @transform_1, window_bounds = array<i64: 512, 4>}, {pipeline_mode = #tpu.pipeline_mode<synchronous>, transform_indices = @transform_2, window_bounds = array<i64: 3, 16>}]} {
    %eq3A = arith.constant 0 : i32
    %eq3A_0 = arith.cmpi eq, %arg0, %eq3A : i32
    %convert_element_type3A = arith.extui %eq3A_0 : i1 to i32
    %cond3A = arith.constant 0 : i32
    %cond3A_1 = arith.cmpi ne, %convert_element_type3A, %cond3A : i32
    scf.if %cond3A_1 {
      %broadcast_in_dim3A_149 = arith.constant 0.000000e+00 : f32
      %broadcast_in_dim3A_150 = vector.broadcast %broadcast_in_dim3A_149 : f32 to vector<8x128xf32>
      %swap3A_151 = arith.constant 0 : index
      %swap3A_152 = arith.constant 0 : index
      %swap3A_153 = vector.load %arg4[%swap3A_151, %swap3A_152] : memref<8x128xf32, #tpu.memory_space<vmem>>, vector<8x128xf32>
      tpu.vector_store %arg4[%swap3A_151, %swap3A_152], %broadcast_in_dim3A_150 {strides = array<i32>} : memref<8x128xf32, #tpu.memory_space<vmem>>, vector<8x128xf32>,
    } else {
    }
    %broadcast_in_dim3A = arith.constant 1.000000e+00 : f32
    %broadcast_in_dim3A_2 = vector.broadcast %broadcast_in_dim3A : f32 to vector<512x1xf32>
    %broadcast_in_dim3A_3 = arith.constant 0.000000e+00 : f32
    %broadcast_in_dim3A_4 = vector.broadcast %broadcast_in_dim3A_3 : f32 to vector<512x1xf32>
    %get3A = arith.constant 0 : index
    %get3A_5 = arith.constant 0 : index
    %get3A_6 = vector.load %arg2[%get3A, %get3A_5] : memref<512x4xi32, #tpu.memory_space<vmem>>, vector<512x4xi32>
    %get3A_7 = arith.constant 0 : index
    %get3A_8 = arith.constant 0 : index
    %get3A_9 = arith.constant 0 : index
    %get3A_10 = vector.load %arg1[%get3A_7, %get3A_8, %get3A_9] : memref<512x4x1000xf32, #tpu.memory_space<vmem>>, vector<512x1x1000xf32>
    %get3A_11 = vector.shape_cast %get3A_10 : vector<512x1x1000xf32> to vector<512x1000xf32>
    %reduce_max3A = arith.constant dense<0xFF800000> : vector<512xf32>
    %reduce_max3A_12 = vector.multi_reduction <maximumf>, %get3A_11, %reduce_max3A [1] : vector<512x1000xf32> to vector<512xf32>
    %broadcast_in_dim3A_13 = vector.shape_cast %reduce_max3A_12 : vector<512xf32> to vector<512x1xf32>
    %sub3A = vector.broadcast %broadcast_in_dim3A_13 : vector<512x1xf32> to vector<512x1000xf32>
    %sub3A_14 = arith.subf %get3A_11, %sub3A : vector<512x1000xf32>
    %exp3A = math.exp %sub3A_14 : vector<512x1000xf32>
    %reduce_sum3A = arith.constant dense<0.000000e+00> : vector<512xf32>
    %reduce_sum3A_15 = vector.multi_reduction <add>, %exp3A, %reduce_sum3A [1] : vector<512x1000xf32> to vector<512xf32>
    %broadcast_in_dim3A_16 = vector.shape_cast %reduce_sum3A_15 : vector<512xf32> to vector<512x1xf32>
    %div3A = arith.constant 1.000000e+00 : f32
    %div3A_17 = vector.broadcast %div3A : f32 to vector<512x1xf32>
    %div3A_18 = arith.divf %div3A_17, %broadcast_in_dim3A_16 : vector<512x1xf32>
    %mul3A = arith.mulf %broadcast_in_dim3A_2, %div3A_18 : vector<512x1xf32>
    %iota3A = tpu.iota {dimensions = array<i32: 1>} : vector<512x1000xi32>
    %eq3A_19 = vector.broadcast %broadcast_in_dim3A_13 : vector<512x1xf32> to vector<512x1000xf32>
    %eq3A_20 = arith.cmpf oeq, %get3A_11, %eq3A_19 : vector<512x1000xf32>
    %jit3A = arith.constant 1000 : i32
    %broadcast_in_dim3A_21 = vector.broadcast %jit3A : i32 to vector<512x1000xi32>
    %select_n3A = arith.select %eq3A_20, %iota3A, %broadcast_in_dim3A_21 : vector<512x1000xi1>, vector<512x1000xi32>
    %reduce_min3A = arith.constant dense<2147483647> : vector<512xi32>
    %reduce_min3A_22 = vector.multi_reduction <minsi>, %select_n3A, %reduce_min3A [1] : vector<512x1000xi32> to vector<512xi32>
    %broadcast_in_dim3A_23 = vector.shape_cast %reduce_min3A_22 : vector<512xi32> to vector<512x1xi32>
    %slice3A = vector.extract_strided_slice %get3A_6 {offsets = [0, 1], sizes = [512, 1], strides = [1, 1]} : vector<512x4xi32> to vector<512x1xi32>
    %eq3A_24 = arith.cmpi eq, %broadcast_in_dim3A_23, %slice3A : vector<512x1xi32>
    %convert_element_type3A_25 = arith.extui %eq3A_24 : vector<512x1xi1> to vector<512x1xi32>
    %convert_element_type3A_26 = arith.sitofp %convert_element_type3A_25 : vector<512x1xi32> to vector<512x1xf32>
    %add3A = arith.addf %broadcast_in_dim3A_4, %convert_element_type3A_26 : vector<512x1xf32>
    %get3A_27 = arith.constant 0 : index
    %get3A_28 = arith.constant 1 : index
    %get3A_29 = arith.constant 0 : index
    %get3A_30 = vector.load %arg1[%get3A_27, %get3A_28, %get3A_29] : memref<512x4x1000xf32, #tpu.memory_space<vmem>>, vector<512x1x1000xf32>
    %get3A_31 = vector.shape_cast %get3A_30 : vector<512x1x1000xf32> to vector<512x1000xf32>
    %reduce_max3A_32 = arith.constant dense<0xFF800000> : vector<512xf32>
    %reduce_max3A_33 = vector.multi_reduction <maximumf>, %get3A_31, %reduce_max3A_32 [1] : vector<512x1000xf32> to vector<512xf32>
    %broadcast_in_dim3A_34 = vector.shape_cast %reduce_max3A_33 : vector<512xf32> to vector<512x1xf32>
    %sub3A_35 = vector.broadcast %broadcast_in_dim3A_34 : vector<512x1xf32> to vector<512x1000xf32>
    %sub3A_36 = arith.subf %get3A_31, %sub3A_35 : vector<512x1000xf32>
    %exp3A_37 = math.exp %sub3A_36 : vector<512x1000xf32>
    %reduce_sum3A_38 = arith.constant dense<0.000000e+00> : vector<512xf32>
    %reduce_sum3A_39 = vector.multi_reduction <add>, %exp3A_37, %reduce_sum3A_38 [1] : vector<512x1000xf32> to vector<512xf32>
    %broadcast_in_dim3A_40 = vector.shape_cast %reduce_sum3A_39 : vector<512xf32> to vector<512x1xf32>
    %div3A_41 = arith.constant 1.000000e+00 : f32
    %div3A_42 = vector.broadcast %div3A_41 : f32 to vector<512x1xf32>
    %div3A_43 = arith.divf %div3A_42, %broadcast_in_dim3A_40 : vector<512x1xf32>
    %mul3A_44 = arith.mulf %mul3A, %div3A_43 : vector<512x1xf32>
    %iota3A_45 = tpu.iota {dimensions = array<i32: 1>} : vector<512x1000xi32>
    %eq3A_46 = vector.broadcast %broadcast_in_dim3A_34 : vector<512x1xf32> to vector<512x1000xf32>
    %eq3A_47 = arith.cmpf oeq, %get3A_31, %eq3A_46 : vector<512x1000xf32>
    %jit3A_48 = arith.constant 1000 : i32
    %broadcast_in_dim3A_49 = vector.broadcast %jit3A_48 : i32 to vector<512x1000xi32>
    %select_n3A_50 = arith.select %eq3A_47, %iota3A_45, %broadcast_in_dim3A_49 : vector<512x1000xi1>, vector<512x1000xi32>
    %reduce_min3A_51 = arith.constant dense<2147483647> : vector<512xi32>
    %reduce_min3A_52 = vector.multi_reduction <minsi>, %select_n3A_50, %reduce_min3A_51 [1] : vector<512x1000xi32> to vector<512xi32>
    %broadcast_in_dim3A_53 = vector.shape_cast %reduce_min3A_52 : vector<512xi32> to vector<512x1xi32>
    %slice3A_54 = vector.extract_strided_slice %get3A_6 {offsets = [0, 2], sizes = [512, 1], strides = [1, 1]} : vector<512x4xi32> to vector<512x1xi32>
    %eq3A_55 = arith.cmpi eq, %broadcast_in_dim3A_53, %slice3A_54 : vector<512x1xi32>
    %convert_element_type3A_56 = arith.extui %eq3A_55 : vector<512x1xi1> to vector<512x1xi32>
    %convert_element_type3A_57 = arith.sitofp %convert_element_type3A_56 : vector<512x1xi32> to vector<512x1xf32>
    %add3A_58 = arith.addf %add3A, %convert_element_type3A_57 : vector<512x1xf32>
    %get3A_59 = arith.constant 0 : index
    %get3A_60 = arith.constant 2 : index
    %get3A_61 = arith.constant 0 : index
    %get3A_62 = vector.load %arg1[%get3A_59, %get3A_60, %get3A_61] : memref<512x4x1000xf32, #tpu.memory_space<vmem>>, vector<512x1x1000xf32>
    %get3A_63 = vector.shape_cast %get3A_62 : vector<512x1x1000xf32> to vector<512x1000xf32>
    %reduce_max3A_64 = arith.constant dense<0xFF800000> : vector<512xf32>
    %reduce_max3A_65 = vector.multi_reduction <maximumf>, %get3A_63, %reduce_max3A_64 [1] : vector<512x1000xf32> to vector<512xf32>
    %broadcast_in_dim3A_66 = vector.shape_cast %reduce_max3A_65 : vector<512xf32> to vector<512x1xf32>
    %sub3A_67 = vector.broadcast %broadcast_in_dim3A_66 : vector<512x1xf32> to vector<512x1000xf32>
    %sub3A_68 = arith.subf %get3A_63, %sub3A_67 : vector<512x1000xf32>
    %exp3A_69 = math.exp %sub3A_68 : vector<512x1000xf32>
    %reduce_sum3A_70 = arith.constant dense<0.000000e+00> : vector<512xf32>
    %reduce_sum3A_71 = vector.multi_reduction <add>, %exp3A_69, %reduce_sum3A_70 [1] : vector<512x1000xf32> to vector<512xf32>
    %broadcast_in_dim3A_72 = vector.shape_cast %reduce_sum3A_71 : vector<512xf32> to vector<512x1xf32>
    %div3A_73 = arith.constant 1.000000e+00 : f32
    %div3A_74 = vector.broadcast %div3A_73 : f32 to vector<512x1xf32>
    %div3A_75 = arith.divf %div3A_74, %broadcast_in_dim3A_72 : vector<512x1xf32>
    %mul3A_76 = arith.mulf %mul3A_44, %div3A_75 : vector<512x1xf32>
    %iota3A_77 = tpu.iota {dimensions = array<i32: 1>} : vector<512x1000xi32>
    %eq3A_78 = vector.broadcast %broadcast_in_dim3A_66 : vector<512x1xf32> to vector<512x1000xf32>
    %eq3A_79 = arith.cmpf oeq, %get3A_63, %eq3A_78 : vector<512x1000xf32>
    %jit3A_80 = arith.constant 1000 : i32
    %broadcast_in_dim3A_81 = vector.broadcast %jit3A_80 : i32 to vector<512x1000xi32>
    %select_n3A_82 = arith.select %eq3A_79, %iota3A_77, %broadcast_in_dim3A_81 : vector<512x1000xi1>, vector<512x1000xi32>
    %reduce_min3A_83 = arith.constant dense<2147483647> : vector<512xi32>
    %reduce_min3A_84 = vector.multi_reduction <minsi>, %select_n3A_82, %reduce_min3A_83 [1] : vector<512x1000xi32> to vector<512xi32>
    %broadcast_in_dim3A_85 = vector.shape_cast %reduce_min3A_84 : vector<512xi32> to vector<512x1xi32>
    %slice3A_86 = vector.extract_strided_slice %get3A_6 {offsets = [0, 3], sizes = [512, 1], strides = [1, 1]} : vector<512x4xi32> to vector<512x1xi32>
    %eq3A_87 = arith.cmpi eq, %broadcast_in_dim3A_85, %slice3A_86 : vector<512x1xi32>
    %convert_element_type3A_88 = arith.extui %eq3A_87 : vector<512x1xi1> to vector<512x1xi32>
    %convert_element_type3A_89 = arith.sitofp %convert_element_type3A_88 : vector<512x1xi32> to vector<512x1xf32>
    %add3A_90 = arith.addf %add3A_58, %convert_element_type3A_89 : vector<512x1xf32>
    %iota3A_91 = tpu.iota {dimensions = array<i32: 1>} : vector<1x16xi32>
    %convert_element_type3A_92 = arith.sitofp %iota3A_91 : vector<1x16xi32> to vector<1x16xf32>
    %ge3A = arith.constant 15 : i32
    %ge3A_93 = vector.broadcast %ge3A : i32 to vector<1x16xi32>
    %ge3A_94 = arith.cmpi sge, %iota3A_91, %ge3A_93 : vector<1x16xi32>
    %div3A_95 = arith.constant 1.500000e+01 : f32
    %div3A_96 = vector.broadcast %div3A_95 : f32 to vector<1x16xf32>
    %div3A_97 = arith.divf %convert_element_type3A_92, %div3A_96 : vector<1x16xf32>
    %jit3A_98 = arith.constant 2.000000e+00 : f32
    %broadcast_in_dim3A_99 = vector.broadcast %jit3A_98 : f32 to vector<1x16xf32>
    %select_n3A_100 = arith.select %ge3A_94, %broadcast_in_dim3A_99, %div3A_97 : vector<1x16xi1>, vector<1x16xf32>
    %ge3A_101 = arith.constant 15 : i32
    %ge3A_102 = vector.broadcast %ge3A_101 : i32 to vector<1x16xi32>
    %ge3A_103 = arith.cmpi sge, %iota3A_91, %ge3A_102 : vector<1x16xi32>
    %add3A_104 = arith.constant 1.000000e+00 : f32
    %add3A_105 = vector.broadcast %add3A_104 : f32 to vector<1x16xf32>
    %add3A_106 = arith.addf %convert_element_type3A_92, %add3A_105 : vector<1x16xf32>
    %div3A_107 = arith.constant 1.500000e+01 : f32
    %div3A_108 = vector.broadcast %div3A_107 : f32 to vector<1x16xf32>
    %div3A_109 = arith.divf %add3A_106, %div3A_108 : vector<1x16xf32>
    %jit3A_110 = arith.constant 3.000000e+00 : f32
    %broadcast_in_dim3A_111 = vector.broadcast %jit3A_110 : f32 to vector<1x16xf32>
    %select_n3A_112 = arith.select %ge3A_103, %broadcast_in_dim3A_111, %div3A_109 : vector<1x16xi1>, vector<1x16xf32>
    %gt3A = vector.broadcast %mul3A_76 : vector<512x1xf32> to vector<512x16xf32>
    %gt3A_113 = vector.broadcast %select_n3A_100 : vector<1x16xf32> to vector<512x16xf32>
    %gt3A_114 = arith.cmpf ogt, %gt3A, %gt3A_113 : vector<512x16xf32>
    %le3A = vector.broadcast %mul3A_76 : vector<512x1xf32> to vector<512x16xf32>
    %le3A_115 = vector.broadcast %select_n3A_112 : vector<1x16xf32> to vector<512x16xf32>
    %le3A_116 = arith.cmpf ole, %le3A, %le3A_115 : vector<512x16xf32>
    %and3A = arith.andi %gt3A_114, %le3A_116 : vector<512x16xi1>
    %convert_element_type3A_117 = arith.extui %and3A : vector<512x16xi1> to vector<512x16xi32>
    %convert_element_type3A_118 = arith.sitofp %convert_element_type3A_117 : vector<512x16xi32> to vector<512x16xf32>
    %reduce_sum3A_119 = arith.constant dense<0.000000e+00> : vector<16xf32>
    %reduce_sum3A_120 = vector.multi_reduction <add>, %convert_element_type3A_118, %reduce_sum3A_119 [0] : vector<512x16xf32> to vector<16xf32>
    %broadcast_in_dim3A_121 = vector.shape_cast %reduce_sum3A_120 : vector<16xf32> to vector<1x16xf32>
    %jit3A_122 = arith.constant 0.000000e+00 : f32
    %broadcast_in_dim3A_123 = vector.shape_cast %mul3A_76 : vector<512x1xf32> to vector<512x1xf32>
    %broadcast_in_dim3A_124 = vector.broadcast %broadcast_in_dim3A_123 : vector<512x1xf32> to vector<512x16xf32>
    %broadcast_in_dim3A_125 = vector.broadcast %jit3A_122 : f32 to vector<512x16xf32>
    %select_n3A_126 = arith.select %and3A, %broadcast_in_dim3A_124, %broadcast_in_dim3A_125 : vector<512x16xi1>, vector<512x16xf32>
    %reduce_sum3A_127 = arith.constant dense<0.000000e+00> : vector<16xf32>
    %reduce_sum3A_128 = vector.multi_reduction <add>, %select_n3A_126, %reduce_sum3A_127 [0] : vector<512x16xf32> to vector<16xf32>
    %broadcast_in_dim3A_129 = vector.shape_cast %reduce_sum3A_128 : vector<16xf32> to vector<1x16xf32>
    %jit3A_130 = arith.constant 0.000000e+00 : f32
    %broadcast_in_dim3A_131 = vector.shape_cast %add3A_90 : vector<512x1xf32> to vector<512x1xf32>
    %broadcast_in_dim3A_132 = vector.broadcast %broadcast_in_dim3A_131 : vector<512x1xf32> to vector<512x16xf32>
    %broadcast_in_dim3A_133 = vector.broadcast %jit3A_130 : f32 to vector<512x16xf32>
    %select_n3A_134 = arith.select %and3A, %broadcast_in_dim3A_132, %broadcast_in_dim3A_133 : vector<512x16xi1>, vector<512x16xf32>
    %reduce_sum3A_135 = arith.constant dense<0.000000e+00> : vector<16xf32>
    %reduce_sum3A_136 = vector.multi_reduction <add>, %select_n3A_134, %reduce_sum3A_135 [0] : vector<512x16xf32> to vector<16xf32>
    %broadcast_in_dim3A_137 = vector.shape_cast %reduce_sum3A_136 : vector<16xf32> to vector<1x16xf32>
    %get3A_138 = arith.constant 0 : index
    %get3A_139 = arith.constant 0 : index
    %get3A_140 = vector.load %arg4[%get3A_138, %get3A_139] : memref<8x128xf32, #tpu.memory_space<vmem>>, vector<3x16xf32>
    %concatenate3A = tpu.concatenate %broadcast_in_dim3A_121, %broadcast_in_dim3A_129, %broadcast_in_dim3A_137 in 0 : vector<1x16xf32>, vector<1x16xf32>, vector<1x16xf32> -> vector<3x16xf32>
    %add3A_141 = arith.addf %get3A_140, %concatenate3A : vector<3x16xf32>
    %swap3A = arith.constant 0 : index
    %swap3A_142 = arith.constant 0 : index
    %swap3A_143 = vector.load %arg4[%swap3A, %swap3A_142] : memref<8x128xf32, #tpu.memory_space<vmem>>, vector<3x16xf32>
    tpu.vector_store %arg4[%swap3A, %swap3A_142], %add3A_141 {strides = array<i32>} : memref<8x128xf32, #tpu.memory_space<vmem>>, vector<3x16xf32>,
    %eq3A_144 = arith.constant 15 : i32
    %eq3A_145 = arith.cmpi eq, %arg0, %eq3A_144 : i32
    %convert_element_type3A_146 = arith.extui %eq3A_145 : i1 to i32
    %cond3A_147 = arith.constant 0 : i32
    %cond3A_148 = arith.cmpi ne, %convert_element_type3A_146, %cond3A_147 : i32
    scf.if %cond3A_148 {
      %get3A_149 = arith.constant 0 : index
      %get3A_150 = arith.constant 0 : index
      %get3A_151 = vector.load %arg4[%get3A_149, %get3A_150] : memref<8x128xf32, #tpu.memory_space<vmem>>, vector<3x16xf32>
      %swap3A_152 = arith.constant 0 : index
      %swap3A_153 = arith.constant 0 : index
      %swap3A_154 = vector.load %arg3[%swap3A_152, %swap3A_153] : memref<3x16xf32, #tpu.memory_space<vmem>>, vector<3x16xf32>
      tpu.vector_store %arg3[%swap3A_152, %swap3A_153], %get3A_151 {strides = array<i32>} : memref<3x16xf32, #tpu.memory_space<vmem>>, vector<3x16xf32>,
    } else {
    }
    return
  }
  func.func @transform_0(%arg0: i32) -> (i32, i32, i32) {
    %add3A = arith.constant 16 : i32
    %add3A_0 = arith.addi %arg0, %add3A : i32
    %c0_i32 = arith.constant 0 : i32
    %c0_i32_1 = arith.constant 0 : i32
    %c0_i32_2 = arith.constant 0 : i32
    return %add3A_0, %c0_i32, %c0_i32_1 : i32, i32, i32
  }
  func.func @transform_1(%arg0: i32) -> (i32, i32) {
    %add3A = arith.constant 16 : i32
    %add3A_0 = arith.addi %arg0, %add3A : i32
    %c0_i32 = arith.constant 0 : i32
    %c0_i32_1 = arith.constant 0 : i32
    return %add3A_0, %c0_i32 : i32, i32
  }
  func.func @transform_2(%arg0: i32) -> (i32, i32) {
    %c0_i32 = arith.constant 0 : i32
    %c0_i32_0 = arith.constant 0 : i32
    %c0_i32_1 = arith.constant 0 : i32
    return %c0_i32, %c0_i32_0 : i32, i32
  }
}

module attributes {stable_mosaic.version = 14 : i64} {
  func.func @_combine_body(%arg0: memref<1x8192xf32, #tpu.memory_space<vmem>>, %arg1: memref<1x8192xf32, #tpu.memory_space<vmem>>, %arg2: memref<3x16xf32, #tpu.memory_space<vmem>>, %arg3: memref<1x1xf32, #tpu.memory_space<vmem>>) attributes {dimension_semantics = [], scalar_prefetch = 0 : i64, scratch_operands = 0 : i64, tpu.core_type = #tpu.core_type<tc>} {
    %get3A = arith.constant 0 : index
    %get3A_0 = arith.constant 0 : index
    %get3A_1 = vector.load %arg0[%get3A, %get3A_0] : memref<1x8192xf32, #tpu.memory_space<vmem>>, vector<1x8192xf32>
    %get3A_2 = arith.constant 0 : index
    %get3A_3 = arith.constant 0 : index
    %get3A_4 = vector.load %arg1[%get3A_2, %get3A_3] : memref<1x8192xf32, #tpu.memory_space<vmem>>, vector<1x8192xf32>
    %get3A_5 = arith.constant 0 : index
    %get3A_6 = arith.constant 0 : index
    %get3A_7 = vector.load %arg2[%get3A_5, %get3A_6] : memref<3x16xf32, #tpu.memory_space<vmem>>, vector<3x16xf32>
    %iota3A = tpu.iota {dimensions = array<i32: 1>} : vector<1x16xi32>
    %convert_element_type3A = arith.sitofp %iota3A : vector<1x16xi32> to vector<1x16xf32>
    %ge3A = arith.constant 15 : i32
    %ge3A_8 = vector.broadcast %ge3A : i32 to vector<1x16xi32>
    %ge3A_9 = arith.cmpi sge, %iota3A, %ge3A_8 : vector<1x16xi32>
    %div3A = arith.constant 1.500000e+01 : f32
    %div3A_10 = vector.broadcast %div3A : f32 to vector<1x16xf32>
    %div3A_11 = arith.divf %convert_element_type3A, %div3A_10 : vector<1x16xf32>
    %jit3A = arith.constant 2.000000e+00 : f32
    %broadcast_in_dim3A = vector.broadcast %jit3A : f32 to vector<1x16xf32>
    %select_n3A = arith.select %ge3A_9, %broadcast_in_dim3A, %div3A_11 : vector<1x16xi1>, vector<1x16xf32>
    %ge3A_12 = arith.constant 15 : i32
    %ge3A_13 = vector.broadcast %ge3A_12 : i32 to vector<1x16xi32>
    %ge3A_14 = arith.cmpi sge, %iota3A, %ge3A_13 : vector<1x16xi32>
    %add3A = arith.constant 1.000000e+00 : f32
    %add3A_15 = vector.broadcast %add3A : f32 to vector<1x16xf32>
    %add3A_16 = arith.addf %convert_element_type3A, %add3A_15 : vector<1x16xf32>
    %div3A_17 = arith.constant 1.500000e+01 : f32
    %div3A_18 = vector.broadcast %div3A_17 : f32 to vector<1x16xf32>
    %div3A_19 = arith.divf %add3A_16, %div3A_18 : vector<1x16xf32>
    %jit3A_20 = arith.constant 3.000000e+00 : f32
    %broadcast_in_dim3A_21 = vector.broadcast %jit3A_20 : f32 to vector<1x16xf32>
    %select_n3A_22 = arith.select %ge3A_14, %broadcast_in_dim3A_21, %div3A_19 : vector<1x16xi1>, vector<1x16xf32>
    %broadcast_in_dim3A_23 = arith.constant 0.000000e+00 : f32
    %broadcast_in_dim3A_24 = vector.broadcast %broadcast_in_dim3A_23 : f32 to vector<1x1xf32>
    %slice3A = vector.extract_strided_slice %select_n3A {offsets = [0, 0], sizes = [1, 1], strides = [1, 1]} : vector<1x16xf32> to vector<1x1xf32>
    %squeeze3A = vector.extract %slice3A[0, 0] : f32 from vector<1x1xf32>
    %slice3A_25 = vector.extract_strided_slice %select_n3A_22 {offsets = [0, 0], sizes = [1, 1], strides = [1, 1]} : vector<1x16xf32> to vector<1x1xf32>
    %squeeze3A_26 = vector.extract %slice3A_25[0, 0] : f32 from vector<1x1xf32>
    %gt3A = vector.broadcast %squeeze3A : f32 to vector<1x8192xf32>
    %gt3A_27 = arith.cmpf ogt, %get3A_1, %gt3A : vector<1x8192xf32>
    %le3A = vector.broadcast %squeeze3A_26 : f32 to vector<1x8192xf32>
    %le3A_28 = arith.cmpf ole, %get3A_1, %le3A : vector<1x8192xf32>
    %and3A = arith.andi %gt3A_27, %le3A_28 : vector<1x8192xi1>
    %convert_element_type3A_29 = arith.extui %and3A : vector<1x8192xi1> to vector<1x8192xi32>
    %convert_element_type3A_30 = arith.sitofp %convert_element_type3A_29 : vector<1x8192xi32> to vector<1x8192xf32>
    %reduce_sum3A = vector.shape_cast %convert_element_type3A_30 : vector<1x8192xf32> to vector<1x1x8192xf32>
    %reduce_sum3A_31 = arith.constant dense<0.000000e+00> : vector<1xf32>
    %reduce_sum3A_32 = vector.multi_reduction <add>, %reduce_sum3A, %reduce_sum3A_31 [1, 2] : vector<1x1x8192xf32> to vector<1xf32>
    %reduce_sum3A_33 = vector.shape_cast %reduce_sum3A_32 : vector<1xf32> to vector<1x1x1xf32>
    %reduce_sum3A_34 = vector.extract %reduce_sum3A_33[0, 0, 0] : f32 from vector<1x1x1xf32>
    %slice3A_35 = vector.extract_strided_slice %get3A_7 {offsets = [0, 0], sizes = [1, 1], strides = [1, 1]} : vector<3x16xf32> to vector<1x1xf32>
    %squeeze3A_36 = vector.extract %slice3A_35[0, 0] : f32 from vector<1x1xf32>
    %add3A_37 = arith.addf %reduce_sum3A_34, %squeeze3A_36 : f32
    %jit3A_38 = arith.constant 0.000000e+00 : f32
    %broadcast_in_dim3A_39 = vector.broadcast %jit3A_38 : f32 to vector<1x8192xf32>
    %select_n3A_40 = arith.select %and3A, %get3A_1, %broadcast_in_dim3A_39 : vector<1x8192xi1>, vector<1x8192xf32>
    %reduce_sum3A_41 = vector.shape_cast %select_n3A_40 : vector<1x8192xf32> to vector<1x1x8192xf32>
    %reduce_sum3A_42 = arith.constant dense<0.000000e+00> : vector<1xf32>
    %reduce_sum3A_43 = vector.multi_reduction <add>, %reduce_sum3A_41, %reduce_sum3A_42 [1, 2] : vector<1x1x8192xf32> to vector<1xf32>
    %reduce_sum3A_44 = vector.shape_cast %reduce_sum3A_43 : vector<1xf32> to vector<1x1x1xf32>
    %reduce_sum3A_45 = vector.extract %reduce_sum3A_44[0, 0, 0] : f32 from vector<1x1x1xf32>
    %slice3A_46 = vector.extract_strided_slice %get3A_7 {offsets = [1, 0], sizes = [1, 1], strides = [1, 1]} : vector<3x16xf32> to vector<1x1xf32>
    %squeeze3A_47 = vector.extract %slice3A_46[0, 0] : f32 from vector<1x1xf32>
    %add3A_48 = arith.addf %reduce_sum3A_45, %squeeze3A_47 : f32
    %jit3A_49 = arith.constant 0.000000e+00 : f32
    %broadcast_in_dim3A_50 = vector.broadcast %jit3A_49 : f32 to vector<1x8192xf32>
    %select_n3A_51 = arith.select %and3A, %get3A_4, %broadcast_in_dim3A_50 : vector<1x8192xi1>, vector<1x8192xf32>
    %reduce_sum3A_52 = vector.shape_cast %select_n3A_51 : vector<1x8192xf32> to vector<1x1x8192xf32>
    %reduce_sum3A_53 = arith.constant dense<0.000000e+00> : vector<1xf32>
    %reduce_sum3A_54 = vector.multi_reduction <add>, %reduce_sum3A_52, %reduce_sum3A_53 [1, 2] : vector<1x1x8192xf32> to vector<1xf32>
    %reduce_sum3A_55 = vector.shape_cast %reduce_sum3A_54 : vector<1xf32> to vector<1x1x1xf32>
    %reduce_sum3A_56 = vector.extract %reduce_sum3A_55[0, 0, 0] : f32 from vector<1x1x1xf32>
    %slice3A_57 = vector.extract_strided_slice %get3A_7 {offsets = [2, 0], sizes = [1, 1], strides = [1, 1]} : vector<3x16xf32> to vector<1x1xf32>
    %squeeze3A_58 = vector.extract %slice3A_57[0, 0] : f32 from vector<1x1xf32>
    %add3A_59 = arith.addf %reduce_sum3A_56, %squeeze3A_58 : f32
    %max3A = arith.constant 1.000000e+00 : f32
    %max3A_60 = arith.maximumf %add3A_37, %max3A : f32
    %div3A_61 = arith.divf %add3A_48, %max3A_60 : f32
    %mul3A = arith.constant 3.000000e+00 : f32
    %mul3A_62 = arith.mulf %max3A_60, %mul3A : f32
    %div3A_63 = arith.divf %add3A_59, %mul3A_62 : f32
    %sub3A = arith.subf %div3A_61, %div3A_63 : f32
    %abs3A = math.absf %sub3A : f32
    %div3A_64 = arith.constant 1.638400e+04 : f32
    %div3A_65 = arith.divf %add3A_37, %div3A_64 : f32
    %mul3A_66 = arith.mulf %abs3A, %div3A_65 : f32
    %gt3A_67 = arith.constant 0.000000e+00 : f32
    %gt3A_68 = arith.cmpf ogt, %add3A_37, %gt3A_67 : f32
    %jit3A_69 = arith.constant 0.000000e+00 : f32
    %select_n3A_70 = arith.select %gt3A_68, %mul3A_66, %jit3A_69 : f32
    %broadcast_in_dim3A_71 = arith.constant 1.000000e+00 : f32
    %broadcast_in_dim3A_72 = vector.broadcast %broadcast_in_dim3A_71 : f32 to vector<1x1xf32>
    %mul3A_73 = vector.broadcast %select_n3A_70 : f32 to vector<1x1xf32>
    %mul3A_74 = arith.mulf %mul3A_73, %broadcast_in_dim3A_72 : vector<1x1xf32>
    %add3A_75 = arith.addf %broadcast_in_dim3A_24, %mul3A_74 : vector<1x1xf32>
    %slice3A_76 = vector.extract_strided_slice %select_n3A {offsets = [0, 1], sizes = [1, 1], strides = [1, 1]} : vector<1x16xf32> to vector<1x1xf32>
    %squeeze3A_77 = vector.extract %slice3A_76[0, 0] : f32 from vector<1x1xf32>
    %slice3A_78 = vector.extract_strided_slice %select_n3A_22 {offsets = [0, 1], sizes = [1, 1], strides = [1, 1]} : vector<1x16xf32> to vector<1x1xf32>
    %squeeze3A_79 = vector.extract %slice3A_78[0, 0] : f32 from vector<1x1xf32>
    %gt3A_80 = vector.broadcast %squeeze3A_77 : f32 to vector<1x8192xf32>
    %gt3A_81 = arith.cmpf ogt, %get3A_1, %gt3A_80 : vector<1x8192xf32>
    %le3A_82 = vector.broadcast %squeeze3A_79 : f32 to vector<1x8192xf32>
    %le3A_83 = arith.cmpf ole, %get3A_1, %le3A_82 : vector<1x8192xf32>
    %and3A_84 = arith.andi %gt3A_81, %le3A_83 : vector<1x8192xi1>
    %convert_element_type3A_85 = arith.extui %and3A_84 : vector<1x8192xi1> to vector<1x8192xi32>
    %convert_element_type3A_86 = arith.sitofp %convert_element_type3A_85 : vector<1x8192xi32> to vector<1x8192xf32>
    %reduce_sum3A_87 = vector.shape_cast %convert_element_type3A_86 : vector<1x8192xf32> to vector<1x1x8192xf32>
    %reduce_sum3A_88 = arith.constant dense<0.000000e+00> : vector<1xf32>
    %reduce_sum3A_89 = vector.multi_reduction <add>, %reduce_sum3A_87, %reduce_sum3A_88 [1, 2] : vector<1x1x8192xf32> to vector<1xf32>
    %reduce_sum3A_90 = vector.shape_cast %reduce_sum3A_89 : vector<1xf32> to vector<1x1x1xf32>
    %reduce_sum3A_91 = vector.extract %reduce_sum3A_90[0, 0, 0] : f32 from vector<1x1x1xf32>
    %slice3A_92 = vector.extract_strided_slice %get3A_7 {offsets = [0, 1], sizes = [1, 1], strides = [1, 1]} : vector<3x16xf32> to vector<1x1xf32>
    %squeeze3A_93 = vector.extract %slice3A_92[0, 0] : f32 from vector<1x1xf32>
    %add3A_94 = arith.addf %reduce_sum3A_91, %squeeze3A_93 : f32
    %jit3A_95 = arith.constant 0.000000e+00 : f32
    %broadcast_in_dim3A_96 = vector.broadcast %jit3A_95 : f32 to vector<1x8192xf32>
    %select_n3A_97 = arith.select %and3A_84, %get3A_1, %broadcast_in_dim3A_96 : vector<1x8192xi1>, vector<1x8192xf32>
    %reduce_sum3A_98 = vector.shape_cast %select_n3A_97 : vector<1x8192xf32> to vector<1x1x8192xf32>
    %reduce_sum3A_99 = arith.constant dense<0.000000e+00> : vector<1xf32>
    %reduce_sum3A_100 = vector.multi_reduction <add>, %reduce_sum3A_98, %reduce_sum3A_99 [1, 2] : vector<1x1x8192xf32> to vector<1xf32>
    %reduce_sum3A_101 = vector.shape_cast %reduce_sum3A_100 : vector<1xf32> to vector<1x1x1xf32>
    %reduce_sum3A_102 = vector.extract %reduce_sum3A_101[0, 0, 0] : f32 from vector<1x1x1xf32>
    %slice3A_103 = vector.extract_strided_slice %get3A_7 {offsets = [1, 1], sizes = [1, 1], strides = [1, 1]} : vector<3x16xf32> to vector<1x1xf32>
    %squeeze3A_104 = vector.extract %slice3A_103[0, 0] : f32 from vector<1x1xf32>
    %add3A_105 = arith.addf %reduce_sum3A_102, %squeeze3A_104 : f32
    %jit3A_106 = arith.constant 0.000000e+00 : f32
    %broadcast_in_dim3A_107 = vector.broadcast %jit3A_106 : f32 to vector<1x8192xf32>
    %select_n3A_108 = arith.select %and3A_84, %get3A_4, %broadcast_in_dim3A_107 : vector<1x8192xi1>, vector<1x8192xf32>
    %reduce_sum3A_109 = vector.shape_cast %select_n3A_108 : vector<1x8192xf32> to vector<1x1x8192xf32>
    %reduce_sum3A_110 = arith.constant dense<0.000000e+00> : vector<1xf32>
    %reduce_sum3A_111 = vector.multi_reduction <add>, %reduce_sum3A_109, %reduce_sum3A_110 [1, 2] : vector<1x1x8192xf32> to vector<1xf32>
    %reduce_sum3A_112 = vector.shape_cast %reduce_sum3A_111 : vector<1xf32> to vector<1x1x1xf32>
    %reduce_sum3A_113 = vector.extract %reduce_sum3A_112[0, 0, 0] : f32 from vector<1x1x1xf32>
    %slice3A_114 = vector.extract_strided_slice %get3A_7 {offsets = [2, 1], sizes = [1, 1], strides = [1, 1]} : vector<3x16xf32> to vector<1x1xf32>
    %squeeze3A_115 = vector.extract %slice3A_114[0, 0] : f32 from vector<1x1xf32>
    %add3A_116 = arith.addf %reduce_sum3A_113, %squeeze3A_115 : f32
    %max3A_117 = arith.constant 1.000000e+00 : f32
    %max3A_118 = arith.maximumf %add3A_94, %max3A_117 : f32
    %div3A_119 = arith.divf %add3A_105, %max3A_118 : f32
    %mul3A_120 = arith.constant 3.000000e+00 : f32
    %mul3A_121 = arith.mulf %max3A_118, %mul3A_120 : f32
    %div3A_122 = arith.divf %add3A_116, %mul3A_121 : f32
    %sub3A_123 = arith.subf %div3A_119, %div3A_122 : f32
    %abs3A_124 = math.absf %sub3A_123 : f32
    %div3A_125 = arith.constant 1.638400e+04 : f32
    %div3A_126 = arith.divf %add3A_94, %div3A_125 : f32
    %mul3A_127 = arith.mulf %abs3A_124, %div3A_126 : f32
    %gt3A_128 = arith.constant 0.000000e+00 : f32
    %gt3A_129 = arith.cmpf ogt, %add3A_94, %gt3A_128 : f32
    %jit3A_130 = arith.constant 0.000000e+00 : f32
    %select_n3A_131 = arith.select %gt3A_129, %mul3A_127, %jit3A_130 : f32
    %broadcast_in_dim3A_132 = arith.constant 1.000000e+00 : f32
    %broadcast_in_dim3A_133 = vector.broadcast %broadcast_in_dim3A_132 : f32 to vector<1x1xf32>
    %mul3A_134 = vector.broadcast %select_n3A_131 : f32 to vector<1x1xf32>
    %mul3A_135 = arith.mulf %mul3A_134, %broadcast_in_dim3A_133 : vector<1x1xf32>
    %add3A_136 = arith.addf %add3A_75, %mul3A_135 : vector<1x1xf32>
    %slice3A_137 = vector.extract_strided_slice %select_n3A {offsets = [0, 2], sizes = [1, 1], strides = [1, 1]} : vector<1x16xf32> to vector<1x1xf32>
    %squeeze3A_138 = vector.extract %slice3A_137[0, 0] : f32 from vector<1x1xf32>
    %slice3A_139 = vector.extract_strided_slice %select_n3A_22 {offsets = [0, 2], sizes = [1, 1], strides = [1, 1]} : vector<1x16xf32> to vector<1x1xf32>
    %squeeze3A_140 = vector.extract %slice3A_139[0, 0] : f32 from vector<1x1xf32>
    %gt3A_141 = vector.broadcast %squeeze3A_138 : f32 to vector<1x8192xf32>
    %gt3A_142 = arith.cmpf ogt, %get3A_1, %gt3A_141 : vector<1x8192xf32>
    %le3A_143 = vector.broadcast %squeeze3A_140 : f32 to vector<1x8192xf32>
    %le3A_144 = arith.cmpf ole, %get3A_1, %le3A_143 : vector<1x8192xf32>
    %and3A_145 = arith.andi %gt3A_142, %le3A_144 : vector<1x8192xi1>
    %convert_element_type3A_146 = arith.extui %and3A_145 : vector<1x8192xi1> to vector<1x8192xi32>
    %convert_element_type3A_147 = arith.sitofp %convert_element_type3A_146 : vector<1x8192xi32> to vector<1x8192xf32>
    %reduce_sum3A_148 = vector.shape_cast %convert_element_type3A_147 : vector<1x8192xf32> to vector<1x1x8192xf32>
    %reduce_sum3A_149 = arith.constant dense<0.000000e+00> : vector<1xf32>
    %reduce_sum3A_150 = vector.multi_reduction <add>, %reduce_sum3A_148, %reduce_sum3A_149 [1, 2] : vector<1x1x8192xf32> to vector<1xf32>
    %reduce_sum3A_151 = vector.shape_cast %reduce_sum3A_150 : vector<1xf32> to vector<1x1x1xf32>
    %reduce_sum3A_152 = vector.extract %reduce_sum3A_151[0, 0, 0] : f32 from vector<1x1x1xf32>
    %slice3A_153 = vector.extract_strided_slice %get3A_7 {offsets = [0, 2], sizes = [1, 1], strides = [1, 1]} : vector<3x16xf32> to vector<1x1xf32>
    %squeeze3A_154 = vector.extract %slice3A_153[0, 0] : f32 from vector<1x1xf32>
    %add3A_155 = arith.addf %reduce_sum3A_152, %squeeze3A_154 : f32
    %jit3A_156 = arith.constant 0.000000e+00 : f32
    %broadcast_in_dim3A_157 = vector.broadcast %jit3A_156 : f32 to vector<1x8192xf32>
    %select_n3A_158 = arith.select %and3A_145, %get3A_1, %broadcast_in_dim3A_157 : vector<1x8192xi1>, vector<1x8192xf32>
    %reduce_sum3A_159 = vector.shape_cast %select_n3A_158 : vector<1x8192xf32> to vector<1x1x8192xf32>
    %reduce_sum3A_160 = arith.constant dense<0.000000e+00> : vector<1xf32>
    %reduce_sum3A_161 = vector.multi_reduction <add>, %reduce_sum3A_159, %reduce_sum3A_160 [1, 2] : vector<1x1x8192xf32> to vector<1xf32>
    %reduce_sum3A_162 = vector.shape_cast %reduce_sum3A_161 : vector<1xf32> to vector<1x1x1xf32>
    %reduce_sum3A_163 = vector.extract %reduce_sum3A_162[0, 0, 0] : f32 from vector<1x1x1xf32>
    %slice3A_164 = vector.extract_strided_slice %get3A_7 {offsets = [1, 2], sizes = [1, 1], strides = [1, 1]} : vector<3x16xf32> to vector<1x1xf32>
    %squeeze3A_165 = vector.extract %slice3A_164[0, 0] : f32 from vector<1x1xf32>
    %add3A_166 = arith.addf %reduce_sum3A_163, %squeeze3A_165 : f32
    %jit3A_167 = arith.constant 0.000000e+00 : f32
    %broadcast_in_dim3A_168 = vector.broadcast %jit3A_167 : f32 to vector<1x8192xf32>
    %select_n3A_169 = arith.select %and3A_145, %get3A_4, %broadcast_in_dim3A_168 : vector<1x8192xi1>, vector<1x8192xf32>
    %reduce_sum3A_170 = vector.shape_cast %select_n3A_169 : vector<1x8192xf32> to vector<1x1x8192xf32>
    %reduce_sum3A_171 = arith.constant dense<0.000000e+00> : vector<1xf32>
    %reduce_sum3A_172 = vector.multi_reduction <add>, %reduce_sum3A_170, %reduce_sum3A_171 [1, 2] : vector<1x1x8192xf32> to vector<1xf32>
    %reduce_sum3A_173 = vector.shape_cast %reduce_sum3A_172 : vector<1xf32> to vector<1x1x1xf32>
    %reduce_sum3A_174 = vector.extract %reduce_sum3A_173[0, 0, 0] : f32 from vector<1x1x1xf32>
    %slice3A_175 = vector.extract_strided_slice %get3A_7 {offsets = [2, 2], sizes = [1, 1], strides = [1, 1]} : vector<3x16xf32> to vector<1x1xf32>
    %squeeze3A_176 = vector.extract %slice3A_175[0, 0] : f32 from vector<1x1xf32>
    %add3A_177 = arith.addf %reduce_sum3A_174, %squeeze3A_176 : f32
    %max3A_178 = arith.constant 1.000000e+00 : f32
    %max3A_179 = arith.maximumf %add3A_155, %max3A_178 : f32
    %div3A_180 = arith.divf %add3A_166, %max3A_179 : f32
    %mul3A_181 = arith.constant 3.000000e+00 : f32
    %mul3A_182 = arith.mulf %max3A_179, %mul3A_181 : f32
    %div3A_183 = arith.divf %add3A_177, %mul3A_182 : f32
    %sub3A_184 = arith.subf %div3A_180, %div3A_183 : f32
    %abs3A_185 = math.absf %sub3A_184 : f32
    %div3A_186 = arith.constant 1.638400e+04 : f32
    %div3A_187 = arith.divf %add3A_155, %div3A_186 : f32
    %mul3A_188 = arith.mulf %abs3A_185, %div3A_187 : f32
    %gt3A_189 = arith.constant 0.000000e+00 : f32
    %gt3A_190 = arith.cmpf ogt, %add3A_155, %gt3A_189 : f32
    %jit3A_191 = arith.constant 0.000000e+00 : f32
    %select_n3A_192 = arith.select %gt3A_190, %mul3A_188, %jit3A_191 : f32
    %broadcast_in_dim3A_193 = arith.constant 1.000000e+00 : f32
    %broadcast_in_dim3A_194 = vector.broadcast %broadcast_in_dim3A_193 : f32 to vector<1x1xf32>
    %mul3A_195 = vector.broadcast %select_n3A_192 : f32 to vector<1x1xf32>
    %mul3A_196 = arith.mulf %mul3A_195, %broadcast_in_dim3A_194 : vector<1x1xf32>
    %add3A_197 = arith.addf %add3A_136, %mul3A_196 : vector<1x1xf32>
    %slice3A_198 = vector.extract_strided_slice %select_n3A {offsets = [0, 3], sizes = [1, 1], strides = [1, 1]} : vector<1x16xf32> to vector<1x1xf32>
    %squeeze3A_199 = vector.extract %slice3A_198[0, 0] : f32 from vector<1x1xf32>
    %slice3A_200 = vector.extract_strided_slice %select_n3A_22 {offsets = [0, 3], sizes = [1, 1], strides = [1, 1]} : vector<1x16xf32> to vector<1x1xf32>
    %squeeze3A_201 = vector.extract %slice3A_200[0, 0] : f32 from vector<1x1xf32>
    %gt3A_202 = vector.broadcast %squeeze3A_199 : f32 to vector<1x8192xf32>
    %gt3A_203 = arith.cmpf ogt, %get3A_1, %gt3A_202 : vector<1x8192xf32>
    %le3A_204 = vector.broadcast %squeeze3A_201 : f32 to vector<1x8192xf32>
    %le3A_205 = arith.cmpf ole, %get3A_1, %le3A_204 : vector<1x8192xf32>
    %and3A_206 = arith.andi %gt3A_203, %le3A_205 : vector<1x8192xi1>
    %convert_element_type3A_207 = arith.extui %and3A_206 : vector<1x8192xi1> to vector<1x8192xi32>
    %convert_element_type3A_208 = arith.sitofp %convert_element_type3A_207 : vector<1x8192xi32> to vector<1x8192xf32>
    %reduce_sum3A_209 = vector.shape_cast %convert_element_type3A_208 : vector<1x8192xf32> to vector<1x1x8192xf32>
    %reduce_sum3A_210 = arith.constant dense<0.000000e+00> : vector<1xf32>
    %reduce_sum3A_211 = vector.multi_reduction <add>, %reduce_sum3A_209, %reduce_sum3A_210 [1, 2] : vector<1x1x8192xf32> to vector<1xf32>
    %reduce_sum3A_212 = vector.shape_cast %reduce_sum3A_211 : vector<1xf32> to vector<1x1x1xf32>
    %reduce_sum3A_213 = vector.extract %reduce_sum3A_212[0, 0, 0] : f32 from vector<1x1x1xf32>
    %slice3A_214 = vector.extract_strided_slice %get3A_7 {offsets = [0, 3], sizes = [1, 1], strides = [1, 1]} : vector<3x16xf32> to vector<1x1xf32>
    %squeeze3A_215 = vector.extract %slice3A_214[0, 0] : f32 from vector<1x1xf32>
    %add3A_216 = arith.addf %reduce_sum3A_213, %squeeze3A_215 : f32
    %jit3A_217 = arith.constant 0.000000e+00 : f32
    %broadcast_in_dim3A_218 = vector.broadcast %jit3A_217 : f32 to vector<1x8192xf32>
    %select_n3A_219 = arith.select %and3A_206, %get3A_1, %broadcast_in_dim3A_218 : vector<1x8192xi1>, vector<1x8192xf32>
    %reduce_sum3A_220 = vector.shape_cast %select_n3A_219 : vector<1x8192xf32> to vector<1x1x8192xf32>
    %reduce_sum3A_221 = arith.constant dense<0.000000e+00> : vector<1xf32>
    %reduce_sum3A_222 = vector.multi_reduction <add>, %reduce_sum3A_220, %reduce_sum3A_221 [1, 2] : vector<1x1x8192xf32> to vector<1xf32>
    %reduce_sum3A_223 = vector.shape_cast %reduce_sum3A_222 : vector<1xf32> to vector<1x1x1xf32>
    %reduce_sum3A_224 = vector.extract %reduce_sum3A_223[0, 0, 0] : f32 from vector<1x1x1xf32>
    %slice3A_225 = vector.extract_strided_slice %get3A_7 {offsets = [1, 3], sizes = [1, 1], strides = [1, 1]} : vector<3x16xf32> to vector<1x1xf32>
    %squeeze3A_226 = vector.extract %slice3A_225[0, 0] : f32 from vector<1x1xf32>
    %add3A_227 = arith.addf %reduce_sum3A_224, %squeeze3A_226 : f32
    %jit3A_228 = arith.constant 0.000000e+00 : f32
    %broadcast_in_dim3A_229 = vector.broadcast %jit3A_228 : f32 to vector<1x8192xf32>
    %select_n3A_230 = arith.select %and3A_206, %get3A_4, %broadcast_in_dim3A_229 : vector<1x8192xi1>, vector<1x8192xf32>
    %reduce_sum3A_231 = vector.shape_cast %select_n3A_230 : vector<1x8192xf32> to vector<1x1x8192xf32>
    %reduce_sum3A_232 = arith.constant dense<0.000000e+00> : vector<1xf32>
    %reduce_sum3A_233 = vector.multi_reduction <add>, %reduce_sum3A_231, %reduce_sum3A_232 [1, 2] : vector<1x1x8192xf32> to vector<1xf32>
    %reduce_sum3A_234 = vector.shape_cast %reduce_sum3A_233 : vector<1xf32> to vector<1x1x1xf32>
    %reduce_sum3A_235 = vector.extract %reduce_sum3A_234[0, 0, 0] : f32 from vector<1x1x1xf32>
    %slice3A_236 = vector.extract_strided_slice %get3A_7 {offsets = [2, 3], sizes = [1, 1], strides = [1, 1]} : vector<3x16xf32> to vector<1x1xf32>
    %squeeze3A_237 = vector.extract %slice3A_236[0, 0] : f32 from vector<1x1xf32>
    %add3A_238 = arith.addf %reduce_sum3A_235, %squeeze3A_237 : f32
    %max3A_239 = arith.constant 1.000000e+00 : f32
    %max3A_240 = arith.maximumf %add3A_216, %max3A_239 : f32
    %div3A_241 = arith.divf %add3A_227, %max3A_240 : f32
    %mul3A_242 = arith.constant 3.000000e+00 : f32
    %mul3A_243 = arith.mulf %max3A_240, %mul3A_242 : f32
    %div3A_244 = arith.divf %add3A_238, %mul3A_243 : f32
    %sub3A_245 = arith.subf %div3A_241, %div3A_244 : f32
    %abs3A_246 = math.absf %sub3A_245 : f32
    %div3A_247 = arith.constant 1.638400e+04 : f32
    %div3A_248 = arith.divf %add3A_216, %div3A_247 : f32
    %mul3A_249 = arith.mulf %abs3A_246, %div3A_248 : f32
    %gt3A_250 = arith.constant 0.000000e+00 : f32
    %gt3A_251 = arith.cmpf ogt, %add3A_216, %gt3A_250 : f32
    %jit3A_252 = arith.constant 0.000000e+00 : f32
    %select_n3A_253 = arith.select %gt3A_251, %mul3A_249, %jit3A_252 : f32
    %broadcast_in_dim3A_254 = arith.constant 1.000000e+00 : f32
    %broadcast_in_dim3A_255 = vector.broadcast %broadcast_in_dim3A_254 : f32 to vector<1x1xf32>
    %mul3A_256 = vector.broadcast %select_n3A_253 : f32 to vector<1x1xf32>
    %mul3A_257 = arith.mulf %mul3A_256, %broadcast_in_dim3A_255 : vector<1x1xf32>
    %add3A_258 = arith.addf %add3A_197, %mul3A_257 : vector<1x1xf32>
    %slice3A_259 = vector.extract_strided_slice %select_n3A {offsets = [0, 4], sizes = [1, 1], strides = [1, 1]} : vector<1x16xf32> to vector<1x1xf32>
    %squeeze3A_260 = vector.extract %slice3A_259[0, 0] : f32 from vector<1x1xf32>
    %slice3A_261 = vector.extract_strided_slice %select_n3A_22 {offsets = [0, 4], sizes = [1, 1], strides = [1, 1]} : vector<1x16xf32> to vector<1x1xf32>
    %squeeze3A_262 = vector.extract %slice3A_261[0, 0] : f32 from vector<1x1xf32>
    %gt3A_263 = vector.broadcast %squeeze3A_260 : f32 to vector<1x8192xf32>
    %gt3A_264 = arith.cmpf ogt, %get3A_1, %gt3A_263 : vector<1x8192xf32>
    %le3A_265 = vector.broadcast %squeeze3A_262 : f32 to vector<1x8192xf32>
    %le3A_266 = arith.cmpf ole, %get3A_1, %le3A_265 : vector<1x8192xf32>
    %and3A_267 = arith.andi %gt3A_264, %le3A_266 : vector<1x8192xi1>
    %convert_element_type3A_268 = arith.extui %and3A_267 : vector<1x8192xi1> to vector<1x8192xi32>
    %convert_element_type3A_269 = arith.sitofp %convert_element_type3A_268 : vector<1x8192xi32> to vector<1x8192xf32>
    %reduce_sum3A_270 = vector.shape_cast %convert_element_type3A_269 : vector<1x8192xf32> to vector<1x1x8192xf32>
    %reduce_sum3A_271 = arith.constant dense<0.000000e+00> : vector<1xf32>
    %reduce_sum3A_272 = vector.multi_reduction <add>, %reduce_sum3A_270, %reduce_sum3A_271 [1, 2] : vector<1x1x8192xf32> to vector<1xf32>
    %reduce_sum3A_273 = vector.shape_cast %reduce_sum3A_272 : vector<1xf32> to vector<1x1x1xf32>
    %reduce_sum3A_274 = vector.extract %reduce_sum3A_273[0, 0, 0] : f32 from vector<1x1x1xf32>
    %slice3A_275 = vector.extract_strided_slice %get3A_7 {offsets = [0, 4], sizes = [1, 1], strides = [1, 1]} : vector<3x16xf32> to vector<1x1xf32>
    %squeeze3A_276 = vector.extract %slice3A_275[0, 0] : f32 from vector<1x1xf32>
    %add3A_277 = arith.addf %reduce_sum3A_274, %squeeze3A_276 : f32
    %jit3A_278 = arith.constant 0.000000e+00 : f32
    %broadcast_in_dim3A_279 = vector.broadcast %jit3A_278 : f32 to vector<1x8192xf32>
    %select_n3A_280 = arith.select %and3A_267, %get3A_1, %broadcast_in_dim3A_279 : vector<1x8192xi1>, vector<1x8192xf32>
    %reduce_sum3A_281 = vector.shape_cast %select_n3A_280 : vector<1x8192xf32> to vector<1x1x8192xf32>
    %reduce_sum3A_282 = arith.constant dense<0.000000e+00> : vector<1xf32>
    %reduce_sum3A_283 = vector.multi_reduction <add>, %reduce_sum3A_281, %reduce_sum3A_282 [1, 2] : vector<1x1x8192xf32> to vector<1xf32>
    %reduce_sum3A_284 = vector.shape_cast %reduce_sum3A_283 : vector<1xf32> to vector<1x1x1xf32>
    %reduce_sum3A_285 = vector.extract %reduce_sum3A_284[0, 0, 0] : f32 from vector<1x1x1xf32>
    %slice3A_286 = vector.extract_strided_slice %get3A_7 {offsets = [1, 4], sizes = [1, 1], strides = [1, 1]} : vector<3x16xf32> to vector<1x1xf32>
    %squeeze3A_287 = vector.extract %slice3A_286[0, 0] : f32 from vector<1x1xf32>
    %add3A_288 = arith.addf %reduce_sum3A_285, %squeeze3A_287 : f32
    %jit3A_289 = arith.constant 0.000000e+00 : f32
    %broadcast_in_dim3A_290 = vector.broadcast %jit3A_289 : f32 to vector<1x8192xf32>
    %select_n3A_291 = arith.select %and3A_267, %get3A_4, %broadcast_in_dim3A_290 : vector<1x8192xi1>, vector<1x8192xf32>
    %reduce_sum3A_292 = vector.shape_cast %select_n3A_291 : vector<1x8192xf32> to vector<1x1x8192xf32>
    %reduce_sum3A_293 = arith.constant dense<0.000000e+00> : vector<1xf32>
    %reduce_sum3A_294 = vector.multi_reduction <add>, %reduce_sum3A_292, %reduce_sum3A_293 [1, 2] : vector<1x1x8192xf32> to vector<1xf32>
    %reduce_sum3A_295 = vector.shape_cast %reduce_sum3A_294 : vector<1xf32> to vector<1x1x1xf32>
    %reduce_sum3A_296 = vector.extract %reduce_sum3A_295[0, 0, 0] : f32 from vector<1x1x1xf32>
    %slice3A_297 = vector.extract_strided_slice %get3A_7 {offsets = [2, 4], sizes = [1, 1], strides = [1, 1]} : vector<3x16xf32> to vector<1x1xf32>
    %squeeze3A_298 = vector.extract %slice3A_297[0, 0] : f32 from vector<1x1xf32>
    %add3A_299 = arith.addf %reduce_sum3A_296, %squeeze3A_298 : f32
    %max3A_300 = arith.constant 1.000000e+00 : f32
    %max3A_301 = arith.maximumf %add3A_277, %max3A_300 : f32
    %div3A_302 = arith.divf %add3A_288, %max3A_301 : f32
    %mul3A_303 = arith.constant 3.000000e+00 : f32
    %mul3A_304 = arith.mulf %max3A_301, %mul3A_303 : f32
    %div3A_305 = arith.divf %add3A_299, %mul3A_304 : f32
    %sub3A_306 = arith.subf %div3A_302, %div3A_305 : f32
    %abs3A_307 = math.absf %sub3A_306 : f32
    %div3A_308 = arith.constant 1.638400e+04 : f32
    %div3A_309 = arith.divf %add3A_277, %div3A_308 : f32
    %mul3A_310 = arith.mulf %abs3A_307, %div3A_309 : f32
    %gt3A_311 = arith.constant 0.000000e+00 : f32
    %gt3A_312 = arith.cmpf ogt, %add3A_277, %gt3A_311 : f32
    %jit3A_313 = arith.constant 0.000000e+00 : f32
    %select_n3A_314 = arith.select %gt3A_312, %mul3A_310, %jit3A_313 : f32
    %broadcast_in_dim3A_315 = arith.constant 1.000000e+00 : f32
    %broadcast_in_dim3A_316 = vector.broadcast %broadcast_in_dim3A_315 : f32 to vector<1x1xf32>
    %mul3A_317 = vector.broadcast %select_n3A_314 : f32 to vector<1x1xf32>
    %mul3A_318 = arith.mulf %mul3A_317, %broadcast_in_dim3A_316 : vector<1x1xf32>
    %add3A_319 = arith.addf %add3A_258, %mul3A_318 : vector<1x1xf32>
    %slice3A_320 = vector.extract_strided_slice %select_n3A {offsets = [0, 5], sizes = [1, 1], strides = [1, 1]} : vector<1x16xf32> to vector<1x1xf32>
    %squeeze3A_321 = vector.extract %slice3A_320[0, 0] : f32 from vector<1x1xf32>
    %slice3A_322 = vector.extract_strided_slice %select_n3A_22 {offsets = [0, 5], sizes = [1, 1], strides = [1, 1]} : vector<1x16xf32> to vector<1x1xf32>
    %squeeze3A_323 = vector.extract %slice3A_322[0, 0] : f32 from vector<1x1xf32>
    %gt3A_324 = vector.broadcast %squeeze3A_321 : f32 to vector<1x8192xf32>
    %gt3A_325 = arith.cmpf ogt, %get3A_1, %gt3A_324 : vector<1x8192xf32>
    %le3A_326 = vector.broadcast %squeeze3A_323 : f32 to vector<1x8192xf32>
    %le3A_327 = arith.cmpf ole, %get3A_1, %le3A_326 : vector<1x8192xf32>
    %and3A_328 = arith.andi %gt3A_325, %le3A_327 : vector<1x8192xi1>
    %convert_element_type3A_329 = arith.extui %and3A_328 : vector<1x8192xi1> to vector<1x8192xi32>
    %convert_element_type3A_330 = arith.sitofp %convert_element_type3A_329 : vector<1x8192xi32> to vector<1x8192xf32>
    %reduce_sum3A_331 = vector.shape_cast %convert_element_type3A_330 : vector<1x8192xf32> to vector<1x1x8192xf32>
    %reduce_sum3A_332 = arith.constant dense<0.000000e+00> : vector<1xf32>
    %reduce_sum3A_333 = vector.multi_reduction <add>, %reduce_sum3A_331, %reduce_sum3A_332 [1, 2] : vector<1x1x8192xf32> to vector<1xf32>
    %reduce_sum3A_334 = vector.shape_cast %reduce_sum3A_333 : vector<1xf32> to vector<1x1x1xf32>
    %reduce_sum3A_335 = vector.extract %reduce_sum3A_334[0, 0, 0] : f32 from vector<1x1x1xf32>
    %slice3A_336 = vector.extract_strided_slice %get3A_7 {offsets = [0, 5], sizes = [1, 1], strides = [1, 1]} : vector<3x16xf32> to vector<1x1xf32>
    %squeeze3A_337 = vector.extract %slice3A_336[0, 0] : f32 from vector<1x1xf32>
    %add3A_338 = arith.addf %reduce_sum3A_335, %squeeze3A_337 : f32
    %jit3A_339 = arith.constant 0.000000e+00 : f32
    %broadcast_in_dim3A_340 = vector.broadcast %jit3A_339 : f32 to vector<1x8192xf32>
    %select_n3A_341 = arith.select %and3A_328, %get3A_1, %broadcast_in_dim3A_340 : vector<1x8192xi1>, vector<1x8192xf32>
    %reduce_sum3A_342 = vector.shape_cast %select_n3A_341 : vector<1x8192xf32> to vector<1x1x8192xf32>
    %reduce_sum3A_343 = arith.constant dense<0.000000e+00> : vector<1xf32>
    %reduce_sum3A_344 = vector.multi_reduction <add>, %reduce_sum3A_342, %reduce_sum3A_343 [1, 2] : vector<1x1x8192xf32> to vector<1xf32>
    %reduce_sum3A_345 = vector.shape_cast %reduce_sum3A_344 : vector<1xf32> to vector<1x1x1xf32>
    %reduce_sum3A_346 = vector.extract %reduce_sum3A_345[0, 0, 0] : f32 from vector<1x1x1xf32>
    %slice3A_347 = vector.extract_strided_slice %get3A_7 {offsets = [1, 5], sizes = [1, 1], strides = [1, 1]} : vector<3x16xf32> to vector<1x1xf32>
    %squeeze3A_348 = vector.extract %slice3A_347[0, 0] : f32 from vector<1x1xf32>
    %add3A_349 = arith.addf %reduce_sum3A_346, %squeeze3A_348 : f32
    %jit3A_350 = arith.constant 0.000000e+00 : f32
    %broadcast_in_dim3A_351 = vector.broadcast %jit3A_350 : f32 to vector<1x8192xf32>
    %select_n3A_352 = arith.select %and3A_328, %get3A_4, %broadcast_in_dim3A_351 : vector<1x8192xi1>, vector<1x8192xf32>
    %reduce_sum3A_353 = vector.shape_cast %select_n3A_352 : vector<1x8192xf32> to vector<1x1x8192xf32>
    %reduce_sum3A_354 = arith.constant dense<0.000000e+00> : vector<1xf32>
    %reduce_sum3A_355 = vector.multi_reduction <add>, %reduce_sum3A_353, %reduce_sum3A_354 [1, 2] : vector<1x1x8192xf32> to vector<1xf32>
    %reduce_sum3A_356 = vector.shape_cast %reduce_sum3A_355 : vector<1xf32> to vector<1x1x1xf32>
    %reduce_sum3A_357 = vector.extract %reduce_sum3A_356[0, 0, 0] : f32 from vector<1x1x1xf32>
    %slice3A_358 = vector.extract_strided_slice %get3A_7 {offsets = [2, 5], sizes = [1, 1], strides = [1, 1]} : vector<3x16xf32> to vector<1x1xf32>
    %squeeze3A_359 = vector.extract %slice3A_358[0, 0] : f32 from vector<1x1xf32>
    %add3A_360 = arith.addf %reduce_sum3A_357, %squeeze3A_359 : f32
    %max3A_361 = arith.constant 1.000000e+00 : f32
    %max3A_362 = arith.maximumf %add3A_338, %max3A_361 : f32
    %div3A_363 = arith.divf %add3A_349, %max3A_362 : f32
    %mul3A_364 = arith.constant 3.000000e+00 : f32
    %mul3A_365 = arith.mulf %max3A_362, %mul3A_364 : f32
    %div3A_366 = arith.divf %add3A_360, %mul3A_365 : f32
    %sub3A_367 = arith.subf %div3A_363, %div3A_366 : f32
    %abs3A_368 = math.absf %sub3A_367 : f32
    %div3A_369 = arith.constant 1.638400e+04 : f32
    %div3A_370 = arith.divf %add3A_338, %div3A_369 : f32
    %mul3A_371 = arith.mulf %abs3A_368, %div3A_370 : f32
    %gt3A_372 = arith.constant 0.000000e+00 : f32
    %gt3A_373 = arith.cmpf ogt, %add3A_338, %gt3A_372 : f32
    %jit3A_374 = arith.constant 0.000000e+00 : f32
    %select_n3A_375 = arith.select %gt3A_373, %mul3A_371, %jit3A_374 : f32
    %broadcast_in_dim3A_376 = arith.constant 1.000000e+00 : f32
    %broadcast_in_dim3A_377 = vector.broadcast %broadcast_in_dim3A_376 : f32 to vector<1x1xf32>
    %mul3A_378 = vector.broadcast %select_n3A_375 : f32 to vector<1x1xf32>
    %mul3A_379 = arith.mulf %mul3A_378, %broadcast_in_dim3A_377 : vector<1x1xf32>
    %add3A_380 = arith.addf %add3A_319, %mul3A_379 : vector<1x1xf32>
    %slice3A_381 = vector.extract_strided_slice %select_n3A {offsets = [0, 6], sizes = [1, 1], strides = [1, 1]} : vector<1x16xf32> to vector<1x1xf32>
    %squeeze3A_382 = vector.extract %slice3A_381[0, 0] : f32 from vector<1x1xf32>
    %slice3A_383 = vector.extract_strided_slice %select_n3A_22 {offsets = [0, 6], sizes = [1, 1], strides = [1, 1]} : vector<1x16xf32> to vector<1x1xf32>
    %squeeze3A_384 = vector.extract %slice3A_383[0, 0] : f32 from vector<1x1xf32>
    %gt3A_385 = vector.broadcast %squeeze3A_382 : f32 to vector<1x8192xf32>
    %gt3A_386 = arith.cmpf ogt, %get3A_1, %gt3A_385 : vector<1x8192xf32>
    %le3A_387 = vector.broadcast %squeeze3A_384 : f32 to vector<1x8192xf32>
    %le3A_388 = arith.cmpf ole, %get3A_1, %le3A_387 : vector<1x8192xf32>
    %and3A_389 = arith.andi %gt3A_386, %le3A_388 : vector<1x8192xi1>
    %convert_element_type3A_390 = arith.extui %and3A_389 : vector<1x8192xi1> to vector<1x8192xi32>
    %convert_element_type3A_391 = arith.sitofp %convert_element_type3A_390 : vector<1x8192xi32> to vector<1x8192xf32>
    %reduce_sum3A_392 = vector.shape_cast %convert_element_type3A_391 : vector<1x8192xf32> to vector<1x1x8192xf32>
    %reduce_sum3A_393 = arith.constant dense<0.000000e+00> : vector<1xf32>
    %reduce_sum3A_394 = vector.multi_reduction <add>, %reduce_sum3A_392, %reduce_sum3A_393 [1, 2] : vector<1x1x8192xf32> to vector<1xf32>
    %reduce_sum3A_395 = vector.shape_cast %reduce_sum3A_394 : vector<1xf32> to vector<1x1x1xf32>
    %reduce_sum3A_396 = vector.extract %reduce_sum3A_395[0, 0, 0] : f32 from vector<1x1x1xf32>
    %slice3A_397 = vector.extract_strided_slice %get3A_7 {offsets = [0, 6], sizes = [1, 1], strides = [1, 1]} : vector<3x16xf32> to vector<1x1xf32>
    %squeeze3A_398 = vector.extract %slice3A_397[0, 0] : f32 from vector<1x1xf32>
    %add3A_399 = arith.addf %reduce_sum3A_396, %squeeze3A_398 : f32
    %jit3A_400 = arith.constant 0.000000e+00 : f32
    %broadcast_in_dim3A_401 = vector.broadcast %jit3A_400 : f32 to vector<1x8192xf32>
    %select_n3A_402 = arith.select %and3A_389, %get3A_1, %broadcast_in_dim3A_401 : vector<1x8192xi1>, vector<1x8192xf32>
    %reduce_sum3A_403 = vector.shape_cast %select_n3A_402 : vector<1x8192xf32> to vector<1x1x8192xf32>
    %reduce_sum3A_404 = arith.constant dense<0.000000e+00> : vector<1xf32>
    %reduce_sum3A_405 = vector.multi_reduction <add>, %reduce_sum3A_403, %reduce_sum3A_404 [1, 2] : vector<1x1x8192xf32> to vector<1xf32>
    %reduce_sum3A_406 = vector.shape_cast %reduce_sum3A_405 : vector<1xf32> to vector<1x1x1xf32>
    %reduce_sum3A_407 = vector.extract %reduce_sum3A_406[0, 0, 0] : f32 from vector<1x1x1xf32>
    %slice3A_408 = vector.extract_strided_slice %get3A_7 {offsets = [1, 6], sizes = [1, 1], strides = [1, 1]} : vector<3x16xf32> to vector<1x1xf32>
    %squeeze3A_409 = vector.extract %slice3A_408[0, 0] : f32 from vector<1x1xf32>
    %add3A_410 = arith.addf %reduce_sum3A_407, %squeeze3A_409 : f32
    %jit3A_411 = arith.constant 0.000000e+00 : f32
    %broadcast_in_dim3A_412 = vector.broadcast %jit3A_411 : f32 to vector<1x8192xf32>
    %select_n3A_413 = arith.select %and3A_389, %get3A_4, %broadcast_in_dim3A_412 : vector<1x8192xi1>, vector<1x8192xf32>
    %reduce_sum3A_414 = vector.shape_cast %select_n3A_413 : vector<1x8192xf32> to vector<1x1x8192xf32>
    %reduce_sum3A_415 = arith.constant dense<0.000000e+00> : vector<1xf32>
    %reduce_sum3A_416 = vector.multi_reduction <add>, %reduce_sum3A_414, %reduce_sum3A_415 [1, 2] : vector<1x1x8192xf32> to vector<1xf32>
    %reduce_sum3A_417 = vector.shape_cast %reduce_sum3A_416 : vector<1xf32> to vector<1x1x1xf32>
    %reduce_sum3A_418 = vector.extract %reduce_sum3A_417[0, 0, 0] : f32 from vector<1x1x1xf32>
    %slice3A_419 = vector.extract_strided_slice %get3A_7 {offsets = [2, 6], sizes = [1, 1], strides = [1, 1]} : vector<3x16xf32> to vector<1x1xf32>
    %squeeze3A_420 = vector.extract %slice3A_419[0, 0] : f32 from vector<1x1xf32>
    %add3A_421 = arith.addf %reduce_sum3A_418, %squeeze3A_420 : f32
    %max3A_422 = arith.constant 1.000000e+00 : f32
    %max3A_423 = arith.maximumf %add3A_399, %max3A_422 : f32
    %div3A_424 = arith.divf %add3A_410, %max3A_423 : f32
    %mul3A_425 = arith.constant 3.000000e+00 : f32
    %mul3A_426 = arith.mulf %max3A_423, %mul3A_425 : f32
    %div3A_427 = arith.divf %add3A_421, %mul3A_426 : f32
    %sub3A_428 = arith.subf %div3A_424, %div3A_427 : f32
    %abs3A_429 = math.absf %sub3A_428 : f32
    %div3A_430 = arith.constant 1.638400e+04 : f32
    %div3A_431 = arith.divf %add3A_399, %div3A_430 : f32
    %mul3A_432 = arith.mulf %abs3A_429, %div3A_431 : f32
    %gt3A_433 = arith.constant 0.000000e+00 : f32
    %gt3A_434 = arith.cmpf ogt, %add3A_399, %gt3A_433 : f32
    %jit3A_435 = arith.constant 0.000000e+00 : f32
    %select_n3A_436 = arith.select %gt3A_434, %mul3A_432, %jit3A_435 : f32
    %broadcast_in_dim3A_437 = arith.constant 1.000000e+00 : f32
    %broadcast_in_dim3A_438 = vector.broadcast %broadcast_in_dim3A_437 : f32 to vector<1x1xf32>
    %mul3A_439 = vector.broadcast %select_n3A_436 : f32 to vector<1x1xf32>
    %mul3A_440 = arith.mulf %mul3A_439, %broadcast_in_dim3A_438 : vector<1x1xf32>
    %add3A_441 = arith.addf %add3A_380, %mul3A_440 : vector<1x1xf32>
    %slice3A_442 = vector.extract_strided_slice %select_n3A {offsets = [0, 7], sizes = [1, 1], strides = [1, 1]} : vector<1x16xf32> to vector<1x1xf32>
    %squeeze3A_443 = vector.extract %slice3A_442[0, 0] : f32 from vector<1x1xf32>
    %slice3A_444 = vector.extract_strided_slice %select_n3A_22 {offsets = [0, 7], sizes = [1, 1], strides = [1, 1]} : vector<1x16xf32> to vector<1x1xf32>
    %squeeze3A_445 = vector.extract %slice3A_444[0, 0] : f32 from vector<1x1xf32>
    %gt3A_446 = vector.broadcast %squeeze3A_443 : f32 to vector<1x8192xf32>
    %gt3A_447 = arith.cmpf ogt, %get3A_1, %gt3A_446 : vector<1x8192xf32>
    %le3A_448 = vector.broadcast %squeeze3A_445 : f32 to vector<1x8192xf32>
    %le3A_449 = arith.cmpf ole, %get3A_1, %le3A_448 : vector<1x8192xf32>
    %and3A_450 = arith.andi %gt3A_447, %le3A_449 : vector<1x8192xi1>
    %convert_element_type3A_451 = arith.extui %and3A_450 : vector<1x8192xi1> to vector<1x8192xi32>
    %convert_element_type3A_452 = arith.sitofp %convert_element_type3A_451 : vector<1x8192xi32> to vector<1x8192xf32>
    %reduce_sum3A_453 = vector.shape_cast %convert_element_type3A_452 : vector<1x8192xf32> to vector<1x1x8192xf32>
    %reduce_sum3A_454 = arith.constant dense<0.000000e+00> : vector<1xf32>
    %reduce_sum3A_455 = vector.multi_reduction <add>, %reduce_sum3A_453, %reduce_sum3A_454 [1, 2] : vector<1x1x8192xf32> to vector<1xf32>
    %reduce_sum3A_456 = vector.shape_cast %reduce_sum3A_455 : vector<1xf32> to vector<1x1x1xf32>
    %reduce_sum3A_457 = vector.extract %reduce_sum3A_456[0, 0, 0] : f32 from vector<1x1x1xf32>
    %slice3A_458 = vector.extract_strided_slice %get3A_7 {offsets = [0, 7], sizes = [1, 1], strides = [1, 1]} : vector<3x16xf32> to vector<1x1xf32>
    %squeeze3A_459 = vector.extract %slice3A_458[0, 0] : f32 from vector<1x1xf32>
    %add3A_460 = arith.addf %reduce_sum3A_457, %squeeze3A_459 : f32
    %jit3A_461 = arith.constant 0.000000e+00 : f32
    %broadcast_in_dim3A_462 = vector.broadcast %jit3A_461 : f32 to vector<1x8192xf32>
    %select_n3A_463 = arith.select %and3A_450, %get3A_1, %broadcast_in_dim3A_462 : vector<1x8192xi1>, vector<1x8192xf32>
    %reduce_sum3A_464 = vector.shape_cast %select_n3A_463 : vector<1x8192xf32> to vector<1x1x8192xf32>
    %reduce_sum3A_465 = arith.constant dense<0.000000e+00> : vector<1xf32>
    %reduce_sum3A_466 = vector.multi_reduction <add>, %reduce_sum3A_464, %reduce_sum3A_465 [1, 2] : vector<1x1x8192xf32> to vector<1xf32>
    %reduce_sum3A_467 = vector.shape_cast %reduce_sum3A_466 : vector<1xf32> to vector<1x1x1xf32>
    %reduce_sum3A_468 = vector.extract %reduce_sum3A_467[0, 0, 0] : f32 from vector<1x1x1xf32>
    %slice3A_469 = vector.extract_strided_slice %get3A_7 {offsets = [1, 7], sizes = [1, 1], strides = [1, 1]} : vector<3x16xf32> to vector<1x1xf32>
    %squeeze3A_470 = vector.extract %slice3A_469[0, 0] : f32 from vector<1x1xf32>
    %add3A_471 = arith.addf %reduce_sum3A_468, %squeeze3A_470 : f32
    %jit3A_472 = arith.constant 0.000000e+00 : f32
    %broadcast_in_dim3A_473 = vector.broadcast %jit3A_472 : f32 to vector<1x8192xf32>
    %select_n3A_474 = arith.select %and3A_450, %get3A_4, %broadcast_in_dim3A_473 : vector<1x8192xi1>, vector<1x8192xf32>
    %reduce_sum3A_475 = vector.shape_cast %select_n3A_474 : vector<1x8192xf32> to vector<1x1x8192xf32>
    %reduce_sum3A_476 = arith.constant dense<0.000000e+00> : vector<1xf32>
    %reduce_sum3A_477 = vector.multi_reduction <add>, %reduce_sum3A_475, %reduce_sum3A_476 [1, 2] : vector<1x1x8192xf32> to vector<1xf32>
    %reduce_sum3A_478 = vector.shape_cast %reduce_sum3A_477 : vector<1xf32> to vector<1x1x1xf32>
    %reduce_sum3A_479 = vector.extract %reduce_sum3A_478[0, 0, 0] : f32 from vector<1x1x1xf32>
    %slice3A_480 = vector.extract_strided_slice %get3A_7 {offsets = [2, 7], sizes = [1, 1], strides = [1, 1]} : vector<3x16xf32> to vector<1x1xf32>
    %squeeze3A_481 = vector.extract %slice3A_480[0, 0] : f32 from vector<1x1xf32>
    %add3A_482 = arith.addf %reduce_sum3A_479, %squeeze3A_481 : f32
    %max3A_483 = arith.constant 1.000000e+00 : f32
    %max3A_484 = arith.maximumf %add3A_460, %max3A_483 : f32
    %div3A_485 = arith.divf %add3A_471, %max3A_484 : f32
    %mul3A_486 = arith.constant 3.000000e+00 : f32
    %mul3A_487 = arith.mulf %max3A_484, %mul3A_486 : f32
    %div3A_488 = arith.divf %add3A_482, %mul3A_487 : f32
    %sub3A_489 = arith.subf %div3A_485, %div3A_488 : f32
    %abs3A_490 = math.absf %sub3A_489 : f32
    %div3A_491 = arith.constant 1.638400e+04 : f32
    %div3A_492 = arith.divf %add3A_460, %div3A_491 : f32
    %mul3A_493 = arith.mulf %abs3A_490, %div3A_492 : f32
    %gt3A_494 = arith.constant 0.000000e+00 : f32
    %gt3A_495 = arith.cmpf ogt, %add3A_460, %gt3A_494 : f32
    %jit3A_496 = arith.constant 0.000000e+00 : f32
    %select_n3A_497 = arith.select %gt3A_495, %mul3A_493, %jit3A_496 : f32
    %broadcast_in_dim3A_498 = arith.constant 1.000000e+00 : f32
    %broadcast_in_dim3A_499 = vector.broadcast %broadcast_in_dim3A_498 : f32 to vector<1x1xf32>
    %mul3A_500 = vector.broadcast %select_n3A_497 : f32 to vector<1x1xf32>
    %mul3A_501 = arith.mulf %mul3A_500, %broadcast_in_dim3A_499 : vector<1x1xf32>
    %add3A_502 = arith.addf %add3A_441, %mul3A_501 : vector<1x1xf32>
    %slice3A_503 = vector.extract_strided_slice %select_n3A {offsets = [0, 8], sizes = [1, 1], strides = [1, 1]} : vector<1x16xf32> to vector<1x1xf32>
    %squeeze3A_504 = vector.extract %slice3A_503[0, 0] : f32 from vector<1x1xf32>
    %slice3A_505 = vector.extract_strided_slice %select_n3A_22 {offsets = [0, 8], sizes = [1, 1], strides = [1, 1]} : vector<1x16xf32> to vector<1x1xf32>
    %squeeze3A_506 = vector.extract %slice3A_505[0, 0] : f32 from vector<1x1xf32>
    %gt3A_507 = vector.broadcast %squeeze3A_504 : f32 to vector<1x8192xf32>
    %gt3A_508 = arith.cmpf ogt, %get3A_1, %gt3A_507 : vector<1x8192xf32>
    %le3A_509 = vector.broadcast %squeeze3A_506 : f32 to vector<1x8192xf32>
    %le3A_510 = arith.cmpf ole, %get3A_1, %le3A_509 : vector<1x8192xf32>
    %and3A_511 = arith.andi %gt3A_508, %le3A_510 : vector<1x8192xi1>
    %convert_element_type3A_512 = arith.extui %and3A_511 : vector<1x8192xi1> to vector<1x8192xi32>
    %convert_element_type3A_513 = arith.sitofp %convert_element_type3A_512 : vector<1x8192xi32> to vector<1x8192xf32>
    %reduce_sum3A_514 = vector.shape_cast %convert_element_type3A_513 : vector<1x8192xf32> to vector<1x1x8192xf32>
    %reduce_sum3A_515 = arith.constant dense<0.000000e+00> : vector<1xf32>
    %reduce_sum3A_516 = vector.multi_reduction <add>, %reduce_sum3A_514, %reduce_sum3A_515 [1, 2] : vector<1x1x8192xf32> to vector<1xf32>
    %reduce_sum3A_517 = vector.shape_cast %reduce_sum3A_516 : vector<1xf32> to vector<1x1x1xf32>
    %reduce_sum3A_518 = vector.extract %reduce_sum3A_517[0, 0, 0] : f32 from vector<1x1x1xf32>
    %slice3A_519 = vector.extract_strided_slice %get3A_7 {offsets = [0, 8], sizes = [1, 1], strides = [1, 1]} : vector<3x16xf32> to vector<1x1xf32>
    %squeeze3A_520 = vector.extract %slice3A_519[0, 0] : f32 from vector<1x1xf32>
    %add3A_521 = arith.addf %reduce_sum3A_518, %squeeze3A_520 : f32
    %jit3A_522 = arith.constant 0.000000e+00 : f32
    %broadcast_in_dim3A_523 = vector.broadcast %jit3A_522 : f32 to vector<1x8192xf32>
    %select_n3A_524 = arith.select %and3A_511, %get3A_1, %broadcast_in_dim3A_523 : vector<1x8192xi1>, vector<1x8192xf32>
    %reduce_sum3A_525 = vector.shape_cast %select_n3A_524 : vector<1x8192xf32> to vector<1x1x8192xf32>
    %reduce_sum3A_526 = arith.constant dense<0.000000e+00> : vector<1xf32>
    %reduce_sum3A_527 = vector.multi_reduction <add>, %reduce_sum3A_525, %reduce_sum3A_526 [1, 2] : vector<1x1x8192xf32> to vector<1xf32>
    %reduce_sum3A_528 = vector.shape_cast %reduce_sum3A_527 : vector<1xf32> to vector<1x1x1xf32>
    %reduce_sum3A_529 = vector.extract %reduce_sum3A_528[0, 0, 0] : f32 from vector<1x1x1xf32>
    %slice3A_530 = vector.extract_strided_slice %get3A_7 {offsets = [1, 8], sizes = [1, 1], strides = [1, 1]} : vector<3x16xf32> to vector<1x1xf32>
    %squeeze3A_531 = vector.extract %slice3A_530[0, 0] : f32 from vector<1x1xf32>
    %add3A_532 = arith.addf %reduce_sum3A_529, %squeeze3A_531 : f32
    %jit3A_533 = arith.constant 0.000000e+00 : f32
    %broadcast_in_dim3A_534 = vector.broadcast %jit3A_533 : f32 to vector<1x8192xf32>
    %select_n3A_535 = arith.select %and3A_511, %get3A_4, %broadcast_in_dim3A_534 : vector<1x8192xi1>, vector<1x8192xf32>
    %reduce_sum3A_536 = vector.shape_cast %select_n3A_535 : vector<1x8192xf32> to vector<1x1x8192xf32>
    %reduce_sum3A_537 = arith.constant dense<0.000000e+00> : vector<1xf32>
    %reduce_sum3A_538 = vector.multi_reduction <add>, %reduce_sum3A_536, %reduce_sum3A_537 [1, 2] : vector<1x1x8192xf32> to vector<1xf32>
    %reduce_sum3A_539 = vector.shape_cast %reduce_sum3A_538 : vector<1xf32> to vector<1x1x1xf32>
    %reduce_sum3A_540 = vector.extract %reduce_sum3A_539[0, 0, 0] : f32 from vector<1x1x1xf32>
    %slice3A_541 = vector.extract_strided_slice %get3A_7 {offsets = [2, 8], sizes = [1, 1], strides = [1, 1]} : vector<3x16xf32> to vector<1x1xf32>
    %squeeze3A_542 = vector.extract %slice3A_541[0, 0] : f32 from vector<1x1xf32>
    %add3A_543 = arith.addf %reduce_sum3A_540, %squeeze3A_542 : f32
    %max3A_544 = arith.constant 1.000000e+00 : f32
    %max3A_545 = arith.maximumf %add3A_521, %max3A_544 : f32
    %div3A_546 = arith.divf %add3A_532, %max3A_545 : f32
    %mul3A_547 = arith.constant 3.000000e+00 : f32
    %mul3A_548 = arith.mulf %max3A_545, %mul3A_547 : f32
    %div3A_549 = arith.divf %add3A_543, %mul3A_548 : f32
    %sub3A_550 = arith.subf %div3A_546, %div3A_549 : f32
    %abs3A_551 = math.absf %sub3A_550 : f32
    %div3A_552 = arith.constant 1.638400e+04 : f32
    %div3A_553 = arith.divf %add3A_521, %div3A_552 : f32
    %mul3A_554 = arith.mulf %abs3A_551, %div3A_553 : f32
    %gt3A_555 = arith.constant 0.000000e+00 : f32
    %gt3A_556 = arith.cmpf ogt, %add3A_521, %gt3A_555 : f32
    %jit3A_557 = arith.constant 0.000000e+00 : f32
    %select_n3A_558 = arith.select %gt3A_556, %mul3A_554, %jit3A_557 : f32
    %broadcast_in_dim3A_559 = arith.constant 1.000000e+00 : f32
    %broadcast_in_dim3A_560 = vector.broadcast %broadcast_in_dim3A_559 : f32 to vector<1x1xf32>
    %mul3A_561 = vector.broadcast %select_n3A_558 : f32 to vector<1x1xf32>
    %mul3A_562 = arith.mulf %mul3A_561, %broadcast_in_dim3A_560 : vector<1x1xf32>
    %add3A_563 = arith.addf %add3A_502, %mul3A_562 : vector<1x1xf32>
    %slice3A_564 = vector.extract_strided_slice %select_n3A {offsets = [0, 9], sizes = [1, 1], strides = [1, 1]} : vector<1x16xf32> to vector<1x1xf32>
    %squeeze3A_565 = vector.extract %slice3A_564[0, 0] : f32 from vector<1x1xf32>
    %slice3A_566 = vector.extract_strided_slice %select_n3A_22 {offsets = [0, 9], sizes = [1, 1], strides = [1, 1]} : vector<1x16xf32> to vector<1x1xf32>
    %squeeze3A_567 = vector.extract %slice3A_566[0, 0] : f32 from vector<1x1xf32>
    %gt3A_568 = vector.broadcast %squeeze3A_565 : f32 to vector<1x8192xf32>
    %gt3A_569 = arith.cmpf ogt, %get3A_1, %gt3A_568 : vector<1x8192xf32>
    %le3A_570 = vector.broadcast %squeeze3A_567 : f32 to vector<1x8192xf32>
    %le3A_571 = arith.cmpf ole, %get3A_1, %le3A_570 : vector<1x8192xf32>
    %and3A_572 = arith.andi %gt3A_569, %le3A_571 : vector<1x8192xi1>
    %convert_element_type3A_573 = arith.extui %and3A_572 : vector<1x8192xi1> to vector<1x8192xi32>
    %convert_element_type3A_574 = arith.sitofp %convert_element_type3A_573 : vector<1x8192xi32> to vector<1x8192xf32>
    %reduce_sum3A_575 = vector.shape_cast %convert_element_type3A_574 : vector<1x8192xf32> to vector<1x1x8192xf32>
    %reduce_sum3A_576 = arith.constant dense<0.000000e+00> : vector<1xf32>
    %reduce_sum3A_577 = vector.multi_reduction <add>, %reduce_sum3A_575, %reduce_sum3A_576 [1, 2] : vector<1x1x8192xf32> to vector<1xf32>
    %reduce_sum3A_578 = vector.shape_cast %reduce_sum3A_577 : vector<1xf32> to vector<1x1x1xf32>
    %reduce_sum3A_579 = vector.extract %reduce_sum3A_578[0, 0, 0] : f32 from vector<1x1x1xf32>
    %slice3A_580 = vector.extract_strided_slice %get3A_7 {offsets = [0, 9], sizes = [1, 1], strides = [1, 1]} : vector<3x16xf32> to vector<1x1xf32>
    %squeeze3A_581 = vector.extract %slice3A_580[0, 0] : f32 from vector<1x1xf32>
    %add3A_582 = arith.addf %reduce_sum3A_579, %squeeze3A_581 : f32
    %jit3A_583 = arith.constant 0.000000e+00 : f32
    %broadcast_in_dim3A_584 = vector.broadcast %jit3A_583 : f32 to vector<1x8192xf32>
    %select_n3A_585 = arith.select %and3A_572, %get3A_1, %broadcast_in_dim3A_584 : vector<1x8192xi1>, vector<1x8192xf32>
    %reduce_sum3A_586 = vector.shape_cast %select_n3A_585 : vector<1x8192xf32> to vector<1x1x8192xf32>
    %reduce_sum3A_587 = arith.constant dense<0.000000e+00> : vector<1xf32>
    %reduce_sum3A_588 = vector.multi_reduction <add>, %reduce_sum3A_586, %reduce_sum3A_587 [1, 2] : vector<1x1x8192xf32> to vector<1xf32>
    %reduce_sum3A_589 = vector.shape_cast %reduce_sum3A_588 : vector<1xf32> to vector<1x1x1xf32>
    %reduce_sum3A_590 = vector.extract %reduce_sum3A_589[0, 0, 0] : f32 from vector<1x1x1xf32>
    %slice3A_591 = vector.extract_strided_slice %get3A_7 {offsets = [1, 9], sizes = [1, 1], strides = [1, 1]} : vector<3x16xf32> to vector<1x1xf32>
    %squeeze3A_592 = vector.extract %slice3A_591[0, 0] : f32 from vector<1x1xf32>
    %add3A_593 = arith.addf %reduce_sum3A_590, %squeeze3A_592 : f32
    %jit3A_594 = arith.constant 0.000000e+00 : f32
    %broadcast_in_dim3A_595 = vector.broadcast %jit3A_594 : f32 to vector<1x8192xf32>
    %select_n3A_596 = arith.select %and3A_572, %get3A_4, %broadcast_in_dim3A_595 : vector<1x8192xi1>, vector<1x8192xf32>
    %reduce_sum3A_597 = vector.shape_cast %select_n3A_596 : vector<1x8192xf32> to vector<1x1x8192xf32>
    %reduce_sum3A_598 = arith.constant dense<0.000000e+00> : vector<1xf32>
    %reduce_sum3A_599 = vector.multi_reduction <add>, %reduce_sum3A_597, %reduce_sum3A_598 [1, 2] : vector<1x1x8192xf32> to vector<1xf32>
    %reduce_sum3A_600 = vector.shape_cast %reduce_sum3A_599 : vector<1xf32> to vector<1x1x1xf32>
    %reduce_sum3A_601 = vector.extract %reduce_sum3A_600[0, 0, 0] : f32 from vector<1x1x1xf32>
    %slice3A_602 = vector.extract_strided_slice %get3A_7 {offsets = [2, 9], sizes = [1, 1], strides = [1, 1]} : vector<3x16xf32> to vector<1x1xf32>
    %squeeze3A_603 = vector.extract %slice3A_602[0, 0] : f32 from vector<1x1xf32>
    %add3A_604 = arith.addf %reduce_sum3A_601, %squeeze3A_603 : f32
    %max3A_605 = arith.constant 1.000000e+00 : f32
    %max3A_606 = arith.maximumf %add3A_582, %max3A_605 : f32
    %div3A_607 = arith.divf %add3A_593, %max3A_606 : f32
    %mul3A_608 = arith.constant 3.000000e+00 : f32
    %mul3A_609 = arith.mulf %max3A_606, %mul3A_608 : f32
    %div3A_610 = arith.divf %add3A_604, %mul3A_609 : f32
    %sub3A_611 = arith.subf %div3A_607, %div3A_610 : f32
    %abs3A_612 = math.absf %sub3A_611 : f32
    %div3A_613 = arith.constant 1.638400e+04 : f32
    %div3A_614 = arith.divf %add3A_582, %div3A_613 : f32
    %mul3A_615 = arith.mulf %abs3A_612, %div3A_614 : f32
    %gt3A_616 = arith.constant 0.000000e+00 : f32
    %gt3A_617 = arith.cmpf ogt, %add3A_582, %gt3A_616 : f32
    %jit3A_618 = arith.constant 0.000000e+00 : f32
    %select_n3A_619 = arith.select %gt3A_617, %mul3A_615, %jit3A_618 : f32
    %broadcast_in_dim3A_620 = arith.constant 1.000000e+00 : f32
    %broadcast_in_dim3A_621 = vector.broadcast %broadcast_in_dim3A_620 : f32 to vector<1x1xf32>
    %mul3A_622 = vector.broadcast %select_n3A_619 : f32 to vector<1x1xf32>
    %mul3A_623 = arith.mulf %mul3A_622, %broadcast_in_dim3A_621 : vector<1x1xf32>
    %add3A_624 = arith.addf %add3A_563, %mul3A_623 : vector<1x1xf32>
    %slice3A_625 = vector.extract_strided_slice %select_n3A {offsets = [0, 10], sizes = [1, 1], strides = [1, 1]} : vector<1x16xf32> to vector<1x1xf32>
    %squeeze3A_626 = vector.extract %slice3A_625[0, 0] : f32 from vector<1x1xf32>
    %slice3A_627 = vector.extract_strided_slice %select_n3A_22 {offsets = [0, 10], sizes = [1, 1], strides = [1, 1]} : vector<1x16xf32> to vector<1x1xf32>
    %squeeze3A_628 = vector.extract %slice3A_627[0, 0] : f32 from vector<1x1xf32>
    %gt3A_629 = vector.broadcast %squeeze3A_626 : f32 to vector<1x8192xf32>
    %gt3A_630 = arith.cmpf ogt, %get3A_1, %gt3A_629 : vector<1x8192xf32>
    %le3A_631 = vector.broadcast %squeeze3A_628 : f32 to vector<1x8192xf32>
    %le3A_632 = arith.cmpf ole, %get3A_1, %le3A_631 : vector<1x8192xf32>
    %and3A_633 = arith.andi %gt3A_630, %le3A_632 : vector<1x8192xi1>
    %convert_element_type3A_634 = arith.extui %and3A_633 : vector<1x8192xi1> to vector<1x8192xi32>
    %convert_element_type3A_635 = arith.sitofp %convert_element_type3A_634 : vector<1x8192xi32> to vector<1x8192xf32>
    %reduce_sum3A_636 = vector.shape_cast %convert_element_type3A_635 : vector<1x8192xf32> to vector<1x1x8192xf32>
    %reduce_sum3A_637 = arith.constant dense<0.000000e+00> : vector<1xf32>
    %reduce_sum3A_638 = vector.multi_reduction <add>, %reduce_sum3A_636, %reduce_sum3A_637 [1, 2] : vector<1x1x8192xf32> to vector<1xf32>
    %reduce_sum3A_639 = vector.shape_cast %reduce_sum3A_638 : vector<1xf32> to vector<1x1x1xf32>
    %reduce_sum3A_640 = vector.extract %reduce_sum3A_639[0, 0, 0] : f32 from vector<1x1x1xf32>
    %slice3A_641 = vector.extract_strided_slice %get3A_7 {offsets = [0, 10], sizes = [1, 1], strides = [1, 1]} : vector<3x16xf32> to vector<1x1xf32>
    %squeeze3A_642 = vector.extract %slice3A_641[0, 0] : f32 from vector<1x1xf32>
    %add3A_643 = arith.addf %reduce_sum3A_640, %squeeze3A_642 : f32
    %jit3A_644 = arith.constant 0.000000e+00 : f32
    %broadcast_in_dim3A_645 = vector.broadcast %jit3A_644 : f32 to vector<1x8192xf32>
    %select_n3A_646 = arith.select %and3A_633, %get3A_1, %broadcast_in_dim3A_645 : vector<1x8192xi1>, vector<1x8192xf32>
    %reduce_sum3A_647 = vector.shape_cast %select_n3A_646 : vector<1x8192xf32> to vector<1x1x8192xf32>
    %reduce_sum3A_648 = arith.constant dense<0.000000e+00> : vector<1xf32>
    %reduce_sum3A_649 = vector.multi_reduction <add>, %reduce_sum3A_647, %reduce_sum3A_648 [1, 2] : vector<1x1x8192xf32> to vector<1xf32>
    %reduce_sum3A_650 = vector.shape_cast %reduce_sum3A_649 : vector<1xf32> to vector<1x1x1xf32>
    %reduce_sum3A_651 = vector.extract %reduce_sum3A_650[0, 0, 0] : f32 from vector<1x1x1xf32>
    %slice3A_652 = vector.extract_strided_slice %get3A_7 {offsets = [1, 10], sizes = [1, 1], strides = [1, 1]} : vector<3x16xf32> to vector<1x1xf32>
    %squeeze3A_653 = vector.extract %slice3A_652[0, 0] : f32 from vector<1x1xf32>
    %add3A_654 = arith.addf %reduce_sum3A_651, %squeeze3A_653 : f32
    %jit3A_655 = arith.constant 0.000000e+00 : f32
    %broadcast_in_dim3A_656 = vector.broadcast %jit3A_655 : f32 to vector<1x8192xf32>
    %select_n3A_657 = arith.select %and3A_633, %get3A_4, %broadcast_in_dim3A_656 : vector<1x8192xi1>, vector<1x8192xf32>
    %reduce_sum3A_658 = vector.shape_cast %select_n3A_657 : vector<1x8192xf32> to vector<1x1x8192xf32>
    %reduce_sum3A_659 = arith.constant dense<0.000000e+00> : vector<1xf32>
    %reduce_sum3A_660 = vector.multi_reduction <add>, %reduce_sum3A_658, %reduce_sum3A_659 [1, 2] : vector<1x1x8192xf32> to vector<1xf32>
    %reduce_sum3A_661 = vector.shape_cast %reduce_sum3A_660 : vector<1xf32> to vector<1x1x1xf32>
    %reduce_sum3A_662 = vector.extract %reduce_sum3A_661[0, 0, 0] : f32 from vector<1x1x1xf32>
    %slice3A_663 = vector.extract_strided_slice %get3A_7 {offsets = [2, 10], sizes = [1, 1], strides = [1, 1]} : vector<3x16xf32> to vector<1x1xf32>
    %squeeze3A_664 = vector.extract %slice3A_663[0, 0] : f32 from vector<1x1xf32>
    %add3A_665 = arith.addf %reduce_sum3A_662, %squeeze3A_664 : f32
    %max3A_666 = arith.constant 1.000000e+00 : f32
    %max3A_667 = arith.maximumf %add3A_643, %max3A_666 : f32
    %div3A_668 = arith.divf %add3A_654, %max3A_667 : f32
    %mul3A_669 = arith.constant 3.000000e+00 : f32
    %mul3A_670 = arith.mulf %max3A_667, %mul3A_669 : f32
    %div3A_671 = arith.divf %add3A_665, %mul3A_670 : f32
    %sub3A_672 = arith.subf %div3A_668, %div3A_671 : f32
    %abs3A_673 = math.absf %sub3A_672 : f32
    %div3A_674 = arith.constant 1.638400e+04 : f32
    %div3A_675 = arith.divf %add3A_643, %div3A_674 : f32
    %mul3A_676 = arith.mulf %abs3A_673, %div3A_675 : f32
    %gt3A_677 = arith.constant 0.000000e+00 : f32
    %gt3A_678 = arith.cmpf ogt, %add3A_643, %gt3A_677 : f32
    %jit3A_679 = arith.constant 0.000000e+00 : f32
    %select_n3A_680 = arith.select %gt3A_678, %mul3A_676, %jit3A_679 : f32
    %broadcast_in_dim3A_681 = arith.constant 1.000000e+00 : f32
    %broadcast_in_dim3A_682 = vector.broadcast %broadcast_in_dim3A_681 : f32 to vector<1x1xf32>
    %mul3A_683 = vector.broadcast %select_n3A_680 : f32 to vector<1x1xf32>
    %mul3A_684 = arith.mulf %mul3A_683, %broadcast_in_dim3A_682 : vector<1x1xf32>
    %add3A_685 = arith.addf %add3A_624, %mul3A_684 : vector<1x1xf32>
    %slice3A_686 = vector.extract_strided_slice %select_n3A {offsets = [0, 11], sizes = [1, 1], strides = [1, 1]} : vector<1x16xf32> to vector<1x1xf32>
    %squeeze3A_687 = vector.extract %slice3A_686[0, 0] : f32 from vector<1x1xf32>
    %slice3A_688 = vector.extract_strided_slice %select_n3A_22 {offsets = [0, 11], sizes = [1, 1], strides = [1, 1]} : vector<1x16xf32> to vector<1x1xf32>
    %squeeze3A_689 = vector.extract %slice3A_688[0, 0] : f32 from vector<1x1xf32>
    %gt3A_690 = vector.broadcast %squeeze3A_687 : f32 to vector<1x8192xf32>
    %gt3A_691 = arith.cmpf ogt, %get3A_1, %gt3A_690 : vector<1x8192xf32>
    %le3A_692 = vector.broadcast %squeeze3A_689 : f32 to vector<1x8192xf32>
    %le3A_693 = arith.cmpf ole, %get3A_1, %le3A_692 : vector<1x8192xf32>
    %and3A_694 = arith.andi %gt3A_691, %le3A_693 : vector<1x8192xi1>
    %convert_element_type3A_695 = arith.extui %and3A_694 : vector<1x8192xi1> to vector<1x8192xi32>
    %convert_element_type3A_696 = arith.sitofp %convert_element_type3A_695 : vector<1x8192xi32> to vector<1x8192xf32>
    %reduce_sum3A_697 = vector.shape_cast %convert_element_type3A_696 : vector<1x8192xf32> to vector<1x1x8192xf32>
    %reduce_sum3A_698 = arith.constant dense<0.000000e+00> : vector<1xf32>
    %reduce_sum3A_699 = vector.multi_reduction <add>, %reduce_sum3A_697, %reduce_sum3A_698 [1, 2] : vector<1x1x8192xf32> to vector<1xf32>
    %reduce_sum3A_700 = vector.shape_cast %reduce_sum3A_699 : vector<1xf32> to vector<1x1x1xf32>
    %reduce_sum3A_701 = vector.extract %reduce_sum3A_700[0, 0, 0] : f32 from vector<1x1x1xf32>
    %slice3A_702 = vector.extract_strided_slice %get3A_7 {offsets = [0, 11], sizes = [1, 1], strides = [1, 1]} : vector<3x16xf32> to vector<1x1xf32>
    %squeeze3A_703 = vector.extract %slice3A_702[0, 0] : f32 from vector<1x1xf32>
    %add3A_704 = arith.addf %reduce_sum3A_701, %squeeze3A_703 : f32
    %jit3A_705 = arith.constant 0.000000e+00 : f32
    %broadcast_in_dim3A_706 = vector.broadcast %jit3A_705 : f32 to vector<1x8192xf32>
    %select_n3A_707 = arith.select %and3A_694, %get3A_1, %broadcast_in_dim3A_706 : vector<1x8192xi1>, vector<1x8192xf32>
    %reduce_sum3A_708 = vector.shape_cast %select_n3A_707 : vector<1x8192xf32> to vector<1x1x8192xf32>
    %reduce_sum3A_709 = arith.constant dense<0.000000e+00> : vector<1xf32>
    %reduce_sum3A_710 = vector.multi_reduction <add>, %reduce_sum3A_708, %reduce_sum3A_709 [1, 2] : vector<1x1x8192xf32> to vector<1xf32>
    %reduce_sum3A_711 = vector.shape_cast %reduce_sum3A_710 : vector<1xf32> to vector<1x1x1xf32>
    %reduce_sum3A_712 = vector.extract %reduce_sum3A_711[0, 0, 0] : f32 from vector<1x1x1xf32>
    %slice3A_713 = vector.extract_strided_slice %get3A_7 {offsets = [1, 11], sizes = [1, 1], strides = [1, 1]} : vector<3x16xf32> to vector<1x1xf32>
    %squeeze3A_714 = vector.extract %slice3A_713[0, 0] : f32 from vector<1x1xf32>
    %add3A_715 = arith.addf %reduce_sum3A_712, %squeeze3A_714 : f32
    %jit3A_716 = arith.constant 0.000000e+00 : f32
    %broadcast_in_dim3A_717 = vector.broadcast %jit3A_716 : f32 to vector<1x8192xf32>
    %select_n3A_718 = arith.select %and3A_694, %get3A_4, %broadcast_in_dim3A_717 : vector<1x8192xi1>, vector<1x8192xf32>
    %reduce_sum3A_719 = vector.shape_cast %select_n3A_718 : vector<1x8192xf32> to vector<1x1x8192xf32>
    %reduce_sum3A_720 = arith.constant dense<0.000000e+00> : vector<1xf32>
    %reduce_sum3A_721 = vector.multi_reduction <add>, %reduce_sum3A_719, %reduce_sum3A_720 [1, 2] : vector<1x1x8192xf32> to vector<1xf32>
    %reduce_sum3A_722 = vector.shape_cast %reduce_sum3A_721 : vector<1xf32> to vector<1x1x1xf32>
    %reduce_sum3A_723 = vector.extract %reduce_sum3A_722[0, 0, 0] : f32 from vector<1x1x1xf32>
    %slice3A_724 = vector.extract_strided_slice %get3A_7 {offsets = [2, 11], sizes = [1, 1], strides = [1, 1]} : vector<3x16xf32> to vector<1x1xf32>
    %squeeze3A_725 = vector.extract %slice3A_724[0, 0] : f32 from vector<1x1xf32>
    %add3A_726 = arith.addf %reduce_sum3A_723, %squeeze3A_725 : f32
    %max3A_727 = arith.constant 1.000000e+00 : f32
    %max3A_728 = arith.maximumf %add3A_704, %max3A_727 : f32
    %div3A_729 = arith.divf %add3A_715, %max3A_728 : f32
    %mul3A_730 = arith.constant 3.000000e+00 : f32
    %mul3A_731 = arith.mulf %max3A_728, %mul3A_730 : f32
    %div3A_732 = arith.divf %add3A_726, %mul3A_731 : f32
    %sub3A_733 = arith.subf %div3A_729, %div3A_732 : f32
    %abs3A_734 = math.absf %sub3A_733 : f32
    %div3A_735 = arith.constant 1.638400e+04 : f32
    %div3A_736 = arith.divf %add3A_704, %div3A_735 : f32
    %mul3A_737 = arith.mulf %abs3A_734, %div3A_736 : f32
    %gt3A_738 = arith.constant 0.000000e+00 : f32
    %gt3A_739 = arith.cmpf ogt, %add3A_704, %gt3A_738 : f32
    %jit3A_740 = arith.constant 0.000000e+00 : f32
    %select_n3A_741 = arith.select %gt3A_739, %mul3A_737, %jit3A_740 : f32
    %broadcast_in_dim3A_742 = arith.constant 1.000000e+00 : f32
    %broadcast_in_dim3A_743 = vector.broadcast %broadcast_in_dim3A_742 : f32 to vector<1x1xf32>
    %mul3A_744 = vector.broadcast %select_n3A_741 : f32 to vector<1x1xf32>
    %mul3A_745 = arith.mulf %mul3A_744, %broadcast_in_dim3A_743 : vector<1x1xf32>
    %add3A_746 = arith.addf %add3A_685, %mul3A_745 : vector<1x1xf32>
    %slice3A_747 = vector.extract_strided_slice %select_n3A {offsets = [0, 12], sizes = [1, 1], strides = [1, 1]} : vector<1x16xf32> to vector<1x1xf32>
    %squeeze3A_748 = vector.extract %slice3A_747[0, 0] : f32 from vector<1x1xf32>
    %slice3A_749 = vector.extract_strided_slice %select_n3A_22 {offsets = [0, 12], sizes = [1, 1], strides = [1, 1]} : vector<1x16xf32> to vector<1x1xf32>
    %squeeze3A_750 = vector.extract %slice3A_749[0, 0] : f32 from vector<1x1xf32>
    %gt3A_751 = vector.broadcast %squeeze3A_748 : f32 to vector<1x8192xf32>
    %gt3A_752 = arith.cmpf ogt, %get3A_1, %gt3A_751 : vector<1x8192xf32>
    %le3A_753 = vector.broadcast %squeeze3A_750 : f32 to vector<1x8192xf32>
    %le3A_754 = arith.cmpf ole, %get3A_1, %le3A_753 : vector<1x8192xf32>
    %and3A_755 = arith.andi %gt3A_752, %le3A_754 : vector<1x8192xi1>
    %convert_element_type3A_756 = arith.extui %and3A_755 : vector<1x8192xi1> to vector<1x8192xi32>
    %convert_element_type3A_757 = arith.sitofp %convert_element_type3A_756 : vector<1x8192xi32> to vector<1x8192xf32>
    %reduce_sum3A_758 = vector.shape_cast %convert_element_type3A_757 : vector<1x8192xf32> to vector<1x1x8192xf32>
    %reduce_sum3A_759 = arith.constant dense<0.000000e+00> : vector<1xf32>
    %reduce_sum3A_760 = vector.multi_reduction <add>, %reduce_sum3A_758, %reduce_sum3A_759 [1, 2] : vector<1x1x8192xf32> to vector<1xf32>
    %reduce_sum3A_761 = vector.shape_cast %reduce_sum3A_760 : vector<1xf32> to vector<1x1x1xf32>
    %reduce_sum3A_762 = vector.extract %reduce_sum3A_761[0, 0, 0] : f32 from vector<1x1x1xf32>
    %slice3A_763 = vector.extract_strided_slice %get3A_7 {offsets = [0, 12], sizes = [1, 1], strides = [1, 1]} : vector<3x16xf32> to vector<1x1xf32>
    %squeeze3A_764 = vector.extract %slice3A_763[0, 0] : f32 from vector<1x1xf32>
    %add3A_765 = arith.addf %reduce_sum3A_762, %squeeze3A_764 : f32
    %jit3A_766 = arith.constant 0.000000e+00 : f32
    %broadcast_in_dim3A_767 = vector.broadcast %jit3A_766 : f32 to vector<1x8192xf32>
    %select_n3A_768 = arith.select %and3A_755, %get3A_1, %broadcast_in_dim3A_767 : vector<1x8192xi1>, vector<1x8192xf32>
    %reduce_sum3A_769 = vector.shape_cast %select_n3A_768 : vector<1x8192xf32> to vector<1x1x8192xf32>
    %reduce_sum3A_770 = arith.constant dense<0.000000e+00> : vector<1xf32>
    %reduce_sum3A_771 = vector.multi_reduction <add>, %reduce_sum3A_769, %reduce_sum3A_770 [1, 2] : vector<1x1x8192xf32> to vector<1xf32>
    %reduce_sum3A_772 = vector.shape_cast %reduce_sum3A_771 : vector<1xf32> to vector<1x1x1xf32>
    %reduce_sum3A_773 = vector.extract %reduce_sum3A_772[0, 0, 0] : f32 from vector<1x1x1xf32>
    %slice3A_774 = vector.extract_strided_slice %get3A_7 {offsets = [1, 12], sizes = [1, 1], strides = [1, 1]} : vector<3x16xf32> to vector<1x1xf32>
    %squeeze3A_775 = vector.extract %slice3A_774[0, 0] : f32 from vector<1x1xf32>
    %add3A_776 = arith.addf %reduce_sum3A_773, %squeeze3A_775 : f32
    %jit3A_777 = arith.constant 0.000000e+00 : f32
    %broadcast_in_dim3A_778 = vector.broadcast %jit3A_777 : f32 to vector<1x8192xf32>
    %select_n3A_779 = arith.select %and3A_755, %get3A_4, %broadcast_in_dim3A_778 : vector<1x8192xi1>, vector<1x8192xf32>
    %reduce_sum3A_780 = vector.shape_cast %select_n3A_779 : vector<1x8192xf32> to vector<1x1x8192xf32>
    %reduce_sum3A_781 = arith.constant dense<0.000000e+00> : vector<1xf32>
    %reduce_sum3A_782 = vector.multi_reduction <add>, %reduce_sum3A_780, %reduce_sum3A_781 [1, 2] : vector<1x1x8192xf32> to vector<1xf32>
    %reduce_sum3A_783 = vector.shape_cast %reduce_sum3A_782 : vector<1xf32> to vector<1x1x1xf32>
    %reduce_sum3A_784 = vector.extract %reduce_sum3A_783[0, 0, 0] : f32 from vector<1x1x1xf32>
    %slice3A_785 = vector.extract_strided_slice %get3A_7 {offsets = [2, 12], sizes = [1, 1], strides = [1, 1]} : vector<3x16xf32> to vector<1x1xf32>
    %squeeze3A_786 = vector.extract %slice3A_785[0, 0] : f32 from vector<1x1xf32>
    %add3A_787 = arith.addf %reduce_sum3A_784, %squeeze3A_786 : f32
    %max3A_788 = arith.constant 1.000000e+00 : f32
    %max3A_789 = arith.maximumf %add3A_765, %max3A_788 : f32
    %div3A_790 = arith.divf %add3A_776, %max3A_789 : f32
    %mul3A_791 = arith.constant 3.000000e+00 : f32
    %mul3A_792 = arith.mulf %max3A_789, %mul3A_791 : f32
    %div3A_793 = arith.divf %add3A_787, %mul3A_792 : f32
    %sub3A_794 = arith.subf %div3A_790, %div3A_793 : f32
    %abs3A_795 = math.absf %sub3A_794 : f32
    %div3A_796 = arith.constant 1.638400e+04 : f32
    %div3A_797 = arith.divf %add3A_765, %div3A_796 : f32
    %mul3A_798 = arith.mulf %abs3A_795, %div3A_797 : f32
    %gt3A_799 = arith.constant 0.000000e+00 : f32
    %gt3A_800 = arith.cmpf ogt, %add3A_765, %gt3A_799 : f32
    %jit3A_801 = arith.constant 0.000000e+00 : f32
    %select_n3A_802 = arith.select %gt3A_800, %mul3A_798, %jit3A_801 : f32
    %broadcast_in_dim3A_803 = arith.constant 1.000000e+00 : f32
    %broadcast_in_dim3A_804 = vector.broadcast %broadcast_in_dim3A_803 : f32 to vector<1x1xf32>
    %mul3A_805 = vector.broadcast %select_n3A_802 : f32 to vector<1x1xf32>
    %mul3A_806 = arith.mulf %mul3A_805, %broadcast_in_dim3A_804 : vector<1x1xf32>
    %add3A_807 = arith.addf %add3A_746, %mul3A_806 : vector<1x1xf32>
    %slice3A_808 = vector.extract_strided_slice %select_n3A {offsets = [0, 13], sizes = [1, 1], strides = [1, 1]} : vector<1x16xf32> to vector<1x1xf32>
    %squeeze3A_809 = vector.extract %slice3A_808[0, 0] : f32 from vector<1x1xf32>
    %slice3A_810 = vector.extract_strided_slice %select_n3A_22 {offsets = [0, 13], sizes = [1, 1], strides = [1, 1]} : vector<1x16xf32> to vector<1x1xf32>
    %squeeze3A_811 = vector.extract %slice3A_810[0, 0] : f32 from vector<1x1xf32>
    %gt3A_812 = vector.broadcast %squeeze3A_809 : f32 to vector<1x8192xf32>
    %gt3A_813 = arith.cmpf ogt, %get3A_1, %gt3A_812 : vector<1x8192xf32>
    %le3A_814 = vector.broadcast %squeeze3A_811 : f32 to vector<1x8192xf32>
    %le3A_815 = arith.cmpf ole, %get3A_1, %le3A_814 : vector<1x8192xf32>
    %and3A_816 = arith.andi %gt3A_813, %le3A_815 : vector<1x8192xi1>
    %convert_element_type3A_817 = arith.extui %and3A_816 : vector<1x8192xi1> to vector<1x8192xi32>
    %convert_element_type3A_818 = arith.sitofp %convert_element_type3A_817 : vector<1x8192xi32> to vector<1x8192xf32>
    %reduce_sum3A_819 = vector.shape_cast %convert_element_type3A_818 : vector<1x8192xf32> to vector<1x1x8192xf32>
    %reduce_sum3A_820 = arith.constant dense<0.000000e+00> : vector<1xf32>
    %reduce_sum3A_821 = vector.multi_reduction <add>, %reduce_sum3A_819, %reduce_sum3A_820 [1, 2] : vector<1x1x8192xf32> to vector<1xf32>
    %reduce_sum3A_822 = vector.shape_cast %reduce_sum3A_821 : vector<1xf32> to vector<1x1x1xf32>
    %reduce_sum3A_823 = vector.extract %reduce_sum3A_822[0, 0, 0] : f32 from vector<1x1x1xf32>
    %slice3A_824 = vector.extract_strided_slice %get3A_7 {offsets = [0, 13], sizes = [1, 1], strides = [1, 1]} : vector<3x16xf32> to vector<1x1xf32>
    %squeeze3A_825 = vector.extract %slice3A_824[0, 0] : f32 from vector<1x1xf32>
    %add3A_826 = arith.addf %reduce_sum3A_823, %squeeze3A_825 : f32
    %jit3A_827 = arith.constant 0.000000e+00 : f32
    %broadcast_in_dim3A_828 = vector.broadcast %jit3A_827 : f32 to vector<1x8192xf32>
    %select_n3A_829 = arith.select %and3A_816, %get3A_1, %broadcast_in_dim3A_828 : vector<1x8192xi1>, vector<1x8192xf32>
    %reduce_sum3A_830 = vector.shape_cast %select_n3A_829 : vector<1x8192xf32> to vector<1x1x8192xf32>
    %reduce_sum3A_831 = arith.constant dense<0.000000e+00> : vector<1xf32>
    %reduce_sum3A_832 = vector.multi_reduction <add>, %reduce_sum3A_830, %reduce_sum3A_831 [1, 2] : vector<1x1x8192xf32> to vector<1xf32>
    %reduce_sum3A_833 = vector.shape_cast %reduce_sum3A_832 : vector<1xf32> to vector<1x1x1xf32>
    %reduce_sum3A_834 = vector.extract %reduce_sum3A_833[0, 0, 0] : f32 from vector<1x1x1xf32>
    %slice3A_835 = vector.extract_strided_slice %get3A_7 {offsets = [1, 13], sizes = [1, 1], strides = [1, 1]} : vector<3x16xf32> to vector<1x1xf32>
    %squeeze3A_836 = vector.extract %slice3A_835[0, 0] : f32 from vector<1x1xf32>
    %add3A_837 = arith.addf %reduce_sum3A_834, %squeeze3A_836 : f32
    %jit3A_838 = arith.constant 0.000000e+00 : f32
    %broadcast_in_dim3A_839 = vector.broadcast %jit3A_838 : f32 to vector<1x8192xf32>
    %select_n3A_840 = arith.select %and3A_816, %get3A_4, %broadcast_in_dim3A_839 : vector<1x8192xi1>, vector<1x8192xf32>
    %reduce_sum3A_841 = vector.shape_cast %select_n3A_840 : vector<1x8192xf32> to vector<1x1x8192xf32>
    %reduce_sum3A_842 = arith.constant dense<0.000000e+00> : vector<1xf32>
    %reduce_sum3A_843 = vector.multi_reduction <add>, %reduce_sum3A_841, %reduce_sum3A_842 [1, 2] : vector<1x1x8192xf32> to vector<1xf32>
    %reduce_sum3A_844 = vector.shape_cast %reduce_sum3A_843 : vector<1xf32> to vector<1x1x1xf32>
    %reduce_sum3A_845 = vector.extract %reduce_sum3A_844[0, 0, 0] : f32 from vector<1x1x1xf32>
    %slice3A_846 = vector.extract_strided_slice %get3A_7 {offsets = [2, 13], sizes = [1, 1], strides = [1, 1]} : vector<3x16xf32> to vector<1x1xf32>
    %squeeze3A_847 = vector.extract %slice3A_846[0, 0] : f32 from vector<1x1xf32>
    %add3A_848 = arith.addf %reduce_sum3A_845, %squeeze3A_847 : f32
    %max3A_849 = arith.constant 1.000000e+00 : f32
    %max3A_850 = arith.maximumf %add3A_826, %max3A_849 : f32
    %div3A_851 = arith.divf %add3A_837, %max3A_850 : f32
    %mul3A_852 = arith.constant 3.000000e+00 : f32
    %mul3A_853 = arith.mulf %max3A_850, %mul3A_852 : f32
    %div3A_854 = arith.divf %add3A_848, %mul3A_853 : f32
    %sub3A_855 = arith.subf %div3A_851, %div3A_854 : f32
    %abs3A_856 = math.absf %sub3A_855 : f32
    %div3A_857 = arith.constant 1.638400e+04 : f32
    %div3A_858 = arith.divf %add3A_826, %div3A_857 : f32
    %mul3A_859 = arith.mulf %abs3A_856, %div3A_858 : f32
    %gt3A_860 = arith.constant 0.000000e+00 : f32
    %gt3A_861 = arith.cmpf ogt, %add3A_826, %gt3A_860 : f32
    %jit3A_862 = arith.constant 0.000000e+00 : f32
    %select_n3A_863 = arith.select %gt3A_861, %mul3A_859, %jit3A_862 : f32
    %broadcast_in_dim3A_864 = arith.constant 1.000000e+00 : f32
    %broadcast_in_dim3A_865 = vector.broadcast %broadcast_in_dim3A_864 : f32 to vector<1x1xf32>
    %mul3A_866 = vector.broadcast %select_n3A_863 : f32 to vector<1x1xf32>
    %mul3A_867 = arith.mulf %mul3A_866, %broadcast_in_dim3A_865 : vector<1x1xf32>
    %add3A_868 = arith.addf %add3A_807, %mul3A_867 : vector<1x1xf32>
    %slice3A_869 = vector.extract_strided_slice %select_n3A {offsets = [0, 14], sizes = [1, 1], strides = [1, 1]} : vector<1x16xf32> to vector<1x1xf32>
    %squeeze3A_870 = vector.extract %slice3A_869[0, 0] : f32 from vector<1x1xf32>
    %slice3A_871 = vector.extract_strided_slice %select_n3A_22 {offsets = [0, 14], sizes = [1, 1], strides = [1, 1]} : vector<1x16xf32> to vector<1x1xf32>
    %squeeze3A_872 = vector.extract %slice3A_871[0, 0] : f32 from vector<1x1xf32>
    %gt3A_873 = vector.broadcast %squeeze3A_870 : f32 to vector<1x8192xf32>
    %gt3A_874 = arith.cmpf ogt, %get3A_1, %gt3A_873 : vector<1x8192xf32>
    %le3A_875 = vector.broadcast %squeeze3A_872 : f32 to vector<1x8192xf32>
    %le3A_876 = arith.cmpf ole, %get3A_1, %le3A_875 : vector<1x8192xf32>
    %and3A_877 = arith.andi %gt3A_874, %le3A_876 : vector<1x8192xi1>
    %convert_element_type3A_878 = arith.extui %and3A_877 : vector<1x8192xi1> to vector<1x8192xi32>
    %convert_element_type3A_879 = arith.sitofp %convert_element_type3A_878 : vector<1x8192xi32> to vector<1x8192xf32>
    %reduce_sum3A_880 = vector.shape_cast %convert_element_type3A_879 : vector<1x8192xf32> to vector<1x1x8192xf32>
    %reduce_sum3A_881 = arith.constant dense<0.000000e+00> : vector<1xf32>
    %reduce_sum3A_882 = vector.multi_reduction <add>, %reduce_sum3A_880, %reduce_sum3A_881 [1, 2] : vector<1x1x8192xf32> to vector<1xf32>
    %reduce_sum3A_883 = vector.shape_cast %reduce_sum3A_882 : vector<1xf32> to vector<1x1x1xf32>
    %reduce_sum3A_884 = vector.extract %reduce_sum3A_883[0, 0, 0] : f32 from vector<1x1x1xf32>
    %slice3A_885 = vector.extract_strided_slice %get3A_7 {offsets = [0, 14], sizes = [1, 1], strides = [1, 1]} : vector<3x16xf32> to vector<1x1xf32>
    %squeeze3A_886 = vector.extract %slice3A_885[0, 0] : f32 from vector<1x1xf32>
    %add3A_887 = arith.addf %reduce_sum3A_884, %squeeze3A_886 : f32
    %jit3A_888 = arith.constant 0.000000e+00 : f32
    %broadcast_in_dim3A_889 = vector.broadcast %jit3A_888 : f32 to vector<1x8192xf32>
    %select_n3A_890 = arith.select %and3A_877, %get3A_1, %broadcast_in_dim3A_889 : vector<1x8192xi1>, vector<1x8192xf32>
    %reduce_sum3A_891 = vector.shape_cast %select_n3A_890 : vector<1x8192xf32> to vector<1x1x8192xf32>
    %reduce_sum3A_892 = arith.constant dense<0.000000e+00> : vector<1xf32>
    %reduce_sum3A_893 = vector.multi_reduction <add>, %reduce_sum3A_891, %reduce_sum3A_892 [1, 2] : vector<1x1x8192xf32> to vector<1xf32>
    %reduce_sum3A_894 = vector.shape_cast %reduce_sum3A_893 : vector<1xf32> to vector<1x1x1xf32>
    %reduce_sum3A_895 = vector.extract %reduce_sum3A_894[0, 0, 0] : f32 from vector<1x1x1xf32>
    %slice3A_896 = vector.extract_strided_slice %get3A_7 {offsets = [1, 14], sizes = [1, 1], strides = [1, 1]} : vector<3x16xf32> to vector<1x1xf32>
    %squeeze3A_897 = vector.extract %slice3A_896[0, 0] : f32 from vector<1x1xf32>
    %add3A_898 = arith.addf %reduce_sum3A_895, %squeeze3A_897 : f32
    %jit3A_899 = arith.constant 0.000000e+00 : f32
    %broadcast_in_dim3A_900 = vector.broadcast %jit3A_899 : f32 to vector<1x8192xf32>
    %select_n3A_901 = arith.select %and3A_877, %get3A_4, %broadcast_in_dim3A_900 : vector<1x8192xi1>, vector<1x8192xf32>
    %reduce_sum3A_902 = vector.shape_cast %select_n3A_901 : vector<1x8192xf32> to vector<1x1x8192xf32>
    %reduce_sum3A_903 = arith.constant dense<0.000000e+00> : vector<1xf32>
    %reduce_sum3A_904 = vector.multi_reduction <add>, %reduce_sum3A_902, %reduce_sum3A_903 [1, 2] : vector<1x1x8192xf32> to vector<1xf32>
    %reduce_sum3A_905 = vector.shape_cast %reduce_sum3A_904 : vector<1xf32> to vector<1x1x1xf32>
    %reduce_sum3A_906 = vector.extract %reduce_sum3A_905[0, 0, 0] : f32 from vector<1x1x1xf32>
    %slice3A_907 = vector.extract_strided_slice %get3A_7 {offsets = [2, 14], sizes = [1, 1], strides = [1, 1]} : vector<3x16xf32> to vector<1x1xf32>
    %squeeze3A_908 = vector.extract %slice3A_907[0, 0] : f32 from vector<1x1xf32>
    %add3A_909 = arith.addf %reduce_sum3A_906, %squeeze3A_908 : f32
    %max3A_910 = arith.constant 1.000000e+00 : f32
    %max3A_911 = arith.maximumf %add3A_887, %max3A_910 : f32
    %div3A_912 = arith.divf %add3A_898, %max3A_911 : f32
    %mul3A_913 = arith.constant 3.000000e+00 : f32
    %mul3A_914 = arith.mulf %max3A_911, %mul3A_913 : f32
    %div3A_915 = arith.divf %add3A_909, %mul3A_914 : f32
    %sub3A_916 = arith.subf %div3A_912, %div3A_915 : f32
    %abs3A_917 = math.absf %sub3A_916 : f32
    %div3A_918 = arith.constant 1.638400e+04 : f32
    %div3A_919 = arith.divf %add3A_887, %div3A_918 : f32
    %mul3A_920 = arith.mulf %abs3A_917, %div3A_919 : f32
    %gt3A_921 = arith.constant 0.000000e+00 : f32
    %gt3A_922 = arith.cmpf ogt, %add3A_887, %gt3A_921 : f32
    %jit3A_923 = arith.constant 0.000000e+00 : f32
    %select_n3A_924 = arith.select %gt3A_922, %mul3A_920, %jit3A_923 : f32
    %broadcast_in_dim3A_925 = arith.constant 1.000000e+00 : f32
    %broadcast_in_dim3A_926 = vector.broadcast %broadcast_in_dim3A_925 : f32 to vector<1x1xf32>
    %mul3A_927 = vector.broadcast %select_n3A_924 : f32 to vector<1x1xf32>
    %mul3A_928 = arith.mulf %mul3A_927, %broadcast_in_dim3A_926 : vector<1x1xf32>
    %add3A_929 = arith.addf %add3A_868, %mul3A_928 : vector<1x1xf32>
    %swap3A = arith.constant 0 : index
    %swap3A_930 = arith.constant 0 : index
    %swap3A_931 = vector.load %arg3[%swap3A, %swap3A_930] : memref<1x1xf32, #tpu.memory_space<vmem>>, vector<1x1xf32>
    tpu.vector_store %arg3[%swap3A, %swap3A_930], %add3A_929 {strides = array<i32>} : memref<1x1xf32, #tpu.memory_space<vmem>>, vector<1x1xf32>,
    return
  }
}

</mosaic_0001>

<sc_bundles>
// kernel: kernel.5.cloned.1.call-start
scs
__scs_entry_jumppad:
0x0: {  	(pc) =	sbr.rel $0x88, $3  }
0x1: {  	(tag) =	ssettag $0x0;
	lr =	simm.s32 $0x1  }
0x2: {  	[smem:$0x3F9F] =	sst lr;
	_ =	strace $0xD0000000  }
0x3: {  	_ = 	snop  }
0x4: {  	_ = 	snop  }
0x5: {  	_ = 	snop  }
0x6: {  	_ = 	snop  }
0x7: {  	_ = 	snop  }
__scs_overlays_trampoline_lowered:
0x8: {  	[smem:$0x3FAE] =	sst s0  }
0x9: {  	[smem:$0x3FAF] =	sst s1  }
0xa: {  	[smem:$0x3FB0] =	sst s2  }
0xb: {  	[smem:$0x3FB1] =	sst s3  }
0xc: {  	[smem:$0x3FB2] =	sst s4  }
0xd: {  	[smem:$0x3FB3] =	sst s5  }
0xe: {  	[smem:$0x3FB4] =	sst s6  }
0xf: {  	[smem:$0x3FB5] =	sst s7  }
0x10: {  	[smem:$0x3FB6] =	sst s8  }
0x11: {  	[smem:$0x3FB7] =	sst s9;
	s0 =	simm.s32 @!p0 $0x0  }
0x12: {  	s1 =	sld [smem:$0x3F9D];
	s0 =	simm.s32 @p0 $0x1  }
0x13: {  	[smem:$0x3FB8] =	sst s0;
	s0 =	simm.s32 @!p1 $0x0  }
0x14: {  	s2 =	sld [smem:$0x3F9C];
	s0 =	simm.s32 @p1 $0x1  }
0x15: {  	[smem:$0x3FB9] =	sst s0;
	s0 =	simm.s32 @!p2 $0x0  }
0x16: {  	s3 =	sld [smem:$0x3FDB];
	s0 =	simm.s32 @p2 $0x1  }
0x17: {  	s4 =	simm.s32 $0x1BF5;
	[smem:$0x3FBB] =	sst s0  }
0x18: {  	s0 =	sld [smem:$0x3F9E];
	_ =	swait.ge [sflag:s4], $0x0  }
0x19: {  	s7 =	sld [smem:$0x3F9F]  }
0x1a: {  	s8 =	sadd.s32 $0xFFFFE003, lr  }
0x1b: {  	s9 =	sadd.s32 $0xFFFFFEF7, lr;
	s5 =	simm.s32 $0xFFFFFFFF;
	p2 =	slt.u32 s8, $0xFFFFF086  }
0x1c: {  	p1 =	slt.u32 s9, $0xF7A;
	s5 =	simm.s32 @!p2 $0x0  }
0x1d: {  	s5 =	simm.s32 @p1 $0x1;
	p0 =	seq.s32 s7, s2  }
0x1e: {  	s7 =	smul.u32 @!p0 $0xF7A, s2;
	p2 =	seq.s32 @!p0 s5, $0x0  }
0x1f: {  	s9 =	smul.u32 $0xF7A, s1;
	s8 =	simm.s32 @!p0 $0x1BF5;
	p2 =	por !p2, p0  }
0x20: {  	[sflag:s8] =	ssyncset.s32 @!p0 $0xFFFFF086;
	s6 =	sadd.s32 @!p0 s3, s7;
	s7 =	simm.s32 @!p0 $0x108  }
0x21: {  	s3 =	sadd.s32 s3, s9;
	s6 =	sadd.s32 @!p0 $0x88, s6;
	s7 =	simm.s32 @p2 $0x1082  }
0x22: {  	[simem:s7], [sflag:s8] =	dma.local @!p0 [hbm:s6], $0xF7A  }
0x23: {  	s9 =	sor.u32 $0xD0000000, s2;
	s6 =	simm.s32 $0x108;
	_ =	swait.ge @!p0 [sflag:s8], $0x0  }
0x24: {  	s3 =	sadd.s32 $0x88, s3;
	s6 =	simm.s32 @!p1 $0x1082;
	[sflag:s4] =	ssyncset.s32 $0xFFFFF086  }
0x25: {  	[simem:s6], [sflag:s4] =	dma.local [hbm:s3], $0xF7A  }
0x26: {  	[smem:$0x3F9F] =	sst s1;
	(tag) =	ssettag s2;
	_ =	strace s9  }
0x27: {  	s1 =	sld [smem:$0x3FAF]  }
0x28: {  	s2 =	sld [smem:$0x3FB0]  }
0x29: {  	s4 =	sld [smem:$0x3FB2]  }
0x2a: {  	p0 =	seq.s32 s5, $0x0;
	s5 =	sld [smem:$0x3FB3]  }
0x2b: {  	s6 =	sld [smem:$0x3FB4]  }
0x2c: {  	s7 =	sld [smem:$0x3FB5]  }
0x2d: {  	s3 =	simm.s32 $0x108;
	s8 =	sld [smem:$0x3FB6]  }
0x2e: {  	s3 =	simm.s32 @!p0 $0x1082;
	s9 =	sld [smem:$0x3FB7]  }
0x2f: {  	lr =	sadd.s32 s0, s3;
	s0 =	sld [smem:$0x3FAE]  }
0x30: {  	s3 =	sld [smem:$0x3FB1]  }
0x31: {  	[smem:$0x3FBA] =	sst s10  }
0x32: {  	s10 =	sld [smem:$0x3FB8];
	_ =	sdelay $0x3  }
0x33: {  	p0 =	seq.s32 s10, $0x1;
	s10 =	sld [smem:$0x3FBA];
	_ =	sdelay $0x3  }
0x34: {  	[smem:$0x3FBA] =	sst s10  }
0x35: {  	s10 =	sld [smem:$0x3FB9];
	_ =	sdelay $0x3  }
0x36: {  	p1 =	seq.s32 s10, $0x1;
	s10 =	sld [smem:$0x3FBA];
	_ =	sdelay $0x3  }
0x37: {  	[smem:$0x3FBA] =	sst s10  }
0x38: {  	s10 =	sld [smem:$0x3FBB]  }
0x39: {  	_ = 	snop;
	(pc) =	sbr.ind lr, $3  }
0x3a: {  	_ = 	snop  }
0x3b: {  	_ = 	snop  }
0x3c: {  	p2 =	seq.s32 s10, $0x1;
	s10 =	sld [smem:$0x3FBA]  }
0x3d: {  	_ =	shalt  }
0x3e: {  	_ =	shalt  }
0x3f: {  	_ =	shalt  }
0x40: {  	_ =	shalt  }
0x41: {  	_ =	shalt  }
0x42: {  	_ =	shalt  }
0x43: {  	_ =	shalt  }
0x44: {  	_ =	shalt  }
0x45: {  	_ =	shalt  }
0x46: {  	_ =	shalt  }
0x47: {  	_ =	shalt  }
0x48: {  	_ =	shalt  }
0x49: {  	_ =	shalt  }
0x4a: {  	_ =	shalt  }
0x4b: {  	_ =	shalt  }
0x4c: {  	_ =	shalt  }
0x4d: {  	_ =	shalt  }
0x4e: {  	_ =	shalt  }
0x4f: {  	_ =	shalt  }
0x50: {  	_ =	shalt  }
0x51: {  	_ =	shalt  }
0x52: {  	_ =	shalt  }
0x53: {  	_ =	shalt  }
0x54: {  	_ =	shalt  }
0x55: {  	_ =	shalt  }
0x56: {  	_ =	shalt  }
0x57: {  	_ =	shalt  }
0x58: {  	_ =	shalt  }
0x59: {  	_ =	shalt  }
0x5a: {  	_ =	shalt  }
0x5b: {  	_ =	shalt  }
0x5c: {  	_ =	shalt  }
0x5d: {  	_ =	shalt  }
0x5e: {  	_ =	shalt  }
0x5f: {  	_ =	shalt  }
0x60: {  	_ =	shalt  }
0x61: {  	_ =	shalt  }
0x62: {  	_ =	shalt  }
0x63: {  	_ =	shalt  }
0x64: {  	_ =	shalt  }
0x65: {  	_ =	shalt  }
0x66: {  	_ =	shalt  }
0x67: {  	_ =	shalt  }
0x68: {  	_ =	shalt  }
0x69: {  	_ =	shalt  }
0x6a: {  	_ =	shalt  }
0x6b: {  	_ =	shalt  }
0x6c: {  	_ =	shalt  }
0x6d: {  	_ =	shalt  }
0x6e: {  	_ =	shalt  }
0x6f: {  	_ =	shalt  }
0x70: {  	_ =	shalt  }
0x71: {  	_ =	shalt  }
0x72: {  	_ =	shalt  }
0x73: {  	_ =	shalt  }
0x74: {  	_ =	shalt  }
0x75: {  	_ =	shalt  }
0x76: {  	_ =	shalt  }
0x77: {  	_ =	shalt  }
0x78: {  	_ =	shalt  }
0x79: {  	_ =	shalt  }
0x7a: {  	_ =	shalt  }
0x7b: {  	_ =	shalt  }
0x7c: {  	_ =	shalt  }
0x7d: {  	_ =	shalt  }
0x7e: {  	_ =	shalt  }
0x7f: {  	_ =	shalt  }
0x80: {  	_ =	shalt  }
0x81: {  	_ =	shalt  }
0x82: {  	_ =	shalt  }
0x83: {  	_ =	shalt  }
0x84: {  	_ =	shalt  }
0x85: {  	_ =	shalt  }
0x86: {  	_ =	shalt  }
0x87: {  	_ =	shalt  }
.Lfunc_end0:
.L_simem_size_0:
called_computation_lowered:
.L_overlay_start_0:
0x88: {  	s2 =	sld [smem:$0x3FD9]  }
0x89: {  	s3 =	sld [smem:$0x3FFE];
	_ =	sdelay $0x1  }
0x8a: {  	s1 =	srdreg.scid  }
0x8b: {  	s0 =	sand.u32 $0x1, s1  }
0x8c: {  	s17 =	sshll.u32 s0, $0xA;
	s2 =	sadd.s32 s3, s2  }
0x8d: {  	s2 =	sadd.s32 s2, s17  }
0x8e: {  	[smem:$0x3FC6] =	sst s2  }
0x8f: {  	_ = 	snop  }
0x90: {  	s2 =	sld [smem:$0x3FC8];
	(tm) =	ssettm $0x1  }
0x91: {  	s18 =	sld [smem:$0x3FFB];
	_ =	sdelay $0x3  }
0x92: {  	_ =	strace s18  }
0x93: {  	s3 =	sld [smem:$0x3FFC];
	_ =	sdelay $0x3  }
0x94: {  	_ =	strace s3  }
0x95: {  	s3 =	sld [smem:$0x3FFD];
	_ =	sdelay $0x3  }
0x96: {  	_ =	strace s3  }
0x97: {  	_ =	strace $0x8FFFFFFF  }
0x98: {  	s19 =	sld [smem:$0x3FDB];
	_ =	sdelay $0x1  }
0x99: {  	s4 =	simm.s32 $_scs_section_size  }
0x9a: {  	s5 =	simm.s32 $_size__tile_overlayer_lowered;
	s6 =	simm.s32 $_tile_overlayer_lowered  }
0x9b: {  	s22 =	simm.s32 $0x1BFF;
	s21 =	sshll.u32 s6, $0x1;
	s3 =	sadd.s32 s4, s19  }
0x9c: {  	s7 =	simm.s32 $0x0;
	s20 =	sshll.u32 s5, $0x1;
	s5 =	sadd.s32 s21, s3  }
0x9d: {  	[timem:s7], [sflag:s22] =	dma.local [hbm:s5], s20  }
0x9e: {  	_ =	swait.ge [sflag:s22], s20  }
0x9f: {  	s4 =	ssub.s32 $0x0, s20;
	[sflag:s22] =	ssyncset.done $0x0  }
0xa0: {  	[sflag:s22] =	ssyncadd.s32 s4;
	_ =	sdelay $0x1  }
0xa1: {  	s23 =	simm.s32 $0x1B8B  }
0xa2: {  	_ =	swait.ge [sflag:s23], $0x1  }
0xa3: {  	[sflag:s23] =	ssyncset.done $0x0  }
0xa4: {  	s25 =	simm.s32 $0x1B8E;
	s24 =	sld [smem:$0x3FFE];
	[sflag:s23] =	ssyncadd.s32 $0xFFFFFFFF  }
0xa5: {  	s26 =	simm.s32 $execute0_lowered;
	[smem:$0x3FD2] =	sst s25  }
0xa6: {  	s5 =	sshll.u32 s26, $0x1;
	_ =	strace $0x80000046;
	[dreg:$0x1] =	wrdreg $0xFFFFFFFF  }
0xa7: {  	s28 =	simm.s32 $_size_execute0_lowered;
	s3 =	sadd.s32 s3, s5;
	[dreg:$0x0] =	wrdreg $0x0  }
0xa8: {  	s5 =	sshll.u32 s28, $0x1;
	[dreg:$0x2] =	wrdreg s3  }
0xa9: {  	[dreg:$0x3] =	wrdreg s5  }
0xaa: {  	[dreg:$0x4] =	wrdreg $0xC0  }
0xab: {  	_ =	task [dreg:s7], $0x5FFFF  }
0xac: {  	[dreg:$0x1] =	wrdreg $0xFFFFFFFF  }
0xad: {  	[dreg:$0x0] =	wrdreg $0x60  }
0xae: {  	[dreg:$0x2] =	wrdreg s24  }
0xaf: {  	[dreg:$0x3] =	wrdreg s2  }
0xb0: {  	[dreg:$0x4] =	wrdreg $0x9  }
0xb1: {  	_ =	task.clear_ibuf [dreg:s7], $0x5FFFF;
	_ =	strace $0x90000046  }
0xb2: {  	s29 =	simm.s32 $0x9;
	_ =	strace $0x80000048  }
0xb3: {  	_ =	swait.ge [sflag:s29], $0x1  }
0xb4: {  	[sflag:s29] =	ssyncadd.s32 $0xFFFFFFFF  }
0xb5: {  	_ =	strace $0x90000048  }
0xb6: {  	_ =	sfence  }
0xb7: {  	s30 =	sld [smem:$0x0];
	_ =	sdelay $0x2  }
0xb8: {  	s31 =	sshll.u32 s1, $0xD;
	s1 =	sshrl.u32 s1, $0x2  }
0xb9: {  	s3 =	sand.u32 $0x4000, s31;
	s1 =	sadd.s32 s1, s30  }
0xba: {  	s0 =	sor.u32 s3, s0;
	s1 =	sshll.u32 s1, $0x11  }
0xbb: {  	s0 =	sor.u32 s1, s0  }
0xbc: {  	s0 =	sadd.s32 $0x8F2B, s0  }
0xbd: {  	[sflag:s0] =	ssyncadd.remote.s32 $0x1  }
0xbe: {  	_ =	sfence.sel $0xFFFF  }
0xbf: {  	[dreg:$0x0] =	wrdreg $0xFFFFFFFF;
	(pc) =	sbr.abs _section_cstart, $3  }
0xc0: {  	[dreg:$0x1] =	wrdreg $0xFFFFFFFF  }
0xc1: {  	_ =	task.clear_ibuf [dreg:s7], $0x2FFFF;
	_ =	strace $0x9FFFFFFF  }
0xc2: {  	(tm) =	ssettm $0x7FFFFFFF  }
0xc3: {  	_ =	shalt  }
tec
execute0_lowered:
.L_overlay_start_1:
0x0: {  	(tag) =	ssettag $0x1  }
0x1: {  	v0 =	vlaneseq.u32;
	s0 =	rddreg [dreg:$0x0];
	s2 =	simm.s32 $0x0  }
0x2: {  	[smem:$0x7FF] =	sst s2;
	v1 =	vor.u32 $0x230, v0  }
0x3: {  	s1 =	rddreg [dreg:$0x1];
	v15 =	vor.u32 $0x240, v0;
	_ =	strace $0x80000047;
	[tilespmem:$0x1FCE0] =	vst v1  }
0x4: {  	v32 =	vor.u32 $0x250, v0;
	[tilespmem:$0x1FCF0] =	vst v15  }
0x5: {  	v35 =	vor.u32 $0x260, v0;
	[tilespmem:$0x1FD00] =	vst v32  }
0x6: {  	v36 =	vor.u32 $0x270, v0;
	[tilespmem:$0x1FD10] =	vst v35  }
0x7: {  	v61 =	vor.u32 $0x280, v0;
	[tilespmem:$0x1FD20] =	vst v36  }
0x8: {  	v62 =	vor.u32 $0x2A0, v0;
	[tilespmem:$0x1FD30] =	vst v61  }
0x9: {  	v63 =	vor.u32 $0x2B0, v0;
	[tilespmem:$0x1FD40] =	vst v62  }
0xa: {  	v4 =	vor.u32 $0x2C0, v0;
	[tilespmem:$0x1FD50] =	vst v63  }
0xb: {  	v5 =	vor.u32 $0x2D0, v0;
	[tilespmem:$0x1FD60] =	vst v4  }
0xc: {  	v6 =	vor.u32 $0x2E0, v0;
	[tilespmem:$0x1FD70] =	vst v5  }
0xd: {  	v7 =	vor.u32 $0x2F0, v0;
	[tilespmem:$0x1FD80] =	vst v6  }
0xe: {  	v8 =	vor.u32 $0x300, v0;
	[tilespmem:$0x1FD90] =	vst v7  }
0xf: {  	v9 =	vor.u32 $0x310, v0;
	[tilespmem:$0x1FDA0] =	vst v8  }
0x10: {  	v10 =	vor.u32 $0x320, v0;
	[tilespmem:$0x1FDB0] =	vst v9  }
0x11: {  	v11 =	vor.u32 $0x340, v0;
	[tilespmem:$0x1FDC0] =	vst v10  }
0x12: {  	v12 =	vor.u32 $0x350, v0;
	[tilespmem:$0x1FDD0] =	vst v11  }
0x13: {  	v13 =	vor.u32 $0x360, v0;
	[tilespmem:$0x1FDE0] =	vst v12  }
0x14: {  	v14 =	vor.u32 $0x370, v0;
	[tilespmem:$0x1FDF0] =	vst v13  }
0x15: {  	v18 =	vor.u32 $0x10, v0;
	[tilespmem:$0x1FE00] =	vst v14  }
0x16: {  	v22 =	vor.u32 $0x20, v0;
	[tilespmem:$0x1FE60] =	vst v18  }
0x17: {  	v25 =	vor.u32 $0x30, v0;
	[tilespmem:$0x1FE70] =	vst v22  }
0x18: {  	v27 =	vor.u32 $0x40, v0;
	[tilespmem:$0x1FE80] =	vst v25  }
0x19: {  	v28 =	vor.u32 $0x50, v0;
	[tilespmem:$0x1FE90] =	vst v27  }
0x1a: {  	v29 =	vor.u32 $0x60, v0;
	[tilespmem:$0x1FEA0] =	vst v28  }
0x1b: {  	v30 =	vor.u32 $0x70, v0;
	[tilespmem:$0x1FEB0] =	vst v29  }
0x1c: {  	v31 =	vor.u32 $0x80, v0;
	[tilespmem:$0x1FEC0] =	vst v30  }
0x1d: {  	v33 =	vor.u32 $0x90, v0;
	[tilespmem:$0x1FED0] =	vst v31  }
0x1e: {  	v34 =	vor.u32 $0xA0, v0;
	[tilespmem:$0x1FEE0] =	vst v33  }
0x1f: {  	v46 =	vor.u32 $0x200, v0;
	[tilespmem:$0x1FEF0] =	vst v34  }
0x20: {  	v48 =	vor.u32 $0x220, v0;
	[tilespmem:$0x1FF00] =	vst v46  }
0x21: {  	v47 =	vor.u32 $0x1E0, v0;
	[tilespmem:$0x1FF10] =	vst v48  }
0x22: {  	v49 =	vor.u32 $0x210, v0;
	[tilespmem:$0x1FF50] =	vst v47  }
0x23: {  	v45 =	vor.u32 $0x1F0, v0;
	[tilespmem:$0x1FF60] =	vst v49  }
0x24: {  	v44 =	vor.u32 $0x1B0, v0;
	[tilespmem:$0x1FF70] =	vst v45  }
0x25: {  	v41 =	vor.u32 $0x180, v0;
	[tilespmem:$0x1FF80] =	vst v44  }
0x26: {  	v38 =	vor.u32 $0x190, v0;
	[tilespmem:$0x1FF90] =	vst v41  }
0x27: {  	v43 =	vor.u32 $0x1A0, v0;
	[tilespmem:$0x1FFA0] =	vst v38  }
0x28: {  	v60 =	vor.u32 $0x150, v0;
	[tilespmem:$0x1FFB0] =	vst v43  }
0x29: {  	v39 =	vor.u32 $0x160, v0;
	[tilespmem:$0x1FFC0] =	vst v60  }
0x2a: {  	s3 =	srdreg.scid;
	s5 =	stileid.u32;
	v50 =	vor.u32 $0xB0, v0;
	v42 =	vor.u32 $0x1C0, v0;
	[tilespmem:$0x1FFD0] =	vst v39  }
0x2b: {  	s16 =	simm.s32 $0x80;
	s17 =	simm.s32 $0x200;
	s23 =	simm.s32 $0x10000;
	v51 =	vor.u32 $0xC0, v0;
	v52 =	vor.u32 $0xD0, v0;
	v40 =	vor.u32 $0x1D0, v0;
	[tilespmem:$0x1FFE0] =	vst v42  }
0x2c: {  	s19 =	simm.s32 $0x3;
	s24 =	simm.s32 $0x18300;
	s25 =	simm.s32 $0x18400;
	v53 =	vor.u32 $0xE0, v0;
	v54 =	vor.u32 $0xF0, v0;
	v15 =	vor.u32 $0x380, v0;
	[tilespmem:$0x1FFF0] =	vst v40  }
0x2d: {  	s26 =	simm.s32 $0x0;
	v55 =	vor.u32 $0x100, v0;
	v56 =	vor.u32 $0x110, v0;
	s4 =	sand.u32 $0x1, s3;
	s5 =	sshll.u32 s5, $0x1;
	v32 =	vor.u32 $0x390, v0;
	[tilespmem:$0x1FE10] =	vst v15  }
0x2e: {  	v57 =	vor.u32 $0x120, v0;
	v58 =	vor.u32 $0x130, v0;
	s3 =	sadd.s32 $0xE00, s0;
	s8 =	sadd.s32 $0xE10, s0;
	s7 =	sor.u32 s4, s5;
	v61 =	vor.u32 $0x3A0, v0;
	[tilespmem:$0x1FE20] =	vst v32  }
0x2f: {  	v59 =	vor.u32 $0x140, v0;
	v37 =	vor.u32 $0x170, v0;
	s10 =	sadd.s32 $0xE20, s0;
	s4 =	ssub.s32 $0x2, s4;
	v62 =	vor.u32 $0x3B0, v0;
	s5 =	sshll.u32 s7, $0x5;
	[tilespmem:$0x1FE30] =	vst v61  }
0x30: {  	v36 =	vor.u32 $0x290, v0;
	v35 =	vor.u32 $0x330, v0;
	v0 =	vor.u32 $0x3C0, v0;
	s6 =	sshll.u32 s7, $0x7;
	s31 =	sshrl.u32 s4, $0x1;
	s7 =	sshll.u32 s7, $0x11;
	[tilespmem:$0x1FE40] =	vst v62  }
0x31: {  	[tilespmem:$0x1FE50] =	vst v0;
	s14 =	sadd.s32 s5, s0;
	s1 =	sadd.s32 s6, s1;
	s15 =	ssub.s32 s4, s31  }
0x32: {  	vm4 =	vmmov $0xff;
	v63 =	vimm.s32 $0x0;
	[tilespmem:$0x1FF20] =	vst v36;
	s9 =	sadd.s32 s3, s7;
	s12 =	sadd.s32 s7, s8;
	s13 =	sadd.s32 s7, s10  }
0x33: {  	[tilespmem:$0x1FF30] =	vst v35;
	v0 =	vsel vm4, $0xFFFFFFFF, v63;
	s4 =	sadd.s32 $0x10, s1;
	s5 =	sadd.s32 $0x20, s1;
	s6 =	sadd.s32 $0x30, s1  }
0x34: {  	[tilespmem:$0x1FF40] =	vst v0;
	s11 =	sadd.s32 $0x800E00, s14;
	s14 =	sadd.s32 $0x801200, s14;
	s15 =	smax.u32 s15, $0x1  }
.LBB2_1:
0x35: {  	s0 =	simm.s32 $0x18000  }
0x36: {  	[tilespmem:s0], [sflag:$0x3] =	stream.strided.gather [hbm4b:s4+s16], $0x100, s17, s16, $0x38;
	[tilespmem:$0x18500] =	vst v63  }
0x37: {  	_ =	swait.ge [sflag:s19], $0x100  }
0x38: {  	[sflag:s19] =	ssyncset.done $0x0  }
0x39: {  	s28 =	simm.s32 $0x18100;
	[sflag:s19] =	ssyncadd.s32 $0xFFFFFF00  }
0x3a: {  	[tilespmem:s28], [sflag:$0x3] =	stream.strided.gather [hbm4b:s5+s16], $0x100, s17, s16, $0x38;
	[tilespmem:$0x18500] =	vst v63  }
0x3b: {  	_ =	swait.ge [sflag:s19], $0x100  }
0x3c: {  	[sflag:s19] =	ssyncset.done $0x0  }
0x3d: {  	s30 =	simm.s32 $0x18200;
	[sflag:s19] =	ssyncadd.s32 $0xFFFFFF00  }
0x3e: {  	[tilespmem:s30], [sflag:$0x3] =	stream.strided.gather [hbm4b:s6+s16], $0x100, s17, s16, $0x38;
	[tilespmem:$0x18500] =	vst v63  }
0x3f: {  	_ =	swait.ge [sflag:s19], $0x100  }
0x40: {  	[sflag:s19] =	ssyncset.done $0x0  }
0x41: {  	[sflag:s19] =	ssyncadd.s32 $0xFFFFFF00  }
0x42: {  	[tilespmem:s2], [sflag:$0x1] =	stream.strided.gather [hbm4b:s9+s16], $0x4000, s17, s16, $0x38;
	[tilespmem:$0x18500] =	vst v63  }
0x43: {  	s31 =	simm.s32 $0x8000  }
0x44: {  	[tilespmem:s31], [sflag:$0x1] =	stream.strided.gather [hbm4b:s12+s16], $0x4000, s17, s16, $0x38;
	[tilespmem:$0x18500] =	vst v63  }
0x45: {  	p0 =	por $0x0, $0x0;
	s29 =	simm.s32 $0x0  }
0x46: {  	[tilespmem:s23], [sflag:$0x1] =	stream.strided.gather [hbm4b:s13+s16], $0x4000, s17, s16, $0x38;
	[tilespmem:$0x18500] =	vst v63  }
.LBB2_2:
0x47: {  	s0 =	sand.u32 $0x1, s29;
	s28 =	sadd.s32 $0x1, s29;
	p1 =	seq.s32 s29, $0xF  }
0x48: {  	s1 =	sxor.u32 @!p1 $0x1, s0;
	s30 =	sshll.u32 @!p1 s28, $0xD  }
0x49: {  	s20 =	simm.s32 @!p1 $0x80;
	s21 =	simm.s32 @!p1 $0x200;
	s30 =	sadd.s32 @!p1 s7, s30  }
0x4a: {  	s31 =	sadd.s32 @!p1 $0x1, s1;
	s1 =	sshll.u32 @!p1 s1, $0xE;
	s18 =	sadd.s32 @!p1 s3, s30  }
0x4b: {  	[tilespmem:s1], [sflag:s31] =	stream.strided.gather @!p1 [hbm4b:s18+s20], $0x4000, s21, s20, $0x38;
	[tilespmem:$0x18500] =	vst v63  }
0x4c: {  	s22 =	sadd.s32 @!p1 s30, s8;
	s18 =	sor.u32 @!p1 $0x8000, s1  }
0x4d: {  	[tilespmem:s18], [sflag:s31] =	stream.strided.gather @!p1 [hbm4b:s22+s20], $0x4000, s21, s20, $0x38;
	[tilespmem:$0x18500] =	vst v63  }
0x4e: {  	s1 =	sor.u32 @!p1 $0x10000, s1;
	s18 =	sadd.s32 @!p1 s30, s10;
	s22 =	sadd.s32 $0x1, s0  }
0x4f: {  	[tilespmem:s1], [sflag:s31] =	stream.strided.gather @!p1 [hbm4b:s18+s20], $0x4000, s21, s20, $0x38;
	[tilespmem:$0x18500] =	vst v63  }
0x50: {  	_ =	swait.ge [sflag:s22], $0x4000  }
0x51: {  	[sflag:s22] =	ssyncset.done $0x0  }
0x52: {  	[sflag:s22] =	ssyncadd.s32 $0xFFFFC000  }
0x53: {  	_ =	swait.ge [sflag:s22], $0x4000  }
0x54: {  	s0 =	simm.s32 $0x1;
	[sflag:s22] =	ssyncset.done $0x0  }
0x55: {  	s0 =	simm.s32 @!p0 $0x0;
	[sflag:s22] =	ssyncadd.s32 $0xFFFFC000  }
0x56: {  	v1 =	vimm.f32 $0.0e+00;
	v7 =	vimm.f32 $1.000000000e+00;
	v8 =	vimm.s32 $0x0;
	s0 =	sshll.u32 s0, $0xE;
	_ =	swait.ge [sflag:s22], $0x4000  }
0x57: {  	v9 =	vimm.s32 $0x0;
	v10 =	vimm.s32 $0x0;
	v2 =	vimm.f32 $1.000000000e+00;
	s1 =	simm.s32 $0x0;
	s30 =	sor.u32 $0x1F0, s0;
	[sflag:s22] =	ssyncset.done $0x0  }
0x58: {  	v3 =	vimm.f32 $1.000000000e+00;
	v4 =	vimm.f32 $0.0e+00;
	v5 =	vimm.f32 $0.0e+00;
	s31 =	sor.u32 $0x81F0, s0;
	s0 =	sor.u32 $0x101F0, s0;
	[sflag:s22] =	ssyncadd.s32 $0xFFFFC000  }
.LBB2_3:
0x59: {  	v6 =	vld [tilespmem:s30+$0xFFFFFE10]  }
0x5a: {  	v12 =	vld [tilespmem:s30+$0xFFFFFE60]  }
0x5b: {  	[tilespmem:$0x1FCB0] =	vst v7;
	v7 =	vld [tilespmem:s30+$0xFFFFFE20]  }
0x5c: {  	[tilespmem:$0x1FCC0] =	vst v8;
	v8 =	vld [tilespmem:s30+$0xFFFFFE30]  }
0x5d: {  	[tilespmem:$0x1FC90] =	vst v10;
	v14 =	vld [tilespmem:s30+$0xFFFFFE80]  }
0x5e: {  	[tilespmem:$0x1FCD0] =	vst v9;
	v10 =	vld [tilespmem:s30+$0xFFFFFE40];
	v9 =	vmul.f32 $1.442695020e+00, v6  }
0x5f: {  	v11 =	vld [tilespmem:s30+$0xFFFFFE50];
	v16 =	vlaneseq.u32;
	vm0 =	vlt.f32 v6, $-Inf;
	v15 =	vmul.f32 $1.442695020e+00, v12  }
0x60: {  	vm1 =	vgt.f32 v6, $-Inf;
	(erf) = vpow2.f32 v9;
	v9 =	vmul.f32 $1.442695020e+00, v7  }
0x61: {  	v13 =	vld [tilespmem:s30+$0xFFFFFE70];
	vm8 =	vlt.f32 v7, $-Inf;
	vm2 =	vgt.f32 v7, $-Inf;
	vm10 =	vlt.f32 v8, $-Inf  }
0x62: {  	vm11 =	vgt.f32 v8, $-Inf;
	v21 =	vmul.f32 $1.442695020e+00, v14;
	(erf) = vpow2.f32 v9  }
0x63: {  	v19 =	vld [tilespmem:s30+$0xFFFFFEA0];
	vm12 =	vlt.f32 v10, $-Inf;
	vm13 =	vgt.f32 v10, $-Inf;
	v9 =	vmul.f32 $1.442695020e+00, v8  }
0x64: {  	vm14 =	vgt.f32 v11, v6;
	v6 =	vmax.f32 v6, v11;
	vm15 =	vgt.f32 v12, v7  }
0x65: {  	vm0 =	vmor vm1, vm0;
	(erf) = vpow2.f32 v9;
	v9 =	vmul.f32 $1.442695020e+00, v10  }
0x66: {  	vm9 =	vmor vm2, vm8;
	vm8 =	vgt.f32 v13, v8;
	v16 =	vnsel vm0, $0x0, v16  }
0x67: {  	v7 =	vmax.f32 v7, v12;
	(erf) = vpow2.f32 v9;
	v9 =	vmul.f32 $1.442695020e+00, v11  }
0x68: {  	v23 =	vld [tilespmem:s30+$0xFFFFFEB0];
	vm0 =	vmor vm11, vm10;
	vm11 =	vgt.f32 v19, v7;
	v7 =	vmax.f32 v7, v19  }
0x69: {  	v26 =	vld [tilespmem:s30+$0xFFFFFEC0];
	v8 =	vmax.f32 v8, v13;
	v11 =	vsel vm14, v27, v16;
	(erf) = vpow2.f32 v9;
	v17 =	vpop (erf)  }
0x6a: {  	v9 =	vld [tilespmem:s30+$0xFFFFFE90];
	v41 =	vadd.f32 $0.0e+00, v17;
	v17 =	vnsel vm9, $0x0, v18;
	v18 =	vmul.f32 $1.442695020e+00, v13  }
0x6b: {  	v25 =	vld [tilespmem:$0x1FE80];
	(erf) = vpow2.f32 v15;
	vm9 =	vgt.f32 v14, v10;
	v10 =	vmax.f32 v10, v14;
	v20 =	vpop (erf)  }
0x6c: {  	v42 =	vsel vm15, v28, v17;
	v20 =	vadd.f32 $0.0e+00, v20;
	(erf) = vpow2.f32 v18  }
0x6d: {  	v18 =	vnsel vm0, $0x0, v22;
	vm0 =	vmor vm13, vm12;
	v12 =	vsel vm11, v33, v42  }
0x6e: {  	vm12 =	vgt.f32 v23, v8;
	v8 =	vmax.f32 v8, v23;
	vm13 =	vgt.f32 v26, v10  }
0x6f: {  	v17 =	vld [tilespmem:s30+$0xFFFFFED0];
	v10 =	vmax.f32 v10, v26;
	(erf) = vpow2.f32 v21;
	v21 =	vmul.f32 $1.442695020e+00, v9  }
0x70: {  	v25 =	vnsel vm0, $0x0, v25;
	v43 =	vsel vm8, v29, v18;
	vm10 =	vgt.f32 v9, v6  }
0x71: {  	v27 =	vld [tilespmem:s30+$0xFFFFFF10];
	v22 =	vpop (erf);
	v6 =	vmax.f32 v6, v9;
	(erf) = vpow2.f32 v21;
	v21 =	vmul.f32 $1.442695020e+00, v19  }
0x72: {  	v22 =	vadd.f32 $0.0e+00, v22;
	v44 =	vsel vm9, v30, v25;
	v9 =	vsel vm10, v31, v11  }
0x73: {  	v25 =	vld [tilespmem:s30+$0xFFFFFEF0];
	v13 =	vsel vm12, v34, v43;
	v24 =	vpop (erf);
	(erf) = vpow2.f32 v21;
	v21 =	vmul.f32 $1.442695020e+00, v23  }
0x74: {  	v28 =	vld [tilespmem:s30+$0xFFFFFF30];
	v14 =	vsel vm13, v50, v44;
	vm14 =	vgt.f32 v17, v6;
	v6 =	vmax.f32 v6, v17;
	v16 =	vpop (erf)  }
0x75: {  	v9 =	vsel vm14, v51, v9;
	v15 =	vadd.f32 v16, v41;
	v16 =	vpop (erf);
	(erf) = vpow2.f32 v21  }
0x76: {  	vm9 =	vgt.f32 v27, v6;
	v16 =	vadd.f32 v16, v20;
	v20 =	vmul.f32 $1.442695020e+00, v26;
	v21 =	vld [tilespmem:s30+$0xFFFFFEE0]  }
0x77: {  	v45 =	vld [tilespmem:s30+$0xFFFFFF20];
	v24 =	vadd.f32 $0.0e+00, v24;
	v6 =	vmax.f32 v6, v27;
	v9 =	vsel vm9, v55, v9  }
0x78: {  	vm3 =	vgt.f32 v25, v8;
	v8 =	vmax.f32 v8, v25;
	v18 =	vpop (erf);
	(erf) = vpow2.f32 v20;
	v20 =	vld [tilespmem:s30+$0xFFFFFF00]  }
0x79: {  	v13 =	vsel vm3, v53, v13;
	vm11 =	vgt.f32 v28, v8;
	v18 =	vadd.f32 v18, v22;
	v22 =	vpop (erf)  }
0x7a: {  	v31 =	vld [tilespmem:s30+$0xFFFFFF60];
	v8 =	vmax.f32 v8, v28;
	v22 =	vadd.f32 v22, v24;
	v24 =	vmul.f32 $1.442695020e+00, v17  }
0x7b: {  	v0 =	vld [tilespmem:$0x1FFC0];
	v13 =	vsel vm11, v57, v13;
	vm15 =	vgt.f32 v21, v7;
	v7 =	vmax.f32 v7, v21  }
0x7c: {  	v11 =	vpop (erf);
	(erf) = vpow2.f32 v24;
	v24 =	vmul.f32 $1.442695020e+00, v21;
	v12 =	vsel vm15, v52, v12  }
0x7d: {  	v29 =	vld [tilespmem:s30+$0xFFFFFF40];
	vm10 =	vgt.f32 v45, v7;
	v7 =	vmax.f32 v7, v45;
	v19 =	vpop (erf);
	v23 =	vmul.f32 $1.442695020e+00, v20  }
0x7e: {  	v16 =	vadd.f32 v19, v16;
	v19 =	vmul.f32 $1.442695020e+00, v25;
	(erf) = vpow2.f32 v24;
	v24 =	vld [tilespmem:s30+$0xFFFFFF50];
	v30 =	vpop (erf)  }
0x7f: {  	v12 =	vsel vm10, v56, v12;
	vm14 =	vgt.f32 v31, v7;
	v18 =	vadd.f32 v30, v18;
	v30 =	vld [tilespmem:s30+$0xFFFFFF70]  }
0x80: {  	v12 =	vsel vm14, v0, v12;
	v0 =	vld [tilespmem:$0x1FFD0];
	(erf) = vpow2.f32 v19;
	v19 =	vmul.f32 $1.442695020e+00, v27  }
0x81: {  	v32 =	vld [tilespmem:s30+$0xFFFFFF80];
	v11 =	vadd.f32 v11, v15;
	(erf) = vpow2.f32 v23;
	v23 =	vmul.f32 $1.442695020e+00, v45;
	v26 =	vpop (erf)  }
0x82: {  	v46 =	vld [tilespmem:s30+$0xFFFFFF90];
	(erf) = vpow2.f32 v19;
	v19 =	vmul.f32 $1.442695020e+00, v28;
	v22 =	vadd.f32 v26, v22  }
0x83: {  	v47 =	vld [tilespmem:s30+$0xFFFFFFB0];
	(erf) = vpow2.f32 v23;
	v23 =	vmul.f32 $1.442695020e+00, v29;
	vm13 =	vgt.f32 v24, v6  }
0x84: {  	v26 =	vld [tilespmem:s30+$0xFFFFFFA0];
	(erf) = vpow2.f32 v19;
	v19 =	vmul.f32 $1.442695020e+00, v24;
	vm15 =	vgt.f32 v30, v8  }
0x85: {  	(erf) = vpow2.f32 v23;
	v23 =	vmul.f32 $1.442695020e+00, v31;
	v13 =	vsel vm15, v0, v13;
	v0 =	vld [tilespmem:$0x1FF90]  }
0x86: {  	v35 =	vld [tilespmem:s30+$0xFFFFFFC0];
	v6 =	vmax.f32 v6, v24;
	v17 =	vpop (erf);
	(erf) = vpow2.f32 v19;
	v19 =	vmul.f32 $1.442695020e+00, v30  }
0x87: {  	v11 =	vadd.f32 v17, v11;
	v17 =	vmul.f32 $1.442695020e+00, v32;
	(erf) = vpow2.f32 v23;
	v23 =	vld [tilespmem:s30+$0xFFFFFFD0]  }
0x88: {  	v48 =	vld [tilespmem:s30+$0xFFFFFFE0];
	v9 =	vsel vm13, v59, v9;
	v36 =	vpop (erf);
	(erf) = vpow2.f32 v19;
	v19 =	vmul.f32 $1.442695020e+00, v46  }
0x89: {  	vm9 =	vgt.f32 v46, v6;
	v21 =	vpop (erf);
	(erf) = vpow2.f32 v17;
	v17 =	vmul.f32 $1.442695020e+00, v26  }
0x8a: {  	v49 =	vpop (erf);
	(erf) = vpow2.f32 v19;
	v19 =	vmul.f32 $1.442695020e+00, v47;
	v9 =	vsel vm9, v0, v9;
	v0 =	vld [tilespmem:$0x1FFA0]  }
0x8b: {  	v38 =	vpop (erf);
	(erf) = vpow2.f32 v17;
	v17 =	vmul.f32 $1.442695020e+00, v35  }
0x8c: {  	(erf) = vpow2.f32 v19;
	v19 =	vmul.f32 $1.442695020e+00, v23  }
0x8d: {  	v7 =	vmax.f32 v7, v31;
	(erf) = vpow2.f32 v17;
	v17 =	vmul.f32 $1.442695020e+00, v48  }
0x8e: {  	vm10 =	vgt.f32 v26, v7;
	v25 =	vpop (erf)  }
0x8f: {  	v16 =	vadd.f32 v36, v16;
	v18 =	vadd.f32 v21, v18;
	v21 =	vpop (erf);
	v12 =	vsel vm10, v0, v12;
	v0 =	vld [tilespmem:$0x1FFB0]  }
0x90: {  	v60 =	vmov v37;
	vm8 =	vgt.f32 v20, v10;
	(erf) = vpow2.f32 v19;
	v19 =	vpop (erf)  }
0x91: {  	v62 =	vld [tilespmem:s30+$0xFFFFFFF0];
	v10 =	vmax.f32 v10, v20;
	v16 =	vadd.f32 v25, v16;
	(erf) = vpow2.f32 v17;
	v17 =	vpop (erf)  }
0x92: {  	v14 =	vsel vm8, v54, v14;
	vm12 =	vgt.f32 v29, v10;
	v8 =	vmax.f32 v8, v30;
	v20 =	vpop (erf)  }
0x93: {  	v10 =	vmax.f32 v10, v29;
	vm11 =	vgt.f32 v47, v8;
	v27 =	vpop (erf);
	v16 =	vadd.f32 v20, v16;
	v20 =	vld [tilespmem:s30+$0x0]  }
0x94: {  	v22 =	vadd.f32 v49, v22;
	v18 =	vadd.f32 v21, v18;
	v61 =	vpop (erf);
	v13 =	vsel vm11, v0, v13;
	v0 =	vld [tilespmem:$0x1FF80]  }
0x95: {  	v14 =	vsel vm12, v58, v14;
	vm8 =	vgt.f32 v32, v10;
	v10 =	vmax.f32 v10, v32;
	v63 =	vpop (erf)  }
0x96: {  	v28 =	vmul.f32 $1.442695020e+00, v62;
	v19 =	vadd.f32 v19, v22;
	v18 =	vadd.f32 v27, v18;
	v27 =	vld [tilespmem:s30+$0x10];
	v25 =	vpop (erf)  }
0x97: {  	v14 =	vsel vm8, v60, v14;
	vm12 =	vgt.f32 v35, v10;
	v36 =	vld [tilespmem:s30+$0x20];
	v11 =	vadd.f32 v38, v11;
	v21 =	vpop (erf)  }
0x98: {  	v19 =	vadd.f32 v61, v19;
	(erf) = vpow2.f32 v28;
	v18 =	vadd.f32 v21, v18;
	v21 =	vld [tilespmem:s30+$0x30]  }
0x99: {  	v16 =	vadd.f32 v25, v16;
	v25 =	vmul.f32 $1.442695020e+00, v20;
	v14 =	vsel vm12, v0, v14;
	v0 =	vld [tilespmem:$0x1FFE0]  }
0x9a: {  	v6 =	vmax.f32 v6, v46;
	v11 =	vadd.f32 v17, v11;
	v22 =	vpop (erf)  }
0x9b: {  	v19 =	vadd.f32 v22, v19;
	v22 =	vld [tilespmem:s30+$0x40];
	(erf) = vpow2.f32 v25;
	v25 =	vmul.f32 $1.442695020e+00, v27  }
0x9c: {  	[tilespmem:$0x1FC20] =	vst v2;
	v2 =	vld [tilespmem:$0x1FD10];
	vm13 =	vgt.f32 v23, v6;
	v11 =	vadd.f32 v63, v11  }
0x9d: {  	v6 =	vmax.f32 v6, v23;
	v23 =	vld [tilespmem:s30+$0x50];
	v24 =	vpop (erf);
	(erf) = vpow2.f32 v25;
	v25 =	vmul.f32 $1.442695020e+00, v36  }
0x9e: {  	v11 =	vadd.f32 v24, v11;
	v24 =	vmul.f32 $1.442695020e+00, v21;
	v9 =	vsel vm13, v0, v9;
	v0 =	vld [tilespmem:$0x1FFF0]  }
0x9f: {  	v8 =	vmax.f32 v8, v47;
	(erf) = vpow2.f32 v25;
	v25 =	vld [tilespmem:s30+$0x60]  }
0xa0: {  	[tilespmem:$0x1FC30] =	vst v3;
	v3 =	vld [tilespmem:$0x1FD20];
	v7 =	vmax.f32 v7, v26;
	(erf) = vpow2.f32 v24;
	v24 =	vmul.f32 $1.442695020e+00, v22  }
0xa1: {  	v10 =	vmax.f32 v10, v35;
	vm15 =	vgt.f32 v62, v8;
	vm14 =	vgt.f32 v48, v7;
	v26 =	vld [tilespmem:s30+$0x70];
	v17 =	vpop (erf)  }
0xa2: {  	v7 =	vmax.f32 v7, v48;
	v16 =	vadd.f32 v17, v16;
	v17 =	vpop (erf);
	(erf) = vpow2.f32 v24;
	v24 =	vld [tilespmem:s30+$0x80]  }
0xa3: {  	v17 =	vadd.f32 v17, v18;
	v18 =	vmul.f32 $1.442695020e+00, v23;
	v12 =	vsel vm14, v0, v12;
	v0 =	vld [tilespmem:$0x1FF50]  }
0xa4: {  	[tilespmem:$0x1FC50] =	vst v5;
	v5 =	vld [tilespmem:$0x1FD30];
	vm8 =	vgt.f32 v20, v10;
	v10 =	vmax.f32 v10, v20;
	v28 =	vmul.f32 $1.442695020e+00, v25  }
0xa5: {  	vm9 =	vgt.f32 v27, v6;
	v6 =	vmax.f32 v6, v27;
	(erf) = vpow2.f32 v18;
	v18 =	vld [tilespmem:s30+$0x90];
	v20 =	vpop (erf)  }
0xa6: {  	v35 =	vld [tilespmem:$0x1FCE0];
	v27 =	vmul.f32 $1.442695020e+00, v26;
	v19 =	vadd.f32 v20, v19;
	v20 =	vpop (erf);
	(erf) = vpow2.f32 v28  }
0xa7: {  	v8 =	vmax.f32 v8, v62;
	vm10 =	vgt.f32 v36, v7;
	v11 =	vadd.f32 v20, v11;
	v20 =	vld [tilespmem:s30+$0xA0]  }
0xa8: {  	(erf) = vpow2.f32 v27;
	v27 =	vmul.f32 $1.442695020e+00, v24;
	v13 =	vsel vm15, v0, v13;
	v0 =	vld [tilespmem:$0x1FF70]  }
0xa9: {  	v7 =	vmax.f32 v7, v36;
	v36 =	vld [tilespmem:$0x1FCF0];
	vm11 =	vgt.f32 v21, v8;
	v8 =	vmax.f32 v8, v21  }
0xaa: {  	vm12 =	vgt.f32 v22, v10;
	v21 =	vmul.f32 $1.442695020e+00, v18;
	(erf) = vpow2.f32 v27;
	v27 =	vld [tilespmem:s30+$0xB0]  }
0xab: {  	v10 =	vmax.f32 v10, v22;
	vm13 =	vgt.f32 v23, v6;
	v6 =	vmax.f32 v6, v23;
	v28 =	vld [tilespmem:$0x1FF00];
	v37 =	vpop (erf)  }
0xac: {  	v22 =	vld [tilespmem:s30+$0xC0];
	v15 =	vadd.f32 v37, v16;
	v16 =	vpop (erf);
	(erf) = vpow2.f32 v21;
	v21 =	vmul.f32 $1.442695020e+00, v20  }
0xad: {  	vm14 =	vgt.f32 v25, v7;
	v16 =	vadd.f32 v16, v17;
	v17 =	vpop (erf);
	v14 =	vsel vm8, v0, v14;
	v0 =	vld [tilespmem:$0x1FF60]  }
0xae: {  	v7 =	vmax.f32 v7, v25;
	v25 =	vld [tilespmem:s30+$0xE0];
	v17 =	vadd.f32 v17, v19;
	v19 =	vpop (erf);
	(erf) = vpow2.f32 v21  }
0xaf: {  	v37 =	vld [tilespmem:$0x1FD00];
	vm15 =	vgt.f32 v26, v8;
	v11 =	vadd.f32 v19, v11;
	v21 =	vmul.f32 $1.442695020e+00, v27;
	v19 =	vpop (erf)  }
0xb0: {  	v8 =	vmax.f32 v8, v26;
	v9 =	vsel vm9, v28, v9;
	v15 =	vadd.f32 v19, v15;
	v19 =	vld [tilespmem:s30+$0xD0]  }
0xb1: {  	v28 =	vld [tilespmem:$0x1FF10];
	vm9 =	vgt.f32 v18, v6;
	(erf) = vpow2.f32 v21;
	v21 =	vmul.f32 $1.442695020e+00, v22  }
0xb2: {  	v23 =	vpop (erf);
	v12 =	vsel vm10, v0, v12;
	vm10 =	vgt.f32 v20, v7;
	v7 =	vmax.f32 v7, v20;
	v20 =	vld [tilespmem:$0x1FF20]  }
0xb3: {  	v9 =	vsel vm13, v36, v9;
	v16 =	vadd.f32 v23, v16;
	v23 =	vpop (erf);
	(erf) = vpow2.f32 v21;
	v21 =	vld [tilespmem:s30+$0xF0]  }
0xb4: {  	v6 =	vmax.f32 v6, v18;
	v9 =	vsel vm9, v5, v9;
	v17 =	vadd.f32 v23, v17;
	v23 =	vld [tilespmem:s30+$0x100]  }
0xb5: {  	v26 =	vld [tilespmem:s30+$0x110];
	vm8 =	vgt.f32 v24, v10;
	v10 =	vmax.f32 v10, v24;
	v18 =	vpop (erf);
	v24 =	vmul.f32 $1.442695020e+00, v19  }
0xb6: {  	v42 =	vld [tilespmem:$0x1FD40];
	v11 =	vadd.f32 v18, v11;
	v18 =	vmul.f32 $1.442695020e+00, v25;
	v12 =	vsel vm14, v37, v12  }
0xb7: {  	v13 =	vsel vm11, v28, v13;
	(erf) = vpow2.f32 v24;
	v24 =	vld [tilespmem:s30+$0x120];
	v12 =	vsel vm10, v20, v12;
	v20 =	vpop (erf)  }
0xb8: {  	(erf) = vpow2.f32 v18;
	v18 =	vmul.f32 $1.442695020e+00, v21;
	v15 =	vadd.f32 v20, v15;
	v20 =	vld [tilespmem:s30+$0x130]  }
0xb9: {  	vm11 =	vgt.f32 v27, v8;
	v8 =	vmax.f32 v8, v27;
	v28 =	vld [tilespmem:s30+$0x140];
	v27 =	vmul.f32 $1.442695020e+00, v23  }
0xba: {  	v32 =	vld [tilespmem:$0x1FD50];
	v14 =	vsel vm12, v35, v14;
	(erf) = vpow2.f32 v18;
	v18 =	vmul.f32 $1.442695020e+00, v26  }
0xbb: {  	vm12 =	vgt.f32 v22, v10;
	v10 =	vmax.f32 v10, v22;
	v29 =	vpop (erf);
	(erf) = vpow2.f32 v27;
	v27 =	vld [tilespmem:s30+$0x150]  }
0xbc: {  	v61 =	vld [tilespmem:$0x1FD60];
	v13 =	vsel vm15, v2, v13;
	v22 =	vpop (erf);
	(erf) = vpow2.f32 v18;
	v18 =	vmul.f32 $1.442695020e+00, v24  }
0xbd: {  	[tilespmem:$0x1FC10] =	vst v1;
	v1 =	vld [tilespmem:$0x1FD70];
	v14 =	vsel vm8, v3, v14;
	v17 =	vadd.f32 v22, v17;
	v22 =	vmul.f32 $1.442695020e+00, v20  }
0xbe: {  	[tilespmem:$0x1FC40] =	vst v4;
	v4 =	vld [tilespmem:$0x1FDA0];
	v13 =	vsel vm11, v42, v13;
	(erf) = vpow2.f32 v18;
	v18 =	vmul.f32 $1.442695020e+00, v28  }
0xbf: {  	v62 =	vld [tilespmem:$0x1FD80];
	v14 =	vsel vm12, v32, v14;
	vm13 =	vgt.f32 v19, v6;
	(erf) = vpow2.f32 v22  }
0xc0: {  	v39 =	vld [tilespmem:$0x1FE10];
	v6 =	vmax.f32 v6, v19;
	(erf) = vpow2.f32 v18;
	v18 =	vmul.f32 $1.442695020e+00, v27  }
0xc1: {  	v33 =	vld [tilespmem:$0x1FD90];
	vm14 =	vgt.f32 v25, v7;
	v7 =	vmax.f32 v7, v25;
	v9 =	vsel vm13, v61, v9  }
0xc2: {  	v34 =	vld [tilespmem:$0x1FE00];
	vm9 =	vgt.f32 v26, v6;
	v6 =	vmax.f32 v6, v26;
	vm15 =	vgt.f32 v21, v8;
	v19 =	vpop (erf)  }
0xc3: {  	v63 =	vld [tilespmem:$0x1FDB0];
	v8 =	vmax.f32 v8, v21;
	v16 =	vadd.f32 v29, v16;
	v11 =	vadd.f32 v19, v11;
	v19 =	vpop (erf)  }
0xc4: {  	v44 =	vld [tilespmem:$0x1FDC0];
	v9 =	vsel vm9, v4, v9;
	v13 =	vsel vm15, v62, v13;
	(erf) = vpow2.f32 v18;
	v18 =	vpop (erf)  }
0xc5: {  	vm8 =	vgt.f32 v23, v10;
	v10 =	vmax.f32 v10, v23;
	v21 =	vld [tilespmem:s30+$0x180];
	v16 =	vadd.f32 v18, v16;
	v18 =	vpop (erf)  }
0xc6: {  	v14 =	vsel vm8, v33, v14;
	vm12 =	vgt.f32 v28, v10;
	v22 =	vld [tilespmem:$0x1FF30];
	v17 =	vadd.f32 v18, v17;
	v18 =	vpop (erf)  }
0xc7: {  	v12 =	vsel vm14, v1, v12;
	vm10 =	vgt.f32 v24, v7;
	v11 =	vadd.f32 v18, v11;
	v18 =	vld [tilespmem:s30+$0x160]  }
0xc8: {  	v41 =	vld [tilespmem:$0x1FDF0];
	v10 =	vmax.f32 v10, v28;
	v7 =	vmax.f32 v7, v24;
	v12 =	vsel vm10, v63, v12  }
0xc9: {  	vm11 =	vgt.f32 v20, v8;
	v8 =	vmax.f32 v8, v20;
	v20 =	vld [tilespmem:s30+$0x170];
	v15 =	vadd.f32 v19, v15  }
0xca: {  	v45 =	vld [tilespmem:$0x1FDD0];
	vm8 =	vgt.f32 v21, v10;
	v10 =	vmax.f32 v10, v21;
	v13 =	vsel vm11, v44, v13;
	v19 =	vpop (erf)  }
0xcb: {  	v46 =	vld [tilespmem:$0x1FDE0];
	vm13 =	vgt.f32 v27, v6;
	v6 =	vmax.f32 v6, v27;
	v15 =	vadd.f32 v19, v15;
	v19 =	vpop (erf)  }
0xcc: {  	v23 =	vld [tilespmem:s30+$0x1D0];
	v14 =	vsel vm12, v22, v14;
	v16 =	vadd.f32 v19, v16;
	v19 =	vpop (erf);
	v22 =	vmul.f32 $1.442695020e+00, v18  }
0xcd: {  	v17 =	vadd.f32 v19, v17;
	v19 =	vpop (erf);
	vm14 =	vgt.f32 v18, v7;
	v7 =	vmax.f32 v7, v18;
	v18 =	vld [tilespmem:s30+$0x190]  }
0xce: {  	v11 =	vadd.f32 v19, v11;
	v19 =	vmul.f32 $1.442695020e+00, v20;
	(erf) = vpow2.f32 v22;
	v22 =	vld [tilespmem:s30+$0x1A0]  }
0xcf: {  	vm15 =	vgt.f32 v20, v8;
	v8 =	vmax.f32 v8, v20;
	v20 =	vmul.f32 $1.442695020e+00, v21  }
0xd0: {  	v9 =	vsel vm13, v45, v9;
	v13 =	vsel vm15, v41, v13;
	(erf) = vpow2.f32 v19;
	v19 =	vld [tilespmem:s30+$0x1B0]  }
0xd1: {  	v14 =	vsel vm8, v34, v14;
	v12 =	vsel vm14, v46, v12;
	(erf) = vpow2.f32 v20;
	v20 =	vld [tilespmem:s30+$0x1C0]  }
0xd2: {  	v47 =	vld [tilespmem:$0x1FE20];
	vm9 =	vgt.f32 v18, v6;
	v6 =	vmax.f32 v6, v18;
	v18 =	vmul.f32 $1.442695020e+00, v18  }
0xd3: {  	v49 =	vld [tilespmem:$0x1FE50];
	v9 =	vsel vm9, v39, v9;
	vm13 =	vgt.f32 v23, v6;
	v21 =	vmul.f32 $1.442695020e+00, v22  }
0xd4: {  	v6 =	vmax.f32 v6, v23;
	vm10 =	vgt.f32 v22, v7;
	(erf) = vpow2.f32 v18;
	v18 =	vld [tilespmem:s30+$0x1E0]  }
0xd5: {  	v7 =	vmax.f32 v7, v22;
	v22 =	vld [tilespmem:s30+$0x1E8];
	(erf) = vpow2.f32 v21;
	v21 =	vmul.f32 $1.442695020e+00, v19  }
0xd6: {  	vm11 =	vgt.f32 v19, v8;
	v8 =	vmax.f32 v8, v19;
	v19 =	vmul.f32 $1.442695020e+00, v20  }
0xd7: {  	v12 =	vsel vm10, v47, v12;
	vm12 =	vgt.f32 v20, v10;
	(erf) = vpow2.f32 v21  }
0xd8: {  	v10 =	vmax.f32 v10, v20;
	v20 =	vsel vm13, v49, v9;
	(erf) = vpow2.f32 v19  }
0xd9: {  	v19 =	vmul.f32 $1.442695020e+00, v23;
	v21 =	vmax.f32 v7, v18;
	vm14 =	vgt.f32 v18, v7  }
0xda: {  	v48 =	vld [tilespmem:$0x1FE30];
	v7 =	vlaneseq.u32;
	v23 =	vmax.f32 v10, v22;
	v38 =	vmul.f32 $1.442695020e+00, v18  }
0xdb: {  	v25 =	vmul.f32 $1.442695020e+00, v22;
	v40 =	vor.u32 $0x3D0, v7;
	vm15 =	veq.f32 v21, v6  }
0xdc: {  	(erf) = vpow2.f32 v19;
	v19 =	vmax.f32 v6, v21;
	v7 =	vsel vm14, v40, v12  }
0xdd: {  	vm8 =	vgt.f32 v21, v6;
	v24 =	vmax.f32 v19, v8;
	v26 =	vmin.u32 v20, v7  }
0xde: {  	v27 =	vpop (erf);
	(erf) = vpow2.f32 v38;
	v38 =	vld [tilespmem:$0x1FE40];
	v18 =	vmax.f32 v24, v23;
	v6 =	vsel vm15, v26, v20  }
0xdf: {  	v13 =	vsel vm11, v48, v13;
	[tilespmem:$0x1FC60] =	vst v40;
	v12 =	vpop (erf);
	(xrf0) =	vmax.scan.msk.f32 $0xffff, v18;
	v6 =	vsel vm8, v7, v6  }
0xe0: {  	vm9 =	vgt.f32 v22, v10;
	(erf) = vpow2.f32 v25;
	v10 =	vmin.u32 v6, v13  }
0xe1: {  	v20 =	vpop (erf)  }
0xe2: {  	vm10 =	veq.f32 v8, v19;
	vm11 =	vgt.f32 v8, v19;
	v7 =	vlaneseq.u32;
	v22 =	vpop (erf)  }
0xe3: {  	v43 =	vadd.s32 $0x3D8, v7;
	v6 =	vsel vm10, v10, v6;
	v14 =	vsel vm12, v38, v14;
	v10 =	vpop (erf)  }
0xe4: {  	v8 =	vadd.f32 v27, v15;
	v6 =	vsel vm11, v13, v6;
	v14 =	vsel vm9, v43, v14;
	v19 =	vpop (erf)  }
0xe5: {  	vm13 =	vgt.f32 v23, v24;
	v21 =	vld [tilespmem:s31+$0xFFFFFE10];
	vm12 =	veq.f32 v23, v24;
	v13 =	vmin.u32 v6, v14;
	v15, _, _ =	vpop (xrf0)  }
0xe6: {  	v11 =	vadd.f32 v22, v11;
	v13 =	vsel vm12, v13, v6;
	v6 =	vbroadcast v15, $0xF;
	v15 =	vpop (erf)  }
0xe7: {  	v12 =	vadd.f32 v12, v16;
	v8 =	vadd.f32 v10, v8;
	v13 =	vsel vm13, v14, v13;
	v10 =	vpop (erf)  }
0xe8: {  	v16 =	vld [tilespmem:s31+$0xFFFFFE20];
	v17 =	vadd.f32 v20, v17;
	v13 =	vxor.u32 $0x80000000, v13;
	vm14 =	veq.f32 v18, v6;
	v20 =	vpop (erf)  }
0xe9: {  	v22 =	vld [tilespmem:s31+$0xFFFFFE30];
	v10 =	vadd.f32 v10, v11;
	v13 =	vnsel vm14, $0x800003E8, v13;
	v8 =	vadd.f32 v20, v8  }
0xea: {  	v14 =	vmul.f32 $1.442695020e+00, v21;
	v15 =	vadd.f32 v15, v17;
	v11 =	vpop (erf);
	(xrf0) =	vmin.scan.msk.u32 $0xffff, v13  }
0xeb: {  	v12 =	vadd.f32 v19, v12;
	v18 =	vld [tilespmem:s31+$0xFFFFFE40];
	v11 =	vsel vm4, $0x0, v11;
	v8 =	vadd.f32 v8, v10  }
0xec: {  	(erf) = vpow2.f32 v14;
	v14 =	vld [tilespmem:s31+$0xFFFFFE50];
	v11 =	vadd.f32 v11, v15  }
0xed: {  	v24 =	vld [tilespmem:$0x1FE60];
	vm15 =	vlt.f32 v21, $-Inf;
	v13 =	vmul.f32 $1.442695020e+00, v16;
	v8 =	vadd.f32 v8, v12  }
0xee: {  	vm8 =	vgt.f32 v21, $-Inf;
	vm9 =	vlt.f32 v16, $-Inf;
	v10 =	vmul.f32 $1.442695020e+00, v22;
	v15 =	vld [tilespmem:s31+$0xFFFFFE60]  }
0xef: {  	vm10 =	vgt.f32 v16, $-Inf;
	(erf) = vpow2.f32 v13;
	v0 =	vadd.f32 v11, v8;
	v8 =	vld [tilespmem:$0x1FEA0]  }
0xf0: {  	vm0 =	vmor vm8, vm15;
	v13 =	vmul.f32 $1.442695020e+00, v18;
	(erf) = vpow2.f32 v10;
	v10 =	vld [tilespmem:s31+$0xFFFFFE70];
	v11, _, _ =	vpop (xrf0)  }
0xf1: {  	v25 =	vld [tilespmem:$0x1FE70];
	v12 =	vmul.f32 $1.442695020e+00, v14;
	(v2sf) =	vpush v11, $0xF;
	v11 =	vlaneseq.u32  }
0xf2: {  	(erf) = vpow2.f32 v13;
	v13 =	vld [tilespmem:s31+$0xFFFFFE80];
	v11 =	vnsel vm0, $0x0, v11;
	vm0 =	vmor vm10, vm9  }
0xf3: {  	v26 =	vld [tilespmem:s31+$0xFFFFFEB0];
	vm8 =	vgt.f32 v15, v16;
	v24 =	vnsel vm0, $0x0, v24  }
0xf4: {  	(erf) = vpow2.f32 v12;
	v17 =	vmul.f32 $1.442695020e+00, v15;
	v24 =	vsel vm8, v8, v24;
	v8 =	vld [tilespmem:$0x1FEB0]  }
0xf5: {  	v20 =	vld [tilespmem:s31+$0xFFFFFE90];
	v19 =	vmul.f32 $1.442695020e+00, v10  }
0xf6: {  	v30 =	vld [tilespmem:$0x1FE80];
	vm11 =	vlt.f32 v22, $-Inf;
	vm12 =	vgt.f32 v22, $-Inf;
	(erf) = vpow2.f32 v17  }
0xf7: {  	v23 =	vld [tilespmem:s31+$0xFFFFFEA0];
	vm1 =	vmor vm12, vm11;
	(erf) = vpow2.f32 v19;
	v19 =	vmul.f32 $1.442695020e+00, v13  }
0xf8: {  	v31 =	vld [tilespmem:$0x1FE90];
	v25 =	vnsel vm1, $0x0, v25;
	vm13 =	vlt.f32 v18, $-Inf;
	vm9 =	vgt.f32 v10, v22  }
0xf9: {  	vm14 =	vgt.f32 v18, $-Inf;
	v12 =	vpop (erf);
	(erf) = vpow2.f32 v19;
	v25 =	vsel vm9, v8, v25;
	v8 =	vld [tilespmem:$0x1FEC0]  }
0xfa: {  	vm15 =	vgt.f32 v14, v21;
	v14 =	vmax.f32 v21, v14;
	v28 =	vmul.f32 $1.442695020e+00, v20;
	v17 =	vpop (erf)  }
0xfb: {  	v29 =	vld [tilespmem:s31+$0xFFFFFEC0];
	v15 =	vmax.f32 v16, v15;
	v12 =	vadd.f32 $0.0e+00, v12;
	vm0 =	vmor vm14, vm13;
	v27 =	vpop (erf)  }
0xfc: {  	v16 =	vld [tilespmem:s31+$0xFFFFFEE0];
	v19 =	vadd.f32 $0.0e+00, v27;
	(erf) = vpow2.f32 v28;
	v28 =	vmul.f32 $1.442695020e+00, v23;
	v27 =	vpop (erf)  }
0xfd: {  	v11 =	vsel vm15, v31, v11;
	v31 =	vld [tilespmem:s31+$0xFFFFFED0];
	v30 =	vnsel vm0, $0x0, v30;
	vm10 =	vgt.f32 v13, v18;
	v21 =	vpop (erf)  }
0xfe: {  	v12 =	vadd.f32 v21, v12;
	v21 =	vmul.f32 $1.442695020e+00, v26;
	v30 =	vsel vm10, v8, v30;
	v8 =	vld [tilespmem:$0x1FED0]  }
0xff: {  	vm11 =	vgt.f32 v20, v14;
	(erf) = vpow2.f32 v28  }
0x100: {  	v17 =	vadd.f32 $0.0e+00, v17;
	v28 =	vpop (erf);
	(erf) = vpow2.f32 v21;
	v21 =	vmul.f32 $1.442695020e+00, v29  }
0x101: {  	v10 =	vmax.f32 v22, v10;
	v13 =	vmax.f32 v18, v13;
	v27 =	vadd.f32 $0.0e+00, v27;
	v22 =	vpop (erf)  }
0x102: {  	v17 =	vadd.f32 v28, v17;
	v28 =	vld [tilespmem:s31+$0xFFFFFEF0];
	(erf) = vpow2.f32 v21;
	v21 =	vmul.f32 $1.442695020e+00, v31;
	v18 =	vpop (erf)  }
0x103: {  	v18 =	vadd.f32 v18, v27;
	v27 =	vmul.f32 $1.442695020e+00, v16;
	v11 =	vsel vm11, v8, v11;
	v8 =	vld [tilespmem:$0x1FEE0]  }
0x104: {  	v19 =	vadd.f32 v22, v19;
	v22 =	vld [tilespmem:s31+$0xFFFFFF00];
	(erf) = vpow2.f32 v21  }
0x105: {  	(erf) = vpow2.f32 v27;
	v27 =	vld [tilespmem:s31+$0xFFFFFF10];
	_ =	sdelay $0x1  }
0x106: {  	v14 =	vmax.f32 v14, v20;
	vm12 =	vgt.f32 v23, v15;
	v20 =	vpop (erf);
	v21 =	vmul.f32 $1.442695020e+00, v28  }
0x107: {  	v15 =	vmax.f32 v15, v23;
	v23 =	vsel vm12, v8, v24;
	v24 =	vpop (erf)  }
0x108: {  	(erf) = vpow2.f32 v21;
	v21 =	vmul.f32 $1.442695020e+00, v22;
	v17 =	vadd.f32 v24, v17;
	v24 =	vpop (erf)  }
0x109: {  	v19 =	vadd.f32 v24, v19;
	v24 =	vmul.f32 $1.442695020e+00, v27;
	_ =	sdelay $0x1  }
0x10a: {  	v12 =	vadd.f32 v20, v12;
	v20 =	vld [tilespmem:s31+$0xFFFFFF20]  }
0x10b: {  	[tilespmem:$0x1FC80] =	vst v0;
	v0 =	vld [tilespmem:$0x1FFC0];
	vm13 =	vgt.f32 v26, v10;
	v10 =	vmax.f32 v10, v26;
	(erf) = vpow2.f32 v21;
	v21 =	vpop (erf)  }
0x10c: {  	vm14 =	vgt.f32 v29, v13;
	v13 =	vmax.f32 v13, v29;
	v26 =	vld [tilespmem:s31+$0xFFFFFF30];
	(erf) = vpow2.f32 v24;
	v24 =	vpop (erf)  }
0x10d: {  	vm8 =	vgt.f32 v16, v15;
	v15 =	vmax.f32 v15, v16;
	v12 =	vadd.f32 v24, v12;
	v24 =	vld [tilespmem:s31+$0xFFFFFF60]  }
0x10e: {  	vm15 =	vgt.f32 v31, v14;
	v14 =	vmax.f32 v14, v31;
	v29 =	vsel vm14, v50, v30;
	v30 =	vld [tilespmem:s31+$0xFFFFFF40]  }
0x10f: {  	vm9 =	vgt.f32 v28, v10;
	v8 =	vld [tilespmem:$0x1FEF0];
	v18 =	vadd.f32 v21, v18;
	v21 =	vmul.f32 $1.442695020e+00, v20  }
0x110: {  	v31 =	vld [tilespmem:s31+$0xFFFFFF50];
	v10 =	vmax.f32 v10, v28;
	vm12 =	vgt.f32 v20, v15;
	v15 =	vmax.f32 v15, v20  }
0x111: {  	v28 =	vld [tilespmem:s31+$0xFFFFFF70];
	v23 =	vsel vm8, v52, v23;
	(erf) = vpow2.f32 v21;
	v21 =	vmul.f32 $1.442695020e+00, v26  }
0x112: {  	vm10 =	vgt.f32 v22, v13;
	v23 =	vsel vm12, v56, v23;
	vm8 =	vgt.f32 v24, v15  }
0x113: {  	(erf) = vpow2.f32 v21;
	v21 =	vmul.f32 $1.442695020e+00, v30;
	v23 =	vsel vm8, v0, v23;
	v0 =	vld [tilespmem:$0x1FFD0]  }
0x114: {  	v13 =	vmax.f32 v13, v22;
	v25 =	vsel vm13, v8, v25;
	vm13 =	vgt.f32 v26, v10  }
0x115: {  	v10 =	vmax.f32 v10, v26;
	(erf) = vpow2.f32 v21;
	v21 =	vmul.f32 $1.442695020e+00, v31  }
0x116: {  	v11 =	vsel vm15, v51, v11;
	v25 =	vsel vm9, v53, v25;
	vm9 =	vgt.f32 v28, v10;
	v16 =	vpop (erf)  }
0x117: {  	v25 =	vsel vm13, v57, v25;
	v16 =	vadd.f32 v16, v17;
	v17 =	vpop (erf);
	(erf) = vpow2.f32 v21;
	v21 =	vld [tilespmem:s31+$0xFFFFFF90]  }
0x118: {  	vm11 =	vgt.f32 v27, v14;
	v17 =	vadd.f32 v17, v19;
	v19 =	vpop (erf);
	v25 =	vsel vm9, v0, v25;
	v0 =	vld [tilespmem:$0x1FF90]  }
0x119: {  	v14 =	vmax.f32 v14, v27;
	v18 =	vadd.f32 v19, v18;
	v19 =	vmul.f32 $1.442695020e+00, v24  }
0x11a: {  	v22 =	vsel vm10, v54, v29;
	v29 =	vld [tilespmem:s31+$0xFFFFFF80];
	v11 =	vsel vm11, v55, v11;
	vm15 =	vgt.f32 v31, v14  }
0x11b: {  	v14 =	vmax.f32 v14, v31;
	v27 =	vpop (erf);
	(erf) = vpow2.f32 v19;
	v19 =	vmul.f32 $1.442695020e+00, v28  }
0x11c: {  	v11 =	vsel vm15, v59, v11;
	v12 =	vadd.f32 v27, v12;
	v27 =	vld [tilespmem:s31+$0xFFFFFFA0];
	vm11 =	vgt.f32 v21, v14  }
0x11d: {  	v11 =	vsel vm11, v0, v11;
	v0 =	vld [tilespmem:$0x1FFA0]  }
0x11e: {  	vm14 =	vgt.f32 v30, v13;
	v20 =	vpop (erf)  }
0x11f: {  	v26 =	vld [tilespmem:s31+$0xFFFFFFB0];
	v16 =	vadd.f32 v20, v16;
	v20 =	vmul.f32 $1.442695020e+00, v29;
	(erf) = vpow2.f32 v19;
	v19 =	vpop (erf)  }
0x120: {  	v15 =	vmax.f32 v15, v24;
	v17 =	vadd.f32 v19, v17;
	v19 =	vmul.f32 $1.442695020e+00, v21  }
0x121: {  	v13 =	vmax.f32 v13, v30;
	v30 =	vld [tilespmem:s31+$0xFFFFFFC0];
	(erf) = vpow2.f32 v20;
	vm12 =	vgt.f32 v27, v15  }
0x122: {  	(erf) = vpow2.f32 v19;
	v19 =	vmul.f32 $1.442695020e+00, v27;
	v23 =	vsel vm12, v0, v23;
	v0 =	vld [tilespmem:$0x1FFB0]  }
0x123: {  	v10 =	vmax.f32 v10, v28;
	v20 =	vsel vm14, v58, v22;
	v22 =	vpop (erf)  }
0x124: {  	v18 =	vadd.f32 v22, v18;
	v22 =	vld [tilespmem:s31+$0xFFFFFFD0];
	v31 =	vpop (erf);
	(erf) = vpow2.f32 v19;
	v19 =	vmul.f32 $1.442695020e+00, v26  }
0x125: {  	vm13 =	vgt.f32 v26, v10;
	v24 =	vpop (erf)  }
0x126: {  	v12 =	vadd.f32 v31, v12;
	v31 =	vld [tilespmem:s31+$0xFFFFFFE0];
	v16 =	vadd.f32 v24, v16;
	v24 =	vmul.f32 $1.442695020e+00, v30  }
0x127: {  	(erf) = vpow2.f32 v19;
	v25 =	vsel vm13, v0, v25;
	v0 =	vld [tilespmem:$0x1FF80]  }
0x128: {  	vm10 =	vgt.f32 v29, v13;
	v19 =	vpop (erf)  }
0x129: {  	v13 =	vmax.f32 v13, v29;
	v28 =	vld [tilespmem:s31+$0xFFFFFFF0];
	v17 =	vadd.f32 v19, v17;
	v19 =	vmul.f32 $1.442695020e+00, v22  }
0x12a: {  	v29 =	vld [tilespmem:s31+$0x0];
	vm14 =	vgt.f32 v30, v13;
	v20 =	vsel vm10, v60, v20;
	(erf) = vpow2.f32 v24;
	v24 =	vpop (erf)  }
0x12b: {  	v18 =	vadd.f32 v24, v18;
	v24 =	vld [tilespmem:s31+$0x10];
	(erf) = vpow2.f32 v19;
	v19 =	vmul.f32 $1.442695020e+00, v31  }
0x12c: {  	v20 =	vsel vm14, v0, v20;
	v0 =	vld [tilespmem:$0x1FFE0]  }
0x12d: {  	v14 =	vmax.f32 v14, v21;
	v15 =	vmax.f32 v15, v27;
	v21 =	vpop (erf)  }
0x12e: {  	v27 =	vld [tilespmem:s31+$0x20];
	v12 =	vadd.f32 v21, v12;
	v21 =	vmul.f32 $1.442695020e+00, v28;
	(erf) = vpow2.f32 v19  }
0x12f: {  	vm15 =	vgt.f32 v22, v14;
	v19 =	vpop (erf)  }
0x130: {  	(erf) = vpow2.f32 v21;
	v21 =	vmul.f32 $1.442695020e+00, v29;
	v16 =	vadd.f32 v19, v16;
	v19 =	vpop (erf)  }
0x131: {  	v17 =	vadd.f32 v19, v17;
	v19 =	vmul.f32 $1.442695020e+00, v24;
	v11 =	vsel vm15, v0, v11;
	v0 =	vld [tilespmem:$0x1FFF0]  }
0x132: {  	v10 =	vmax.f32 v10, v26;
	v26 =	vld [tilespmem:s31+$0x30];
	(erf) = vpow2.f32 v21  }
0x133: {  	v21 =	vld [tilespmem:s31+$0x40];
	(erf) = vpow2.f32 v19;
	v19 =	vmul.f32 $1.442695020e+00, v27  }
0x134: {  	v13 =	vmax.f32 v13, v30;
	v30 =	vpop (erf)  }
0x135: {  	vm8 =	vgt.f32 v31, v15;
	v18 =	vadd.f32 v30, v18;
	v30 =	vld [tilespmem:s31+$0x50]  }
0x136: {  	v14 =	vmax.f32 v14, v22;
	v15 =	vmax.f32 v15, v31;
	v22 =	vpop (erf);
	v23 =	vsel vm8, v0, v23;
	v0 =	vld [tilespmem:$0x1FF50]  }
0x137: {  	v31 =	vld [tilespmem:s31+$0x60];
	v12 =	vadd.f32 v22, v12;
	(erf) = vpow2.f32 v19;
	v22 =	vmul.f32 $1.442695020e+00, v26;
	v19 =	vpop (erf)  }
0x138: {  	v16 =	vadd.f32 v19, v16;
	v19 =	vmul.f32 $1.442695020e+00, v21  }
0x139: {  	vm9 =	vgt.f32 v28, v10;
	(erf) = vpow2.f32 v22  }
0x13a: {  	v10 =	vmax.f32 v10, v28;
	v28 =	vld [tilespmem:s31+$0x70];
	(erf) = vpow2.f32 v19;
	v19 =	vmul.f32 $1.442695020e+00, v30  }
0x13b: {  	v22 =	vsel vm9, v0, v25;
	v25 =	vpop (erf)  }
0x13c: {  	(erf) = vpow2.f32 v19;
	v19 =	vmul.f32 $1.442695020e+00, v31;
	v17 =	vadd.f32 v25, v17;
	v25 =	vld [tilespmem:s31+$0x80]  }
0x13d: {  	vm10 =	vgt.f32 v29, v13;
	v13 =	vmax.f32 v13, v29;
	v29 =	vpop (erf)  }
0x13e: {  	vm11 =	vgt.f32 v24, v14;
	v14 =	vmax.f32 v14, v24;
	v18 =	vadd.f32 v29, v18;
	v24 =	vpop (erf);
	v29 =	vld [tilespmem:s31+$0x90]  }
0x13f: {  	(erf) = vpow2.f32 v19;
	v12 =	vadd.f32 v24, v12;
	v24 =	vmul.f32 $1.442695020e+00, v28  }
0x140: {  	v8 =	vld [tilespmem:$0x1FF00];
	vm12 =	vgt.f32 v27, v15;
	v19 =	vpop (erf)  }
0x141: {  	v15 =	vmax.f32 v15, v27;
	v27 =	vld [tilespmem:s31+$0xA0];
	v16 =	vadd.f32 v19, v16;
	v19 =	vmul.f32 $1.442695020e+00, v25  }
0x142: {  	vm13 =	vgt.f32 v26, v10;
	(erf) = vpow2.f32 v24  }
0x143: {  	v10 =	vmax.f32 v10, v26;
	v26 =	vld [tilespmem:s31+$0xB0];
	v24 =	vpop (erf);
	(erf) = vpow2.f32 v19;
	v19 =	vmul.f32 $1.442695020e+00, v29  }
0x144: {  	vm14 =	vgt.f32 v21, v13;
	v13 =	vmax.f32 v13, v21;
	v17 =	vadd.f32 v24, v17;
	v24 =	vld [tilespmem:s31+$0xC0]  }
0x145: {  	vm15 =	vgt.f32 v30, v14;
	v14 =	vmax.f32 v14, v30;
	v11 =	vsel vm11, v8, v11;
	v8 =	vld [tilespmem:$0x1FF10];
	v21 =	vpop (erf)  }
0x146: {  	v30 =	vld [tilespmem:s31+$0xD0];
	v18 =	vadd.f32 v21, v18;
	v21 =	vmul.f32 $1.442695020e+00, v27;
	(erf) = vpow2.f32 v19  }
0x147: {  	v11 =	vsel vm15, v36, v11;
	v0 =	vld [tilespmem:$0x1FF70];
	v19 =	vpop (erf)  }
0x148: {  	(erf) = vpow2.f32 v21;
	v21 =	vmul.f32 $1.442695020e+00, v26;
	v12 =	vadd.f32 v19, v12;
	v19 =	vpop (erf)  }
0x149: {  	vm8 =	vgt.f32 v31, v15;
	v16 =	vadd.f32 v19, v16;
	v19 =	vmul.f32 $1.442695020e+00, v24  }
0x14a: {  	v15 =	vmax.f32 v15, v31;
	v31 =	vld [tilespmem:s31+$0xE0];
	vm9 =	vgt.f32 v28, v10;
	(erf) = vpow2.f32 v21  }
0x14b: {  	v10 =	vmax.f32 v10, v28;
	v21 =	vld [tilespmem:s31+$0xF0];
	(erf) = vpow2.f32 v19;
	v19 =	vmul.f32 $1.442695020e+00, v30  }
0x14c: {  	v22 =	vsel vm13, v8, v22;
	vm13 =	vgt.f32 v26, v10;
	v20 =	vsel vm10, v0, v20;
	v0 =	vld [tilespmem:$0x1FF60];
	v28 =	vpop (erf)  }
0x14d: {  	v22 =	vsel vm9, v2, v22;
	vm10 =	vgt.f32 v25, v13;
	v17 =	vadd.f32 v28, v17;
	v28 =	vld [tilespmem:s31+$0x100]  }
0x14e: {  	v13 =	vmax.f32 v13, v25;
	vm11 =	vgt.f32 v29, v14;
	v14 =	vmax.f32 v14, v29;
	v25 =	vpop (erf)  }
0x14f: {  	v29 =	vld [tilespmem:s31+$0x110];
	v18 =	vadd.f32 v25, v18;
	(erf) = vpow2.f32 v19;
	v25 =	vmul.f32 $1.442695020e+00, v31;
	v19 =	vpop (erf)  }
0x150: {  	v20 =	vsel vm14, v35, v20;
	v12 =	vadd.f32 v19, v12;
	v19 =	vmul.f32 $1.442695020e+00, v21  }
0x151: {  	v23 =	vsel vm12, v0, v23;
	vm12 =	vgt.f32 v27, v15;
	(erf) = vpow2.f32 v25  }
0x152: {  	v15 =	vmax.f32 v15, v27;
	v27 =	vld [tilespmem:s31+$0x120];
	(erf) = vpow2.f32 v19;
	v19 =	vmul.f32 $1.442695020e+00, v28  }
0x153: {  	v8 =	vld [tilespmem:$0x1FF20];
	v10 =	vmax.f32 v10, v26;
	v22 =	vsel vm13, v42, v22;
	v20 =	vsel vm10, v3, v20;
	v25 =	vpop (erf)  }
0x154: {  	v16 =	vadd.f32 v25, v16;
	v25 =	vld [tilespmem:s31+$0x130];
	(erf) = vpow2.f32 v19;
	v19 =	vmul.f32 $1.442695020e+00, v29  }
0x155: {  	v11 =	vsel vm11, v5, v11;
	vm15 =	vgt.f32 v30, v14;
	v14 =	vmax.f32 v14, v30;
	v26 =	vpop (erf)  }
0x156: {  	vm14 =	vgt.f32 v24, v13;
	v13 =	vmax.f32 v13, v24;
	v17 =	vadd.f32 v26, v17;
	v26 =	vld [tilespmem:s31+$0x140];
	v24 =	vpop (erf)  }
0x157: {  	v18 =	vadd.f32 v24, v18;
	v24 =	vmul.f32 $1.442695020e+00, v27;
	(erf) = vpow2.f32 v19  }
0x158: {  	v11 =	vsel vm15, v61, v11;
	v23 =	vsel vm8, v37, v23;
	vm8 =	vgt.f32 v31, v15;
	v19 =	vpop (erf)  }
0x159: {  	v23 =	vsel vm12, v8, v23;
	v30 =	vld [tilespmem:s31+$0x150];
	v12 =	vadd.f32 v19, v12;
	v19 =	vmul.f32 $1.442695020e+00, v25  }
0x15a: {  	v15 =	vmax.f32 v15, v31;
	v23 =	vsel vm8, v1, v23;
	(erf) = vpow2.f32 v24  }
0x15b: {  	vm11 =	vgt.f32 v29, v14;
	v31 =	vld [tilespmem:s31+$0x160];
	v24 =	vpop (erf);
	(erf) = vpow2.f32 v19;
	v19 =	vmul.f32 $1.442695020e+00, v26  }
0x15c: {  	v14 =	vmax.f32 v14, v29;
	vm9 =	vgt.f32 v21, v10;
	v16 =	vadd.f32 v24, v16;
	v24 =	vld [tilespmem:s31+$0x170]  }
0x15d: {  	v10 =	vmax.f32 v10, v21;
	vm10 =	vgt.f32 v28, v13;
	v13 =	vmax.f32 v13, v28;
	v21 =	vpop (erf)  }
0x15e: {  	v28 =	vld [tilespmem:s31+$0x180];
	v17 =	vadd.f32 v21, v17;
	v21 =	vmul.f32 $1.442695020e+00, v30;
	(erf) = vpow2.f32 v19  }
0x15f: {  	v20 =	vsel vm14, v32, v20;
	v11 =	vsel vm11, v4, v11;
	vm12 =	vgt.f32 v27, v15;
	v19 =	vpop (erf)  }
0x160: {  	(erf) = vpow2.f32 v21;
	v21 =	vmul.f32 $1.442695020e+00, v31;
	v18 =	vadd.f32 v19, v18;
	v19 =	vpop (erf)  }
0x161: {  	v15 =	vmax.f32 v15, v27;
	v12 =	vadd.f32 v19, v12;
	v19 =	vmul.f32 $1.442695020e+00, v24  }
0x162: {  	v23 =	vsel vm12, v63, v23;
	v22 =	vsel vm9, v62, v22;
	v29 =	vld [tilespmem:s31+$0x190];
	(erf) = vpow2.f32 v21  }
0x163: {  	v20 =	vsel vm10, v33, v20;
	v21 =	vld [tilespmem:s31+$0x1A0];
	(erf) = vpow2.f32 v19;
	v19 =	vmul.f32 $1.442695020e+00, v28  }
0x164: {  	v3 =	vmovc v42;
	v42 =	vld [tilespmem:s31+$0x1B0];
	vm15 =	vgt.f32 v30, v14;
	v14 =	vmax.f32 v14, v30;
	vm8 =	vgt.f32 v31, v15  }
0x165: {  	v8 =	vld [tilespmem:$0x1FF30];
	v11 =	vsel vm15, v45, v11;
	v15 =	vmax.f32 v15, v31;
	v23 =	vsel vm8, v46, v23;
	v27 =	vpop (erf)  }
0x166: {  	vm13 =	vgt.f32 v25, v10;
	v10 =	vmax.f32 v10, v25;
	vm14 =	vgt.f32 v26, v13;
	v25 =	vpop (erf)  }
0x167: {  	v17 =	vadd.f32 v25, v17;
	(erf) = vpow2.f32 v19;
	v25 =	vmul.f32 $1.442695020e+00, v29;
	v19 =	vpop (erf)  }
0x168: {  	v13 =	vmax.f32 v13, v26;
	v26 =	vld [tilespmem:s31+$0x1C0];
	v18 =	vadd.f32 v19, v18;
	v19 =	vmul.f32 $1.442695020e+00, v21  }
0x169: {  	v22 =	vsel vm13, v44, v22;
	(erf) = vpow2.f32 v25;
	v25 =	vmul.f32 $1.442695020e+00, v42  }
0x16a: {  	v20 =	vsel vm14, v8, v20;
	v16 =	vadd.f32 v27, v16;
	v27 =	vpop (erf);
	(erf) = vpow2.f32 v19;
	v19 =	vld [tilespmem:s31+$0x1D0]  }
0x16b: {  	vm10 =	vgt.f32 v28, v13;
	v12 =	vadd.f32 v27, v12;
	v27 =	vpop (erf);
	(erf) = vpow2.f32 v25;
	v25 =	vld [tilespmem:s31+$0x1E0]  }
0x16c: {  	v13 =	vmax.f32 v13, v28;
	vm9 =	vgt.f32 v24, v10;
	v10 =	vmax.f32 v10, v24;
	v24 =	vpop (erf)  }
0x16d: {  	vm11 =	vgt.f32 v29, v14;
	v17 =	vadd.f32 v24, v17;
	v24 =	vmul.f32 $1.442695020e+00, v26  }
0x16e: {  	v14 =	vmax.f32 v14, v29;
	v20 =	vsel vm10, v34, v20;
	v11 =	vsel vm11, v39, v11  }
0x16f: {  	v22 =	vsel vm9, v41, v22;
	v28 =	vmul.f32 $1.442695020e+00, v19;
	(erf) = vpow2.f32 v24  }
0x170: {  	vm13 =	vgt.f32 v42, v10;
	vm14 =	vgt.f32 v26, v13;
	v24 =	vmul.f32 $1.442695020e+00, v25  }
0x171: {  	v22 =	vsel vm13, v48, v22;
	v20 =	vsel vm14, v38, v20;
	(erf) = vpow2.f32 v28  }
0x172: {  	vm12 =	vgt.f32 v21, v15;
	v16 =	vadd.f32 v27, v16;
	v27 =	vpop (erf);
	(erf) = vpow2.f32 v24;
	v24 =	vld [tilespmem:s31+$0x1E8]  }
0x173: {  	v15 =	vmax.f32 v15, v21;
	v18 =	vadd.f32 v27, v18;
	vm15 =	vgt.f32 v19, v14;
	v27 =	vpop (erf)  }
0x174: {  	v21 =	vsel vm12, v47, v23;
	vm8 =	vgt.f32 v25, v15;
	v11 =	vsel vm15, v49, v11;
	v23 =	vpop (erf)  }
0x175: {  	v12 =	vadd.f32 v27, v12;
	v16 =	vadd.f32 v23, v16;
	v23 =	vmax.f32 v10, v42;
	v10 =	vpop (erf)  }
0x176: {  	v27 =	vmax.f32 v15, v25;
	v21 =	vsel vm8, v40, v21;
	v0 =	vadd.f32 v10, v17  }
0x177: {  	v29 =	vld [tilespmem:s0+$0xFFFFFE10];
	v17 =	vmax.f32 v13, v26;
	v26 =	vmax.f32 v14, v19;
	v36 =	vmul.f32 $1.442695020e+00, v24  }
0x178: {  	v25 =	vmin.u32 v11, v21;
	v28 =	vmax.f32 v26, v27;
	vm9 =	veq.f32 v27, v26;
	v30 =	vpop (erf)  }
0x179: {  	vm10 =	vgt.f32 v27, v26;
	(erf) = vpow2.f32 v36;
	v18 =	vadd.f32 v30, v18;
	v30 =	vld [tilespmem:s0+$0xFFFFFE20]  }
0x17a: {  	v37 =	vmax.f32 v17, v24;
	v19 =	vmax.f32 v28, v23;
	v11 =	vsel vm9, v25, v11;
	v39 =	vpop (erf)  }
0x17b: {  	vm11 =	vgt.f32 v24, v17;
	v17 =	vld [tilespmem:s0+$0xFFFFFE30];
	vm12 =	veq.f32 v23, v28;
	v11 =	vsel vm10, v21, v11;
	v41 =	vpop (erf)  }
0x17c: {  	v24 =	vld [tilespmem:s0+$0xFFFFFE40];
	v21 =	vmin.u32 v11, v22;
	v13 =	vadd.f32 v41, v16;
	v16 =	vmul.f32 $1.442695020e+00, v29  }
0x17d: {  	vm13 =	vgt.f32 v23, v28;
	v20 =	vsel vm11, v43, v20;
	v11 =	vsel vm12, v21, v11  }
0x17e: {  	v21 =	vld [tilespmem:s0+$0xFFFFFE50];
	(erf) = vpow2.f32 v16;
	v16 =	vsel vm13, v22, v11;
	v22 =	vmul.f32 $1.442695020e+00, v30  }
0x17f: {  	vm14 =	vgt.f32 v37, v19;
	vm15 =	veq.f32 v37, v19;
	v42 =	vmin.u32 v16, v20  }
0x180: {  	v14 =	vsel vm15, v42, v16;
	(erf) = vpow2.f32 v22;
	v16 =	vmul.f32 $1.442695020e+00, v17;
	v22 =	vld [tilespmem:s0+$0xFFFFFE60]  }
0x181: {  	v23 =	vld [tilespmem:s0+$0xFFFFFE70];
	v14 =	vsel vm14, v20, v14;
	v20 =	vmul.f32 $1.442695020e+00, v24  }
0x182: {  	v38 =	vmax.f32 v19, v37;
	v19 =	vpop (erf);
	(erf) = vpow2.f32 v16  }
0x183: {  	v10 =	vmovc v43;
	(xrf0) =	vmax.scan.msk.f32 $0xffff, v38;
	v43 =	vmul.f32 $1.442695020e+00, v21;
	v19 =	vsel vm4, $0x0, v19;
	(erf) = vpow2.f32 v20;
	v20 =	vld [tilespmem:s0+$0xFFFFFE80]  }
0x184: {  	v16 =	vxor.u32 $0x80000000, v14;
	v14 =	vadd.f32 v19, v18;
	v18 =	vld [tilespmem:s0+$0xFFFFFE90]  }
0x185: {  	v26 =	vld [tilespmem:s0+$0xFFFFFEA0];
	(erf) = vpow2.f32 v43;
	v25 =	vmul.f32 $1.442695020e+00, v22  }
0x186: {  	v27 =	vmul.f32 $1.442695020e+00, v23  }
0x187: {  	v9 =	vmovc v45;
	v7 =	vmovc v46;
	v61 =	vmov v48;
	vm9 =	vlt.f32 v29, $-Inf;
	(erf) = vpow2.f32 v25;
	v25 =	vld [tilespmem:s0+$0xFFFFFEB0]  }
0x188: {  	v62 =	vmovc v44;
	[tilespmem:$0x1FC70] =	vst v0;
	vm10 =	vgt.f32 v29, $-Inf;
	v0 =	vmovc v49;
	(erf) = vpow2.f32 v27;
	v27 =	vmul.f32 $1.442695020e+00, v20  }
0x189: {  	v46 =	vld [tilespmem:s0+$0xFFFFFED0];
	vm1 =	vmor vm10, vm9;
	vm9 =	vgt.f32 v23, v17;
	v11, _, _ =	vpop (xrf0);
	v45 =	vmul.f32 $1.442695020e+00, v18  }
0x18a: {  	v44 =	vld [tilespmem:s0+$0xFFFFFEC0];
	vm11 =	vlt.f32 v30, $-Inf;
	v19 =	vpop (erf);
	(erf) = vpow2.f32 v27;
	v27 =	vmul.f32 $1.442695020e+00, v26  }
0x18b: {  	vm12 =	vgt.f32 v30, $-Inf;
	vm13 =	vlt.f32 v17, $-Inf;
	v31 =	vpop (erf);
	(erf) = vpow2.f32 v45  }
0x18c: {  	v49 =	vld [tilespmem:s0+$0xFFFFFEE0];
	vm0 =	vmor vm12, vm11;
	v48 =	vpop (erf);
	(erf) = vpow2.f32 v27;
	v27 =	vmul.f32 $1.442695020e+00, v25  }
0x18d: {  	vm5 =	vgt.f32 v21, v29;
	v11 =	vbroadcast v11, $0xF;
	v19 =	vadd.f32 $0.0e+00, v19;
	v40 =	vpop (erf)  }
0x18e: {  	v41 =	vld [tilespmem:s0+$0xFFFFFEF0];
	v21 =	vmax.f32 v29, v21;
	v29 =	vpop (erf);
	(erf) = vpow2.f32 v27;
	v27 =	vmul.f32 $1.442695020e+00, v46  }
0x18f: {  	v31 =	vadd.f32 $0.0e+00, v31;
	v19 =	vadd.f32 v29, v19;
	v29 =	vmul.f32 $1.442695020e+00, v44  }
0x190: {  	vm14 =	vgt.f32 v17, $-Inf;
	v17 =	vmax.f32 v17, v23;
	vm8 =	veq.f32 v38, v11  }
0x191: {  	vm6 =	vgt.f32 v22, v30;
	(erf) = vpow2.f32 v29;
	v29 =	vmul.f32 $1.442695020e+00, v49  }
0x192: {  	v22 =	vmax.f32 v30, v22;
	v36 =	vadd.f32 $0.0e+00, v48;
	(erf) = vpow2.f32 v27;
	v27 =	vpop (erf)  }
0x193: {  	v30 =	vld [tilespmem:s0+$0xFFFFFF00];
	v27 =	vadd.f32 v27, v31;
	v31 =	vpop (erf);
	(erf) = vpow2.f32 v29;
	v29 =	vmul.f32 $1.442695020e+00, v41  }
0x194: {  	v15 =	vnsel vm8, $0x800003E8, v16;
	v16 =	vlaneseq.u32;
	v23 =	vadd.f32 v31, v36;
	v31 =	vld [tilespmem:s0+$0xFFFFFF10]  }
0x195: {  	v8 =	vld [tilespmem:$0x1FE90];
	vm11 =	vgt.f32 v24, $-Inf;
	vm8 =	vlt.f32 v24, $-Inf;
	v16 =	vnsel vm1, $0x0, v16  }
0x196: {  	vm10 =	vgt.f32 v20, v24;
	v20 =	vmax.f32 v24, v20;
	vm12 =	vgt.f32 v18, v21;
	v24 =	vpop (erf)  }
0x197: {  	v18 =	vmax.f32 v21, v18;
	v38 =	vadd.f32 $0.0e+00, v40;
	(erf) = vpow2.f32 v29;
	v29 =	vpop (erf)  }
0x198: {  	v28 =	vld [tilespmem:$0x1FE60];
	v42 =	vmul.f32 $1.442695020e+00, v30;
	vm15 =	vgt.f32 v25, v17;
	v17 =	vmax.f32 v17, v25;
	v21 =	vpop (erf)  }
0x199: {  	v24 =	vadd.f32 v24, v38;
	v21 =	vadd.f32 v21, v27;
	v25 =	vpop (erf);
	v27 =	vmul.f32 $1.442695020e+00, v31  }
0x19a: {  	v16 =	vsel vm5, v8, v16;
	v8 =	vld [tilespmem:$0x1FEA0];
	(erf) = vpow2.f32 v42;
	v23 =	vadd.f32 v25, v23;
	v25 =	vpop (erf)  }
0x19b: {  	v24 =	vadd.f32 v25, v24;
	v25 =	vpop (erf);
	(erf) = vpow2.f32 v27  }
0x19c: {  	[tilespmem:$0x1FCA0] =	vst v6;
	v6 =	vmov v47;
	v47 =	vld [tilespmem:$0x1FE70]  }
0x19d: {  	v28 =	vnsel vm0, $0x0, v28;
	v43 =	vld [tilespmem:s0+$0xFFFFFF40]  }
0x19e: {  	vm0 =	vmor vm14, vm13;
	vm13 =	vgt.f32 v26, v22;
	v22 =	vmax.f32 v22, v26;
	v26 =	vld [tilespmem:s0+$0xFFFFFF20]  }
0x19f: {  	v28 =	vsel vm6, v8, v28;
	v8 =	vld [tilespmem:$0x1FEB0];
	v19 =	vadd.f32 v29, v19  }
0x1a0: {  	v45 =	vld [tilespmem:s0+$0xFFFFFF70]  }
0x1a1: {  	v35 =	vnsel vm0, $0x0, v47;
	vm2 =	vgt.f32 v44, v20;
	v29 =	vld [tilespmem:s0+$0xFFFFFF30];
	v19 =	vadd.f32 v25, v19;
	v25 =	vpop (erf)  }
0x1a2: {  	v20 =	vmax.f32 v20, v44;
	vm1 =	vgt.f32 v46, v18;
	v18 =	vmax.f32 v18, v46;
	v48 =	vld [tilespmem:s0+$0xFFFFFF80];
	v46 =	vpop (erf)  }
0x1a3: {  	vm8 =	vmor vm11, vm8;
	vm7 =	vgt.f32 v30, v20;
	v20 =	vmax.f32 v20, v30;
	v27 =	vld [tilespmem:s0+$0xFFFFFF50];
	v30 =	vpop (erf)  }
0x1a4: {  	vm3 =	vgt.f32 v49, v22;
	v44 =	vld [tilespmem:s0+$0xFFFFFF60];
	vm11 =	vgt.f32 v31, v18;
	v18 =	vmax.f32 v18, v31;
	v31 =	vpop (erf)  }
0x1a5: {  	v21 =	vadd.f32 v25, v21;
	v25 =	vmul.f32 $1.442695020e+00, v26;
	v19 =	vadd.f32 v31, v19;
	v31 =	vld [tilespmem:$0x1FE80]  }
0x1a6: {  	v22 =	vmax.f32 v22, v49;
	v35 =	vsel vm9, v8, v35;
	v8 =	vld [tilespmem:$0x1FEC0];
	v47 =	vmul.f32 $1.442695020e+00, v29  }
0x1a7: {  	vm4 =	vgt.f32 v41, v17;
	(erf) = vpow2.f32 v25;
	v25 =	vmul.f32 $1.442695020e+00, v43  }
0x1a8: {  	v17 =	vmax.f32 v17, v41;
	v40 =	vld [tilespmem:s0+$0xFFFFFF90];
	(erf) = vpow2.f32 v47;
	v49 =	vmul.f32 $1.442695020e+00, v27  }
0x1a9: {  	(erf) = vpow2.f32 v25;
	v25 =	vmul.f32 $1.442695020e+00, v44;
	v24 =	vadd.f32 v30, v24  }
0x1aa: {  	v41 =	vld [tilespmem:s0+$0xFFFFFFA0];
	v30 =	vmul.f32 $1.442695020e+00, v45;
	(erf) = vpow2.f32 v49;
	v31 =	vnsel vm8, $0x0, v31  }
0x1ab: {  	(erf) = vpow2.f32 v25;
	v25 =	vmul.f32 $1.442695020e+00, v48;
	v31 =	vsel vm10, v8, v31;
	v8 =	vld [tilespmem:$0x1FED0]  }
0x1ac: {  	(erf) = vpow2.f32 v30  }
0x1ad: {  	(erf) = vpow2.f32 v25;
	v25 =	vmul.f32 $1.442695020e+00, v40;
	_ =	sdelay $0x1  }
0x1ae: {  	(erf) = vpow2.f32 v25;
	v25 =	vmul.f32 $1.442695020e+00, v41  }
0x1af: {  	v16 =	vsel vm12, v8, v16;
	v8 =	vld [tilespmem:$0x1FEE0]  }
0x1b0: {  	v30 =	vld [tilespmem:s0+$0xFFFFFFB0]  }
0x1b1: {  	v12 =	vadd.f32 v39, v12;
	vm14 =	vgt.f32 v29, v17  }
0x1b2: {  	v17 =	vmax.f32 v17, v29;
	v23 =	vadd.f32 v46, v23;
	(erf) = vpow2.f32 v25;
	v25 =	vpop (erf)  }
0x1b3: {  	v29 =	vld [tilespmem:s0+$0xFFFFFFE0];
	vm6 =	vgt.f32 v45, v17;
	vm0 =	vgt.f32 v27, v18;
	v21 =	vadd.f32 v25, v21;
	v25 =	vpop (erf)  }
0x1b4: {  	v18 =	vmax.f32 v18, v27;
	v23 =	vadd.f32 v25, v23;
	v28 =	vsel vm13, v8, v28  }
0x1b5: {  	v25 =	vpop (erf);
	vm13 =	vgt.f32 v26, v22;
	v22 =	vmax.f32 v22, v26;
	v26 =	vmul.f32 $1.442695020e+00, v30  }
0x1b6: {  	v17 =	vmax.f32 v17, v45;
	v27 =	vld [tilespmem:s0+$0xFFFFFFD0];
	vm9 =	vgt.f32 v40, v18;
	v24 =	vadd.f32 v25, v24;
	v25 =	vpop (erf)  }
0x1b7: {  	v18 =	vmax.f32 v18, v40;
	v19 =	vadd.f32 v25, v19;
	v25 =	vpop (erf);
	v8 =	vld [tilespmem:$0x1FEF0];
	(erf) = vpow2.f32 v26  }
0x1b8: {  	v46 =	vmul.f32 $1.442695020e+00, v29;
	v31 =	vsel vm2, v50, v31;
	v21 =	vadd.f32 v25, v21;
	v25 =	vpop (erf);
	v26 =	vld [tilespmem:s0+$0xFFFFFFC0]  }
0x1b9: {  	vm12 =	vgt.f32 v30, v17;
	v23 =	vadd.f32 v25, v23;
	v25 =	vpop (erf);
	v16 =	vsel vm1, v51, v16  }
0x1ba: {  	v17 =	vmax.f32 v17, v30;
	v24 =	vadd.f32 v25, v24;
	v25 =	vpop (erf);
	v16 =	vsel vm11, v55, v16  }
0x1bb: {  	v42 =	vld [tilespmem:s0+$0xFFFFFFF0];
	v19 =	vadd.f32 v25, v19;
	v16 =	vsel vm0, v59, v16;
	vm0 =	vgt.f32 v27, v18  }
0x1bc: {  	v35 =	vsel vm15, v8, v35;
	vm15 =	vgt.f32 v43, v20;
	v20 =	vmax.f32 v20, v43;
	v43 =	vld [tilespmem:s0+$0x0]  }
0x1bd: {  	v45 =	vld [tilespmem:s0+$0x10];
	v25 =	vpop (erf);
	vm5 =	vgt.f32 v44, v22;
	v22 =	vmax.f32 v22, v44;
	v44 =	vmul.f32 $1.442695020e+00, v26  }
0x1be: {  	v33 =	vld [tilespmem:s0+$0x20];
	v18 =	vmax.f32 v18, v27;
	v21 =	vadd.f32 v25, v21;
	v25 =	vmul.f32 $1.442695020e+00, v27  }
0x1bf: {  	v2 =	vmovc v5;
	v5 =	vmovc v1;
	v38 =	vld [tilespmem:s0+$0x30];
	vm10 =	vgt.f32 v41, v22;
	v22 =	vmax.f32 v22, v41;
	(erf) = vpow2.f32 v44  }
0x1c0: {  	v1 =	vld [tilespmem:$0x1FCE0];
	vm1 =	vgt.f32 v29, v22;
	(erf) = vpow2.f32 v25;
	v25 =	vmul.f32 $1.442695020e+00, v42;
	v30 =	vpop (erf)  }
0x1c1: {  	v36 =	vld [tilespmem:s0+$0x40];
	(erf) = vpow2.f32 v46;
	v23 =	vadd.f32 v30, v23;
	v30 =	vmul.f32 $1.442695020e+00, v43  }
0x1c2: {  	v32 =	vld [tilespmem:s0+$0x80];
	v22 =	vmax.f32 v22, v29;
	(erf) = vpow2.f32 v25;
	v25 =	vmul.f32 $1.442695020e+00, v45  }
0x1c3: {  	v37 =	vmovc v60;
	v60 =	vld [tilespmem:$0x1FFC0];
	vm11 =	vgt.f32 v33, v22;
	(erf) = vpow2.f32 v30;
	v30 =	vmul.f32 $1.442695020e+00, v33  }
0x1c4: {  	v39 =	vld [tilespmem:$0x1FFD0];
	v22 =	vmax.f32 v22, v33;
	(erf) = vpow2.f32 v25;
	v25 =	vmul.f32 $1.442695020e+00, v38  }
0x1c5: {  	v47 =	vld [tilespmem:$0x1FF50];
	vm8 =	vgt.f32 v48, v20;
	v20 =	vmax.f32 v20, v48;
	(erf) = vpow2.f32 v30  }
0x1c6: {  	v27 =	vld [tilespmem:s0+$0x50];
	vm2 =	vgt.f32 v26, v20;
	(erf) = vpow2.f32 v25;
	v25 =	vmul.f32 $1.442695020e+00, v36  }
0x1c7: {  	v41 =	vld [tilespmem:$0x1FF90];
	v20 =	vmax.f32 v20, v26;
	v26 =	vsel vm3, v52, v28;
	v28 =	vsel vm4, v53, v35  }
0x1c8: {  	vm3 =	vgt.f32 v42, v17;
	v17 =	vmax.f32 v17, v42;
	v26 =	vsel vm13, v56, v26;
	v44 =	vld [tilespmem:$0x1FF80]  }
0x1c9: {  	v30 =	vsel vm7, v54, v31;
	vm7 =	vgt.f32 v45, v18;
	v18 =	vmax.f32 v18, v45;
	v45 =	vld [tilespmem:$0x1FF70]  }
0x1ca: {  	v29 =	vld [tilespmem:s0+$0x60];
	v28 =	vsel vm14, v57, v28;
	vm13 =	vgt.f32 v38, v17;
	(erf) = vpow2.f32 v25;
	v25 =	vpop (erf)  }
0x1cb: {  	v17 =	vmax.f32 v17, v38;
	v42 =	vld [tilespmem:$0x1FFE0];
	v30 =	vsel vm15, v58, v30;
	v24 =	vadd.f32 v25, v24;
	v25 =	vpop (erf)  }
0x1cc: {  	vm4 =	vgt.f32 v43, v20;
	v46 =	vld [tilespmem:$0x1FF00];
	v30 =	vsel vm8, v37, v30;
	v19 =	vadd.f32 v25, v19;
	v25 =	vpop (erf)  }
0x1cd: {  	v20 =	vmax.f32 v20, v43;
	v38 =	vld [tilespmem:$0x1FFA0];
	v30 =	vsel vm2, v44, v30;
	v21 =	vadd.f32 v25, v21;
	v25 =	vpop (erf)  }
0x1ce: {  	vm14 =	vgt.f32 v36, v20;
	v31 =	vld [tilespmem:s0+$0x70];
	v30 =	vsel vm4, v45, v30;
	v23 =	vadd.f32 v25, v23;
	v25 =	vpop (erf)  }
0x1cf: {  	v16 =	vsel vm9, v41, v16;
	v30 =	vsel vm14, v1, v30;
	v1 =	vld [tilespmem:$0x1FCF0];
	v24 =	vadd.f32 v25, v24;
	v25 =	vpop (erf)  }
0x1d0: {  	v49 =	vld [tilespmem:$0x1FF60];
	v35 =	vmul.f32 $1.442695020e+00, v29;
	v26 =	vsel vm5, v60, v26;
	v19 =	vadd.f32 v25, v19;
	v25 =	vpop (erf)  }
0x1d1: {  	v20 =	vmax.f32 v20, v36;
	v33 =	vld [tilespmem:s0+$0x90];
	v16 =	vsel vm0, v42, v16;
	v21 =	vadd.f32 v25, v21;
	v25 =	vpop (erf)  }
0x1d2: {  	v40 =	vld [tilespmem:$0x1FFF0];
	vm15 =	vgt.f32 v27, v18;
	v23 =	vadd.f32 v25, v23;
	v25 =	vmul.f32 $1.442695020e+00, v27  }
0x1d3: {  	v36 =	vld [tilespmem:s0+$0xA0];
	v18 =	vmax.f32 v18, v27;
	v16 =	vsel vm7, v46, v16;
	v26 =	vsel vm10, v38, v26  }
0x1d4: {  	v16 =	vsel vm15, v1, v16;
	v1 =	vld [tilespmem:$0x1FD00];
	v34 =	vpop (erf);
	(erf) = vpow2.f32 v25;
	v25 =	vmul.f32 $1.442695020e+00, v31  }
0x1d5: {  	v24 =	vadd.f32 v34, v24;
	v34 =	vmul.f32 $1.442695020e+00, v32;
	(erf) = vpow2.f32 v35;
	v35 =	vld [tilespmem:s0+$0xB0]  }
0x1d6: {  	v43 =	vld [tilespmem:$0x1FFB0];
	vm10 =	vgt.f32 v29, v22;
	(erf) = vpow2.f32 v25;
	v25 =	vmul.f32 $1.442695020e+00, v33  }
0x1d7: {  	v26 =	vsel vm1, v40, v26;
	v27 =	vsel vm6, v39, v28;
	v28 =	vld [tilespmem:s0+$0xC0];
	(erf) = vpow2.f32 v34  }
0x1d8: {  	v48 =	vld [tilespmem:$0x1FF10];
	v26 =	vsel vm11, v49, v26;
	(erf) = vpow2.f32 v25;
	v25 =	vmul.f32 $1.442695020e+00, v36  }
0x1d9: {  	v26 =	vsel vm10, v1, v26;
	v1 =	vld [tilespmem:$0x1FD10]  }
0x1da: {  	(erf) = vpow2.f32 v25;
	v25 =	vmul.f32 $1.442695020e+00, v35  }
0x1db: {  	v27 =	vsel vm12, v43, v27  }
0x1dc: {  	v27 =	vsel vm3, v47, v27;
	(erf) = vpow2.f32 v25;
	v25 =	vmul.f32 $1.442695020e+00, v28  }
0x1dd: {  	vm11 =	vgt.f32 v31, v17;
	v27 =	vsel vm13, v48, v27  }
0x1de: {  	v27 =	vsel vm11, v1, v27;
	v1 =	vld [tilespmem:$0x1FD20]  }
0x1df: {  	v49 =	vld [tilespmem:s0+$0xE0];
	(erf) = vpow2.f32 v25  }
0x1e0: {  	v22 =	vmax.f32 v22, v29;
	v29 =	vmax.f32 v20, v32;
	v48 =	vld [tilespmem:$0x1FF20];
	v25 =	vpop (erf)  }
0x1e1: {  	vm14 =	vgt.f32 v36, v22;
	v22 =	vmax.f32 v22, v36;
	v19 =	vadd.f32 v25, v19;
	v25 =	vpop (erf)  }
0x1e2: {  	vm12 =	vgt.f32 v32, v20;
	v21 =	vadd.f32 v25, v21;
	v25 =	vmax.f32 v17, v31;
	v17 =	vpop (erf)  }
0x1e3: {  	vm13 =	vgt.f32 v33, v18;
	v23 =	vadd.f32 v17, v23;
	v17 =	vsel vm12, v1, v30;
	v30 =	vld [tilespmem:s0+$0xD0]  }
0x1e4: {  	vm9 =	vgt.f32 v49, v22;
	v22 =	vmax.f32 v22, v49;
	v47 =	vsel vm13, v2, v16;
	v36 =	vld [tilespmem:s0+$0x120];
	v20 =	vpop (erf)  }
0x1e5: {  	v4 =	vld [tilespmem:$0x1FD60];
	vm1 =	vgt.f32 v28, v29;
	v26 =	vsel vm14, v48, v26;
	v31 =	vmax.f32 v18, v33;
	v18 =	vpop (erf)  }
0x1e6: {  	v8 =	vld [tilespmem:$0x1FD80];
	v26 =	vsel vm9, v5, v26;
	vm15 =	vgt.f32 v35, v25;
	v24 =	vadd.f32 v20, v24;
	v16 =	vpop (erf)  }
0x1e7: {  	v20 =	vadd.f32 v16, v21;
	v21 =	vmax.f32 v25, v35;
	v25 =	vsel vm15, v3, v27;
	v16 =	vpop (erf);
	v27 =	vld [tilespmem:s0+$0xF0]  }
0x1e8: {  	v39 =	vld [tilespmem:s0+$0x160];
	v18 =	vadd.f32 v18, v19;
	v19 =	vadd.f32 v16, v23;
	v16 =	vpop (erf);
	v23 =	vmul.f32 $1.442695020e+00, v30  }
0x1e9: {  	v28 =	vmax.f32 v29, v28;
	vm13 =	vgt.f32 v36, v22;
	v16 =	vadd.f32 v16, v24;
	v24 =	vld [tilespmem:s0+$0x100]  }
0x1ea: {  	v22 =	vmax.f32 v22, v36;
	v26 =	vsel vm13, v63, v26;
	(erf) = vpow2.f32 v23;
	v23 =	vld [tilespmem:s0+$0x110]  }
0x1eb: {  	vm8 =	vgt.f32 v30, v31;
	v29 =	vmax.f32 v31, v30;
	v31 =	vmul.f32 $1.442695020e+00, v49  }
0x1ec: {  	vm10 =	vgt.f32 v27, v21;
	v60 =	vmul.f32 $1.442695020e+00, v27;
	v21 =	vmax.f32 v21, v27;
	v27 =	vld [tilespmem:s0+$0x130]  }
0x1ed: {  	v30 =	vsel vm8, v4, v47;
	(erf) = vpow2.f32 v31;
	v25 =	vsel vm10, v8, v25;
	v8 =	vld [tilespmem:$0x1FDA0]  }
0x1ee: {  	vm8 =	vgt.f32 v39, v22;
	(erf) = vpow2.f32 v60;
	v31 =	vmul.f32 $1.442695020e+00, v24  }
0x1ef: {  	v38 =	vld [tilespmem:s0+$0x140];
	vm11 =	vgt.f32 v24, v28;
	v24 =	vmax.f32 v28, v24;
	vm12 =	vgt.f32 v23, v29  }
0x1f0: {  	v28 =	vmul.f32 $1.442695020e+00, v23;
	(erf) = vpow2.f32 v31;
	v23 =	vmax.f32 v29, v23  }
0x1f1: {  	v31 =	vmul.f32 $1.442695020e+00, v27;
	vm14 =	vgt.f32 v27, v21;
	v21 =	vmax.f32 v21, v27;
	v27 =	vld [tilespmem:s0+$0x170]  }
0x1f2: {  	v29 =	vsel vm12, v8, v30;
	(erf) = vpow2.f32 v28;
	v28 =	vmul.f32 $1.442695020e+00, v36;
	v30 =	vld [tilespmem:s0+$0x150]  }
0x1f3: {  	v26 =	vsel vm8, v7, v26;
	v7 =	vld [tilespmem:$0x1FDF0]  }
0x1f4: {  	(erf) = vpow2.f32 v28;
	v28 =	vmul.f32 $1.442695020e+00, v38  }
0x1f5: {  	(erf) = vpow2.f32 v31  }
0x1f6: {  	v40 =	vld [tilespmem:s0+$0x190];
	v25 =	vsel vm14, v62, v25;
	(erf) = vpow2.f32 v28;
	vm9 =	vgt.f32 v27, v21  }
0x1f7: {  	v28 =	vld [tilespmem:s0+$0x180];
	vm15 =	vgt.f32 v30, v23;
	v23 =	vmax.f32 v23, v30;
	v30 =	vmul.f32 $1.442695020e+00, v30  }
0x1f8: {  	v25 =	vsel vm9, v7, v25;
	v7 =	vld [tilespmem:$0x1FE10]  }
0x1f9: {  	v22 =	vmax.f32 v22, v39;
	v31 =	vmul.f32 $1.442695020e+00, v39;
	(erf) = vpow2.f32 v30;
	v30 =	vld [tilespmem:s0+$0x1A0]  }
0x1fa: {  	v42 =	vld [tilespmem:s0+$0x1D0];
	vm3 =	vgt.f32 v38, v24;
	v24 =	vmax.f32 v24, v38;
	v21 =	vmax.f32 v21, v27  }
0x1fb: {  	v29 =	vsel vm15, v9, v29;
	(erf) = vpow2.f32 v31;
	v31 =	vmul.f32 $1.442695020e+00, v27  }
0x1fc: {  	vm4 =	vgt.f32 v40, v23;
	v23 =	vmax.f32 v23, v40;
	v27 =	vmul.f32 $1.442695020e+00, v28  }
0x1fd: {  	vm10 =	vgt.f32 v28, v24;
	(erf) = vpow2.f32 v31;
	v29 =	vsel vm4, v7, v29  }
0x1fe: {  	(erf) = vpow2.f32 v27;
	v27 =	vmul.f32 $1.442695020e+00, v40;
	vm4 =	vgt.f32 v30, v22  }
0x1ff: {  	v24 =	vmax.f32 v24, v28;
	v28 =	vld [tilespmem:s0+$0x1E0];
	v31 =	vpop (erf);
	v26 =	vsel vm4, v6, v26;
	vm4 =	vgt.f32 v42, v23  }
0x200: {  	v44 =	vpop (erf);
	(erf) = vpow2.f32 v27;
	v27 =	vsel vm4, v0, v29;
	v0 =	vld [tilespmem:$0x1FC60];
	_ =	sdelay $0x2  }
0x201: {  	v22 =	vmax.f32 v22, v30  }
0x202: {  	vm4 =	vgt.f32 v28, v22  }
0x203: {  	v9 =	vsel vm4, v0, v26;
	v0 =	vld [tilespmem:$0x1FD50]  }
0x204: {  	v41 =	vld [tilespmem:s0+$0x1B0];
	_ =	sdelay $0x3  }
0x205: {  	v17 =	vsel vm1, v0, v17;
	v0 =	vld [tilespmem:$0x1FD90]  }
0x206: {  	vm5 =	vgt.f32 v41, v21  }
0x207: {  	v45 =	vld [tilespmem:s0+$0x1C0];
	v21 =	vmax.f32 v21, v41;
	v23 =	vmax.f32 v23, v42;
	v22 =	vmax.f32 v22, v28  }
0x208: {  	v25 =	vsel vm5, v61, v25;
	v26 =	vld [tilespmem:s0+$0x1E8];
	vm4 =	veq.f32 v22, v23;
	v29 =	vmin.u32 v27, v9  }
0x209: {  	v60 =	vld [tilespmem:$0x1FF30];
	v43 =	vmul.f32 $1.442695020e+00, v30;
	vm5 =	vgt.f32 v22, v23;
	v27 =	vsel vm4, v29, v27  }
0x20a: {  	(xrf0) =	vmin.scan.msk.u32 $0xffff, v15;
	v22 =	vmax.f32 v23, v22;
	v9 =	vsel vm5, v9, v27;
	v17 =	vsel vm11, v0, v17;
	v0 =	vld [tilespmem:$0x1FE00]  }
0x20b: {  	v30 =	vmul.f32 $1.442695020e+00, v41;
	vm5 =	veq.f32 v21, v22;
	v27 =	vmin.u32 v9, v25  }
0x20c: {  	vm4 =	vgt.f32 v45, v24;
	v24 =	vmax.f32 v24, v45;
	v9 =	vsel vm5, v27, v9  }
0x20d: {  	v29 =	vpop (erf);
	v47 =	vmax.f32 v24, v26;
	vm5 =	vgt.f32 v21, v22;
	v21 =	vmax.f32 v22, v21  }
0x20e: {  	(erf) = vpow2.f32 v43;
	v23 =	vpop (erf);
	v48 =	vmax.f32 v21, v47;
	v17 =	vsel vm3, v60, v17  }
0x20f: {  	v27 =	vpop (erf);
	(erf) = vpow2.f32 v30;
	v30 =	vmul.f32 $1.442695020e+00, v42;
	v17 =	vsel vm10, v0, v17;
	v0 =	vld [tilespmem:$0x1FE40]  }
0x210: {  	v46, _, _ =	vpop (xrf0);
	v15 =	vmul.f32 $1.442695020e+00, v45;
	v28 =	vmul.f32 $1.442695020e+00, v28;
	(xrf0) =	vmax.scan.msk.f32 $0xffff, v48  }
0x211: {  	v22 =	vpop (erf)  }
0x212: {  	v18 =	vadd.f32 v31, v18;
	(erf) = vpow2.f32 v15;
	v49 =	vpop (erf)  }
0x213: {  	v20 =	vadd.f32 v44, v20;
	v9 =	vsel vm5, v25, v9;
	(erf) = vpow2.f32 v30;
	v30 =	vpop (erf)  }
0x214: {  	vm11 =	vgt.f32 v26, v24;
	(erf) = vpow2.f32 v28;
	v28 =	vpop (erf);
	v17 =	vsel vm4, v0, v17  }
0x215: {  	vm12 =	vgt.f32 v47, v21;
	vm13 =	veq.f32 v47, v21;
	v24 =	vpop (erf);
	v0 =	vld [tilespmem:$0x1FF40];
	v7 =	vsel vm11, v10, v17  }
0x216: {  	v18 =	vadd.f32 v27, v18;
	v20 =	vadd.f32 v22, v20;
	v25, _, _ =	vpop (xrf0);
	v21 =	vmin.u32 v9, v7  }
0x217: {  	v26 =	vmul.f32 $1.442695020e+00, v26;
	v27 =	vpop (erf);
	v22 =	vbroadcast v25, $0xF;
	v9 =	vsel vm13, v21, v9  }
0x218: {  	v19 =	vadd.f32 v29, v19;
	v16 =	vadd.f32 v23, v16;
	v17 =	vpop (erf);
	v7 =	vsel vm12, v7, v9  }
0x219: {  	(erf) = vpow2.f32 v26;
	vm14 =	veq.f32 v48, v22;
	v21 =	vpop (erf);
	v7 =	vxor.u32 $0x80000000, v7  }
0x21a: {  	v9 =	vadd.f32 v28, v18;
	vm4 =	vnez.u8 v0;
	v0 =	vld [tilespmem:$0x1FC70];
	v18 =	vpop (erf);
	v7 =	vnsel vm14, $0x800003E8, v7  }
0x21b: {  	v15 =	vadd.f32 v49, v19;
	v20 =	vadd.f32 v24, v20;
	v23 =	vpop (erf)  }
0x21c: {  	v16 =	vadd.f32 v30, v16;
	v9 =	vadd.f32 v21, v9;
	v19 =	vpop (erf)  }
0x21d: {  	v12 =	vadd.f32 v13, v12;
	v18 =	vadd.f32 v18, v20;
	(xrf0) =	vmin.scan.msk.u32 $0xffff, v7;
	v7 =	vpop (erf)  }
0x21e: {  	v16 =	vadd.f32 v17, v16;
	v17 =	vpop (erf);
	v7 =	vadd.f32 v7, v9  }
0x21f: {  	v10 =	vadd.f32 v12, v0;
	v0 =	vld [tilespmem:$0x1FC80];
	v9 =	vadd.f32 v17, v18  }
0x220: {  	v15 =	vadd.f32 v27, v15;
	_ =	sdelay $0x1  }
0x221: {  	v61 =	vadd.f32 v23, v15  }
0x222: {  	v62 =	vadd.f32 v19, v16;
	v7 =	vadd.f32 v9, v7;
	v9 =	vpop (erf)  }
0x223: {  	v10 =	vadd.f32 v14, v10;
	(xrf2) =	vadd.scan.msk.f32 $0xffff, v0;
	v9 =	vsel vm4, $0x0, v9  }
0x224: {  	v7 =	vadd.f32 v7, v61;
	v9 =	vadd.f32 v9, v62;
	_ =	sdelay $0x1  }
0x225: {  	(xrf2) =	vadd.scan.msk.f32 $0xffff, v10;
	v7 =	vadd.f32 v9, v7;
	_ =	sdelay $0x1  }
0x226: {  	(v2sf) =	vpush v46, $0xF;
	v2 =	vld [tilespmem:$0x1FC20];
	v63, _, _ =	vpop (xrf0);
	(xrf2) =	vadd.scan.msk.f32 $0xffff, v7  }
0x227: {  	v34 =	vld [tilespmem:$0x1FEF0];
	(v2sf) =	vpush v63, $0xF  }
0x228: {  	v5 =	vld [tilespmem:$0x1FC50]  }
0x229: {  	v3 =	vld [tilespmem:$0x1FC30]  }
0x22a: {  	v33 =	vld [tilespmem:$0x1FEE0]  }
0x22b: {  	v1 =	vld [tilespmem:$0x1FC10];
	v7, _, _ =	vpop (xrf2)  }
0x22c: {  	v4 =	vld [tilespmem:$0x1FC40];
	v16 =	vlaneseq.u32;
	v9 =	vmov s1;
	v7 =	vbroadcast v7, $0xF  }
0x22d: {  	v31 =	vld [tilespmem:$0x1FED0];
	vm15 =	veq.s32 v9, v16  }
0x22e: {  	v8, _, _ =	vpop (xrf2);
	v3 =	vsel vm15, v7, v3;
	v7 =	vld [tilespmem:$0x1FCB0]  }
0x22f: {  	v29 =	vld [tilespmem:$0x1FEB0];
	v8 =	vbroadcast v8, $0xF  }
0x230: {  	v0 =	vld [tilespmem:$0x1FCA0];
	v10, _, _ =	vpop (xrf2)  }
0x231: {  	v2 =	vsel vm15, v8, v2;
	v8 =	vld [tilespmem:$0x1FCC0];
	v9 =	vbroadcast v10, $0xF  }
0x232: {  	v10 =	vld [tilespmem:$0x1FC90]  }
0x233: {  	p1 =	sne.s32 s1, $0xF;
	v7 =	vsel vm15, v9, v7;
	v9 =	vld [tilespmem:$0x1FCD0]  }
.Ltmp0:
0x234: {  	s18 =	spop (v2sf);
	v30 =	vld [tilespmem:$0x1FEC0];
	(pc) =	sbr.rel @p1 .LBB2_3-.Ltmp0, $4  }
0x235: {  	s20 =	spop (v2sf);
	v27 =	vld [tilespmem:$0x1FE90]  }
0x236: {  	s30 =	sadd.s32 $0x400, s30;
	v28 =	vld [tilespmem:$0x1FEA0];
	s21 =	spop (v2sf)  }
0x237: {  	s18 =	sxor.u32 $0x80000000, s18;
	s20 =	sxor.u32 $0x80000000, s20;
	v18 =	vld [tilespmem:$0x1FE60];
	v5 =	vsel vm15, v0, v5;
	v4 =	vsel vm15, v11, v4;
	v1 =	vsel vm15, v22, v1;
	s21 =	sxor.u32 $0x80000000, s21  }
0x238: {  	s31 =	sadd.s32 $0x400, s31;
	s0 =	sadd.s32 $0x400, s0;
	s1 =	sadd.s32 $0x1, s1;
	v22 =	vld [tilespmem:$0x1FE70];
	v8 =	vsel vm15, s21, v8;
	v10 =	vsel vm15, s18, v10;
	v9 =	vsel vm15, s20, v9  }
0x239: {  	v5 =	vmul.f32 $1.442695020e+00, v5;
	_ =	sdelay $0x1  }
0x23a: {  	v4 =	vmul.f32 $1.442695020e+00, v4;
	(erf) = vpow2.f32 v5  }
0x23b: {  	(erf) = vrcp.f32 v3  }
0x23c: {  	v1 =	vmul.f32 $1.442695020e+00, v1;
	(erf) = vpow2.f32 v4  }
0x23d: {  	(erf) = vrcp.f32 v2  }
0x23e: {  	(erf) = vpow2.f32 v1  }
0x23f: {  	s0 =	sshll.u32 s29, $0x4;
	(erf) = vrcp.f32 v7  }
0x240: {  	v0 =	vld [tilespmem:s0+$0x18000]  }
0x241: {  	v44 =	vld [tilespmem:s0+$0x18100];
	_ =	sdelay $0x1  }
0x242: {  	v45 =	vld [tilespmem:s0+$0x18200];
	v43 =	vpop (erf)  }
0x243: {  	v3 =	vpop (erf)  }
0x244: {  	v49 =	vimm.s32 $0x0;
	vm0 =	veq.s32 v10, v0;
	v4 =	vpop (erf)  }
0x245: {  	vm14 =	veq.s32 v9, v44;
	v60 =	vsel vm0, $0x3F800000, v49;
	v6 =	vpop (erf)  }
0x246: {  	v62 =	vsel vm14, $0x3F800000, v49;
	v47 =	vmul.f32 v3, v43;
	v46 =	vpop (erf);
	v48 =	vmul.f32 v6, v4  }
0x247: {  	p1 =	sne.s32 s28, $0x10;
	vm15 =	veq.s32 v8, v45;
	v1 =	vadd.f32 v62, v60;
	v61 =	vpop (erf)  }
.Ltmp1:
0x248: {  	v63 =	vsel vm15, $0x3F800000, v49;
	v0 =	vmul.f32 v48, v47;
	v2 =	vmul.f32 v61, v46;
	(pc) =	sbr.rel @p1 .LBB2_2-.Ltmp1, $4  }
0x249: {  	v1 =	vadd.f32 v63, v1  }
0x24a: {  	v0 =	vmul.f32 v2, v0  }
0x24b: {  	[tilespmem:s0+$0x18400] =	vst v1  }
0x24c: {  	p0 =	por !p0, !p0;
	s29 =	smov.u32 s28;
	[tilespmem:s0+$0x18300] =	vst v0  }
0x24d: {  	[hbm4b:s11+s2] =	stream.linear.scatter [tilespmem:s24], [sflag:$0x3], $0x100, $0x38;
	[tilespmem:$0x18500] =	vst v63  }
0x24e: {  	s26 =	sadd.s32 $0x1, s26;
	_ =	swait.ge [sflag:s19], $0x100  }
0x24f: {  	p0 =	sne.s32 s26, s15;
	[sflag:s19] =	ssyncset.done $0x0  }
.Ltmp2:
0x250: {  	[sflag:s19] =	ssyncadd.s32 $0xFFFFFF00;
	(pc) =	sbr.rel @p0 .LBB2_1-.Ltmp2, $4  }
0x251: {  	[hbm4b:s14+s2] =	stream.linear.scatter [tilespmem:s25], [sflag:$0x3], $0x100, $0x38;
	[tilespmem:$0x18500] =	vst v63  }
0x252: {  	_ =	swait.ge [sflag:s19], $0x100  }
0x253: {  	[sflag:s19] =	ssyncset.done $0x0  }
0x254: {  	[sflag:s19] =	ssyncadd.s32 $0xFFFFFF00  }
0x255: {  	_ =	sfence.sel $0x180000  }
0x256: {  	[bflag:$0x0] =	sbarrier.arrive $0xFFFF  }
0x257: {  	_ =	strace $0x90000047  }
0x258: {  	s0 =	stileid.u32;
	[bflag:$0x2] =	sbarrier.arrive $0xFFFF  }
0x259: {  	p0 =	sne.s32 s0, $0x0;
	s0 =	rddreg [dreg:$0x2]  }
0x25a: {  	s0 =	sadd.s32 @!p0 $0x100000, s0  }
0x25b: {  	[sflag:s0] =	ssyncadd.tile.s32 @!p0 $0x1;
	_ =	shalt  }
.Lfunc_end2:
_tile_overlayer_lowered:
.L_overlay_start_2:
0x25c: {  	(tag) =	ssettag $0x2  }
0x25d: {  	s0 =	rddreg [dreg:$0x0];
	s2 =	stileid.u32  }
0x25e: {  	s1 =	rddreg [dreg:$0x1];
	p0 =	sne.s32 s2, $0x0  }
0x25f: {  	s3 =	rddreg [dreg:$0x2];
	[bflag:$0x3] =	sbarrier.arrive $0xFFFF;
	s2 =	simm.s32 @!p0 $0x1C03  }
0x260: {  	[timem:s3], [sflag:s2] =	dma.local @!p0 [hbm:s0], s1  }
0x261: {  	s0 =	simm.s32 @!p0 $0x3  }
0x262: {  	_ =	swait.ge @!p0 [sflag:s0], s1  }
0x263: {  	s1 =	ssub.s32 @!p0 $0x0, s1;
	[sflag:s0] =	ssyncset.done @!p0 $0x0  }
0x264: {  	[sflag:s0] =	ssyncadd.s32 @!p0 s1  }
0x265: {  	[bflag:$0x3] =	sbarrier.arrive $0xFFFF  }
0x266: {  	_ =	shalt  }

</sc_bundles>
